<compile_context>
chip_gen: v7x
topology: tpu7x:2x2x1
jax: 0.10.2.dev20260603
libtpu: 0.0.44.dev20260713+nightly
codegen_flags: <defaults>
</compile_context>

<pallas_src>
import functools

import jax
import jax.numpy as jnp
from jax import lax
from jax.experimental import pallas as pl
from jax.experimental.pallas import tpu as pltpu
from jax.experimental.pallas import tpu_sc as plsc

_B = 16384
_F = 26
_D = 16
_ND = 13
_H1, _H2 = 128, 64
_V = 1000012
_NROWS = _B * _F
_WIN = 128
_BN = 1024
_VPAD = 62976
_PH = (8, 8, 8, 2)
_LBLK = _B // _WIN
_TW = 8192
_TSTEPS = -(-_V // _TW)
_VROWS128 = _TSTEPS * _TW // 8


def _transpose_body(in_ref, lin_ref, out_ref, lout_ref, scr_ref):
    scr_ref[...] = in_ref[...].T
    for k in range(8):
        out_ref[:, 16 * k:16 * (k + 1)] = scr_ref[pl.Slice(k, _TW // 8, 8), :]
    lout_ref[0] = lin_ref[...]


def _tc_transpose(emb_t, lin_t):
    return pl.pallas_call(
        _transpose_body,
        grid=(_TSTEPS,),
        in_specs=[pl.BlockSpec((16, _TW), lambda i: (0, i)),
                  pl.BlockSpec((1, _TW), lambda i: (0, i))],
        out_specs=[pl.BlockSpec((_TW // 8, 128), lambda i: (i, 0)),
                   pl.BlockSpec((1, 1, _TW), lambda i: (i, 0, 0))],
        out_shape=[jax.ShapeDtypeStruct((_VROWS128, 128), jnp.float32),
                   jax.ShapeDtypeStruct((_TSTEPS, 1, _TW), jnp.float32)],
        scratch_shapes=[pltpu.VMEM((_TW, 16), jnp.float32)],
    )(emb_t, lin_t)


def _sc_linsum(lin16, ilin):
    mesh = plsc.VectorSubcoreMesh(core_axis_name="c", subcore_axis_name="s")

    @functools.partial(
        pl.kernel,
        out_type=jax.ShapeDtypeStruct((_LBLK, _WIN), jnp.float32),
        mesh=mesh,
        scratch_types=[
            pltpu.VMEM_SHARED((_VPAD, 16), jnp.float32),
            pltpu.VMEM((_WIN,), jnp.int32),
            pltpu.VMEM((_WIN, 16), jnp.float32),
        ],
        compiler_params=pltpu.CompilerParams(use_tc_tiling_on_sc=False,
                                             needs_layout_passes=False),
    )
    def k(lin_hbm, ilin_hbm, lsum_hbm, lin_sp, nb_ref, buf_ref):
        @pl.when(lax.axis_index("s") == 0)
        def _():
            pltpu.sync_copy(lin_hbm, lin_sp)
        plsc.subcore_barrier()

        def lin_body(ixs, idx_vmem, out_vmem):
            f = lax.rem(ixs[0], _F)
            for c in range(8):
                v = idx_vmem[0, pl.ds(16 * c, 16)]
                nb_ref[pl.ds(16 * c, 16)] = lax.shift_right_logical(v, 4)
            pltpu.sync_copy(lin_sp.at[nb_ref], buf_ref)
            rows = lax.iota(jnp.int32, 16)
            for c in range(8):
                v = idx_vmem[0, pl.ds(16 * c, 16)]
                m = lax.bitwise_and(v, 15)
                sel = plsc.load_gather(buf_ref, [rows + 16 * c, m])
                cur = out_vmem[0, pl.ds(16 * c, 16)]
                out_vmem[0, pl.ds(16 * c, 16)] = jnp.where(f == 0, sel,
                                                           cur + sel)

        pltpu.emit_pipeline(
            lin_body,
            grid=(_LBLK * _F,),
            in_specs=[pl.BlockSpec((1, _WIN), lambda w: (w, 0))],
            out_specs=[pl.BlockSpec((1, _WIN), lambda w: (w // _F, 0))],
            core_axis_name=("c", "s"),
            dimension_semantics=(pltpu.PARALLEL,),
            _explicit_indices=True,
        )(ilin_hbm, lsum_hbm)

    return k(lin16, ilin)


def _sc_gather(emb_lin, i0, i1, i2, i3, nb):
    mesh = plsc.VectorSubcoreMesh(core_axis_name="c", subcore_axis_name="s")

    @functools.partial(
        pl.kernel,
        out_type=(
            jax.ShapeDtypeStruct((nb * _PH[0], 16), jnp.float32),
            jax.ShapeDtypeStruct((nb * _PH[1], 16), jnp.float32),
            jax.ShapeDtypeStruct((nb * _PH[2], 16), jnp.float32),
            jax.ShapeDtypeStruct((nb * _PH[3], 16), jnp.float32),
        ),
        mesh=mesh,
        compiler_params=pltpu.CompilerParams(use_tc_tiling_on_sc=False,
                                             needs_layout_passes=False),
    )
    def k(emb_hbm, i0_hbm, i1_hbm, i2_hbm, i3_hbm,
          e0_hbm, e1_hbm, e2_hbm, e3_hbm):
        def emb_body(idx_vmem, out_vmem):
            pltpu.sync_copy(emb_hbm.at[idx_vmem.at[0]], out_vmem)

        def run_phase(idx_hbm, out_hbm, nwin):
            pltpu.emit_pipeline(
                emb_body,
                grid=(nwin,),
                in_specs=[pl.BlockSpec((1, _WIN), lambda i: (0, i))],
                out_specs=[pl.BlockSpec((_WIN, 16), lambda i: (i, 0))],
                core_axis_name=("c", "s"),
                dimension_semantics=(pltpu.PARALLEL,),
            )(idx_hbm, out_hbm)

        run_phase(i0_hbm, e0_hbm, nb * _PH[0] // _WIN)
        run_phase(i1_hbm, e1_hbm, nb * _PH[1] // _WIN)
        run_phase(i2_hbm, e2_hbm, nb * _PH[2] // _WIN)
        run_phase(i3_hbm, e3_hbm, nb * _PH[3] // _WIN)

    return k(emb_lin, i0, i1, i2, i3)


_DOT_PREC = lax.Precision.DEFAULT


def _dot(a, b):
    return lax.dot_general(a, b, (((1,), (0,)), ((), ())),
                           precision=_DOT_PREC,
                           preferred_element_type=jnp.float32)


def _tc_body(e0_ref, e1_ref, e2_ref, e3_ref, lin_ref, dense_ref,
             w10_ref, w11_ref, w12_ref, w13_ref, w1d_ref, b1_ref,
             w2_ref, b2_ref, wout_ref, dw_ref, c0_ref, out_ref):
    e0, e1, e2, e3 = e0_ref[...], e1_ref[...], e2_ref[...], e3_ref[...]
    d = dense_ref[...]

    parts = [(e0, 8), (e1, 8), (e2, 8), (e3, 2)]
    s = None
    ssq = None
    for e, nf in parts:
        for g in range(nf):
            sl = e[:, 16 * g:16 * (g + 1)]
            s = sl if s is None else s + sl
        q = jnp.sum(e * e, axis=1, keepdims=True)
        ssq = q if ssq is None else ssq + q
    fm = 0.5 * (jnp.sum(s * s, axis=1, keepdims=True) - ssq)

    ld = _dot(d, dw_ref[...])

    h1 = _dot(e0, w10_ref[...])
    h1 = h1 + _dot(e1, w11_ref[...])
    h1 = h1 + _dot(e2, w12_ref[...])
    h1 = h1 + _dot(e3, w13_ref[...])
    h1 = h1 + _dot(d, w1d_ref[...])
    h1 = jnp.maximum(h1 + b1_ref[...], 0.0)
    h2 = _dot(h1, w2_ref[...])
    h2 = jnp.maximum(h2 + b2_ref[...], 0.0)
    dnn = jnp.sum(h2 * wout_ref[...], axis=1, keepdims=True)

    out_ref[...] = lin_ref[...] + ld + fm + dnn + c0_ref[...]


def _tc_head(e0, e1, e2, e3, lin, dense_x, w10, w11, w12, w13, w1d, b1,
             w2, b2, wout, dw, c0, nb):
    grid = (nb // _BN,)
    return pl.pallas_call(
        _tc_body,
        grid=grid,
        in_specs=[
            pl.BlockSpec((_BN, 128), lambda i: (i, 0)),
            pl.BlockSpec((_BN, 128), lambda i: (i, 0)),
            pl.BlockSpec((_BN, 128), lambda i: (i, 0)),
            pl.BlockSpec((_BN, 32), lambda i: (i, 0)),
            pl.BlockSpec((_BN, 1), lambda i: (i, 0)),
            pl.BlockSpec((_BN, _ND), lambda i: (i, 0)),
            pl.BlockSpec((128, _H1), lambda i: (0, 0)),
            pl.BlockSpec((128, _H1), lambda i: (0, 0)),
            pl.BlockSpec((128, _H1), lambda i: (0, 0)),
            pl.BlockSpec((32, _H1), lambda i: (0, 0)),
            pl.BlockSpec((_ND, _H1), lambda i: (0, 0)),
            pl.BlockSpec((1, _H1), lambda i: (0, 0)),
            pl.BlockSpec((_H1, _H2), lambda i: (0, 0)),
            pl.BlockSpec((1, _H2), lambda i: (0, 0)),
            pl.BlockSpec((1, _H2), lambda i: (0, 0)),
            pl.BlockSpec((_ND, 1), lambda i: (0, 0)),
            pl.BlockSpec((1, 1), lambda i: (0, 0)),
        ],
        out_specs=pl.BlockSpec((_BN, 1), lambda i: (i, 0)),
        out_shape=jax.ShapeDtypeStruct((nb, 1), jnp.float32),
    )(e0, e1, e2, e3, lin, dense_x, w10, w11, w12, w13, w1d, b1,
      w2, b2, wout, dw, c0)


def kernel(sparse_x, dense_x, emb_table, lin_table, bias, dense_w,
           W1, b1, W2, b2, Wout, bout):
    idx = sparse_x.astype(jnp.int32)

    ilin = idx.reshape(_LBLK, _WIN, _F).transpose(0, 2, 1).reshape(
        _LBLK * _F, _WIN)

    emb128, lin_pad = _tc_transpose(emb_table.T, lin_table.T)
    emb_lin = emb128.reshape(_VROWS128 * 8, 16)
    lin16 = lin_pad.reshape(_VPAD, 16)

    lsum = _sc_linsum(lin16, ilin)
    lin = lsum.reshape(_B, 1)

    fd = _F * _D
    w1e = W1[:, :fd].T
    w10 = w1e[0:128]
    w11 = w1e[128:256]
    w12 = w1e[256:384]
    w13 = w1e[384:416]
    w1d = W1[:, fd:].T
    c0 = (bias + bout).reshape(1, 1)

    nch, cb = 2, _B // 2
    outs = []
    for c in range(nch):
        sl = slice(c * cb, (c + 1) * cb)
        ic = idx[sl]
        e0, e1, e2, e3 = _sc_gather(
            emb_lin,
            ic[:, 0:8].reshape(1, -1), ic[:, 8:16].reshape(1, -1),
            ic[:, 16:24].reshape(1, -1), ic[:, 24:26].reshape(1, -1), cb)
        outs.append(_tc_head(
            e0.reshape(cb, 128), e1.reshape(cb, 128), e2.reshape(cb, 128),
            e3.reshape(cb, 32), lin[sl], dense_x[sl],
            w10, w11, w12, w13, w1d, b1.reshape(1, _H1),
            W2.T, b2.reshape(1, _H2), Wout.reshape(1, _H2),
            dense_w.T, c0, cb))
    return jnp.concatenate(outs, axis=0).reshape(_B)

# --- scband reference (transcript-rebuilt; emitter-appended) ---
"""Pipeline reference for scband-deep-fm-23510650978340 (READ-ONLY COPY).

The authoritative reference and input builder live on the scoring server;
editing this copy changes nothing except your own understanding.
"""

import jax, jax.numpy as jnp
import numpy as np

B = 16384
F = 26
D = 16
ND = 13
V = 26 * 38462  # 1000012
H1, H2 = 128, 64
DNN_IN = F * D + ND  # 429


def setup_inputs(seed: int = 0) -> dict:
    key = jax.random.key(seed)
    ks = jax.random.split(key, 12)
    sparse_x = jax.random.randint(ks[0], (B, F), 0, V, dtype=jnp.int64)
    dense_x = jax.random.normal(ks[1], (B, ND), dtype=jnp.float32)
    emb_table = jax.random.normal(ks[2], (V, D), dtype=jnp.float32) * 0.01
    lin_table = jax.random.normal(ks[3], (V, 1), dtype=jnp.float32) * 0.01
    bias = jnp.zeros((1,), dtype=jnp.float32)
    dense_w = jax.random.normal(ks[4], (1, ND), dtype=jnp.float32) * 0.05
    W1 = jax.random.normal(ks[5], (H1, DNN_IN), dtype=jnp.float32) * 0.05
    b1 = jnp.zeros((H1,), dtype=jnp.float32)
    W2 = jax.random.normal(ks[6], (H2, H1), dtype=jnp.float32) * 0.05
    b2 = jnp.zeros((H2,), dtype=jnp.float32)
    Wout = jax.random.normal(ks[7], (1, H2), dtype=jnp.float32) * 0.05
    bout = jnp.zeros((1,), dtype=jnp.float32)
    return {"sparse_x": sparse_x, "dense_x": dense_x, "emb_table": emb_table,
            "lin_table": lin_table, "bias": bias, "dense_w": dense_w,
            "W1": W1, "b1": b1, "W2": W2, "b2": b2, "Wout": Wout, "bout": bout}


def reference(sparse_x, dense_x, emb_table, lin_table, bias, dense_w, W1, b1, W2, b2, Wout, bout):
    # FeaturesEmbedding: gather (B, F, D)
    embed_x = jnp.take(emb_table, sparse_x, axis=0)
    # FeaturesLinear: gather (B, F, 1) -> sum over fields + bias
    linear_sparse = jnp.take(lin_table, sparse_x, axis=0).sum(axis=1) + bias
    # DenseLinear: (B, ND) @ (ND, 1)
    linear_dense = dense_x @ dense_w.T
    linear_term = linear_sparse + linear_dense
    # FactorizationMachine second-order term
    square_of_sum = embed_x.sum(axis=1) ** 2
    sum_of_square = (embed_x ** 2).sum(axis=1)
    ix = 0.5 * (square_of_sum - sum_of_square)
    fm_term = ix.sum(axis=1, keepdims=True)
    # Deep part (dropout is identity at inference)
    dnn_input = jnp.concatenate([embed_x.reshape(embed_x.shape[0], -1), dense_x], axis=1)
    h = jax.nn.relu(dnn_input @ W1.T + b1)
    h = jax.nn.relu(h @ W2.T + b2)
    dnn_term = h @ Wout.T + bout
    logit = linear_term + fm_term + dnn_term
    return logit.squeeze(1)

if __name__ == "__main__":
    import jax
    _d = setup_inputs()
    print(jax.jit(kernel)(*tuple(_d.values())))

</pallas_src>

<mosaic_0001>
#map = affine_map<(d0, d1) -> (0, 0)>
module attributes {stable_mosaic.version = 14 : i64} {
  func.func @k(%arg0: i32, %arg1: i32, %arg2: memref<62976x16xf32, #tpu.memory_space<hbm>>, %arg3: memref<3328x128xi32, #tpu.memory_space<hbm>>, %arg4: memref<128x128xf32, #tpu.memory_space<hbm>>, %arg5: memref<62976x16xf32, #tpu.memory_space<vmem_shared>>, %arg6: memref<128xi32, #tpu.memory_space<vmem>>, %arg7: memref<128x16xf32, #tpu.memory_space<vmem>>) attributes {dimension_semantics = [#tpu.dimension_semantics<core_parallel>, #tpu.dimension_semantics<subcore_parallel>], iteration_bounds = array<i64: 2, 16>, scalar_prefetch = 0 : i64, scratch_operands = 3 : i64, tpu.core_type = #tpu.core_type<sc_vector_subcore>, window_params = [{transform_indices = #map}, {transform_indices = #map}, {transform_indices = #map}]} {
    %eq3A = arith.constant 0 : i32
    %eq3A_0 = arith.cmpi eq, %arg1, %eq3A : i32
    %convert_element_type3A = arith.extui %eq3A_0 : i1 to i32
    %cond3A = arith.constant 0 : i32
    %cond3A_1 = arith.cmpi ne, %convert_element_type3A, %cond3A : i32
    scf.if %cond3A_1 {
      "tpu.region"() ({
        %run_scoped3A = tpu.sem_alloc : memref<!tpu.dma_semaphore, #tpu.memory_space<semaphore_mem>>
        tpu.enqueue_dma source(%arg2 : memref<62976x16xf32, #tpu.memory_space<hbm>>) target(%arg5 : memref<62976x16xf32, #tpu.memory_space<vmem_shared>>) target_semaphore(%run_scoped3A : memref<!tpu.dma_semaphore, #tpu.memory_space<semaphore_mem>>)
        tpu.wait_dma2 semaphore(%run_scoped3A : memref<!tpu.dma_semaphore, #tpu.memory_space<semaphore_mem>>) src(%arg2 : memref<62976x16xf32, #tpu.memory_space<hbm>>) dst(%arg5 : memref<62976x16xf32, #tpu.memory_space<vmem_shared>>)
        tpu.yield
      }) : () -> ()
    } else {
    }
    %barrier3A = arith.constant 0 : index
    tpu.barrier barrier_id(%barrier3A)
    %mul3A = arith.constant 1 : i32
    %mul3A_2 = arith.muli %arg1, %mul3A : i32
    %add3A = arith.constant 0 : i32
    %add3A_3 = arith.addi %add3A, %mul3A_2 : i32
    %mul3A_4 = arith.constant 16 : i32
    %mul3A_5 = arith.muli %arg0, %mul3A_4 : i32
    %add3A_6 = arith.addi %add3A_3, %mul3A_5 : i32
    %mul3A_7 = arith.constant 104 : i32
    %mul3A_8 = arith.muli %add3A_6, %mul3A_7 : i32
    "tpu.region"() ({
      %run_scoped3A = memref.alloca() : memref<2x1x128xi32, #tpu.memory_space<vmem>>
      %run_scoped3A_9 = tpu.sem_alloc : memref<2x!tpu.dma_semaphore, #tpu.memory_space<semaphore_mem>>
      %run_scoped3A_10 = memref.alloca() : memref<2x1x128xf32, #tpu.memory_space<vmem>>
      %run_scoped3A_11 = tpu.sem_alloc : memref<2x!tpu.dma_semaphore, #tpu.memory_space<semaphore_mem>>
      %add3A_12 = arith.constant 0 : i32
      %add3A_13 = arith.addi %add3A_12, %mul3A_8 : i32
      %select_n3A = arith.constant true
      %select_n3A_14 = arith.constant 0 : i32
      %select_n3A_15 = arith.constant -1 : i32
      %select_n3A_16 = arith.select %select_n3A, %select_n3A_15, %select_n3A_14 : i32
      %eq3A_17 = arith.constant -1 : i32
      %eq3A_18 = arith.cmpi eq, %select_n3A_16, %eq3A_17 : i32
      %select_n3A_19 = arith.constant 103 : i32
      %select_n3A_20 = arith.select %eq3A_18, %select_n3A_19, %select_n3A_16 : i32
      %add3A_21 = arith.addi %select_n3A_20, %mul3A_8 : i32
      %select_n3A_22 = arith.constant true
      %select_n3A_23 = arith.constant 0 : i32
      %select_n3A_24 = arith.constant 1 : i32
      %select_n3A_25 = arith.select %select_n3A_22, %select_n3A_24, %select_n3A_23 : i32
      %eq3A_26 = arith.constant 104 : i32
      %eq3A_27 = arith.cmpi eq, %select_n3A_25, %eq3A_26 : i32
      %select_n3A_28 = arith.constant 0 : i32
      %select_n3A_29 = arith.select %eq3A_27, %select_n3A_28, %select_n3A_25 : i32
      %add3A_30 = arith.addi %select_n3A_29, %mul3A_8 : i32
      %add3A_31 = arith.constant 1 : i32
      %add3A_32 = arith.addi %select_n3A_29, %add3A_31 : i32
      %select_n3A_33 = arith.constant true
      %select_n3A_34 = arith.select %select_n3A_33, %add3A_32, %select_n3A_29 : i32
      %eq3A_35 = arith.constant 104 : i32
      %eq3A_36 = arith.cmpi eq, %select_n3A_34, %eq3A_35 : i32
      %select_n3A_37 = arith.constant 0 : i32
      %select_n3A_38 = arith.select %eq3A_36, %select_n3A_37, %select_n3A_34 : i32
      %add3A_39 = arith.addi %select_n3A_38, %mul3A_8 : i32
      "tpu.trace_start"() <{level = 10 : i32, message = "ep_initialize_0"}> : () -> ()
      %rem3A = arith.constant 0 : i32
      %rem3A_40 = arith.constant 2 : i32
      %rem3A_41 = arith.remui %rem3A, %rem3A_40 : i32
      %mul3A_42 = arith.constant 1 : i32
      %mul3A_43 = arith.muli %mul3A_42, %add3A_13 : i32
      %dma_start3A = arith.constant 0 : i32
      %dma_start3A_44 = arith.constant 0 : i32
      %dma_start3A_45 = tpu.memref_slice %run_scoped3A[%rem3A_41, %dma_start3A, %dma_start3A_44] : memref<2x1x128xi32, #tpu.memory_space<vmem>> -> memref<1x1x128xi32, #tpu.memory_space<vmem>>
      %dma_start3A_46 = tpu.memref_squeeze %dma_start3A_45 : memref<1x1x128xi32, #tpu.memory_space<vmem>> -> memref<1x128xi32, #tpu.memory_space<vmem>>
      %dma_start3A_47 = arith.constant 0 : i32
      %dma_start3A_48 = tpu.memref_slice %arg3[%mul3A_43, %dma_start3A_47] : memref<3328x128xi32, #tpu.memory_space<hbm>> -> memref<1x128xi32, #tpu.memory_space<hbm>>
      %dma_start3A_49 = tpu.memref_slice %run_scoped3A_9[%rem3A_41] : memref<2x!tpu.dma_semaphore, #tpu.memory_space<semaphore_mem>> -> memref<1x!tpu.dma_semaphore, #tpu.memory_space<semaphore_mem>>
      %dma_start3A_50 = tpu.memref_squeeze %dma_start3A_49 : memref<1x!tpu.dma_semaphore, #tpu.memory_space<semaphore_mem>> -> memref<!tpu.dma_semaphore, #tpu.memory_space<semaphore_mem>>
      %dma_start3A_51 = arith.constant 0 : i32
      %dma_start3A_52 = arith.constant 0 : i32
      %dma_start3A_53 = tpu.memref_slice %run_scoped3A[%rem3A_41, %dma_start3A_51, %dma_start3A_52] : memref<2x1x128xi32, #tpu.memory_space<vmem>> -> memref<1x1x128xi32, #tpu.memory_space<vmem>>
      %dma_start3A_54 = tpu.memref_squeeze %dma_start3A_53 : memref<1x1x128xi32, #tpu.memory_space<vmem>> -> memref<1x128xi32, #tpu.memory_space<vmem>>
      %dma_start3A_55 = arith.constant 0 : i32
      %dma_start3A_56 = tpu.memref_slice %arg3[%mul3A_43, %dma_start3A_55] : memref<3328x128xi32, #tpu.memory_space<hbm>> -> memref<1x128xi32, #tpu.memory_space<hbm>>
      tpu.enqueue_dma source(%dma_start3A_56 : memref<1x128xi32, #tpu.memory_space<hbm>>) target(%dma_start3A_54 : memref<1x128xi32, #tpu.memory_space<vmem>>) target_semaphore(%dma_start3A_50 : memref<!tpu.dma_semaphore, #tpu.memory_space<semaphore_mem>>)
      %add3A_57 = arith.constant 0 : i32
      %add3A_58 = arith.constant 1 : i32
      %add3A_59 = arith.addi %add3A_57, %add3A_58 : i32
      %select_n3A_60 = arith.constant true
      %select_n3A_61 = arith.constant 0 : i32
      %select_n3A_62 = arith.select %select_n3A_60, %add3A_59, %select_n3A_61 : i32
      "tpu.trace_stop"() : () -> ()
      %scan3A = arith.constant 0 : i32
      %scan3A_63 = arith.constant 0 : i32
      %scan3A_64 = arith.constant 0 : i32
      %scan3A_65 = arith.constant 0 : i32
      %scan3A_66 = arith.constant 0 : i32
      %scan3A_67 = arith.constant 104 : i32
      %scan3A_68 = arith.addi %scan3A_66, %scan3A_67 : i32
      %scan3A_69 = arith.constant 1 : i32
      %scan3A_70:5 = scf.for %scan3A_143 = %scan3A_66 to %scan3A_68 step %scan3A_69 iter_args(%scan3A_144 = %select_n3A_62, %scan3A_145 = %scan3A, %scan3A_146 = %scan3A_63, %scan3A_147 = %scan3A_64, %scan3A_148 = %scan3A_65) -> (i32, i32, i32, i32, i32)  : i32 {
        %eq3A_149 = arith.constant 0 : i32
        %eq3A_150 = arith.cmpi eq, %scan3A_143, %eq3A_149 : i32
        %eq3A_151 = arith.constant 103 : i32
        %eq3A_152 = arith.cmpi eq, %scan3A_143, %eq3A_151 : i32
        %add3A_153 = arith.addi %scan3A_148, %mul3A_8 : i32
        %sub3A_154 = arith.constant 1 : i32
        %sub3A_155 = arith.subi %scan3A_148, %sub3A_154 : i32
        %select_n3A_156 = arith.constant true
        %select_n3A_157 = arith.select %select_n3A_156, %sub3A_155, %scan3A_148 : i32
        %eq3A_158 = arith.constant -1 : i32
        %eq3A_159 = arith.cmpi eq, %select_n3A_157, %eq3A_158 : i32
        %select_n3A_160 = arith.constant 103 : i32
        %select_n3A_161 = arith.select %eq3A_159, %select_n3A_160, %select_n3A_157 : i32
        %add3A_162 = arith.addi %select_n3A_161, %mul3A_8 : i32
        %add3A_163 = arith.constant 1 : i32
        %add3A_164 = arith.addi %scan3A_148, %add3A_163 : i32
        %select_n3A_165 = arith.constant true
        %select_n3A_166 = arith.select %select_n3A_165, %add3A_164, %scan3A_148 : i32
        %eq3A_167 = arith.constant 104 : i32
        %eq3A_168 = arith.cmpi eq, %select_n3A_166, %eq3A_167 : i32
        %select_n3A_169 = arith.constant 0 : i32
        %select_n3A_170 = arith.select %eq3A_168, %select_n3A_169, %select_n3A_166 : i32
        %add3A_171 = arith.addi %select_n3A_170, %mul3A_8 : i32
        %add3A_172 = arith.constant 1 : i32
        %add3A_173 = arith.addi %select_n3A_170, %add3A_172 : i32
        %select_n3A_174 = arith.constant true
        %select_n3A_175 = arith.select %select_n3A_174, %add3A_173, %select_n3A_170 : i32
        %eq3A_176 = arith.constant 104 : i32
        %eq3A_177 = arith.cmpi eq, %select_n3A_175, %eq3A_176 : i32
        %select_n3A_178 = arith.constant 0 : i32
        %select_n3A_179 = arith.select %eq3A_177, %select_n3A_178, %select_n3A_175 : i32
        %add3A_180 = arith.addi %select_n3A_179, %mul3A_8 : i32
        %ne3A_181 = arith.cmpi ne, %add3A_153, %add3A_171 : i32
        %or3A = arith.constant false
        %or3A_182 = arith.ori %or3A, %ne3A_181 : i1
        %or3A_183 = arith.constant false
        %or3A_184 = arith.ori %or3A_182, %or3A_183 : i1
        %ge3A = arith.constant 103 : i32
        %ge3A_185 = arith.cmpi sge, %scan3A_143, %ge3A : i32
        %not3A = arith.constant true
        %not3A_186 = arith.xori %ge3A_185, %not3A : i1
        %and3A_187 = arith.andi %or3A_184, %not3A_186 : i1
        %convert_element_type3A_188 = arith.extui %and3A_187 : i1 to i32
        %cond3A_189 = arith.constant 0 : i32
        %cond3A_190 = arith.cmpi ne, %convert_element_type3A_188, %cond3A_189 : i32
        scf.if %cond3A_190 {
          "tpu.trace_start"() <{level = 10 : i32, message = "ep_copy_in"}> : () -> ()
          %rem3A_873 = arith.constant 2 : i32
          %rem3A_874 = arith.remui %scan3A_144, %rem3A_873 : i32
          %mul3A_875 = arith.constant 1 : i32
          %mul3A_876 = arith.muli %mul3A_875, %add3A_171 : i32
          %dma_start3A_877 = arith.constant 0 : i32
          %dma_start3A_878 = arith.constant 0 : i32
          %dma_start3A_879 = tpu.memref_slice %run_scoped3A[%rem3A_874, %dma_start3A_877, %dma_start3A_878] : memref<2x1x128xi32, #tpu.memory_space<vmem>> -> memref<1x1x128xi32, #tpu.memory_space<vmem>>
          %dma_start3A_880 = tpu.memref_squeeze %dma_start3A_879 : memref<1x1x128xi32, #tpu.memory_space<vmem>> -> memref<1x128xi32, #tpu.memory_space<vmem>>
          %dma_start3A_881 = arith.constant 0 : i32
          %dma_start3A_882 = tpu.memref_slice %arg3[%mul3A_876, %dma_start3A_881] : memref<3328x128xi32, #tpu.memory_space<hbm>> -> memref<1x128xi32, #tpu.memory_space<hbm>>
          %dma_start3A_883 = tpu.memref_slice %run_scoped3A_9[%rem3A_874] : memref<2x!tpu.dma_semaphore, #tpu.memory_space<semaphore_mem>> -> memref<1x!tpu.dma_semaphore, #tpu.memory_space<semaphore_mem>>
          %dma_start3A_884 = tpu.memref_squeeze %dma_start3A_883 : memref<1x!tpu.dma_semaphore, #tpu.memory_space<semaphore_mem>> -> memref<!tpu.dma_semaphore, #tpu.memory_space<semaphore_mem>>
          %dma_start3A_885 = arith.constant 0 : i32
          %dma_start3A_886 = arith.constant 0 : i32
          %dma_start3A_887 = tpu.memref_slice %run_scoped3A[%rem3A_874, %dma_start3A_885, %dma_start3A_886] : memref<2x1x128xi32, #tpu.memory_space<vmem>> -> memref<1x1x128xi32, #tpu.memory_space<vmem>>
          %dma_start3A_888 = tpu.memref_squeeze %dma_start3A_887 : memref<1x1x128xi32, #tpu.memory_space<vmem>> -> memref<1x128xi32, #tpu.memory_space<vmem>>
          %dma_start3A_889 = arith.constant 0 : i32
          %dma_start3A_890 = tpu.memref_slice %arg3[%mul3A_876, %dma_start3A_889] : memref<3328x128xi32, #tpu.memory_space<hbm>> -> memref<1x128xi32, #tpu.memory_space<hbm>>
          tpu.enqueue_dma source(%dma_start3A_890 : memref<1x128xi32, #tpu.memory_space<hbm>>) target(%dma_start3A_888 : memref<1x128xi32, #tpu.memory_space<vmem>>) target_semaphore(%dma_start3A_884 : memref<!tpu.dma_semaphore, #tpu.memory_space<semaphore_mem>>)
          "tpu.trace_stop"() : () -> ()
        } else {
        }
        %and3A_191 = arith.constant true
        %and3A_192 = arith.andi %and3A_187, %and3A_191 : i1
        %add3A_193 = arith.constant 1 : i32
        %add3A_194 = arith.addi %scan3A_144, %add3A_193 : i32
        %select_n3A_195 = arith.select %and3A_192, %add3A_194, %scan3A_144 : i32
        %jit3A_196 = arith.constant 26 : i32
        %div3A_197 = arith.divsi %add3A_153, %jit3A_196 : i32
        %sign3A_198 = arith.constant 0 : i32
        %sign3A_199 = arith.cmpi sgt, %add3A_153, %sign3A_198 : i32
        %sign3A_200 = arith.extui %sign3A_199 : i1 to i32
        %sign3A_201 = arith.constant 0 : i32
        %sign3A_202 = arith.cmpi slt, %add3A_153, %sign3A_201 : i32
        %sign3A_203 = arith.extui %sign3A_202 : i1 to i32
        %sign3A_204 = arith.subi %sign3A_200, %sign3A_203 : i32
        %sign3A_205 = arith.constant 0 : i32
        %sign3A_206 = arith.cmpi sgt, %jit3A_196, %sign3A_205 : i32
        %sign3A_207 = arith.extui %sign3A_206 : i1 to i32
        %sign3A_208 = arith.constant 0 : i32
        %sign3A_209 = arith.cmpi slt, %jit3A_196, %sign3A_208 : i32
        %sign3A_210 = arith.extui %sign3A_209 : i1 to i32
        %sign3A_211 = arith.subi %sign3A_207, %sign3A_210 : i32
        %ne3A_212 = arith.cmpi ne, %sign3A_204, %sign3A_211 : i32
        %rem3A_213 = arith.remsi %add3A_153, %jit3A_196 : i32
        %ne3A_214 = arith.constant 0 : i32
        %ne3A_215 = arith.cmpi ne, %rem3A_213, %ne3A_214 : i32
        %and3A_216 = arith.andi %ne3A_212, %ne3A_215 : i1
        %sub3A_217 = arith.constant 1 : i32
        %sub3A_218 = arith.subi %div3A_197, %sub3A_217 : i32
        %select_n3A_219 = arith.select %and3A_216, %sub3A_218, %div3A_197 : i32
        %jit3A_220 = arith.constant 26 : i32
        %div3A_221 = arith.divsi %add3A_171, %jit3A_220 : i32
        %sign3A_222 = arith.constant 0 : i32
        %sign3A_223 = arith.cmpi sgt, %add3A_171, %sign3A_222 : i32
        %sign3A_224 = arith.extui %sign3A_223 : i1 to i32
        %sign3A_225 = arith.constant 0 : i32
        %sign3A_226 = arith.cmpi slt, %add3A_171, %sign3A_225 : i32
        %sign3A_227 = arith.extui %sign3A_226 : i1 to i32
        %sign3A_228 = arith.subi %sign3A_224, %sign3A_227 : i32
        %sign3A_229 = arith.constant 0 : i32
        %sign3A_230 = arith.cmpi sgt, %jit3A_220, %sign3A_229 : i32
        %sign3A_231 = arith.extui %sign3A_230 : i1 to i32
        %sign3A_232 = arith.constant 0 : i32
        %sign3A_233 = arith.cmpi slt, %jit3A_220, %sign3A_232 : i32
        %sign3A_234 = arith.extui %sign3A_233 : i1 to i32
        %sign3A_235 = arith.subi %sign3A_231, %sign3A_234 : i32
        %ne3A_236 = arith.cmpi ne, %sign3A_228, %sign3A_235 : i32
        %rem3A_237 = arith.remsi %add3A_171, %jit3A_220 : i32
        %ne3A_238 = arith.constant 0 : i32
        %ne3A_239 = arith.cmpi ne, %rem3A_237, %ne3A_238 : i32
        %and3A_240 = arith.andi %ne3A_236, %ne3A_239 : i1
        %sub3A_241 = arith.constant 1 : i32
        %sub3A_242 = arith.subi %div3A_221, %sub3A_241 : i32
        %select_n3A_243 = arith.select %and3A_240, %sub3A_242, %div3A_221 : i32
        %ne3A_244 = arith.cmpi ne, %select_n3A_219, %select_n3A_243 : i32
        %or3A_245 = arith.constant false
        %or3A_246 = arith.ori %or3A_245, %ne3A_244 : i1
        %or3A_247 = arith.constant false
        %or3A_248 = arith.ori %or3A_246, %or3A_247 : i1
        %ge3A_249 = arith.constant 103 : i32
        %ge3A_250 = arith.cmpi sge, %scan3A_143, %ge3A_249 : i32
        %not3A_251 = arith.constant true
        %not3A_252 = arith.xori %ge3A_250, %not3A_251 : i1
        %and3A_253 = arith.andi %or3A_248, %not3A_252 : i1
        %ne3A_254 = arith.cmpi ne, %add3A_153, %add3A_162 : i32
        %or3A_255 = arith.constant false
        %or3A_256 = arith.ori %or3A_255, %ne3A_254 : i1
        %or3A_257 = arith.constant false
        %or3A_258 = arith.ori %or3A_256, %or3A_257 : i1
        %or3A_259 = arith.ori %or3A_258, %eq3A_150 : i1
        %convert_element_type3A_260 = arith.extui %or3A_259 : i1 to i32
        %cond3A_261 = arith.constant 0 : i32
        %cond3A_262 = arith.cmpi ne, %convert_element_type3A_260, %cond3A_261 : i32
        scf.if %cond3A_262 {
          "tpu.trace_start"() <{level = 10 : i32, message = "ep_wait_in"}> : () -> ()
          %mul3A_873 = arith.constant 1 : i32
          %mul3A_874 = arith.muli %mul3A_873, %add3A_153 : i32
          %rem3A_875 = arith.constant 2 : i32
          %rem3A_876 = arith.remui %scan3A_145, %rem3A_875 : i32
          %dma_wait3A_877 = arith.constant 0 : i32
          %dma_wait3A_878 = arith.constant 0 : i32
          %dma_wait3A_879 = tpu.memref_slice %run_scoped3A[%rem3A_876, %dma_wait3A_877, %dma_wait3A_878] : memref<2x1x128xi32, #tpu.memory_space<vmem>> -> memref<1x1x128xi32, #tpu.memory_space<vmem>>
          %dma_wait3A_880 = tpu.memref_squeeze %dma_wait3A_879 : memref<1x1x128xi32, #tpu.memory_space<vmem>> -> memref<1x128xi32, #tpu.memory_space<vmem>>
          %dma_wait3A_881 = arith.constant 0 : i32
          %dma_wait3A_882 = tpu.memref_slice %arg3[%mul3A_874, %dma_wait3A_881] : memref<3328x128xi32, #tpu.memory_space<hbm>> -> memref<1x128xi32, #tpu.memory_space<hbm>>
          %dma_wait3A_883 = tpu.memref_slice %run_scoped3A_9[%rem3A_876] : memref<2x!tpu.dma_semaphore, #tpu.memory_space<semaphore_mem>> -> memref<1x!tpu.dma_semaphore, #tpu.memory_space<semaphore_mem>>
          %dma_wait3A_884 = tpu.memref_squeeze %dma_wait3A_883 : memref<1x!tpu.dma_semaphore, #tpu.memory_space<semaphore_mem>> -> memref<!tpu.dma_semaphore, #tpu.memory_space<semaphore_mem>>
          %dma_wait3A_885 = arith.constant 0 : i32
          %dma_wait3A_886 = arith.constant 0 : i32
          %dma_wait3A_887 = tpu.memref_slice %run_scoped3A[%rem3A_876, %dma_wait3A_885, %dma_wait3A_886] : memref<2x1x128xi32, #tpu.memory_space<vmem>> -> memref<1x1x128xi32, #tpu.memory_space<vmem>>
          %dma_wait3A_888 = tpu.memref_squeeze %dma_wait3A_887 : memref<1x1x128xi32, #tpu.memory_space<vmem>> -> memref<1x128xi32, #tpu.memory_space<vmem>>
          %dma_wait3A_889 = arith.constant 0 : i32
          %dma_wait3A_890 = tpu.memref_slice %arg3[%mul3A_874, %dma_wait3A_889] : memref<3328x128xi32, #tpu.memory_space<hbm>> -> memref<1x128xi32, #tpu.memory_space<hbm>>
          tpu.wait_dma2 semaphore(%dma_wait3A_884 : memref<!tpu.dma_semaphore, #tpu.memory_space<semaphore_mem>>) src(%dma_wait3A_890 : memref<1x128xi32, #tpu.memory_space<hbm>>) dst(%dma_wait3A_888 : memref<1x128xi32, #tpu.memory_space<vmem>>)
          "tpu.trace_stop"() : () -> ()
        } else {
        }
        %jit3A_263 = arith.constant 26 : i32
        %div3A_264 = arith.divsi %add3A_153, %jit3A_263 : i32
        %sign3A_265 = arith.constant 0 : i32
        %sign3A_266 = arith.cmpi sgt, %add3A_153, %sign3A_265 : i32
        %sign3A_267 = arith.extui %sign3A_266 : i1 to i32
        %sign3A_268 = arith.constant 0 : i32
        %sign3A_269 = arith.cmpi slt, %add3A_153, %sign3A_268 : i32
        %sign3A_270 = arith.extui %sign3A_269 : i1 to i32
        %sign3A_271 = arith.subi %sign3A_267, %sign3A_270 : i32
        %sign3A_272 = arith.constant 0 : i32
        %sign3A_273 = arith.cmpi sgt, %jit3A_263, %sign3A_272 : i32
        %sign3A_274 = arith.extui %sign3A_273 : i1 to i32
        %sign3A_275 = arith.constant 0 : i32
        %sign3A_276 = arith.cmpi slt, %jit3A_263, %sign3A_275 : i32
        %sign3A_277 = arith.extui %sign3A_276 : i1 to i32
        %sign3A_278 = arith.subi %sign3A_274, %sign3A_277 : i32
        %ne3A_279 = arith.cmpi ne, %sign3A_271, %sign3A_278 : i32
        %rem3A_280 = arith.remsi %add3A_153, %jit3A_263 : i32
        %ne3A_281 = arith.constant 0 : i32
        %ne3A_282 = arith.cmpi ne, %rem3A_280, %ne3A_281 : i32
        %and3A_283 = arith.andi %ne3A_279, %ne3A_282 : i1
        %sub3A_284 = arith.constant 1 : i32
        %sub3A_285 = arith.subi %div3A_264, %sub3A_284 : i32
        %select_n3A_286 = arith.select %and3A_283, %sub3A_285, %div3A_264 : i32
        %jit3A_287 = arith.constant 26 : i32
        %div3A_288 = arith.divsi %add3A_162, %jit3A_287 : i32
        %sign3A_289 = arith.constant 0 : i32
        %sign3A_290 = arith.cmpi sgt, %add3A_162, %sign3A_289 : i32
        %sign3A_291 = arith.extui %sign3A_290 : i1 to i32
        %sign3A_292 = arith.constant 0 : i32
        %sign3A_293 = arith.cmpi slt, %add3A_162, %sign3A_292 : i32
        %sign3A_294 = arith.extui %sign3A_293 : i1 to i32
        %sign3A_295 = arith.subi %sign3A_291, %sign3A_294 : i32
        %sign3A_296 = arith.constant 0 : i32
        %sign3A_297 = arith.cmpi sgt, %jit3A_287, %sign3A_296 : i32
        %sign3A_298 = arith.extui %sign3A_297 : i1 to i32
        %sign3A_299 = arith.constant 0 : i32
        %sign3A_300 = arith.cmpi slt, %jit3A_287, %sign3A_299 : i32
        %sign3A_301 = arith.extui %sign3A_300 : i1 to i32
        %sign3A_302 = arith.subi %sign3A_298, %sign3A_301 : i32
        %ne3A_303 = arith.cmpi ne, %sign3A_295, %sign3A_302 : i32
        %rem3A_304 = arith.remsi %add3A_162, %jit3A_287 : i32
        %ne3A_305 = arith.constant 0 : i32
        %ne3A_306 = arith.cmpi ne, %rem3A_304, %ne3A_305 : i32
        %and3A_307 = arith.andi %ne3A_303, %ne3A_306 : i1
        %sub3A_308 = arith.constant 1 : i32
        %sub3A_309 = arith.subi %div3A_288, %sub3A_308 : i32
        %select_n3A_310 = arith.select %and3A_307, %sub3A_309, %div3A_288 : i32
        %ne3A_311 = arith.cmpi ne, %select_n3A_286, %select_n3A_310 : i32
        %or3A_312 = arith.constant false
        %or3A_313 = arith.ori %or3A_312, %ne3A_311 : i1
        %or3A_314 = arith.constant false
        %or3A_315 = arith.ori %or3A_313, %or3A_314 : i1
        %or3A_316 = arith.ori %or3A_315, %eq3A_150 : i1
        %convert_element_type3A_317 = arith.extui %or3A_316 : i1 to i32
        %cond3A_318 = arith.constant 0 : i32
        %cond3A_319 = arith.cmpi ne, %convert_element_type3A_317, %cond3A_318 : i32
        scf.if %cond3A_319 {
        } else {
        }
        %rem3A_320 = arith.constant 2 : i32
        %rem3A_321 = arith.remui %scan3A_145, %rem3A_320 : i32
        %rem3A_322 = arith.constant 2 : i32
        %rem3A_323 = arith.remui %scan3A_146, %rem3A_322 : i32
        "tpu.trace_start"() <{level = 10 : i32, message = "ep_run_kernel"}> : () -> ()
        %rem3A_324 = arith.constant 26 : i32
        %rem3A_325 = arith.remsi %add3A_153, %rem3A_324 : i32
        %get3A = arith.constant 0 : i32
        %get3A_326 = arith.constant 0 : i32
        %get3A_327 = arith.constant 0 : i32
        %get3A_328 = tpu.memref_slice %run_scoped3A[%rem3A_321, %get3A_326, %get3A_327] : memref<2x1x128xi32, #tpu.memory_space<vmem>> -> memref<1x1x128xi32, #tpu.memory_space<vmem>>
        %get3A_329 = tpu.memref_squeeze %get3A_328 : memref<1x1x128xi32, #tpu.memory_space<vmem>> -> memref<1x128xi32, #tpu.memory_space<vmem>>
        %get3A_330 = arith.index_cast %get3A : i32 to index
        %get3A_331 = arith.constant 0 : index
        %get3A_332 = tpu.vector_load %get3A_329[%get3A_330, %get3A_331] {strides = array<i32>} : memref<1x128xi32, #tpu.memory_space<vmem>>, vector<16xi32>,
        %shift_right_logical3A = arith.constant 4 : i32
        %shift_right_logical3A_333 = vector.broadcast %shift_right_logical3A : i32 to vector<16xi32>
        %shift_right_logical3A_334 = arith.shrui %get3A_332, %shift_right_logical3A_333 : vector<16xi32>
        %swap3A = arith.constant 0 : index
        %swap3A_335 = tpu.vector_load %arg6[%swap3A] {strides = array<i32>} : memref<128xi32, #tpu.memory_space<vmem>>, vector<16xi32>,
        tpu.vector_store %arg6[%swap3A], %shift_right_logical3A_334 {strides = array<i32>} : memref<128xi32, #tpu.memory_space<vmem>>, vector<16xi32>,
        %get3A_336 = arith.constant 0 : i32
        %get3A_337 = arith.constant 0 : i32
        %get3A_338 = arith.constant 0 : i32
        %get3A_339 = tpu.memref_slice %run_scoped3A[%rem3A_321, %get3A_337, %get3A_338] : memref<2x1x128xi32, #tpu.memory_space<vmem>> -> memref<1x1x128xi32, #tpu.memory_space<vmem>>
        %get3A_340 = tpu.memref_squeeze %get3A_339 : memref<1x1x128xi32, #tpu.memory_space<vmem>> -> memref<1x128xi32, #tpu.memory_space<vmem>>
        %get3A_341 = arith.index_cast %get3A_336 : i32 to index
        %get3A_342 = arith.constant 16 : index
        %get3A_343 = tpu.vector_load %get3A_340[%get3A_341, %get3A_342] {strides = array<i32>} : memref<1x128xi32, #tpu.memory_space<vmem>>, vector<16xi32>,
        %shift_right_logical3A_344 = arith.constant 4 : i32
        %shift_right_logical3A_345 = vector.broadcast %shift_right_logical3A_344 : i32 to vector<16xi32>
        %shift_right_logical3A_346 = arith.shrui %get3A_343, %shift_right_logical3A_345 : vector<16xi32>
        %swap3A_347 = arith.constant 16 : index
        %swap3A_348 = tpu.vector_load %arg6[%swap3A_347] {strides = array<i32>} : memref<128xi32, #tpu.memory_space<vmem>>, vector<16xi32>,
        tpu.vector_store %arg6[%swap3A_347], %shift_right_logical3A_346 {strides = array<i32>} : memref<128xi32, #tpu.memory_space<vmem>>, vector<16xi32>,
        %get3A_349 = arith.constant 0 : i32
        %get3A_350 = arith.constant 0 : i32
        %get3A_351 = arith.constant 0 : i32
        %get3A_352 = tpu.memref_slice %run_scoped3A[%rem3A_321, %get3A_350, %get3A_351] : memref<2x1x128xi32, #tpu.memory_space<vmem>> -> memref<1x1x128xi32, #tpu.memory_space<vmem>>
        %get3A_353 = tpu.memref_squeeze %get3A_352 : memref<1x1x128xi32, #tpu.memory_space<vmem>> -> memref<1x128xi32, #tpu.memory_space<vmem>>
        %get3A_354 = arith.index_cast %get3A_349 : i32 to index
        %get3A_355 = arith.constant 32 : index
        %get3A_356 = tpu.vector_load %get3A_353[%get3A_354, %get3A_355] {strides = array<i32>} : memref<1x128xi32, #tpu.memory_space<vmem>>, vector<16xi32>,
        %shift_right_logical3A_357 = arith.constant 4 : i32
        %shift_right_logical3A_358 = vector.broadcast %shift_right_logical3A_357 : i32 to vector<16xi32>
        %shift_right_logical3A_359 = arith.shrui %get3A_356, %shift_right_logical3A_358 : vector<16xi32>
        %swap3A_360 = arith.constant 32 : index
        %swap3A_361 = tpu.vector_load %arg6[%swap3A_360] {strides = array<i32>} : memref<128xi32, #tpu.memory_space<vmem>>, vector<16xi32>,
        tpu.vector_store %arg6[%swap3A_360], %shift_right_logical3A_359 {strides = array<i32>} : memref<128xi32, #tpu.memory_space<vmem>>, vector<16xi32>,
        %get3A_362 = arith.constant 0 : i32
        %get3A_363 = arith.constant 0 : i32
        %get3A_364 = arith.constant 0 : i32
        %get3A_365 = tpu.memref_slice %run_scoped3A[%rem3A_321, %get3A_363, %get3A_364] : memref<2x1x128xi32, #tpu.memory_space<vmem>> -> memref<1x1x128xi32, #tpu.memory_space<vmem>>
        %get3A_366 = tpu.memref_squeeze %get3A_365 : memref<1x1x128xi32, #tpu.memory_space<vmem>> -> memref<1x128xi32, #tpu.memory_space<vmem>>
        %get3A_367 = arith.index_cast %get3A_362 : i32 to index
        %get3A_368 = arith.constant 48 : index
        %get3A_369 = tpu.vector_load %get3A_366[%get3A_367, %get3A_368] {strides = array<i32>} : memref<1x128xi32, #tpu.memory_space<vmem>>, vector<16xi32>,
        %shift_right_logical3A_370 = arith.constant 4 : i32
        %shift_right_logical3A_371 = vector.broadcast %shift_right_logical3A_370 : i32 to vector<16xi32>
        %shift_right_logical3A_372 = arith.shrui %get3A_369, %shift_right_logical3A_371 : vector<16xi32>
        %swap3A_373 = arith.constant 48 : index
        %swap3A_374 = tpu.vector_load %arg6[%swap3A_373] {strides = array<i32>} : memref<128xi32, #tpu.memory_space<vmem>>, vector<16xi32>,
        tpu.vector_store %arg6[%swap3A_373], %shift_right_logical3A_372 {strides = array<i32>} : memref<128xi32, #tpu.memory_space<vmem>>, vector<16xi32>,
        %get3A_375 = arith.constant 0 : i32
        %get3A_376 = arith.constant 0 : i32
        %get3A_377 = arith.constant 0 : i32
        %get3A_378 = tpu.memref_slice %run_scoped3A[%rem3A_321, %get3A_376, %get3A_377] : memref<2x1x128xi32, #tpu.memory_space<vmem>> -> memref<1x1x128xi32, #tpu.memory_space<vmem>>
        %get3A_379 = tpu.memref_squeeze %get3A_378 : memref<1x1x128xi32, #tpu.memory_space<vmem>> -> memref<1x128xi32, #tpu.memory_space<vmem>>
        %get3A_380 = arith.index_cast %get3A_375 : i32 to index
        %get3A_381 = arith.constant 64 : index
        %get3A_382 = tpu.vector_load %get3A_379[%get3A_380, %get3A_381] {strides = array<i32>} : memref<1x128xi32, #tpu.memory_space<vmem>>, vector<16xi32>,
        %shift_right_logical3A_383 = arith.constant 4 : i32
        %shift_right_logical3A_384 = vector.broadcast %shift_right_logical3A_383 : i32 to vector<16xi32>
        %shift_right_logical3A_385 = arith.shrui %get3A_382, %shift_right_logical3A_384 : vector<16xi32>
        %swap3A_386 = arith.constant 64 : index
        %swap3A_387 = tpu.vector_load %arg6[%swap3A_386] {strides = array<i32>} : memref<128xi32, #tpu.memory_space<vmem>>, vector<16xi32>,
        tpu.vector_store %arg6[%swap3A_386], %shift_right_logical3A_385 {strides = array<i32>} : memref<128xi32, #tpu.memory_space<vmem>>, vector<16xi32>,
        %get3A_388 = arith.constant 0 : i32
        %get3A_389 = arith.constant 0 : i32
        %get3A_390 = arith.constant 0 : i32
        %get3A_391 = tpu.memref_slice %run_scoped3A[%rem3A_321, %get3A_389, %get3A_390] : memref<2x1x128xi32, #tpu.memory_space<vmem>> -> memref<1x1x128xi32, #tpu.memory_space<vmem>>
        %get3A_392 = tpu.memref_squeeze %get3A_391 : memref<1x1x128xi32, #tpu.memory_space<vmem>> -> memref<1x128xi32, #tpu.memory_space<vmem>>
        %get3A_393 = arith.index_cast %get3A_388 : i32 to index
        %get3A_394 = arith.constant 80 : index
        %get3A_395 = tpu.vector_load %get3A_392[%get3A_393, %get3A_394] {strides = array<i32>} : memref<1x128xi32, #tpu.memory_space<vmem>>, vector<16xi32>,
        %shift_right_logical3A_396 = arith.constant 4 : i32
        %shift_right_logical3A_397 = vector.broadcast %shift_right_logical3A_396 : i32 to vector<16xi32>
        %shift_right_logical3A_398 = arith.shrui %get3A_395, %shift_right_logical3A_397 : vector<16xi32>
        %swap3A_399 = arith.constant 80 : index
        %swap3A_400 = tpu.vector_load %arg6[%swap3A_399] {strides = array<i32>} : memref<128xi32, #tpu.memory_space<vmem>>, vector<16xi32>,
        tpu.vector_store %arg6[%swap3A_399], %shift_right_logical3A_398 {strides = array<i32>} : memref<128xi32, #tpu.memory_space<vmem>>, vector<16xi32>,
        %get3A_401 = arith.constant 0 : i32
        %get3A_402 = arith.constant 0 : i32
        %get3A_403 = arith.constant 0 : i32
        %get3A_404 = tpu.memref_slice %run_scoped3A[%rem3A_321, %get3A_402, %get3A_403] : memref<2x1x128xi32, #tpu.memory_space<vmem>> -> memref<1x1x128xi32, #tpu.memory_space<vmem>>
        %get3A_405 = tpu.memref_squeeze %get3A_404 : memref<1x1x128xi32, #tpu.memory_space<vmem>> -> memref<1x128xi32, #tpu.memory_space<vmem>>
        %get3A_406 = arith.index_cast %get3A_401 : i32 to index
        %get3A_407 = arith.constant 96 : index
        %get3A_408 = tpu.vector_load %get3A_405[%get3A_406, %get3A_407] {strides = array<i32>} : memref<1x128xi32, #tpu.memory_space<vmem>>, vector<16xi32>,
        %shift_right_logical3A_409 = arith.constant 4 : i32
        %shift_right_logical3A_410 = vector.broadcast %shift_right_logical3A_409 : i32 to vector<16xi32>
        %shift_right_logical3A_411 = arith.shrui %get3A_408, %shift_right_logical3A_410 : vector<16xi32>
        %swap3A_412 = arith.constant 96 : index
        %swap3A_413 = tpu.vector_load %arg6[%swap3A_412] {strides = array<i32>} : memref<128xi32, #tpu.memory_space<vmem>>, vector<16xi32>,
        tpu.vector_store %arg6[%swap3A_412], %shift_right_logical3A_411 {strides = array<i32>} : memref<128xi32, #tpu.memory_space<vmem>>, vector<16xi32>,
        %get3A_414 = arith.constant 0 : i32
        %get3A_415 = arith.constant 0 : i32
        %get3A_416 = arith.constant 0 : i32
        %get3A_417 = tpu.memref_slice %run_scoped3A[%rem3A_321, %get3A_415, %get3A_416] : memref<2x1x128xi32, #tpu.memory_space<vmem>> -> memref<1x1x128xi32, #tpu.memory_space<vmem>>
        %get3A_418 = tpu.memref_squeeze %get3A_417 : memref<1x1x128xi32, #tpu.memory_space<vmem>> -> memref<1x128xi32, #tpu.memory_space<vmem>>
        %get3A_419 = arith.index_cast %get3A_414 : i32 to index
        %get3A_420 = arith.constant 112 : index
        %get3A_421 = tpu.vector_load %get3A_418[%get3A_419, %get3A_420] {strides = array<i32>} : memref<1x128xi32, #tpu.memory_space<vmem>>, vector<16xi32>,
        %shift_right_logical3A_422 = arith.constant 4 : i32
        %shift_right_logical3A_423 = vector.broadcast %shift_right_logical3A_422 : i32 to vector<16xi32>
        %shift_right_logical3A_424 = arith.shrui %get3A_421, %shift_right_logical3A_423 : vector<16xi32>
        %swap3A_425 = arith.constant 112 : index
        %swap3A_426 = tpu.vector_load %arg6[%swap3A_425] {strides = array<i32>} : memref<128xi32, #tpu.memory_space<vmem>>, vector<16xi32>,
        tpu.vector_store %arg6[%swap3A_425], %shift_right_logical3A_424 {strides = array<i32>} : memref<128xi32, #tpu.memory_space<vmem>>, vector<16xi32>,
        "tpu.region"() ({
          %run_scoped3A_873 = tpu.sem_alloc : memref<!tpu.dma_semaphore, #tpu.memory_space<semaphore_mem>>
          %dma_start3A_874 = arith.constant 0 : i32
          %dma_start3A_875 = arith.constant 0 : i32
          %dma_start3A_876 = tpu.memref_slice %arg5[%dma_start3A_874, %dma_start3A_875] : memref<62976x16xf32, #tpu.memory_space<vmem_shared>> -> memref<62976x16xf32, #tpu.memory_space<vmem_shared>>
          tpu.enqueue_indirect_dma source(%dma_start3A_876 : memref<62976x16xf32, #tpu.memory_space<vmem_shared>>) target(%arg7 : memref<128x16xf32, #tpu.memory_space<vmem>>) offsets(%arg6 : memref<128xi32, #tpu.memory_space<vmem>>) semaphore(%run_scoped3A_873 : memref<!tpu.dma_semaphore, #tpu.memory_space<semaphore_mem>>)
          %dma_wait3A_877 = arith.constant 0 : i32
          %dma_wait3A_878 = arith.constant 0 : i32
          %dma_wait3A_879 = tpu.memref_slice %arg5[%dma_wait3A_877, %dma_wait3A_878] : memref<62976x16xf32, #tpu.memory_space<vmem_shared>> -> memref<62976x16xf32, #tpu.memory_space<vmem_shared>>
          tpu.wait_indirect_dma semaphore(%run_scoped3A_873 : memref<!tpu.dma_semaphore, #tpu.memory_space<semaphore_mem>>) src(%dma_wait3A_879 : memref<62976x16xf32, #tpu.memory_space<vmem_shared>>) dst(%arg7 : memref<128x16xf32, #tpu.memory_space<vmem>>)
          tpu.yield
        }) : () -> ()
        %iota3A = tpu.iota {dimensions = array<i32: 0>} : vector<16xi32>
        %get3A_427 = arith.constant 0 : i32
        %get3A_428 = arith.constant 0 : i32
        %get3A_429 = arith.constant 0 : i32
        %get3A_430 = tpu.memref_slice %run_scoped3A[%rem3A_321, %get3A_428, %get3A_429] : memref<2x1x128xi32, #tpu.memory_space<vmem>> -> memref<1x1x128xi32, #tpu.memory_space<vmem>>
        %get3A_431 = tpu.memref_squeeze %get3A_430 : memref<1x1x128xi32, #tpu.memory_space<vmem>> -> memref<1x128xi32, #tpu.memory_space<vmem>>
        %get3A_432 = arith.index_cast %get3A_427 : i32 to index
        %get3A_433 = arith.constant 0 : index
        %get3A_434 = tpu.vector_load %get3A_431[%get3A_432, %get3A_433] {strides = array<i32>} : memref<1x128xi32, #tpu.memory_space<vmem>>, vector<16xi32>,
        %and3A_435 = arith.constant 15 : i32
        %and3A_436 = vector.broadcast %and3A_435 : i32 to vector<16xi32>
        %and3A_437 = arith.andi %get3A_434, %and3A_436 : vector<16xi32>
        %add3A_438 = arith.constant 0 : i32
        %add3A_439 = vector.broadcast %add3A_438 : i32 to vector<16xi32>
        %add3A_440 = arith.addi %iota3A, %add3A_439 : vector<16xi32>
        %gather3A = tpu.vector_load_idx %arg7[%add3A_440, %and3A_437] : memref<128x16xf32, #tpu.memory_space<vmem>>[vector<16xi32>, vector<16xi32>], vector<16xf32>,
        %get3A_441 = arith.constant 0 : i32
        %get3A_442 = arith.constant 0 : i32
        %get3A_443 = arith.constant 0 : i32
        %get3A_444 = tpu.memref_slice %run_scoped3A_10[%rem3A_323, %get3A_442, %get3A_443] : memref<2x1x128xf32, #tpu.memory_space<vmem>> -> memref<1x1x128xf32, #tpu.memory_space<vmem>>
        %get3A_445 = tpu.memref_squeeze %get3A_444 : memref<1x1x128xf32, #tpu.memory_space<vmem>> -> memref<1x128xf32, #tpu.memory_space<vmem>>
        %get3A_446 = arith.index_cast %get3A_441 : i32 to index
        %get3A_447 = arith.constant 0 : index
        %get3A_448 = tpu.vector_load %get3A_445[%get3A_446, %get3A_447] {strides = array<i32>} : memref<1x128xf32, #tpu.memory_space<vmem>>, vector<16xf32>,
        %eq3A_449 = arith.constant 0 : i32
        %eq3A_450 = arith.cmpi eq, %rem3A_325, %eq3A_449 : i32
        %add3A_451 = arith.addf %get3A_448, %gather3A : vector<16xf32>
        %select_n3A_452 = arith.select %eq3A_450, %gather3A, %add3A_451 : vector<16xf32>
        %swap3A_453 = arith.constant 0 : i32
        %swap3A_454 = arith.constant 0 : i32
        %swap3A_455 = arith.constant 0 : i32
        %swap3A_456 = tpu.memref_slice %run_scoped3A_10[%rem3A_323, %swap3A_454, %swap3A_455] : memref<2x1x128xf32, #tpu.memory_space<vmem>> -> memref<1x1x128xf32, #tpu.memory_space<vmem>>
        %swap3A_457 = tpu.memref_squeeze %swap3A_456 : memref<1x1x128xf32, #tpu.memory_space<vmem>> -> memref<1x128xf32, #tpu.memory_space<vmem>>
        %swap3A_458 = arith.index_cast %swap3A_453 : i32 to index
        %swap3A_459 = arith.constant 0 : index
        %swap3A_460 = tpu.vector_load %swap3A_457[%swap3A_458, %swap3A_459] {strides = array<i32>} : memref<1x128xf32, #tpu.memory_space<vmem>>, vector<16xf32>,
        tpu.vector_store %swap3A_457[%swap3A_458, %swap3A_459], %select_n3A_452 {strides = array<i32>} : memref<1x128xf32, #tpu.memory_space<vmem>>, vector<16xf32>,
        %get3A_461 = arith.constant 0 : i32
        %get3A_462 = arith.constant 0 : i32
        %get3A_463 = arith.constant 0 : i32
        %get3A_464 = tpu.memref_slice %run_scoped3A[%rem3A_321, %get3A_462, %get3A_463] : memref<2x1x128xi32, #tpu.memory_space<vmem>> -> memref<1x1x128xi32, #tpu.memory_space<vmem>>
        %get3A_465 = tpu.memref_squeeze %get3A_464 : memref<1x1x128xi32, #tpu.memory_space<vmem>> -> memref<1x128xi32, #tpu.memory_space<vmem>>
        %get3A_466 = arith.index_cast %get3A_461 : i32 to index
        %get3A_467 = arith.constant 16 : index
        %get3A_468 = tpu.vector_load %get3A_465[%get3A_466, %get3A_467] {strides = array<i32>} : memref<1x128xi32, #tpu.memory_space<vmem>>, vector<16xi32>,
        %and3A_469 = arith.constant 15 : i32
        %and3A_470 = vector.broadcast %and3A_469 : i32 to vector<16xi32>
        %and3A_471 = arith.andi %get3A_468, %and3A_470 : vector<16xi32>
        %add3A_472 = arith.constant 16 : i32
        %add3A_473 = vector.broadcast %add3A_472 : i32 to vector<16xi32>
        %add3A_474 = arith.addi %iota3A, %add3A_473 : vector<16xi32>
        %gather3A_475 = tpu.vector_load_idx %arg7[%add3A_474, %and3A_471] : memref<128x16xf32, #tpu.memory_space<vmem>>[vector<16xi32>, vector<16xi32>], vector<16xf32>,
        %get3A_476 = arith.constant 0 : i32
        %get3A_477 = arith.constant 0 : i32
        %get3A_478 = arith.constant 0 : i32
        %get3A_479 = tpu.memref_slice %run_scoped3A_10[%rem3A_323, %get3A_477, %get3A_478] : memref<2x1x128xf32, #tpu.memory_space<vmem>> -> memref<1x1x128xf32, #tpu.memory_space<vmem>>
        %get3A_480 = tpu.memref_squeeze %get3A_479 : memref<1x1x128xf32, #tpu.memory_space<vmem>> -> memref<1x128xf32, #tpu.memory_space<vmem>>
        %get3A_481 = arith.index_cast %get3A_476 : i32 to index
        %get3A_482 = arith.constant 16 : index
        %get3A_483 = tpu.vector_load %get3A_480[%get3A_481, %get3A_482] {strides = array<i32>} : memref<1x128xf32, #tpu.memory_space<vmem>>, vector<16xf32>,
        %eq3A_484 = arith.constant 0 : i32
        %eq3A_485 = arith.cmpi eq, %rem3A_325, %eq3A_484 : i32
        %add3A_486 = arith.addf %get3A_483, %gather3A_475 : vector<16xf32>
        %select_n3A_487 = arith.select %eq3A_485, %gather3A_475, %add3A_486 : vector<16xf32>
        %swap3A_488 = arith.constant 0 : i32
        %swap3A_489 = arith.constant 0 : i32
        %swap3A_490 = arith.constant 0 : i32
        %swap3A_491 = tpu.memref_slice %run_scoped3A_10[%rem3A_323, %swap3A_489, %swap3A_490] : memref<2x1x128xf32, #tpu.memory_space<vmem>> -> memref<1x1x128xf32, #tpu.memory_space<vmem>>
        %swap3A_492 = tpu.memref_squeeze %swap3A_491 : memref<1x1x128xf32, #tpu.memory_space<vmem>> -> memref<1x128xf32, #tpu.memory_space<vmem>>
        %swap3A_493 = arith.index_cast %swap3A_488 : i32 to index
        %swap3A_494 = arith.constant 16 : index
        %swap3A_495 = tpu.vector_load %swap3A_492[%swap3A_493, %swap3A_494] {strides = array<i32>} : memref<1x128xf32, #tpu.memory_space<vmem>>, vector<16xf32>,
        tpu.vector_store %swap3A_492[%swap3A_493, %swap3A_494], %select_n3A_487 {strides = array<i32>} : memref<1x128xf32, #tpu.memory_space<vmem>>, vector<16xf32>,
        %get3A_496 = arith.constant 0 : i32
        %get3A_497 = arith.constant 0 : i32
        %get3A_498 = arith.constant 0 : i32
        %get3A_499 = tpu.memref_slice %run_scoped3A[%rem3A_321, %get3A_497, %get3A_498] : memref<2x1x128xi32, #tpu.memory_space<vmem>> -> memref<1x1x128xi32, #tpu.memory_space<vmem>>
        %get3A_500 = tpu.memref_squeeze %get3A_499 : memref<1x1x128xi32, #tpu.memory_space<vmem>> -> memref<1x128xi32, #tpu.memory_space<vmem>>
        %get3A_501 = arith.index_cast %get3A_496 : i32 to index
        %get3A_502 = arith.constant 32 : index
        %get3A_503 = tpu.vector_load %get3A_500[%get3A_501, %get3A_502] {strides = array<i32>} : memref<1x128xi32, #tpu.memory_space<vmem>>, vector<16xi32>,
        %and3A_504 = arith.constant 15 : i32
        %and3A_505 = vector.broadcast %and3A_504 : i32 to vector<16xi32>
        %and3A_506 = arith.andi %get3A_503, %and3A_505 : vector<16xi32>
        %add3A_507 = arith.constant 32 : i32
        %add3A_508 = vector.broadcast %add3A_507 : i32 to vector<16xi32>
        %add3A_509 = arith.addi %iota3A, %add3A_508 : vector<16xi32>
        %gather3A_510 = tpu.vector_load_idx %arg7[%add3A_509, %and3A_506] : memref<128x16xf32, #tpu.memory_space<vmem>>[vector<16xi32>, vector<16xi32>], vector<16xf32>,
        %get3A_511 = arith.constant 0 : i32
        %get3A_512 = arith.constant 0 : i32
        %get3A_513 = arith.constant 0 : i32
        %get3A_514 = tpu.memref_slice %run_scoped3A_10[%rem3A_323, %get3A_512, %get3A_513] : memref<2x1x128xf32, #tpu.memory_space<vmem>> -> memref<1x1x128xf32, #tpu.memory_space<vmem>>
        %get3A_515 = tpu.memref_squeeze %get3A_514 : memref<1x1x128xf32, #tpu.memory_space<vmem>> -> memref<1x128xf32, #tpu.memory_space<vmem>>
        %get3A_516 = arith.index_cast %get3A_511 : i32 to index
        %get3A_517 = arith.constant 32 : index
        %get3A_518 = tpu.vector_load %get3A_515[%get3A_516, %get3A_517] {strides = array<i32>} : memref<1x128xf32, #tpu.memory_space<vmem>>, vector<16xf32>,
        %eq3A_519 = arith.constant 0 : i32
        %eq3A_520 = arith.cmpi eq, %rem3A_325, %eq3A_519 : i32
        %add3A_521 = arith.addf %get3A_518, %gather3A_510 : vector<16xf32>
        %select_n3A_522 = arith.select %eq3A_520, %gather3A_510, %add3A_521 : vector<16xf32>
        %swap3A_523 = arith.constant 0 : i32
        %swap3A_524 = arith.constant 0 : i32
        %swap3A_525 = arith.constant 0 : i32
        %swap3A_526 = tpu.memref_slice %run_scoped3A_10[%rem3A_323, %swap3A_524, %swap3A_525] : memref<2x1x128xf32, #tpu.memory_space<vmem>> -> memref<1x1x128xf32, #tpu.memory_space<vmem>>
        %swap3A_527 = tpu.memref_squeeze %swap3A_526 : memref<1x1x128xf32, #tpu.memory_space<vmem>> -> memref<1x128xf32, #tpu.memory_space<vmem>>
        %swap3A_528 = arith.index_cast %swap3A_523 : i32 to index
        %swap3A_529 = arith.constant 32 : index
        %swap3A_530 = tpu.vector_load %swap3A_527[%swap3A_528, %swap3A_529] {strides = array<i32>} : memref<1x128xf32, #tpu.memory_space<vmem>>, vector<16xf32>,
        tpu.vector_store %swap3A_527[%swap3A_528, %swap3A_529], %select_n3A_522 {strides = array<i32>} : memref<1x128xf32, #tpu.memory_space<vmem>>, vector<16xf32>,
        %get3A_531 = arith.constant 0 : i32
        %get3A_532 = arith.constant 0 : i32
        %get3A_533 = arith.constant 0 : i32
        %get3A_534 = tpu.memref_slice %run_scoped3A[%rem3A_321, %get3A_532, %get3A_533] : memref<2x1x128xi32, #tpu.memory_space<vmem>> -> memref<1x1x128xi32, #tpu.memory_space<vmem>>
        %get3A_535 = tpu.memref_squeeze %get3A_534 : memref<1x1x128xi32, #tpu.memory_space<vmem>> -> memref<1x128xi32, #tpu.memory_space<vmem>>
        %get3A_536 = arith.index_cast %get3A_531 : i32 to index
        %get3A_537 = arith.constant 48 : index
        %get3A_538 = tpu.vector_load %get3A_535[%get3A_536, %get3A_537] {strides = array<i32>} : memref<1x128xi32, #tpu.memory_space<vmem>>, vector<16xi32>,
        %and3A_539 = arith.constant 15 : i32
        %and3A_540 = vector.broadcast %and3A_539 : i32 to vector<16xi32>
        %and3A_541 = arith.andi %get3A_538, %and3A_540 : vector<16xi32>
        %add3A_542 = arith.constant 48 : i32
        %add3A_543 = vector.broadcast %add3A_542 : i32 to vector<16xi32>
        %add3A_544 = arith.addi %iota3A, %add3A_543 : vector<16xi32>
        %gather3A_545 = tpu.vector_load_idx %arg7[%add3A_544, %and3A_541] : memref<128x16xf32, #tpu.memory_space<vmem>>[vector<16xi32>, vector<16xi32>], vector<16xf32>,
        %get3A_546 = arith.constant 0 : i32
        %get3A_547 = arith.constant 0 : i32
        %get3A_548 = arith.constant 0 : i32
        %get3A_549 = tpu.memref_slice %run_scoped3A_10[%rem3A_323, %get3A_547, %get3A_548] : memref<2x1x128xf32, #tpu.memory_space<vmem>> -> memref<1x1x128xf32, #tpu.memory_space<vmem>>
        %get3A_550 = tpu.memref_squeeze %get3A_549 : memref<1x1x128xf32, #tpu.memory_space<vmem>> -> memref<1x128xf32, #tpu.memory_space<vmem>>
        %get3A_551 = arith.index_cast %get3A_546 : i32 to index
        %get3A_552 = arith.constant 48 : index
        %get3A_553 = tpu.vector_load %get3A_550[%get3A_551, %get3A_552] {strides = array<i32>} : memref<1x128xf32, #tpu.memory_space<vmem>>, vector<16xf32>,
        %eq3A_554 = arith.constant 0 : i32
        %eq3A_555 = arith.cmpi eq, %rem3A_325, %eq3A_554 : i32
        %add3A_556 = arith.addf %get3A_553, %gather3A_545 : vector<16xf32>
        %select_n3A_557 = arith.select %eq3A_555, %gather3A_545, %add3A_556 : vector<16xf32>
        %swap3A_558 = arith.constant 0 : i32
        %swap3A_559 = arith.constant 0 : i32
        %swap3A_560 = arith.constant 0 : i32
        %swap3A_561 = tpu.memref_slice %run_scoped3A_10[%rem3A_323, %swap3A_559, %swap3A_560] : memref<2x1x128xf32, #tpu.memory_space<vmem>> -> memref<1x1x128xf32, #tpu.memory_space<vmem>>
        %swap3A_562 = tpu.memref_squeeze %swap3A_561 : memref<1x1x128xf32, #tpu.memory_space<vmem>> -> memref<1x128xf32, #tpu.memory_space<vmem>>
        %swap3A_563 = arith.index_cast %swap3A_558 : i32 to index
        %swap3A_564 = arith.constant 48 : index
        %swap3A_565 = tpu.vector_load %swap3A_562[%swap3A_563, %swap3A_564] {strides = array<i32>} : memref<1x128xf32, #tpu.memory_space<vmem>>, vector<16xf32>,
        tpu.vector_store %swap3A_562[%swap3A_563, %swap3A_564], %select_n3A_557 {strides = array<i32>} : memref<1x128xf32, #tpu.memory_space<vmem>>, vector<16xf32>,
        %get3A_566 = arith.constant 0 : i32
        %get3A_567 = arith.constant 0 : i32
        %get3A_568 = arith.constant 0 : i32
        %get3A_569 = tpu.memref_slice %run_scoped3A[%rem3A_321, %get3A_567, %get3A_568] : memref<2x1x128xi32, #tpu.memory_space<vmem>> -> memref<1x1x128xi32, #tpu.memory_space<vmem>>
        %get3A_570 = tpu.memref_squeeze %get3A_569 : memref<1x1x128xi32, #tpu.memory_space<vmem>> -> memref<1x128xi32, #tpu.memory_space<vmem>>
        %get3A_571 = arith.index_cast %get3A_566 : i32 to index
        %get3A_572 = arith.constant 64 : index
        %get3A_573 = tpu.vector_load %get3A_570[%get3A_571, %get3A_572] {strides = array<i32>} : memref<1x128xi32, #tpu.memory_space<vmem>>, vector<16xi32>,
        %and3A_574 = arith.constant 15 : i32
        %and3A_575 = vector.broadcast %and3A_574 : i32 to vector<16xi32>
        %and3A_576 = arith.andi %get3A_573, %and3A_575 : vector<16xi32>
        %add3A_577 = arith.constant 64 : i32
        %add3A_578 = vector.broadcast %add3A_577 : i32 to vector<16xi32>
        %add3A_579 = arith.addi %iota3A, %add3A_578 : vector<16xi32>
        %gather3A_580 = tpu.vector_load_idx %arg7[%add3A_579, %and3A_576] : memref<128x16xf32, #tpu.memory_space<vmem>>[vector<16xi32>, vector<16xi32>], vector<16xf32>,
        %get3A_581 = arith.constant 0 : i32
        %get3A_582 = arith.constant 0 : i32
        %get3A_583 = arith.constant 0 : i32
        %get3A_584 = tpu.memref_slice %run_scoped3A_10[%rem3A_323, %get3A_582, %get3A_583] : memref<2x1x128xf32, #tpu.memory_space<vmem>> -> memref<1x1x128xf32, #tpu.memory_space<vmem>>
        %get3A_585 = tpu.memref_squeeze %get3A_584 : memref<1x1x128xf32, #tpu.memory_space<vmem>> -> memref<1x128xf32, #tpu.memory_space<vmem>>
        %get3A_586 = arith.index_cast %get3A_581 : i32 to index
        %get3A_587 = arith.constant 64 : index
        %get3A_588 = tpu.vector_load %get3A_585[%get3A_586, %get3A_587] {strides = array<i32>} : memref<1x128xf32, #tpu.memory_space<vmem>>, vector<16xf32>,
        %eq3A_589 = arith.constant 0 : i32
        %eq3A_590 = arith.cmpi eq, %rem3A_325, %eq3A_589 : i32
        %add3A_591 = arith.addf %get3A_588, %gather3A_580 : vector<16xf32>
        %select_n3A_592 = arith.select %eq3A_590, %gather3A_580, %add3A_591 : vector<16xf32>
        %swap3A_593 = arith.constant 0 : i32
        %swap3A_594 = arith.constant 0 : i32
        %swap3A_595 = arith.constant 0 : i32
        %swap3A_596 = tpu.memref_slice %run_scoped3A_10[%rem3A_323, %swap3A_594, %swap3A_595] : memref<2x1x128xf32, #tpu.memory_space<vmem>> -> memref<1x1x128xf32, #tpu.memory_space<vmem>>
        %swap3A_597 = tpu.memref_squeeze %swap3A_596 : memref<1x1x128xf32, #tpu.memory_space<vmem>> -> memref<1x128xf32, #tpu.memory_space<vmem>>
        %swap3A_598 = arith.index_cast %swap3A_593 : i32 to index
        %swap3A_599 = arith.constant 64 : index
        %swap3A_600 = tpu.vector_load %swap3A_597[%swap3A_598, %swap3A_599] {strides = array<i32>} : memref<1x128xf32, #tpu.memory_space<vmem>>, vector<16xf32>,
        tpu.vector_store %swap3A_597[%swap3A_598, %swap3A_599], %select_n3A_592 {strides = array<i32>} : memref<1x128xf32, #tpu.memory_space<vmem>>, vector<16xf32>,
        %get3A_601 = arith.constant 0 : i32
        %get3A_602 = arith.constant 0 : i32
        %get3A_603 = arith.constant 0 : i32
        %get3A_604 = tpu.memref_slice %run_scoped3A[%rem3A_321, %get3A_602, %get3A_603] : memref<2x1x128xi32, #tpu.memory_space<vmem>> -> memref<1x1x128xi32, #tpu.memory_space<vmem>>
        %get3A_605 = tpu.memref_squeeze %get3A_604 : memref<1x1x128xi32, #tpu.memory_space<vmem>> -> memref<1x128xi32, #tpu.memory_space<vmem>>
        %get3A_606 = arith.index_cast %get3A_601 : i32 to index
        %get3A_607 = arith.constant 80 : index
        %get3A_608 = tpu.vector_load %get3A_605[%get3A_606, %get3A_607] {strides = array<i32>} : memref<1x128xi32, #tpu.memory_space<vmem>>, vector<16xi32>,
        %and3A_609 = arith.constant 15 : i32
        %and3A_610 = vector.broadcast %and3A_609 : i32 to vector<16xi32>
        %and3A_611 = arith.andi %get3A_608, %and3A_610 : vector<16xi32>
        %add3A_612 = arith.constant 80 : i32
        %add3A_613 = vector.broadcast %add3A_612 : i32 to vector<16xi32>
        %add3A_614 = arith.addi %iota3A, %add3A_613 : vector<16xi32>
        %gather3A_615 = tpu.vector_load_idx %arg7[%add3A_614, %and3A_611] : memref<128x16xf32, #tpu.memory_space<vmem>>[vector<16xi32>, vector<16xi32>], vector<16xf32>,
        %get3A_616 = arith.constant 0 : i32
        %get3A_617 = arith.constant 0 : i32
        %get3A_618 = arith.constant 0 : i32
        %get3A_619 = tpu.memref_slice %run_scoped3A_10[%rem3A_323, %get3A_617, %get3A_618] : memref<2x1x128xf32, #tpu.memory_space<vmem>> -> memref<1x1x128xf32, #tpu.memory_space<vmem>>
        %get3A_620 = tpu.memref_squeeze %get3A_619 : memref<1x1x128xf32, #tpu.memory_space<vmem>> -> memref<1x128xf32, #tpu.memory_space<vmem>>
        %get3A_621 = arith.index_cast %get3A_616 : i32 to index
        %get3A_622 = arith.constant 80 : index
        %get3A_623 = tpu.vector_load %get3A_620[%get3A_621, %get3A_622] {strides = array<i32>} : memref<1x128xf32, #tpu.memory_space<vmem>>, vector<16xf32>,
        %eq3A_624 = arith.constant 0 : i32
        %eq3A_625 = arith.cmpi eq, %rem3A_325, %eq3A_624 : i32
        %add3A_626 = arith.addf %get3A_623, %gather3A_615 : vector<16xf32>
        %select_n3A_627 = arith.select %eq3A_625, %gather3A_615, %add3A_626 : vector<16xf32>
        %swap3A_628 = arith.constant 0 : i32
        %swap3A_629 = arith.constant 0 : i32
        %swap3A_630 = arith.constant 0 : i32
        %swap3A_631 = tpu.memref_slice %run_scoped3A_10[%rem3A_323, %swap3A_629, %swap3A_630] : memref<2x1x128xf32, #tpu.memory_space<vmem>> -> memref<1x1x128xf32, #tpu.memory_space<vmem>>
        %swap3A_632 = tpu.memref_squeeze %swap3A_631 : memref<1x1x128xf32, #tpu.memory_space<vmem>> -> memref<1x128xf32, #tpu.memory_space<vmem>>
        %swap3A_633 = arith.index_cast %swap3A_628 : i32 to index
        %swap3A_634 = arith.constant 80 : index
        %swap3A_635 = tpu.vector_load %swap3A_632[%swap3A_633, %swap3A_634] {strides = array<i32>} : memref<1x128xf32, #tpu.memory_space<vmem>>, vector<16xf32>,
        tpu.vector_store %swap3A_632[%swap3A_633, %swap3A_634], %select_n3A_627 {strides = array<i32>} : memref<1x128xf32, #tpu.memory_space<vmem>>, vector<16xf32>,
        %get3A_636 = arith.constant 0 : i32
        %get3A_637 = arith.constant 0 : i32
        %get3A_638 = arith.constant 0 : i32
        %get3A_639 = tpu.memref_slice %run_scoped3A[%rem3A_321, %get3A_637, %get3A_638] : memref<2x1x128xi32, #tpu.memory_space<vmem>> -> memref<1x1x128xi32, #tpu.memory_space<vmem>>
        %get3A_640 = tpu.memref_squeeze %get3A_639 : memref<1x1x128xi32, #tpu.memory_space<vmem>> -> memref<1x128xi32, #tpu.memory_space<vmem>>
        %get3A_641 = arith.index_cast %get3A_636 : i32 to index
        %get3A_642 = arith.constant 96 : index
        %get3A_643 = tpu.vector_load %get3A_640[%get3A_641, %get3A_642] {strides = array<i32>} : memref<1x128xi32, #tpu.memory_space<vmem>>, vector<16xi32>,
        %and3A_644 = arith.constant 15 : i32
        %and3A_645 = vector.broadcast %and3A_644 : i32 to vector<16xi32>
        %and3A_646 = arith.andi %get3A_643, %and3A_645 : vector<16xi32>
        %add3A_647 = arith.constant 96 : i32
        %add3A_648 = vector.broadcast %add3A_647 : i32 to vector<16xi32>
        %add3A_649 = arith.addi %iota3A, %add3A_648 : vector<16xi32>
        %gather3A_650 = tpu.vector_load_idx %arg7[%add3A_649, %and3A_646] : memref<128x16xf32, #tpu.memory_space<vmem>>[vector<16xi32>, vector<16xi32>], vector<16xf32>,
        %get3A_651 = arith.constant 0 : i32
        %get3A_652 = arith.constant 0 : i32
        %get3A_653 = arith.constant 0 : i32
        %get3A_654 = tpu.memref_slice %run_scoped3A_10[%rem3A_323, %get3A_652, %get3A_653] : memref<2x1x128xf32, #tpu.memory_space<vmem>> -> memref<1x1x128xf32, #tpu.memory_space<vmem>>
        %get3A_655 = tpu.memref_squeeze %get3A_654 : memref<1x1x128xf32, #tpu.memory_space<vmem>> -> memref<1x128xf32, #tpu.memory_space<vmem>>
        %get3A_656 = arith.index_cast %get3A_651 : i32 to index
        %get3A_657 = arith.constant 96 : index
        %get3A_658 = tpu.vector_load %get3A_655[%get3A_656, %get3A_657] {strides = array<i32>} : memref<1x128xf32, #tpu.memory_space<vmem>>, vector<16xf32>,
        %eq3A_659 = arith.constant 0 : i32
        %eq3A_660 = arith.cmpi eq, %rem3A_325, %eq3A_659 : i32
        %add3A_661 = arith.addf %get3A_658, %gather3A_650 : vector<16xf32>
        %select_n3A_662 = arith.select %eq3A_660, %gather3A_650, %add3A_661 : vector<16xf32>
        %swap3A_663 = arith.constant 0 : i32
        %swap3A_664 = arith.constant 0 : i32
        %swap3A_665 = arith.constant 0 : i32
        %swap3A_666 = tpu.memref_slice %run_scoped3A_10[%rem3A_323, %swap3A_664, %swap3A_665] : memref<2x1x128xf32, #tpu.memory_space<vmem>> -> memref<1x1x128xf32, #tpu.memory_space<vmem>>
        %swap3A_667 = tpu.memref_squeeze %swap3A_666 : memref<1x1x128xf32, #tpu.memory_space<vmem>> -> memref<1x128xf32, #tpu.memory_space<vmem>>
        %swap3A_668 = arith.index_cast %swap3A_663 : i32 to index
        %swap3A_669 = arith.constant 96 : index
        %swap3A_670 = tpu.vector_load %swap3A_667[%swap3A_668, %swap3A_669] {strides = array<i32>} : memref<1x128xf32, #tpu.memory_space<vmem>>, vector<16xf32>,
        tpu.vector_store %swap3A_667[%swap3A_668, %swap3A_669], %select_n3A_662 {strides = array<i32>} : memref<1x128xf32, #tpu.memory_space<vmem>>, vector<16xf32>,
        %get3A_671 = arith.constant 0 : i32
        %get3A_672 = arith.constant 0 : i32
        %get3A_673 = arith.constant 0 : i32
        %get3A_674 = tpu.memref_slice %run_scoped3A[%rem3A_321, %get3A_672, %get3A_673] : memref<2x1x128xi32, #tpu.memory_space<vmem>> -> memref<1x1x128xi32, #tpu.memory_space<vmem>>
        %get3A_675 = tpu.memref_squeeze %get3A_674 : memref<1x1x128xi32, #tpu.memory_space<vmem>> -> memref<1x128xi32, #tpu.memory_space<vmem>>
        %get3A_676 = arith.index_cast %get3A_671 : i32 to index
        %get3A_677 = arith.constant 112 : index
        %get3A_678 = tpu.vector_load %get3A_675[%get3A_676, %get3A_677] {strides = array<i32>} : memref<1x128xi32, #tpu.memory_space<vmem>>, vector<16xi32>,
        %and3A_679 = arith.constant 15 : i32
        %and3A_680 = vector.broadcast %and3A_679 : i32 to vector<16xi32>
        %and3A_681 = arith.andi %get3A_678, %and3A_680 : vector<16xi32>
        %add3A_682 = arith.constant 112 : i32
        %add3A_683 = vector.broadcast %add3A_682 : i32 to vector<16xi32>
        %add3A_684 = arith.addi %iota3A, %add3A_683 : vector<16xi32>
        %gather3A_685 = tpu.vector_load_idx %arg7[%add3A_684, %and3A_681] : memref<128x16xf32, #tpu.memory_space<vmem>>[vector<16xi32>, vector<16xi32>], vector<16xf32>,
        %get3A_686 = arith.constant 0 : i32
        %get3A_687 = arith.constant 0 : i32
        %get3A_688 = arith.constant 0 : i32
        %get3A_689 = tpu.memref_slice %run_scoped3A_10[%rem3A_323, %get3A_687, %get3A_688] : memref<2x1x128xf32, #tpu.memory_space<vmem>> -> memref<1x1x128xf32, #tpu.memory_space<vmem>>
        %get3A_690 = tpu.memref_squeeze %get3A_689 : memref<1x1x128xf32, #tpu.memory_space<vmem>> -> memref<1x128xf32, #tpu.memory_space<vmem>>
        %get3A_691 = arith.index_cast %get3A_686 : i32 to index
        %get3A_692 = arith.constant 112 : index
        %get3A_693 = tpu.vector_load %get3A_690[%get3A_691, %get3A_692] {strides = array<i32>} : memref<1x128xf32, #tpu.memory_space<vmem>>, vector<16xf32>,
        %eq3A_694 = arith.constant 0 : i32
        %eq3A_695 = arith.cmpi eq, %rem3A_325, %eq3A_694 : i32
        %add3A_696 = arith.addf %get3A_693, %gather3A_685 : vector<16xf32>
        %select_n3A_697 = arith.select %eq3A_695, %gather3A_685, %add3A_696 : vector<16xf32>
        %swap3A_698 = arith.constant 0 : i32
        %swap3A_699 = arith.constant 0 : i32
        %swap3A_700 = arith.constant 0 : i32
        %swap3A_701 = tpu.memref_slice %run_scoped3A_10[%rem3A_323, %swap3A_699, %swap3A_700] : memref<2x1x128xf32, #tpu.memory_space<vmem>> -> memref<1x1x128xf32, #tpu.memory_space<vmem>>
        %swap3A_702 = tpu.memref_squeeze %swap3A_701 : memref<1x1x128xf32, #tpu.memory_space<vmem>> -> memref<1x128xf32, #tpu.memory_space<vmem>>
        %swap3A_703 = arith.index_cast %swap3A_698 : i32 to index
        %swap3A_704 = arith.constant 112 : index
        %swap3A_705 = tpu.vector_load %swap3A_702[%swap3A_703, %swap3A_704] {strides = array<i32>} : memref<1x128xf32, #tpu.memory_space<vmem>>, vector<16xf32>,
        tpu.vector_store %swap3A_702[%swap3A_703, %swap3A_704], %select_n3A_697 {strides = array<i32>} : memref<1x128xf32, #tpu.memory_space<vmem>>, vector<16xf32>,
        "tpu.trace_stop"() : () -> ()
        %ne3A_706 = arith.cmpi ne, %add3A_153, %add3A_171 : i32
        %or3A_707 = arith.constant false
        %or3A_708 = arith.ori %or3A_707, %ne3A_706 : i1
        %or3A_709 = arith.constant false
        %or3A_710 = arith.ori %or3A_708, %or3A_709 : i1
        %or3A_711 = arith.ori %or3A_710, %eq3A_152 : i1
        %convert_element_type3A_712 = arith.extui %or3A_711 : i1 to i32
        %cond3A_713 = arith.constant 0 : i32
        %cond3A_714 = arith.cmpi ne, %convert_element_type3A_712, %cond3A_713 : i32
        scf.if %cond3A_714 {
        } else {
        }
        %and3A_715 = arith.constant false
        %and3A_716 = arith.andi %or3A_711, %and3A_715 : i1
        %jit3A_717 = arith.constant 26 : i32
        %div3A_718 = arith.divsi %add3A_153, %jit3A_717 : i32
        %sign3A_719 = arith.constant 0 : i32
        %sign3A_720 = arith.cmpi sgt, %add3A_153, %sign3A_719 : i32
        %sign3A_721 = arith.extui %sign3A_720 : i1 to i32
        %sign3A_722 = arith.constant 0 : i32
        %sign3A_723 = arith.cmpi slt, %add3A_153, %sign3A_722 : i32
        %sign3A_724 = arith.extui %sign3A_723 : i1 to i32
        %sign3A_725 = arith.subi %sign3A_721, %sign3A_724 : i32
        %sign3A_726 = arith.constant 0 : i32
        %sign3A_727 = arith.cmpi sgt, %jit3A_717, %sign3A_726 : i32
        %sign3A_728 = arith.extui %sign3A_727 : i1 to i32
        %sign3A_729 = arith.constant 0 : i32
        %sign3A_730 = arith.cmpi slt, %jit3A_717, %sign3A_729 : i32
        %sign3A_731 = arith.extui %sign3A_730 : i1 to i32
        %sign3A_732 = arith.subi %sign3A_728, %sign3A_731 : i32
        %ne3A_733 = arith.cmpi ne, %sign3A_725, %sign3A_732 : i32
        %rem3A_734 = arith.remsi %add3A_153, %jit3A_717 : i32
        %ne3A_735 = arith.constant 0 : i32
        %ne3A_736 = arith.cmpi ne, %rem3A_734, %ne3A_735 : i32
        %and3A_737 = arith.andi %ne3A_733, %ne3A_736 : i1
        %sub3A_738 = arith.constant 1 : i32
        %sub3A_739 = arith.subi %div3A_718, %sub3A_738 : i32
        %select_n3A_740 = arith.select %and3A_737, %sub3A_739, %div3A_718 : i32
        %jit3A_741 = arith.constant 26 : i32
        %div3A_742 = arith.divsi %add3A_171, %jit3A_741 : i32
        %sign3A_743 = arith.constant 0 : i32
        %sign3A_744 = arith.cmpi sgt, %add3A_171, %sign3A_743 : i32
        %sign3A_745 = arith.extui %sign3A_744 : i1 to i32
        %sign3A_746 = arith.constant 0 : i32
        %sign3A_747 = arith.cmpi slt, %add3A_171, %sign3A_746 : i32
        %sign3A_748 = arith.extui %sign3A_747 : i1 to i32
        %sign3A_749 = arith.subi %sign3A_745, %sign3A_748 : i32
        %sign3A_750 = arith.constant 0 : i32
        %sign3A_751 = arith.cmpi sgt, %jit3A_741, %sign3A_750 : i32
        %sign3A_752 = arith.extui %sign3A_751 : i1 to i32
        %sign3A_753 = arith.constant 0 : i32
        %sign3A_754 = arith.cmpi slt, %jit3A_741, %sign3A_753 : i32
        %sign3A_755 = arith.extui %sign3A_754 : i1 to i32
        %sign3A_756 = arith.subi %sign3A_752, %sign3A_755 : i32
        %ne3A_757 = arith.cmpi ne, %sign3A_749, %sign3A_756 : i32
        %rem3A_758 = arith.remsi %add3A_171, %jit3A_741 : i32
        %ne3A_759 = arith.constant 0 : i32
        %ne3A_760 = arith.cmpi ne, %rem3A_758, %ne3A_759 : i32
        %and3A_761 = arith.andi %ne3A_757, %ne3A_760 : i1
        %sub3A_762 = arith.constant 1 : i32
        %sub3A_763 = arith.subi %div3A_742, %sub3A_762 : i32
        %select_n3A_764 = arith.select %and3A_761, %sub3A_763, %div3A_742 : i32
        %ne3A_765 = arith.cmpi ne, %select_n3A_740, %select_n3A_764 : i32
        %or3A_766 = arith.constant false
        %or3A_767 = arith.ori %or3A_766, %ne3A_765 : i1
        %or3A_768 = arith.constant false
        %or3A_769 = arith.ori %or3A_767, %or3A_768 : i1
        %or3A_770 = arith.ori %or3A_769, %eq3A_152 : i1
        %convert_element_type3A_771 = arith.extui %or3A_770 : i1 to i32
        %cond3A_772 = arith.constant 0 : i32
        %cond3A_773 = arith.cmpi ne, %convert_element_type3A_771, %cond3A_772 : i32
        scf.if %cond3A_773 {
          "tpu.trace_start"() <{level = 10 : i32, message = "ep_copy_out"}> : () -> ()
          %rem3A_873 = arith.constant 2 : i32
          %rem3A_874 = arith.remui %scan3A_146, %rem3A_873 : i32
          %jit3A_875 = arith.constant 26 : i32
          %div3A_876 = arith.divsi %add3A_153, %jit3A_875 : i32
          %sign3A_877 = arith.constant 0 : i32
          %sign3A_878 = arith.cmpi sgt, %add3A_153, %sign3A_877 : i32
          %sign3A_879 = arith.extui %sign3A_878 : i1 to i32
          %sign3A_880 = arith.constant 0 : i32
          %sign3A_881 = arith.cmpi slt, %add3A_153, %sign3A_880 : i32
          %sign3A_882 = arith.extui %sign3A_881 : i1 to i32
          %sign3A_883 = arith.subi %sign3A_879, %sign3A_882 : i32
          %sign3A_884 = arith.constant 0 : i32
          %sign3A_885 = arith.cmpi sgt, %jit3A_875, %sign3A_884 : i32
          %sign3A_886 = arith.extui %sign3A_885 : i1 to i32
          %sign3A_887 = arith.constant 0 : i32
          %sign3A_888 = arith.cmpi slt, %jit3A_875, %sign3A_887 : i32
          %sign3A_889 = arith.extui %sign3A_888 : i1 to i32
          %sign3A_890 = arith.subi %sign3A_886, %sign3A_889 : i32
          %ne3A_891 = arith.cmpi ne, %sign3A_883, %sign3A_890 : i32
          %rem3A_892 = arith.remsi %add3A_153, %jit3A_875 : i32
          %ne3A_893 = arith.constant 0 : i32
          %ne3A_894 = arith.cmpi ne, %rem3A_892, %ne3A_893 : i32
          %and3A_895 = arith.andi %ne3A_891, %ne3A_894 : i1
          %sub3A_896 = arith.constant 1 : i32
          %sub3A_897 = arith.subi %div3A_876, %sub3A_896 : i32
          %select_n3A_898 = arith.select %and3A_895, %sub3A_897, %div3A_876 : i32
          %mul3A_899 = arith.constant 1 : i32
          %mul3A_900 = arith.muli %mul3A_899, %select_n3A_898 : i32
          %dma_start3A_901 = arith.constant 0 : i32
          %dma_start3A_902 = arith.constant 0 : i32
          %dma_start3A_903 = tpu.memref_slice %run_scoped3A_10[%rem3A_874, %dma_start3A_901, %dma_start3A_902] : memref<2x1x128xf32, #tpu.memory_space<vmem>> -> memref<1x1x128xf32, #tpu.memory_space<vmem>>
          %dma_start3A_904 = tpu.memref_squeeze %dma_start3A_903 : memref<1x1x128xf32, #tpu.memory_space<vmem>> -> memref<1x128xf32, #tpu.memory_space<vmem>>
          %dma_start3A_905 = arith.constant 0 : i32
          %dma_start3A_906 = tpu.memref_slice %arg4[%mul3A_900, %dma_start3A_905] : memref<128x128xf32, #tpu.memory_space<hbm>> -> memref<1x128xf32, #tpu.memory_space<hbm>>
          %dma_start3A_907 = tpu.memref_slice %run_scoped3A_11[%rem3A_874] : memref<2x!tpu.dma_semaphore, #tpu.memory_space<semaphore_mem>> -> memref<1x!tpu.dma_semaphore, #tpu.memory_space<semaphore_mem>>
          %dma_start3A_908 = tpu.memref_squeeze %dma_start3A_907 : memref<1x!tpu.dma_semaphore, #tpu.memory_space<semaphore_mem>> -> memref<!tpu.dma_semaphore, #tpu.memory_space<semaphore_mem>>
          %dma_start3A_909 = arith.constant 0 : i32
          %dma_start3A_910 = tpu.memref_slice %arg4[%mul3A_900, %dma_start3A_909] : memref<128x128xf32, #tpu.memory_space<hbm>> -> memref<1x128xf32, #tpu.memory_space<hbm>>
          %dma_start3A_911 = arith.constant 0 : i32
          %dma_start3A_912 = arith.constant 0 : i32
          %dma_start3A_913 = tpu.memref_slice %run_scoped3A_10[%rem3A_874, %dma_start3A_911, %dma_start3A_912] : memref<2x1x128xf32, #tpu.memory_space<vmem>> -> memref<1x1x128xf32, #tpu.memory_space<vmem>>
          %dma_start3A_914 = tpu.memref_squeeze %dma_start3A_913 : memref<1x1x128xf32, #tpu.memory_space<vmem>> -> memref<1x128xf32, #tpu.memory_space<vmem>>
          tpu.enqueue_dma source(%dma_start3A_914 : memref<1x128xf32, #tpu.memory_space<vmem>>) target(%dma_start3A_910 : memref<1x128xf32, #tpu.memory_space<hbm>>) target_semaphore(%dma_start3A_908 : memref<!tpu.dma_semaphore, #tpu.memory_space<semaphore_mem>>)
          "tpu.trace_stop"() : () -> ()
        } else {
        }
        %and3A_774 = arith.constant true
        %and3A_775 = arith.andi %or3A_770, %and3A_774 : i1
        %add3A_776 = arith.constant 1 : i32
        %add3A_777 = arith.addi %scan3A_146, %add3A_776 : i32
        %select_n3A_778 = arith.select %and3A_775, %add3A_777, %scan3A_146 : i32
        %ne3A_779 = arith.cmpi ne, %add3A_153, %add3A_162 : i32
        %or3A_780 = arith.constant false
        %or3A_781 = arith.ori %or3A_780, %ne3A_779 : i1
        %or3A_782 = arith.constant false
        %or3A_783 = arith.ori %or3A_781, %or3A_782 : i1
        %not3A_784 = arith.constant true
        %not3A_785 = arith.xori %eq3A_150, %not3A_784 : i1
        %and3A_786 = arith.andi %or3A_783, %not3A_785 : i1
        %convert_element_type3A_787 = arith.extui %and3A_786 : i1 to i32
        %cond3A_788 = arith.constant 0 : i32
        %cond3A_789 = arith.cmpi ne, %convert_element_type3A_787, %cond3A_788 : i32
        scf.if %cond3A_789 {
        } else {
        }
        %and3A_790 = arith.constant false
        %and3A_791 = arith.andi %and3A_786, %and3A_790 : i1
        %jit3A_792 = arith.constant 26 : i32
        %div3A_793 = arith.divsi %add3A_153, %jit3A_792 : i32
        %sign3A_794 = arith.constant 0 : i32
        %sign3A_795 = arith.cmpi sgt, %add3A_153, %sign3A_794 : i32
        %sign3A_796 = arith.extui %sign3A_795 : i1 to i32
        %sign3A_797 = arith.constant 0 : i32
        %sign3A_798 = arith.cmpi slt, %add3A_153, %sign3A_797 : i32
        %sign3A_799 = arith.extui %sign3A_798 : i1 to i32
        %sign3A_800 = arith.subi %sign3A_796, %sign3A_799 : i32
        %sign3A_801 = arith.constant 0 : i32
        %sign3A_802 = arith.cmpi sgt, %jit3A_792, %sign3A_801 : i32
        %sign3A_803 = arith.extui %sign3A_802 : i1 to i32
        %sign3A_804 = arith.constant 0 : i32
        %sign3A_805 = arith.cmpi slt, %jit3A_792, %sign3A_804 : i32
        %sign3A_806 = arith.extui %sign3A_805 : i1 to i32
        %sign3A_807 = arith.subi %sign3A_803, %sign3A_806 : i32
        %ne3A_808 = arith.cmpi ne, %sign3A_800, %sign3A_807 : i32
        %rem3A_809 = arith.remsi %add3A_153, %jit3A_792 : i32
        %ne3A_810 = arith.constant 0 : i32
        %ne3A_811 = arith.cmpi ne, %rem3A_809, %ne3A_810 : i32
        %and3A_812 = arith.andi %ne3A_808, %ne3A_811 : i1
        %sub3A_813 = arith.constant 1 : i32
        %sub3A_814 = arith.subi %div3A_793, %sub3A_813 : i32
        %select_n3A_815 = arith.select %and3A_812, %sub3A_814, %div3A_793 : i32
        %jit3A_816 = arith.constant 26 : i32
        %div3A_817 = arith.divsi %add3A_162, %jit3A_816 : i32
        %sign3A_818 = arith.constant 0 : i32
        %sign3A_819 = arith.cmpi sgt, %add3A_162, %sign3A_818 : i32
        %sign3A_820 = arith.extui %sign3A_819 : i1 to i32
        %sign3A_821 = arith.constant 0 : i32
        %sign3A_822 = arith.cmpi slt, %add3A_162, %sign3A_821 : i32
        %sign3A_823 = arith.extui %sign3A_822 : i1 to i32
        %sign3A_824 = arith.subi %sign3A_820, %sign3A_823 : i32
        %sign3A_825 = arith.constant 0 : i32
        %sign3A_826 = arith.cmpi sgt, %jit3A_816, %sign3A_825 : i32
        %sign3A_827 = arith.extui %sign3A_826 : i1 to i32
        %sign3A_828 = arith.constant 0 : i32
        %sign3A_829 = arith.cmpi slt, %jit3A_816, %sign3A_828 : i32
        %sign3A_830 = arith.extui %sign3A_829 : i1 to i32
        %sign3A_831 = arith.subi %sign3A_827, %sign3A_830 : i32
        %ne3A_832 = arith.cmpi ne, %sign3A_824, %sign3A_831 : i32
        %rem3A_833 = arith.remsi %add3A_162, %jit3A_816 : i32
        %ne3A_834 = arith.constant 0 : i32
        %ne3A_835 = arith.cmpi ne, %rem3A_833, %ne3A_834 : i32
        %and3A_836 = arith.andi %ne3A_832, %ne3A_835 : i1
        %sub3A_837 = arith.constant 1 : i32
        %sub3A_838 = arith.subi %div3A_817, %sub3A_837 : i32
        %select_n3A_839 = arith.select %and3A_836, %sub3A_838, %div3A_817 : i32
        %ne3A_840 = arith.cmpi ne, %select_n3A_815, %select_n3A_839 : i32
        %or3A_841 = arith.constant false
        %or3A_842 = arith.ori %or3A_841, %ne3A_840 : i1
        %or3A_843 = arith.constant false
        %or3A_844 = arith.ori %or3A_842, %or3A_843 : i1
        %not3A_845 = arith.constant true
        %not3A_846 = arith.xori %eq3A_150, %not3A_845 : i1
        %and3A_847 = arith.andi %or3A_844, %not3A_846 : i1
        %convert_element_type3A_848 = arith.extui %and3A_847 : i1 to i32
        %cond3A_849 = arith.constant 0 : i32
        %cond3A_850 = arith.cmpi ne, %convert_element_type3A_848, %cond3A_849 : i32
        scf.if %cond3A_850 {
          "tpu.trace_start"() <{level = 10 : i32, message = "ep_wait_out"}> : () -> ()
          %rem3A_873 = arith.constant 2 : i32
          %rem3A_874 = arith.remui %scan3A_147, %rem3A_873 : i32
          %jit3A_875 = arith.constant 26 : i32
          %div3A_876 = arith.divsi %add3A_162, %jit3A_875 : i32
          %sign3A_877 = arith.constant 0 : i32
          %sign3A_878 = arith.cmpi sgt, %add3A_162, %sign3A_877 : i32
          %sign3A_879 = arith.extui %sign3A_878 : i1 to i32
          %sign3A_880 = arith.constant 0 : i32
          %sign3A_881 = arith.cmpi slt, %add3A_162, %sign3A_880 : i32
          %sign3A_882 = arith.extui %sign3A_881 : i1 to i32
          %sign3A_883 = arith.subi %sign3A_879, %sign3A_882 : i32
          %sign3A_884 = arith.constant 0 : i32
          %sign3A_885 = arith.cmpi sgt, %jit3A_875, %sign3A_884 : i32
          %sign3A_886 = arith.extui %sign3A_885 : i1 to i32
          %sign3A_887 = arith.constant 0 : i32
          %sign3A_888 = arith.cmpi slt, %jit3A_875, %sign3A_887 : i32
          %sign3A_889 = arith.extui %sign3A_888 : i1 to i32
          %sign3A_890 = arith.subi %sign3A_886, %sign3A_889 : i32
          %ne3A_891 = arith.cmpi ne, %sign3A_883, %sign3A_890 : i32
          %rem3A_892 = arith.remsi %add3A_162, %jit3A_875 : i32
          %ne3A_893 = arith.constant 0 : i32
          %ne3A_894 = arith.cmpi ne, %rem3A_892, %ne3A_893 : i32
          %and3A_895 = arith.andi %ne3A_891, %ne3A_894 : i1
          %sub3A_896 = arith.constant 1 : i32
          %sub3A_897 = arith.subi %div3A_876, %sub3A_896 : i32
          %select_n3A_898 = arith.select %and3A_895, %sub3A_897, %div3A_876 : i32
          %mul3A_899 = arith.constant 1 : i32
          %mul3A_900 = arith.muli %mul3A_899, %select_n3A_898 : i32
          %dma_wait3A_901 = arith.constant 0 : i32
          %dma_wait3A_902 = arith.constant 0 : i32
          %dma_wait3A_903 = tpu.memref_slice %run_scoped3A_10[%rem3A_874, %dma_wait3A_901, %dma_wait3A_902] : memref<2x1x128xf32, #tpu.memory_space<vmem>> -> memref<1x1x128xf32, #tpu.memory_space<vmem>>
          %dma_wait3A_904 = tpu.memref_squeeze %dma_wait3A_903 : memref<1x1x128xf32, #tpu.memory_space<vmem>> -> memref<1x128xf32, #tpu.memory_space<vmem>>
          %dma_wait3A_905 = arith.constant 0 : i32
          %dma_wait3A_906 = tpu.memref_slice %arg4[%mul3A_900, %dma_wait3A_905] : memref<128x128xf32, #tpu.memory_space<hbm>> -> memref<1x128xf32, #tpu.memory_space<hbm>>
          %dma_wait3A_907 = tpu.memref_slice %run_scoped3A_11[%rem3A_874] : memref<2x!tpu.dma_semaphore, #tpu.memory_space<semaphore_mem>> -> memref<1x!tpu.dma_semaphore, #tpu.memory_space<semaphore_mem>>
          %dma_wait3A_908 = tpu.memref_squeeze %dma_wait3A_907 : memref<1x!tpu.dma_semaphore, #tpu.memory_space<semaphore_mem>> -> memref<!tpu.dma_semaphore, #tpu.memory_space<semaphore_mem>>
          %dma_wait3A_909 = arith.constant 0 : i32
          %dma_wait3A_910 = tpu.memref_slice %arg4[%mul3A_900, %dma_wait3A_909] : memref<128x128xf32, #tpu.memory_space<hbm>> -> memref<1x128xf32, #tpu.memory_space<hbm>>
          %dma_wait3A_911 = arith.constant 0 : i32
          %dma_wait3A_912 = arith.constant 0 : i32
          %dma_wait3A_913 = tpu.memref_slice %run_scoped3A_10[%rem3A_874, %dma_wait3A_911, %dma_wait3A_912] : memref<2x1x128xf32, #tpu.memory_space<vmem>> -> memref<1x1x128xf32, #tpu.memory_space<vmem>>
          %dma_wait3A_914 = tpu.memref_squeeze %dma_wait3A_913 : memref<1x1x128xf32, #tpu.memory_space<vmem>> -> memref<1x128xf32, #tpu.memory_space<vmem>>
          tpu.wait_dma2 semaphore(%dma_wait3A_908 : memref<!tpu.dma_semaphore, #tpu.memory_space<semaphore_mem>>) src(%dma_wait3A_914 : memref<1x128xf32, #tpu.memory_space<vmem>>) dst(%dma_wait3A_910 : memref<1x128xf32, #tpu.memory_space<hbm>>)
          "tpu.trace_stop"() : () -> ()
        } else {
        }
        %and3A_851 = arith.constant true
        %and3A_852 = arith.andi %and3A_847, %and3A_851 : i1
        %add3A_853 = arith.constant 1 : i32
        %add3A_854 = arith.addi %scan3A_147, %add3A_853 : i32
        %select_n3A_855 = arith.select %and3A_852, %add3A_854, %scan3A_147 : i32
        %ne3A_856 = arith.cmpi ne, %add3A_153, %add3A_171 : i32
        %or3A_857 = arith.constant false
        %or3A_858 = arith.ori %or3A_857, %ne3A_856 : i1
        %or3A_859 = arith.constant false
        %or3A_860 = arith.ori %or3A_858, %or3A_859 : i1
        %or3A_861 = arith.ori %or3A_860, %eq3A_152 : i1
        %add3A_862 = arith.constant 1 : i32
        %add3A_863 = arith.addi %scan3A_145, %add3A_862 : i32
        %select_n3A_864 = arith.select %or3A_861, %add3A_863, %scan3A_145 : i32
        %add3A_865 = arith.constant 1 : i32
        %add3A_866 = arith.addi %scan3A_148, %add3A_865 : i32
        %select_n3A_867 = arith.constant true
        %select_n3A_868 = arith.select %select_n3A_867, %add3A_866, %scan3A_148 : i32
        %eq3A_869 = arith.constant 104 : i32
        %eq3A_870 = arith.cmpi eq, %select_n3A_868, %eq3A_869 : i32
        %select_n3A_871 = arith.constant 0 : i32
        %select_n3A_872 = arith.select %eq3A_870, %select_n3A_871, %select_n3A_868 : i32
        scf.yield %select_n3A_195, %select_n3A_864, %select_n3A_778, %select_n3A_855, %select_n3A_872 : i32, i32, i32, i32, i32
      }
      %scan3A_71 = arith.constant 104 : i32
      %sub3A = arith.constant 1 : i32
      %sub3A_72 = arith.subi %scan3A_70#4, %sub3A : i32
      %select_n3A_73 = arith.constant true
      %select_n3A_74 = arith.select %select_n3A_73, %sub3A_72, %scan3A_70#4 : i32
      %eq3A_75 = arith.constant -1 : i32
      %eq3A_76 = arith.cmpi eq, %select_n3A_74, %eq3A_75 : i32
      %select_n3A_77 = arith.constant 103 : i32
      %select_n3A_78 = arith.select %eq3A_76, %select_n3A_77, %select_n3A_74 : i32
      %add3A_79 = arith.addi %select_n3A_78, %mul3A_8 : i32
      %sub3A_80 = arith.constant 1 : i32
      %sub3A_81 = arith.subi %select_n3A_78, %sub3A_80 : i32
      %select_n3A_82 = arith.constant true
      %select_n3A_83 = arith.select %select_n3A_82, %sub3A_81, %select_n3A_78 : i32
      %eq3A_84 = arith.constant -1 : i32
      %eq3A_85 = arith.cmpi eq, %select_n3A_83, %eq3A_84 : i32
      %select_n3A_86 = arith.constant 103 : i32
      %select_n3A_87 = arith.select %eq3A_85, %select_n3A_86, %select_n3A_83 : i32
      %add3A_88 = arith.addi %select_n3A_87, %mul3A_8 : i32
      %add3A_89 = arith.constant 1 : i32
      %add3A_90 = arith.addi %select_n3A_78, %add3A_89 : i32
      %select_n3A_91 = arith.constant true
      %select_n3A_92 = arith.select %select_n3A_91, %add3A_90, %select_n3A_78 : i32
      %eq3A_93 = arith.constant 104 : i32
      %eq3A_94 = arith.cmpi eq, %select_n3A_92, %eq3A_93 : i32
      %select_n3A_95 = arith.constant 0 : i32
      %select_n3A_96 = arith.select %eq3A_94, %select_n3A_95, %select_n3A_92 : i32
      %add3A_97 = arith.addi %select_n3A_96, %mul3A_8 : i32
      %add3A_98 = arith.constant 1 : i32
      %add3A_99 = arith.addi %select_n3A_96, %add3A_98 : i32
      %select_n3A_100 = arith.constant true
      %select_n3A_101 = arith.select %select_n3A_100, %add3A_99, %select_n3A_96 : i32
      %eq3A_102 = arith.constant 104 : i32
      %eq3A_103 = arith.cmpi eq, %select_n3A_101, %eq3A_102 : i32
      %select_n3A_104 = arith.constant 0 : i32
      %select_n3A_105 = arith.select %eq3A_103, %select_n3A_104, %select_n3A_101 : i32
      %add3A_106 = arith.addi %select_n3A_105, %mul3A_8 : i32
      "tpu.trace_start"() <{level = 10 : i32, message = "ep_finalize"}> : () -> ()
      %rem3A_107 = arith.constant 2 : i32
      %rem3A_108 = arith.remui %scan3A_70#3, %rem3A_107 : i32
      %jit3A = arith.constant 26 : i32
      %div3A = arith.divsi %add3A_79, %jit3A : i32
      %sign3A = arith.constant 0 : i32
      %sign3A_109 = arith.cmpi sgt, %add3A_79, %sign3A : i32
      %sign3A_110 = arith.extui %sign3A_109 : i1 to i32
      %sign3A_111 = arith.constant 0 : i32
      %sign3A_112 = arith.cmpi slt, %add3A_79, %sign3A_111 : i32
      %sign3A_113 = arith.extui %sign3A_112 : i1 to i32
      %sign3A_114 = arith.subi %sign3A_110, %sign3A_113 : i32
      %sign3A_115 = arith.constant 0 : i32
      %sign3A_116 = arith.cmpi sgt, %jit3A, %sign3A_115 : i32
      %sign3A_117 = arith.extui %sign3A_116 : i1 to i32
      %sign3A_118 = arith.constant 0 : i32
      %sign3A_119 = arith.cmpi slt, %jit3A, %sign3A_118 : i32
      %sign3A_120 = arith.extui %sign3A_119 : i1 to i32
      %sign3A_121 = arith.subi %sign3A_117, %sign3A_120 : i32
      %ne3A = arith.cmpi ne, %sign3A_114, %sign3A_121 : i32
      %rem3A_122 = arith.remsi %add3A_79, %jit3A : i32
      %ne3A_123 = arith.constant 0 : i32
      %ne3A_124 = arith.cmpi ne, %rem3A_122, %ne3A_123 : i32
      %and3A = arith.andi %ne3A, %ne3A_124 : i1
      %sub3A_125 = arith.constant 1 : i32
      %sub3A_126 = arith.subi %div3A, %sub3A_125 : i32
      %select_n3A_127 = arith.select %and3A, %sub3A_126, %div3A : i32
      %mul3A_128 = arith.constant 1 : i32
      %mul3A_129 = arith.muli %mul3A_128, %select_n3A_127 : i32
      %dma_wait3A = arith.constant 0 : i32
      %dma_wait3A_130 = arith.constant 0 : i32
      %dma_wait3A_131 = tpu.memref_slice %run_scoped3A_10[%rem3A_108, %dma_wait3A, %dma_wait3A_130] : memref<2x1x128xf32, #tpu.memory_space<vmem>> -> memref<1x1x128xf32, #tpu.memory_space<vmem>>
      %dma_wait3A_132 = tpu.memref_squeeze %dma_wait3A_131 : memref<1x1x128xf32, #tpu.memory_space<vmem>> -> memref<1x128xf32, #tpu.memory_space<vmem>>
      %dma_wait3A_133 = arith.constant 0 : i32
      %dma_wait3A_134 = tpu.memref_slice %arg4[%mul3A_129, %dma_wait3A_133] : memref<128x128xf32, #tpu.memory_space<hbm>> -> memref<1x128xf32, #tpu.memory_space<hbm>>
      %dma_wait3A_135 = tpu.memref_slice %run_scoped3A_11[%rem3A_108] : memref<2x!tpu.dma_semaphore, #tpu.memory_space<semaphore_mem>> -> memref<1x!tpu.dma_semaphore, #tpu.memory_space<semaphore_mem>>
      %dma_wait3A_136 = tpu.memref_squeeze %dma_wait3A_135 : memref<1x!tpu.dma_semaphore, #tpu.memory_space<semaphore_mem>> -> memref<!tpu.dma_semaphore, #tpu.memory_space<semaphore_mem>>
      %dma_wait3A_137 = arith.constant 0 : i32
      %dma_wait3A_138 = tpu.memref_slice %arg4[%mul3A_129, %dma_wait3A_137] : memref<128x128xf32, #tpu.memory_space<hbm>> -> memref<1x128xf32, #tpu.memory_space<hbm>>
      %dma_wait3A_139 = arith.constant 0 : i32
      %dma_wait3A_140 = arith.constant 0 : i32
      %dma_wait3A_141 = tpu.memref_slice %run_scoped3A_10[%rem3A_108, %dma_wait3A_139, %dma_wait3A_140] : memref<2x1x128xf32, #tpu.memory_space<vmem>> -> memref<1x1x128xf32, #tpu.memory_space<vmem>>
      %dma_wait3A_142 = tpu.memref_squeeze %dma_wait3A_141 : memref<1x1x128xf32, #tpu.memory_space<vmem>> -> memref<1x128xf32, #tpu.memory_space<vmem>>
      tpu.wait_dma2 semaphore(%dma_wait3A_136 : memref<!tpu.dma_semaphore, #tpu.memory_space<semaphore_mem>>) src(%dma_wait3A_142 : memref<1x128xf32, #tpu.memory_space<vmem>>) dst(%dma_wait3A_138 : memref<1x128xf32, #tpu.memory_space<hbm>>)
      "tpu.trace_stop"() : () -> ()
      tpu.yield
    }) : () -> ()
    return
  }
}

#map = affine_map<(d0, d1) -> (0, 0)>
module attributes {stable_mosaic.version = 14 : i64} {
  func.func @k(%arg0: i32, %arg1: i32, %arg2: memref<1007616x16xf32, #tpu.memory_space<hbm>>, %arg3: memref<1x65536xi32, #tpu.memory_space<hbm>>, %arg4: memref<1x65536xi32, #tpu.memory_space<hbm>>, %arg5: memref<1x65536xi32, #tpu.memory_space<hbm>>, %arg6: memref<1x16384xi32, #tpu.memory_space<hbm>>, %arg7: memref<65536x16xf32, #tpu.memory_space<hbm>>, %arg8: memref<65536x16xf32, #tpu.memory_space<hbm>>, %arg9: memref<65536x16xf32, #tpu.memory_space<hbm>>, %arg10: memref<16384x16xf32, #tpu.memory_space<hbm>>) attributes {dimension_semantics = [#tpu.dimension_semantics<core_parallel>, #tpu.dimension_semantics<subcore_parallel>], iteration_bounds = array<i64: 2, 16>, scalar_prefetch = 0 : i64, scratch_operands = 0 : i64, tpu.core_type = #tpu.core_type<sc_vector_subcore>, window_params = [{transform_indices = #map}, {transform_indices = #map}, {transform_indices = #map}, {transform_indices = #map}, {transform_indices = #map}, {transform_indices = #map}, {transform_indices = #map}, {transform_indices = #map}, {transform_indices = #map}]} {
    %mul3A = arith.constant 1 : i32
    %mul3A_0 = arith.muli %arg1, %mul3A : i32
    %add3A = arith.constant 0 : i32
    %add3A_1 = arith.addi %add3A, %mul3A_0 : i32
    %mul3A_2 = arith.constant 16 : i32
    %mul3A_3 = arith.muli %arg0, %mul3A_2 : i32
    %add3A_4 = arith.addi %add3A_1, %mul3A_3 : i32
    %mul3A_5 = arith.constant 16 : i32
    %mul3A_6 = arith.muli %add3A_4, %mul3A_5 : i32
    "tpu.region"() ({
      %run_scoped3A = memref.alloca() : memref<2x1x128xi32, #tpu.memory_space<vmem>>
      %run_scoped3A_34 = tpu.sem_alloc : memref<2x!tpu.dma_semaphore, #tpu.memory_space<semaphore_mem>>
      %run_scoped3A_35 = memref.alloca() : memref<2x128x16xf32, #tpu.memory_space<vmem>>
      %run_scoped3A_36 = tpu.sem_alloc : memref<2x!tpu.dma_semaphore, #tpu.memory_space<semaphore_mem>>
      %add3A_37 = arith.constant 0 : i32
      %add3A_38 = arith.addi %add3A_37, %mul3A_6 : i32
      %select_n3A = arith.constant true
      %select_n3A_39 = arith.constant 0 : i32
      %select_n3A_40 = arith.constant -1 : i32
      %select_n3A_41 = arith.select %select_n3A, %select_n3A_40, %select_n3A_39 : i32
      %eq3A = arith.constant -1 : i32
      %eq3A_42 = arith.cmpi eq, %select_n3A_41, %eq3A : i32
      %select_n3A_43 = arith.constant 15 : i32
      %select_n3A_44 = arith.select %eq3A_42, %select_n3A_43, %select_n3A_41 : i32
      %add3A_45 = arith.addi %select_n3A_44, %mul3A_6 : i32
      %select_n3A_46 = arith.constant true
      %select_n3A_47 = arith.constant 0 : i32
      %select_n3A_48 = arith.constant 1 : i32
      %select_n3A_49 = arith.select %select_n3A_46, %select_n3A_48, %select_n3A_47 : i32
      %eq3A_50 = arith.constant 16 : i32
      %eq3A_51 = arith.cmpi eq, %select_n3A_49, %eq3A_50 : i32
      %select_n3A_52 = arith.constant 0 : i32
      %select_n3A_53 = arith.select %eq3A_51, %select_n3A_52, %select_n3A_49 : i32
      %add3A_54 = arith.addi %select_n3A_53, %mul3A_6 : i32
      %add3A_55 = arith.constant 1 : i32
      %add3A_56 = arith.addi %select_n3A_53, %add3A_55 : i32
      %select_n3A_57 = arith.constant true
      %select_n3A_58 = arith.select %select_n3A_57, %add3A_56, %select_n3A_53 : i32
      %eq3A_59 = arith.constant 16 : i32
      %eq3A_60 = arith.cmpi eq, %select_n3A_58, %eq3A_59 : i32
      %select_n3A_61 = arith.constant 0 : i32
      %select_n3A_62 = arith.select %eq3A_60, %select_n3A_61, %select_n3A_58 : i32
      %add3A_63 = arith.addi %select_n3A_62, %mul3A_6 : i32
      "tpu.trace_start"() <{level = 10 : i32, message = "ep_initialize_0"}> : () -> ()
      %rem3A = arith.constant 0 : i32
      %rem3A_64 = arith.constant 2 : i32
      %rem3A_65 = arith.remui %rem3A, %rem3A_64 : i32
      %mul3A_66 = arith.constant 128 : i32
      %mul3A_67 = arith.muli %mul3A_66, %add3A_38 : i32
      %dma_start3A = arith.constant 0 : i32
      %dma_start3A_68 = arith.constant 0 : i32
      %dma_start3A_69 = tpu.memref_slice %run_scoped3A[%rem3A_65, %dma_start3A, %dma_start3A_68] : memref<2x1x128xi32, #tpu.memory_space<vmem>> -> memref<1x1x128xi32, #tpu.memory_space<vmem>>
      %dma_start3A_70 = tpu.memref_squeeze %dma_start3A_69 : memref<1x1x128xi32, #tpu.memory_space<vmem>> -> memref<1x128xi32, #tpu.memory_space<vmem>>
      %dma_start3A_71 = arith.constant 0 : i32
      %dma_start3A_72 = tpu.memref_slice %arg3[%dma_start3A_71, %mul3A_67] : memref<1x65536xi32, #tpu.memory_space<hbm>> -> memref<1x128xi32, #tpu.memory_space<hbm>>
      %dma_start3A_73 = tpu.memref_slice %run_scoped3A_34[%rem3A_65] : memref<2x!tpu.dma_semaphore, #tpu.memory_space<semaphore_mem>> -> memref<1x!tpu.dma_semaphore, #tpu.memory_space<semaphore_mem>>
      %dma_start3A_74 = tpu.memref_squeeze %dma_start3A_73 : memref<1x!tpu.dma_semaphore, #tpu.memory_space<semaphore_mem>> -> memref<!tpu.dma_semaphore, #tpu.memory_space<semaphore_mem>>
      %dma_start3A_75 = arith.constant 0 : i32
      %dma_start3A_76 = arith.constant 0 : i32
      %dma_start3A_77 = tpu.memref_slice %run_scoped3A[%rem3A_65, %dma_start3A_75, %dma_start3A_76] : memref<2x1x128xi32, #tpu.memory_space<vmem>> -> memref<1x1x128xi32, #tpu.memory_space<vmem>>
      %dma_start3A_78 = tpu.memref_squeeze %dma_start3A_77 : memref<1x1x128xi32, #tpu.memory_space<vmem>> -> memref<1x128xi32, #tpu.memory_space<vmem>>
      %dma_start3A_79 = arith.constant 0 : i32
      %dma_start3A_80 = tpu.memref_slice %arg3[%dma_start3A_79, %mul3A_67] : memref<1x65536xi32, #tpu.memory_space<hbm>> -> memref<1x128xi32, #tpu.memory_space<hbm>>
      tpu.enqueue_dma source(%dma_start3A_80 : memref<1x128xi32, #tpu.memory_space<hbm>>) target(%dma_start3A_78 : memref<1x128xi32, #tpu.memory_space<vmem>>) target_semaphore(%dma_start3A_74 : memref<!tpu.dma_semaphore, #tpu.memory_space<semaphore_mem>>)
      %add3A_81 = arith.constant 0 : i32
      %add3A_82 = arith.constant 1 : i32
      %add3A_83 = arith.addi %add3A_81, %add3A_82 : i32
      %select_n3A_84 = arith.constant true
      %select_n3A_85 = arith.constant 0 : i32
      %select_n3A_86 = arith.select %select_n3A_84, %add3A_83, %select_n3A_85 : i32
      "tpu.trace_stop"() : () -> ()
      %scan3A = arith.constant 0 : i32
      %scan3A_87 = arith.constant 0 : i32
      %scan3A_88 = arith.constant 0 : i32
      %scan3A_89 = arith.constant 0 : i32
      %scan3A_90 = arith.constant 0 : i32
      %scan3A_91 = arith.constant 16 : i32
      %scan3A_92 = arith.addi %scan3A_90, %scan3A_91 : i32
      %scan3A_93 = arith.constant 1 : i32
      %scan3A_94:5 = scf.for %scan3A_148 = %scan3A_90 to %scan3A_92 step %scan3A_93 iter_args(%scan3A_149 = %select_n3A_86, %scan3A_150 = %scan3A, %scan3A_151 = %scan3A_87, %scan3A_152 = %scan3A_88, %scan3A_153 = %scan3A_89) -> (i32, i32, i32, i32, i32)  : i32 {
        %eq3A_154 = arith.constant 0 : i32
        %eq3A_155 = arith.cmpi eq, %scan3A_148, %eq3A_154 : i32
        %eq3A_156 = arith.constant 15 : i32
        %eq3A_157 = arith.cmpi eq, %scan3A_148, %eq3A_156 : i32
        %add3A_158 = arith.addi %scan3A_153, %mul3A_6 : i32
        %sub3A_159 = arith.constant 1 : i32
        %sub3A_160 = arith.subi %scan3A_153, %sub3A_159 : i32
        %select_n3A_161 = arith.constant true
        %select_n3A_162 = arith.select %select_n3A_161, %sub3A_160, %scan3A_153 : i32
        %eq3A_163 = arith.constant -1 : i32
        %eq3A_164 = arith.cmpi eq, %select_n3A_162, %eq3A_163 : i32
        %select_n3A_165 = arith.constant 15 : i32
        %select_n3A_166 = arith.select %eq3A_164, %select_n3A_165, %select_n3A_162 : i32
        %add3A_167 = arith.addi %select_n3A_166, %mul3A_6 : i32
        %add3A_168 = arith.constant 1 : i32
        %add3A_169 = arith.addi %scan3A_153, %add3A_168 : i32
        %select_n3A_170 = arith.constant true
        %select_n3A_171 = arith.select %select_n3A_170, %add3A_169, %scan3A_153 : i32
        %eq3A_172 = arith.constant 16 : i32
        %eq3A_173 = arith.cmpi eq, %select_n3A_171, %eq3A_172 : i32
        %select_n3A_174 = arith.constant 0 : i32
        %select_n3A_175 = arith.select %eq3A_173, %select_n3A_174, %select_n3A_171 : i32
        %add3A_176 = arith.addi %select_n3A_175, %mul3A_6 : i32
        %add3A_177 = arith.constant 1 : i32
        %add3A_178 = arith.addi %select_n3A_175, %add3A_177 : i32
        %select_n3A_179 = arith.constant true
        %select_n3A_180 = arith.select %select_n3A_179, %add3A_178, %select_n3A_175 : i32
        %eq3A_181 = arith.constant 16 : i32
        %eq3A_182 = arith.cmpi eq, %select_n3A_180, %eq3A_181 : i32
        %select_n3A_183 = arith.constant 0 : i32
        %select_n3A_184 = arith.select %eq3A_182, %select_n3A_183, %select_n3A_180 : i32
        %add3A_185 = arith.addi %select_n3A_184, %mul3A_6 : i32
        %ne3A = arith.cmpi ne, %add3A_158, %add3A_176 : i32
        %or3A = arith.constant false
        %or3A_186 = arith.ori %or3A, %ne3A : i1
        %ge3A = arith.constant 15 : i32
        %ge3A_187 = arith.cmpi sge, %scan3A_148, %ge3A : i32
        %not3A = arith.constant true
        %not3A_188 = arith.xori %ge3A_187, %not3A : i1
        %and3A = arith.andi %or3A_186, %not3A_188 : i1
        %convert_element_type3A = arith.extui %and3A : i1 to i32
        %cond3A = arith.constant 0 : i32
        %cond3A_189 = arith.cmpi ne, %convert_element_type3A, %cond3A : i32
        scf.if %cond3A_189 {
          "tpu.trace_start"() <{level = 10 : i32, message = "ep_copy_in"}> : () -> ()
          %rem3A_291 = arith.constant 2 : i32
          %rem3A_292 = arith.remui %scan3A_149, %rem3A_291 : i32
          %mul3A_293 = arith.constant 128 : i32
          %mul3A_294 = arith.muli %mul3A_293, %add3A_176 : i32
          %dma_start3A_295 = arith.constant 0 : i32
          %dma_start3A_296 = arith.constant 0 : i32
          %dma_start3A_297 = tpu.memref_slice %run_scoped3A[%rem3A_292, %dma_start3A_295, %dma_start3A_296] : memref<2x1x128xi32, #tpu.memory_space<vmem>> -> memref<1x1x128xi32, #tpu.memory_space<vmem>>
          %dma_start3A_298 = tpu.memref_squeeze %dma_start3A_297 : memref<1x1x128xi32, #tpu.memory_space<vmem>> -> memref<1x128xi32, #tpu.memory_space<vmem>>
          %dma_start3A_299 = arith.constant 0 : i32
          %dma_start3A_300 = tpu.memref_slice %arg3[%dma_start3A_299, %mul3A_294] : memref<1x65536xi32, #tpu.memory_space<hbm>> -> memref<1x128xi32, #tpu.memory_space<hbm>>
          %dma_start3A_301 = tpu.memref_slice %run_scoped3A_34[%rem3A_292] : memref<2x!tpu.dma_semaphore, #tpu.memory_space<semaphore_mem>> -> memref<1x!tpu.dma_semaphore, #tpu.memory_space<semaphore_mem>>
          %dma_start3A_302 = tpu.memref_squeeze %dma_start3A_301 : memref<1x!tpu.dma_semaphore, #tpu.memory_space<semaphore_mem>> -> memref<!tpu.dma_semaphore, #tpu.memory_space<semaphore_mem>>
          %dma_start3A_303 = arith.constant 0 : i32
          %dma_start3A_304 = arith.constant 0 : i32
          %dma_start3A_305 = tpu.memref_slice %run_scoped3A[%rem3A_292, %dma_start3A_303, %dma_start3A_304] : memref<2x1x128xi32, #tpu.memory_space<vmem>> -> memref<1x1x128xi32, #tpu.memory_space<vmem>>
          %dma_start3A_306 = tpu.memref_squeeze %dma_start3A_305 : memref<1x1x128xi32, #tpu.memory_space<vmem>> -> memref<1x128xi32, #tpu.memory_space<vmem>>
          %dma_start3A_307 = arith.constant 0 : i32
          %dma_start3A_308 = tpu.memref_slice %arg3[%dma_start3A_307, %mul3A_294] : memref<1x65536xi32, #tpu.memory_space<hbm>> -> memref<1x128xi32, #tpu.memory_space<hbm>>
          tpu.enqueue_dma source(%dma_start3A_308 : memref<1x128xi32, #tpu.memory_space<hbm>>) target(%dma_start3A_306 : memref<1x128xi32, #tpu.memory_space<vmem>>) target_semaphore(%dma_start3A_302 : memref<!tpu.dma_semaphore, #tpu.memory_space<semaphore_mem>>)
          "tpu.trace_stop"() : () -> ()
        } else {
        }
        %and3A_190 = arith.constant true
        %and3A_191 = arith.andi %and3A, %and3A_190 : i1
        %add3A_192 = arith.constant 1 : i32
        %add3A_193 = arith.addi %scan3A_149, %add3A_192 : i32
        %select_n3A_194 = arith.select %and3A_191, %add3A_193, %scan3A_149 : i32
        %ne3A_195 = arith.cmpi ne, %add3A_158, %add3A_176 : i32
        %or3A_196 = arith.constant false
        %or3A_197 = arith.ori %or3A_196, %ne3A_195 : i1
        %or3A_198 = arith.constant false
        %or3A_199 = arith.ori %or3A_197, %or3A_198 : i1
        %ge3A_200 = arith.constant 15 : i32
        %ge3A_201 = arith.cmpi sge, %scan3A_148, %ge3A_200 : i32
        %not3A_202 = arith.constant true
        %not3A_203 = arith.xori %ge3A_201, %not3A_202 : i1
        %and3A_204 = arith.andi %or3A_199, %not3A_203 : i1
        %ne3A_205 = arith.cmpi ne, %add3A_158, %add3A_167 : i32
        %or3A_206 = arith.constant false
        %or3A_207 = arith.ori %or3A_206, %ne3A_205 : i1
        %or3A_208 = arith.ori %or3A_207, %eq3A_155 : i1
        %convert_element_type3A_209 = arith.extui %or3A_208 : i1 to i32
        %cond3A_210 = arith.constant 0 : i32
        %cond3A_211 = arith.cmpi ne, %convert_element_type3A_209, %cond3A_210 : i32
        scf.if %cond3A_211 {
          "tpu.trace_start"() <{level = 10 : i32, message = "ep_wait_in"}> : () -> ()
          %mul3A_291 = arith.constant 128 : i32
          %mul3A_292 = arith.muli %mul3A_291, %add3A_158 : i32
          %rem3A_293 = arith.constant 2 : i32
          %rem3A_294 = arith.remui %scan3A_150, %rem3A_293 : i32
          %dma_wait3A_295 = arith.constant 0 : i32
          %dma_wait3A_296 = arith.constant 0 : i32
          %dma_wait3A_297 = tpu.memref_slice %run_scoped3A[%rem3A_294, %dma_wait3A_295, %dma_wait3A_296] : memref<2x1x128xi32, #tpu.memory_space<vmem>> -> memref<1x1x128xi32, #tpu.memory_space<vmem>>
          %dma_wait3A_298 = tpu.memref_squeeze %dma_wait3A_297 : memref<1x1x128xi32, #tpu.memory_space<vmem>> -> memref<1x128xi32, #tpu.memory_space<vmem>>
          %dma_wait3A_299 = arith.constant 0 : i32
          %dma_wait3A_300 = tpu.memref_slice %arg3[%dma_wait3A_299, %mul3A_292] : memref<1x65536xi32, #tpu.memory_space<hbm>> -> memref<1x128xi32, #tpu.memory_space<hbm>>
          %dma_wait3A_301 = tpu.memref_slice %run_scoped3A_34[%rem3A_294] : memref<2x!tpu.dma_semaphore, #tpu.memory_space<semaphore_mem>> -> memref<1x!tpu.dma_semaphore, #tpu.memory_space<semaphore_mem>>
          %dma_wait3A_302 = tpu.memref_squeeze %dma_wait3A_301 : memref<1x!tpu.dma_semaphore, #tpu.memory_space<semaphore_mem>> -> memref<!tpu.dma_semaphore, #tpu.memory_space<semaphore_mem>>
          %dma_wait3A_303 = arith.constant 0 : i32
          %dma_wait3A_304 = arith.constant 0 : i32
          %dma_wait3A_305 = tpu.memref_slice %run_scoped3A[%rem3A_294, %dma_wait3A_303, %dma_wait3A_304] : memref<2x1x128xi32, #tpu.memory_space<vmem>> -> memref<1x1x128xi32, #tpu.memory_space<vmem>>
          %dma_wait3A_306 = tpu.memref_squeeze %dma_wait3A_305 : memref<1x1x128xi32, #tpu.memory_space<vmem>> -> memref<1x128xi32, #tpu.memory_space<vmem>>
          %dma_wait3A_307 = arith.constant 0 : i32
          %dma_wait3A_308 = tpu.memref_slice %arg3[%dma_wait3A_307, %mul3A_292] : memref<1x65536xi32, #tpu.memory_space<hbm>> -> memref<1x128xi32, #tpu.memory_space<hbm>>
          tpu.wait_dma2 semaphore(%dma_wait3A_302 : memref<!tpu.dma_semaphore, #tpu.memory_space<semaphore_mem>>) src(%dma_wait3A_308 : memref<1x128xi32, #tpu.memory_space<hbm>>) dst(%dma_wait3A_306 : memref<1x128xi32, #tpu.memory_space<vmem>>)
          "tpu.trace_stop"() : () -> ()
        } else {
        }
        %ne3A_212 = arith.cmpi ne, %add3A_158, %add3A_167 : i32
        %or3A_213 = arith.constant false
        %or3A_214 = arith.ori %or3A_213, %ne3A_212 : i1
        %or3A_215 = arith.constant false
        %or3A_216 = arith.ori %or3A_214, %or3A_215 : i1
        %or3A_217 = arith.ori %or3A_216, %eq3A_155 : i1
        %convert_element_type3A_218 = arith.extui %or3A_217 : i1 to i32
        %cond3A_219 = arith.constant 0 : i32
        %cond3A_220 = arith.cmpi ne, %convert_element_type3A_218, %cond3A_219 : i32
        scf.if %cond3A_220 {
        } else {
        }
        %rem3A_221 = arith.constant 2 : i32
        %rem3A_222 = arith.remui %scan3A_150, %rem3A_221 : i32
        %rem3A_223 = arith.constant 2 : i32
        %rem3A_224 = arith.remui %scan3A_151, %rem3A_223 : i32
        %run_scoped3A_225 = arith.constant 0 : i32
        "tpu.trace_start"() <{level = 10 : i32, message = "ep_run_kernel"}> : () -> ()
        "tpu.region"() ({
          %run_scoped3A_291 = tpu.sem_alloc : memref<!tpu.dma_semaphore, #tpu.memory_space<semaphore_mem>>
          %dma_start3A_292 = arith.constant 0 : i32
          %dma_start3A_293 = arith.constant 0 : i32
          %dma_start3A_294 = tpu.memref_slice %run_scoped3A_35[%rem3A_224, %dma_start3A_292, %dma_start3A_293] : memref<2x128x16xf32, #tpu.memory_space<vmem>> -> memref<1x128x16xf32, #tpu.memory_space<vmem>>
          %dma_start3A_295 = tpu.memref_squeeze %dma_start3A_294 : memref<1x128x16xf32, #tpu.memory_space<vmem>> -> memref<128x16xf32, #tpu.memory_space<vmem>>
          %dma_start3A_296 = arith.constant 0 : i32
          %dma_start3A_297 = arith.constant 0 : i32
          %dma_start3A_298 = tpu.memref_slice %run_scoped3A[%rem3A_222, %dma_start3A_296, %dma_start3A_297] : memref<2x1x128xi32, #tpu.memory_space<vmem>> -> memref<1x1x128xi32, #tpu.memory_space<vmem>>
          %dma_start3A_299 = tpu.memref_squeeze %dma_start3A_298 : memref<1x1x128xi32, #tpu.memory_space<vmem>> -> memref<1x128xi32, #tpu.memory_space<vmem>>
          %dma_start3A_300 = arith.constant 0 : i32
          %dma_start3A_301 = tpu.memref_slice %dma_start3A_299[%run_scoped3A_225, %dma_start3A_300] : memref<1x128xi32, #tpu.memory_space<vmem>> -> memref<1x128xi32, #tpu.memory_space<vmem>>
          %dma_start3A_302 = tpu.memref_squeeze %dma_start3A_301 : memref<1x128xi32, #tpu.memory_space<vmem>> -> memref<128xi32, #tpu.memory_space<vmem>>
          %dma_start3A_303 = arith.constant 0 : i32
          %dma_start3A_304 = arith.constant 0 : i32
          %dma_start3A_305 = tpu.memref_slice %arg2[%dma_start3A_303, %dma_start3A_304] : memref<1007616x16xf32, #tpu.memory_space<hbm>> -> memref<1007616x16xf32, #tpu.memory_space<hbm>>
          tpu.enqueue_indirect_dma source(%dma_start3A_305 : memref<1007616x16xf32, #tpu.memory_space<hbm>>) target(%dma_start3A_295 : memref<128x16xf32, #tpu.memory_space<vmem>>) offsets(%dma_start3A_302 : memref<128xi32, #tpu.memory_space<vmem>>) semaphore(%run_scoped3A_291 : memref<!tpu.dma_semaphore, #tpu.memory_space<semaphore_mem>>)
          %dma_wait3A_306 = arith.constant 0 : i32
          %dma_wait3A_307 = arith.constant 0 : i32
          %dma_wait3A_308 = tpu.memref_slice %run_scoped3A_35[%rem3A_224, %dma_wait3A_306, %dma_wait3A_307] : memref<2x128x16xf32, #tpu.memory_space<vmem>> -> memref<1x128x16xf32, #tpu.memory_space<vmem>>
          %dma_wait3A_309 = tpu.memref_squeeze %dma_wait3A_308 : memref<1x128x16xf32, #tpu.memory_space<vmem>> -> memref<128x16xf32, #tpu.memory_space<vmem>>
          %dma_wait3A_310 = arith.constant 0 : i32
          %dma_wait3A_311 = arith.constant 0 : i32
          %dma_wait3A_312 = tpu.memref_slice %run_scoped3A[%rem3A_222, %dma_wait3A_310, %dma_wait3A_311] : memref<2x1x128xi32, #tpu.memory_space<vmem>> -> memref<1x1x128xi32, #tpu.memory_space<vmem>>
          %dma_wait3A_313 = tpu.memref_squeeze %dma_wait3A_312 : memref<1x1x128xi32, #tpu.memory_space<vmem>> -> memref<1x128xi32, #tpu.memory_space<vmem>>
          %dma_wait3A_314 = arith.constant 0 : i32
          %dma_wait3A_315 = tpu.memref_slice %dma_wait3A_313[%run_scoped3A_225, %dma_wait3A_314] : memref<1x128xi32, #tpu.memory_space<vmem>> -> memref<1x128xi32, #tpu.memory_space<vmem>>
          %dma_wait3A_316 = tpu.memref_squeeze %dma_wait3A_315 : memref<1x128xi32, #tpu.memory_space<vmem>> -> memref<128xi32, #tpu.memory_space<vmem>>
          %dma_wait3A_317 = arith.constant 0 : i32
          %dma_wait3A_318 = arith.constant 0 : i32
          %dma_wait3A_319 = tpu.memref_slice %arg2[%dma_wait3A_317, %dma_wait3A_318] : memref<1007616x16xf32, #tpu.memory_space<hbm>> -> memref<1007616x16xf32, #tpu.memory_space<hbm>>
          tpu.wait_indirect_dma semaphore(%run_scoped3A_291 : memref<!tpu.dma_semaphore, #tpu.memory_space<semaphore_mem>>) src(%dma_wait3A_319 : memref<1007616x16xf32, #tpu.memory_space<hbm>>) dst(%dma_wait3A_309 : memref<128x16xf32, #tpu.memory_space<vmem>>)
          tpu.yield
        }) : () -> ()
        "tpu.trace_stop"() : () -> ()
        %ne3A_226 = arith.cmpi ne, %add3A_158, %add3A_176 : i32
        %or3A_227 = arith.constant false
        %or3A_228 = arith.ori %or3A_227, %ne3A_226 : i1
        %or3A_229 = arith.ori %or3A_228, %eq3A_157 : i1
        %convert_element_type3A_230 = arith.extui %or3A_229 : i1 to i32
        %cond3A_231 = arith.constant 0 : i32
        %cond3A_232 = arith.cmpi ne, %convert_element_type3A_230, %cond3A_231 : i32
        scf.if %cond3A_232 {
        } else {
        }
        %and3A_233 = arith.constant false
        %and3A_234 = arith.andi %or3A_229, %and3A_233 : i1
        %ne3A_235 = arith.cmpi ne, %add3A_158, %add3A_176 : i32
        %or3A_236 = arith.constant false
        %or3A_237 = arith.ori %or3A_236, %ne3A_235 : i1
        %or3A_238 = arith.constant false
        %or3A_239 = arith.ori %or3A_237, %or3A_238 : i1
        %or3A_240 = arith.ori %or3A_239, %eq3A_157 : i1
        %convert_element_type3A_241 = arith.extui %or3A_240 : i1 to i32
        %cond3A_242 = arith.constant 0 : i32
        %cond3A_243 = arith.cmpi ne, %convert_element_type3A_241, %cond3A_242 : i32
        scf.if %cond3A_243 {
          "tpu.trace_start"() <{level = 10 : i32, message = "ep_copy_out"}> : () -> ()
          %rem3A_291 = arith.constant 2 : i32
          %rem3A_292 = arith.remui %scan3A_151, %rem3A_291 : i32
          %mul3A_293 = arith.constant 128 : i32
          %mul3A_294 = arith.muli %mul3A_293, %add3A_158 : i32
          %dma_start3A_295 = arith.constant 0 : i32
          %dma_start3A_296 = arith.constant 0 : i32
          %dma_start3A_297 = tpu.memref_slice %run_scoped3A_35[%rem3A_292, %dma_start3A_295, %dma_start3A_296] : memref<2x128x16xf32, #tpu.memory_space<vmem>> -> memref<1x128x16xf32, #tpu.memory_space<vmem>>
          %dma_start3A_298 = tpu.memref_squeeze %dma_start3A_297 : memref<1x128x16xf32, #tpu.memory_space<vmem>> -> memref<128x16xf32, #tpu.memory_space<vmem>>
          %dma_start3A_299 = arith.constant 0 : i32
          %dma_start3A_300 = tpu.memref_slice %arg7[%mul3A_294, %dma_start3A_299] : memref<65536x16xf32, #tpu.memory_space<hbm>> -> memref<128x16xf32, #tpu.memory_space<hbm>>
          %dma_start3A_301 = tpu.memref_slice %run_scoped3A_36[%rem3A_292] : memref<2x!tpu.dma_semaphore, #tpu.memory_space<semaphore_mem>> -> memref<1x!tpu.dma_semaphore, #tpu.memory_space<semaphore_mem>>
          %dma_start3A_302 = tpu.memref_squeeze %dma_start3A_301 : memref<1x!tpu.dma_semaphore, #tpu.memory_space<semaphore_mem>> -> memref<!tpu.dma_semaphore, #tpu.memory_space<semaphore_mem>>
          %dma_start3A_303 = arith.constant 0 : i32
          %dma_start3A_304 = tpu.memref_slice %arg7[%mul3A_294, %dma_start3A_303] : memref<65536x16xf32, #tpu.memory_space<hbm>> -> memref<128x16xf32, #tpu.memory_space<hbm>>
          %dma_start3A_305 = arith.constant 0 : i32
          %dma_start3A_306 = arith.constant 0 : i32
          %dma_start3A_307 = tpu.memref_slice %run_scoped3A_35[%rem3A_292, %dma_start3A_305, %dma_start3A_306] : memref<2x128x16xf32, #tpu.memory_space<vmem>> -> memref<1x128x16xf32, #tpu.memory_space<vmem>>
          %dma_start3A_308 = tpu.memref_squeeze %dma_start3A_307 : memref<1x128x16xf32, #tpu.memory_space<vmem>> -> memref<128x16xf32, #tpu.memory_space<vmem>>
          tpu.enqueue_dma source(%dma_start3A_308 : memref<128x16xf32, #tpu.memory_space<vmem>>) target(%dma_start3A_304 : memref<128x16xf32, #tpu.memory_space<hbm>>) target_semaphore(%dma_start3A_302 : memref<!tpu.dma_semaphore, #tpu.memory_space<semaphore_mem>>)
          "tpu.trace_stop"() : () -> ()
        } else {
        }
        %and3A_244 = arith.constant true
        %and3A_245 = arith.andi %or3A_240, %and3A_244 : i1
        %add3A_246 = arith.constant 1 : i32
        %add3A_247 = arith.addi %scan3A_151, %add3A_246 : i32
        %select_n3A_248 = arith.select %and3A_245, %add3A_247, %scan3A_151 : i32
        %ne3A_249 = arith.cmpi ne, %add3A_158, %add3A_167 : i32
        %or3A_250 = arith.constant false
        %or3A_251 = arith.ori %or3A_250, %ne3A_249 : i1
        %not3A_252 = arith.constant true
        %not3A_253 = arith.xori %eq3A_155, %not3A_252 : i1
        %and3A_254 = arith.andi %or3A_251, %not3A_253 : i1
        %convert_element_type3A_255 = arith.extui %and3A_254 : i1 to i32
        %cond3A_256 = arith.constant 0 : i32
        %cond3A_257 = arith.cmpi ne, %convert_element_type3A_255, %cond3A_256 : i32
        scf.if %cond3A_257 {
        } else {
        }
        %and3A_258 = arith.constant false
        %and3A_259 = arith.andi %and3A_254, %and3A_258 : i1
        %ne3A_260 = arith.cmpi ne, %add3A_158, %add3A_167 : i32
        %or3A_261 = arith.constant false
        %or3A_262 = arith.ori %or3A_261, %ne3A_260 : i1
        %or3A_263 = arith.constant false
        %or3A_264 = arith.ori %or3A_262, %or3A_263 : i1
        %not3A_265 = arith.constant true
        %not3A_266 = arith.xori %eq3A_155, %not3A_265 : i1
        %and3A_267 = arith.andi %or3A_264, %not3A_266 : i1
        %convert_element_type3A_268 = arith.extui %and3A_267 : i1 to i32
        %cond3A_269 = arith.constant 0 : i32
        %cond3A_270 = arith.cmpi ne, %convert_element_type3A_268, %cond3A_269 : i32
        scf.if %cond3A_270 {
          "tpu.trace_start"() <{level = 10 : i32, message = "ep_wait_out"}> : () -> ()
          %rem3A_291 = arith.constant 2 : i32
          %rem3A_292 = arith.remui %scan3A_152, %rem3A_291 : i32
          %mul3A_293 = arith.constant 128 : i32
          %mul3A_294 = arith.muli %mul3A_293, %add3A_167 : i32
          %dma_wait3A_295 = arith.constant 0 : i32
          %dma_wait3A_296 = arith.constant 0 : i32
          %dma_wait3A_297 = tpu.memref_slice %run_scoped3A_35[%rem3A_292, %dma_wait3A_295, %dma_wait3A_296] : memref<2x128x16xf32, #tpu.memory_space<vmem>> -> memref<1x128x16xf32, #tpu.memory_space<vmem>>
          %dma_wait3A_298 = tpu.memref_squeeze %dma_wait3A_297 : memref<1x128x16xf32, #tpu.memory_space<vmem>> -> memref<128x16xf32, #tpu.memory_space<vmem>>
          %dma_wait3A_299 = arith.constant 0 : i32
          %dma_wait3A_300 = tpu.memref_slice %arg7[%mul3A_294, %dma_wait3A_299] : memref<65536x16xf32, #tpu.memory_space<hbm>> -> memref<128x16xf32, #tpu.memory_space<hbm>>
          %dma_wait3A_301 = tpu.memref_slice %run_scoped3A_36[%rem3A_292] : memref<2x!tpu.dma_semaphore, #tpu.memory_space<semaphore_mem>> -> memref<1x!tpu.dma_semaphore, #tpu.memory_space<semaphore_mem>>
          %dma_wait3A_302 = tpu.memref_squeeze %dma_wait3A_301 : memref<1x!tpu.dma_semaphore, #tpu.memory_space<semaphore_mem>> -> memref<!tpu.dma_semaphore, #tpu.memory_space<semaphore_mem>>
          %dma_wait3A_303 = arith.constant 0 : i32
          %dma_wait3A_304 = tpu.memref_slice %arg7[%mul3A_294, %dma_wait3A_303] : memref<65536x16xf32, #tpu.memory_space<hbm>> -> memref<128x16xf32, #tpu.memory_space<hbm>>
          %dma_wait3A_305 = arith.constant 0 : i32
          %dma_wait3A_306 = arith.constant 0 : i32
          %dma_wait3A_307 = tpu.memref_slice %run_scoped3A_35[%rem3A_292, %dma_wait3A_305, %dma_wait3A_306] : memref<2x128x16xf32, #tpu.memory_space<vmem>> -> memref<1x128x16xf32, #tpu.memory_space<vmem>>
          %dma_wait3A_308 = tpu.memref_squeeze %dma_wait3A_307 : memref<1x128x16xf32, #tpu.memory_space<vmem>> -> memref<128x16xf32, #tpu.memory_space<vmem>>
          tpu.wait_dma2 semaphore(%dma_wait3A_302 : memref<!tpu.dma_semaphore, #tpu.memory_space<semaphore_mem>>) src(%dma_wait3A_308 : memref<128x16xf32, #tpu.memory_space<vmem>>) dst(%dma_wait3A_304 : memref<128x16xf32, #tpu.memory_space<hbm>>)
          "tpu.trace_stop"() : () -> ()
        } else {
        }
        %and3A_271 = arith.constant true
        %and3A_272 = arith.andi %and3A_267, %and3A_271 : i1
        %add3A_273 = arith.constant 1 : i32
        %add3A_274 = arith.addi %scan3A_152, %add3A_273 : i32
        %select_n3A_275 = arith.select %and3A_272, %add3A_274, %scan3A_152 : i32
        %ne3A_276 = arith.cmpi ne, %add3A_158, %add3A_176 : i32
        %or3A_277 = arith.constant false
        %or3A_278 = arith.ori %or3A_277, %ne3A_276 : i1
        %or3A_279 = arith.ori %or3A_278, %eq3A_157 : i1
        %add3A_280 = arith.constant 1 : i32
        %add3A_281 = arith.addi %scan3A_150, %add3A_280 : i32
        %select_n3A_282 = arith.select %or3A_279, %add3A_281, %scan3A_150 : i32
        %add3A_283 = arith.constant 1 : i32
        %add3A_284 = arith.addi %scan3A_153, %add3A_283 : i32
        %select_n3A_285 = arith.constant true
        %select_n3A_286 = arith.select %select_n3A_285, %add3A_284, %scan3A_153 : i32
        %eq3A_287 = arith.constant 16 : i32
        %eq3A_288 = arith.cmpi eq, %select_n3A_286, %eq3A_287 : i32
        %select_n3A_289 = arith.constant 0 : i32
        %select_n3A_290 = arith.select %eq3A_288, %select_n3A_289, %select_n3A_286 : i32
        scf.yield %select_n3A_194, %select_n3A_282, %select_n3A_248, %select_n3A_275, %select_n3A_290 : i32, i32, i32, i32, i32
      }
      %scan3A_95 = arith.constant 16 : i32
      %sub3A = arith.constant 1 : i32
      %sub3A_96 = arith.subi %scan3A_94#4, %sub3A : i32
      %select_n3A_97 = arith.constant true
      %select_n3A_98 = arith.select %select_n3A_97, %sub3A_96, %scan3A_94#4 : i32
      %eq3A_99 = arith.constant -1 : i32
      %eq3A_100 = arith.cmpi eq, %select_n3A_98, %eq3A_99 : i32
      %select_n3A_101 = arith.constant 15 : i32
      %select_n3A_102 = arith.select %eq3A_100, %select_n3A_101, %select_n3A_98 : i32
      %add3A_103 = arith.addi %select_n3A_102, %mul3A_6 : i32
      %sub3A_104 = arith.constant 1 : i32
      %sub3A_105 = arith.subi %select_n3A_102, %sub3A_104 : i32
      %select_n3A_106 = arith.constant true
      %select_n3A_107 = arith.select %select_n3A_106, %sub3A_105, %select_n3A_102 : i32
      %eq3A_108 = arith.constant -1 : i32
      %eq3A_109 = arith.cmpi eq, %select_n3A_107, %eq3A_108 : i32
      %select_n3A_110 = arith.constant 15 : i32
      %select_n3A_111 = arith.select %eq3A_109, %select_n3A_110, %select_n3A_107 : i32
      %add3A_112 = arith.addi %select_n3A_111, %mul3A_6 : i32
      %add3A_113 = arith.constant 1 : i32
      %add3A_114 = arith.addi %select_n3A_102, %add3A_113 : i32
      %select_n3A_115 = arith.constant true
      %select_n3A_116 = arith.select %select_n3A_115, %add3A_114, %select_n3A_102 : i32
      %eq3A_117 = arith.constant 16 : i32
      %eq3A_118 = arith.cmpi eq, %select_n3A_116, %eq3A_117 : i32
      %select_n3A_119 = arith.constant 0 : i32
      %select_n3A_120 = arith.select %eq3A_118, %select_n3A_119, %select_n3A_116 : i32
      %add3A_121 = arith.addi %select_n3A_120, %mul3A_6 : i32
      %add3A_122 = arith.constant 1 : i32
      %add3A_123 = arith.addi %select_n3A_120, %add3A_122 : i32
      %select_n3A_124 = arith.constant true
      %select_n3A_125 = arith.select %select_n3A_124, %add3A_123, %select_n3A_120 : i32
      %eq3A_126 = arith.constant 16 : i32
      %eq3A_127 = arith.cmpi eq, %select_n3A_125, %eq3A_126 : i32
      %select_n3A_128 = arith.constant 0 : i32
      %select_n3A_129 = arith.select %eq3A_127, %select_n3A_128, %select_n3A_125 : i32
      %add3A_130 = arith.addi %select_n3A_129, %mul3A_6 : i32
      "tpu.trace_start"() <{level = 10 : i32, message = "ep_finalize"}> : () -> ()
      %rem3A_131 = arith.constant 2 : i32
      %rem3A_132 = arith.remui %scan3A_94#3, %rem3A_131 : i32
      %mul3A_133 = arith.constant 128 : i32
      %mul3A_134 = arith.muli %mul3A_133, %add3A_103 : i32
      %dma_wait3A = arith.constant 0 : i32
      %dma_wait3A_135 = arith.constant 0 : i32
      %dma_wait3A_136 = tpu.memref_slice %run_scoped3A_35[%rem3A_132, %dma_wait3A, %dma_wait3A_135] : memref<2x128x16xf32, #tpu.memory_space<vmem>> -> memref<1x128x16xf32, #tpu.memory_space<vmem>>
      %dma_wait3A_137 = tpu.memref_squeeze %dma_wait3A_136 : memref<1x128x16xf32, #tpu.memory_space<vmem>> -> memref<128x16xf32, #tpu.memory_space<vmem>>
      %dma_wait3A_138 = arith.constant 0 : i32
      %dma_wait3A_139 = tpu.memref_slice %arg7[%mul3A_134, %dma_wait3A_138] : memref<65536x16xf32, #tpu.memory_space<hbm>> -> memref<128x16xf32, #tpu.memory_space<hbm>>
      %dma_wait3A_140 = tpu.memref_slice %run_scoped3A_36[%rem3A_132] : memref<2x!tpu.dma_semaphore, #tpu.memory_space<semaphore_mem>> -> memref<1x!tpu.dma_semaphore, #tpu.memory_space<semaphore_mem>>
      %dma_wait3A_141 = tpu.memref_squeeze %dma_wait3A_140 : memref<1x!tpu.dma_semaphore, #tpu.memory_space<semaphore_mem>> -> memref<!tpu.dma_semaphore, #tpu.memory_space<semaphore_mem>>
      %dma_wait3A_142 = arith.constant 0 : i32
      %dma_wait3A_143 = tpu.memref_slice %arg7[%mul3A_134, %dma_wait3A_142] : memref<65536x16xf32, #tpu.memory_space<hbm>> -> memref<128x16xf32, #tpu.memory_space<hbm>>
      %dma_wait3A_144 = arith.constant 0 : i32
      %dma_wait3A_145 = arith.constant 0 : i32
      %dma_wait3A_146 = tpu.memref_slice %run_scoped3A_35[%rem3A_132, %dma_wait3A_144, %dma_wait3A_145] : memref<2x128x16xf32, #tpu.memory_space<vmem>> -> memref<1x128x16xf32, #tpu.memory_space<vmem>>
      %dma_wait3A_147 = tpu.memref_squeeze %dma_wait3A_146 : memref<1x128x16xf32, #tpu.memory_space<vmem>> -> memref<128x16xf32, #tpu.memory_space<vmem>>
      tpu.wait_dma2 semaphore(%dma_wait3A_141 : memref<!tpu.dma_semaphore, #tpu.memory_space<semaphore_mem>>) src(%dma_wait3A_147 : memref<128x16xf32, #tpu.memory_space<vmem>>) dst(%dma_wait3A_143 : memref<128x16xf32, #tpu.memory_space<hbm>>)
      "tpu.trace_stop"() : () -> ()
      tpu.yield
    }) : () -> ()
    %mul3A_7 = arith.constant 1 : i32
    %mul3A_8 = arith.muli %arg1, %mul3A_7 : i32
    %add3A_9 = arith.constant 0 : i32
    %add3A_10 = arith.addi %add3A_9, %mul3A_8 : i32
    %mul3A_11 = arith.constant 16 : i32
    %mul3A_12 = arith.muli %arg0, %mul3A_11 : i32
    %add3A_13 = arith.addi %add3A_10, %mul3A_12 : i32
    %mul3A_14 = arith.constant 16 : i32
    %mul3A_15 = arith.muli %add3A_13, %mul3A_14 : i32
    "tpu.region"() ({
      %run_scoped3A = memref.alloca() : memref<2x1x128xi32, #tpu.memory_space<vmem>>
      %run_scoped3A_34 = tpu.sem_alloc : memref<2x!tpu.dma_semaphore, #tpu.memory_space<semaphore_mem>>
      %run_scoped3A_35 = memref.alloca() : memref<2x128x16xf32, #tpu.memory_space<vmem>>
      %run_scoped3A_36 = tpu.sem_alloc : memref<2x!tpu.dma_semaphore, #tpu.memory_space<semaphore_mem>>
      %add3A_37 = arith.constant 0 : i32
      %add3A_38 = arith.addi %add3A_37, %mul3A_15 : i32
      %select_n3A = arith.constant true
      %select_n3A_39 = arith.constant 0 : i32
      %select_n3A_40 = arith.constant -1 : i32
      %select_n3A_41 = arith.select %select_n3A, %select_n3A_40, %select_n3A_39 : i32
      %eq3A = arith.constant -1 : i32
      %eq3A_42 = arith.cmpi eq, %select_n3A_41, %eq3A : i32
      %select_n3A_43 = arith.constant 15 : i32
      %select_n3A_44 = arith.select %eq3A_42, %select_n3A_43, %select_n3A_41 : i32
      %add3A_45 = arith.addi %select_n3A_44, %mul3A_15 : i32
      %select_n3A_46 = arith.constant true
      %select_n3A_47 = arith.constant 0 : i32
      %select_n3A_48 = arith.constant 1 : i32
      %select_n3A_49 = arith.select %select_n3A_46, %select_n3A_48, %select_n3A_47 : i32
      %eq3A_50 = arith.constant 16 : i32
      %eq3A_51 = arith.cmpi eq, %select_n3A_49, %eq3A_50 : i32
      %select_n3A_52 = arith.constant 0 : i32
      %select_n3A_53 = arith.select %eq3A_51, %select_n3A_52, %select_n3A_49 : i32
      %add3A_54 = arith.addi %select_n3A_53, %mul3A_15 : i32
      %add3A_55 = arith.constant 1 : i32
      %add3A_56 = arith.addi %select_n3A_53, %add3A_55 : i32
      %select_n3A_57 = arith.constant true
      %select_n3A_58 = arith.select %select_n3A_57, %add3A_56, %select_n3A_53 : i32
      %eq3A_59 = arith.constant 16 : i32
      %eq3A_60 = arith.cmpi eq, %select_n3A_58, %eq3A_59 : i32
      %select_n3A_61 = arith.constant 0 : i32
      %select_n3A_62 = arith.select %eq3A_60, %select_n3A_61, %select_n3A_58 : i32
      %add3A_63 = arith.addi %select_n3A_62, %mul3A_15 : i32
      "tpu.trace_start"() <{level = 10 : i32, message = "ep_initialize_0"}> : () -> ()
      %rem3A = arith.constant 0 : i32
      %rem3A_64 = arith.constant 2 : i32
      %rem3A_65 = arith.remui %rem3A, %rem3A_64 : i32
      %mul3A_66 = arith.constant 128 : i32
      %mul3A_67 = arith.muli %mul3A_66, %add3A_38 : i32
      %dma_start3A = arith.constant 0 : i32
      %dma_start3A_68 = arith.constant 0 : i32
      %dma_start3A_69 = tpu.memref_slice %run_scoped3A[%rem3A_65, %dma_start3A, %dma_start3A_68] : memref<2x1x128xi32, #tpu.memory_space<vmem>> -> memref<1x1x128xi32, #tpu.memory_space<vmem>>
      %dma_start3A_70 = tpu.memref_squeeze %dma_start3A_69 : memref<1x1x128xi32, #tpu.memory_space<vmem>> -> memref<1x128xi32, #tpu.memory_space<vmem>>
      %dma_start3A_71 = arith.constant 0 : i32
      %dma_start3A_72 = tpu.memref_slice %arg4[%dma_start3A_71, %mul3A_67] : memref<1x65536xi32, #tpu.memory_space<hbm>> -> memref<1x128xi32, #tpu.memory_space<hbm>>
      %dma_start3A_73 = tpu.memref_slice %run_scoped3A_34[%rem3A_65] : memref<2x!tpu.dma_semaphore, #tpu.memory_space<semaphore_mem>> -> memref<1x!tpu.dma_semaphore, #tpu.memory_space<semaphore_mem>>
      %dma_start3A_74 = tpu.memref_squeeze %dma_start3A_73 : memref<1x!tpu.dma_semaphore, #tpu.memory_space<semaphore_mem>> -> memref<!tpu.dma_semaphore, #tpu.memory_space<semaphore_mem>>
      %dma_start3A_75 = arith.constant 0 : i32
      %dma_start3A_76 = arith.constant 0 : i32
      %dma_start3A_77 = tpu.memref_slice %run_scoped3A[%rem3A_65, %dma_start3A_75, %dma_start3A_76] : memref<2x1x128xi32, #tpu.memory_space<vmem>> -> memref<1x1x128xi32, #tpu.memory_space<vmem>>
      %dma_start3A_78 = tpu.memref_squeeze %dma_start3A_77 : memref<1x1x128xi32, #tpu.memory_space<vmem>> -> memref<1x128xi32, #tpu.memory_space<vmem>>
      %dma_start3A_79 = arith.constant 0 : i32
      %dma_start3A_80 = tpu.memref_slice %arg4[%dma_start3A_79, %mul3A_67] : memref<1x65536xi32, #tpu.memory_space<hbm>> -> memref<1x128xi32, #tpu.memory_space<hbm>>
      tpu.enqueue_dma source(%dma_start3A_80 : memref<1x128xi32, #tpu.memory_space<hbm>>) target(%dma_start3A_78 : memref<1x128xi32, #tpu.memory_space<vmem>>) target_semaphore(%dma_start3A_74 : memref<!tpu.dma_semaphore, #tpu.memory_space<semaphore_mem>>)
      %add3A_81 = arith.constant 0 : i32
      %add3A_82 = arith.constant 1 : i32
      %add3A_83 = arith.addi %add3A_81, %add3A_82 : i32
      %select_n3A_84 = arith.constant true
      %select_n3A_85 = arith.constant 0 : i32
      %select_n3A_86 = arith.select %select_n3A_84, %add3A_83, %select_n3A_85 : i32
      "tpu.trace_stop"() : () -> ()
      %scan3A = arith.constant 0 : i32
      %scan3A_87 = arith.constant 0 : i32
      %scan3A_88 = arith.constant 0 : i32
      %scan3A_89 = arith.constant 0 : i32
      %scan3A_90 = arith.constant 0 : i32
      %scan3A_91 = arith.constant 16 : i32
      %scan3A_92 = arith.addi %scan3A_90, %scan3A_91 : i32
      %scan3A_93 = arith.constant 1 : i32
      %scan3A_94:5 = scf.for %scan3A_148 = %scan3A_90 to %scan3A_92 step %scan3A_93 iter_args(%scan3A_149 = %select_n3A_86, %scan3A_150 = %scan3A, %scan3A_151 = %scan3A_87, %scan3A_152 = %scan3A_88, %scan3A_153 = %scan3A_89) -> (i32, i32, i32, i32, i32)  : i32 {
        %eq3A_154 = arith.constant 0 : i32
        %eq3A_155 = arith.cmpi eq, %scan3A_148, %eq3A_154 : i32
        %eq3A_156 = arith.constant 15 : i32
        %eq3A_157 = arith.cmpi eq, %scan3A_148, %eq3A_156 : i32
        %add3A_158 = arith.addi %scan3A_153, %mul3A_15 : i32
        %sub3A_159 = arith.constant 1 : i32
        %sub3A_160 = arith.subi %scan3A_153, %sub3A_159 : i32
        %select_n3A_161 = arith.constant true
        %select_n3A_162 = arith.select %select_n3A_161, %sub3A_160, %scan3A_153 : i32
        %eq3A_163 = arith.constant -1 : i32
        %eq3A_164 = arith.cmpi eq, %select_n3A_162, %eq3A_163 : i32
        %select_n3A_165 = arith.constant 15 : i32
        %select_n3A_166 = arith.select %eq3A_164, %select_n3A_165, %select_n3A_162 : i32
        %add3A_167 = arith.addi %select_n3A_166, %mul3A_15 : i32
        %add3A_168 = arith.constant 1 : i32
        %add3A_169 = arith.addi %scan3A_153, %add3A_168 : i32
        %select_n3A_170 = arith.constant true
        %select_n3A_171 = arith.select %select_n3A_170, %add3A_169, %scan3A_153 : i32
        %eq3A_172 = arith.constant 16 : i32
        %eq3A_173 = arith.cmpi eq, %select_n3A_171, %eq3A_172 : i32
        %select_n3A_174 = arith.constant 0 : i32
        %select_n3A_175 = arith.select %eq3A_173, %select_n3A_174, %select_n3A_171 : i32
        %add3A_176 = arith.addi %select_n3A_175, %mul3A_15 : i32
        %add3A_177 = arith.constant 1 : i32
        %add3A_178 = arith.addi %select_n3A_175, %add3A_177 : i32
        %select_n3A_179 = arith.constant true
        %select_n3A_180 = arith.select %select_n3A_179, %add3A_178, %select_n3A_175 : i32
        %eq3A_181 = arith.constant 16 : i32
        %eq3A_182 = arith.cmpi eq, %select_n3A_180, %eq3A_181 : i32
        %select_n3A_183 = arith.constant 0 : i32
        %select_n3A_184 = arith.select %eq3A_182, %select_n3A_183, %select_n3A_180 : i32
        %add3A_185 = arith.addi %select_n3A_184, %mul3A_15 : i32
        %ne3A = arith.cmpi ne, %add3A_158, %add3A_176 : i32
        %or3A = arith.constant false
        %or3A_186 = arith.ori %or3A, %ne3A : i1
        %ge3A = arith.constant 15 : i32
        %ge3A_187 = arith.cmpi sge, %scan3A_148, %ge3A : i32
        %not3A = arith.constant true
        %not3A_188 = arith.xori %ge3A_187, %not3A : i1
        %and3A = arith.andi %or3A_186, %not3A_188 : i1
        %convert_element_type3A = arith.extui %and3A : i1 to i32
        %cond3A = arith.constant 0 : i32
        %cond3A_189 = arith.cmpi ne, %convert_element_type3A, %cond3A : i32
        scf.if %cond3A_189 {
          "tpu.trace_start"() <{level = 10 : i32, message = "ep_copy_in"}> : () -> ()
          %rem3A_291 = arith.constant 2 : i32
          %rem3A_292 = arith.remui %scan3A_149, %rem3A_291 : i32
          %mul3A_293 = arith.constant 128 : i32
          %mul3A_294 = arith.muli %mul3A_293, %add3A_176 : i32
          %dma_start3A_295 = arith.constant 0 : i32
          %dma_start3A_296 = arith.constant 0 : i32
          %dma_start3A_297 = tpu.memref_slice %run_scoped3A[%rem3A_292, %dma_start3A_295, %dma_start3A_296] : memref<2x1x128xi32, #tpu.memory_space<vmem>> -> memref<1x1x128xi32, #tpu.memory_space<vmem>>
          %dma_start3A_298 = tpu.memref_squeeze %dma_start3A_297 : memref<1x1x128xi32, #tpu.memory_space<vmem>> -> memref<1x128xi32, #tpu.memory_space<vmem>>
          %dma_start3A_299 = arith.constant 0 : i32
          %dma_start3A_300 = tpu.memref_slice %arg4[%dma_start3A_299, %mul3A_294] : memref<1x65536xi32, #tpu.memory_space<hbm>> -> memref<1x128xi32, #tpu.memory_space<hbm>>
          %dma_start3A_301 = tpu.memref_slice %run_scoped3A_34[%rem3A_292] : memref<2x!tpu.dma_semaphore, #tpu.memory_space<semaphore_mem>> -> memref<1x!tpu.dma_semaphore, #tpu.memory_space<semaphore_mem>>
          %dma_start3A_302 = tpu.memref_squeeze %dma_start3A_301 : memref<1x!tpu.dma_semaphore, #tpu.memory_space<semaphore_mem>> -> memref<!tpu.dma_semaphore, #tpu.memory_space<semaphore_mem>>
          %dma_start3A_303 = arith.constant 0 : i32
          %dma_start3A_304 = arith.constant 0 : i32
          %dma_start3A_305 = tpu.memref_slice %run_scoped3A[%rem3A_292, %dma_start3A_303, %dma_start3A_304] : memref<2x1x128xi32, #tpu.memory_space<vmem>> -> memref<1x1x128xi32, #tpu.memory_space<vmem>>
          %dma_start3A_306 = tpu.memref_squeeze %dma_start3A_305 : memref<1x1x128xi32, #tpu.memory_space<vmem>> -> memref<1x128xi32, #tpu.memory_space<vmem>>
          %dma_start3A_307 = arith.constant 0 : i32
          %dma_start3A_308 = tpu.memref_slice %arg4[%dma_start3A_307, %mul3A_294] : memref<1x65536xi32, #tpu.memory_space<hbm>> -> memref<1x128xi32, #tpu.memory_space<hbm>>
          tpu.enqueue_dma source(%dma_start3A_308 : memref<1x128xi32, #tpu.memory_space<hbm>>) target(%dma_start3A_306 : memref<1x128xi32, #tpu.memory_space<vmem>>) target_semaphore(%dma_start3A_302 : memref<!tpu.dma_semaphore, #tpu.memory_space<semaphore_mem>>)
          "tpu.trace_stop"() : () -> ()
        } else {
        }
        %and3A_190 = arith.constant true
        %and3A_191 = arith.andi %and3A, %and3A_190 : i1
        %add3A_192 = arith.constant 1 : i32
        %add3A_193 = arith.addi %scan3A_149, %add3A_192 : i32
        %select_n3A_194 = arith.select %and3A_191, %add3A_193, %scan3A_149 : i32
        %ne3A_195 = arith.cmpi ne, %add3A_158, %add3A_176 : i32
        %or3A_196 = arith.constant false
        %or3A_197 = arith.ori %or3A_196, %ne3A_195 : i1
        %or3A_198 = arith.constant false
        %or3A_199 = arith.ori %or3A_197, %or3A_198 : i1
        %ge3A_200 = arith.constant 15 : i32
        %ge3A_201 = arith.cmpi sge, %scan3A_148, %ge3A_200 : i32
        %not3A_202 = arith.constant true
        %not3A_203 = arith.xori %ge3A_201, %not3A_202 : i1
        %and3A_204 = arith.andi %or3A_199, %not3A_203 : i1
        %ne3A_205 = arith.cmpi ne, %add3A_158, %add3A_167 : i32
        %or3A_206 = arith.constant false
        %or3A_207 = arith.ori %or3A_206, %ne3A_205 : i1
        %or3A_208 = arith.ori %or3A_207, %eq3A_155 : i1
        %convert_element_type3A_209 = arith.extui %or3A_208 : i1 to i32
        %cond3A_210 = arith.constant 0 : i32
        %cond3A_211 = arith.cmpi ne, %convert_element_type3A_209, %cond3A_210 : i32
        scf.if %cond3A_211 {
          "tpu.trace_start"() <{level = 10 : i32, message = "ep_wait_in"}> : () -> ()
          %mul3A_291 = arith.constant 128 : i32
          %mul3A_292 = arith.muli %mul3A_291, %add3A_158 : i32
          %rem3A_293 = arith.constant 2 : i32
          %rem3A_294 = arith.remui %scan3A_150, %rem3A_293 : i32
          %dma_wait3A_295 = arith.constant 0 : i32
          %dma_wait3A_296 = arith.constant 0 : i32
          %dma_wait3A_297 = tpu.memref_slice %run_scoped3A[%rem3A_294, %dma_wait3A_295, %dma_wait3A_296] : memref<2x1x128xi32, #tpu.memory_space<vmem>> -> memref<1x1x128xi32, #tpu.memory_space<vmem>>
          %dma_wait3A_298 = tpu.memref_squeeze %dma_wait3A_297 : memref<1x1x128xi32, #tpu.memory_space<vmem>> -> memref<1x128xi32, #tpu.memory_space<vmem>>
          %dma_wait3A_299 = arith.constant 0 : i32
          %dma_wait3A_300 = tpu.memref_slice %arg4[%dma_wait3A_299, %mul3A_292] : memref<1x65536xi32, #tpu.memory_space<hbm>> -> memref<1x128xi32, #tpu.memory_space<hbm>>
          %dma_wait3A_301 = tpu.memref_slice %run_scoped3A_34[%rem3A_294] : memref<2x!tpu.dma_semaphore, #tpu.memory_space<semaphore_mem>> -> memref<1x!tpu.dma_semaphore, #tpu.memory_space<semaphore_mem>>
          %dma_wait3A_302 = tpu.memref_squeeze %dma_wait3A_301 : memref<1x!tpu.dma_semaphore, #tpu.memory_space<semaphore_mem>> -> memref<!tpu.dma_semaphore, #tpu.memory_space<semaphore_mem>>
          %dma_wait3A_303 = arith.constant 0 : i32
          %dma_wait3A_304 = arith.constant 0 : i32
          %dma_wait3A_305 = tpu.memref_slice %run_scoped3A[%rem3A_294, %dma_wait3A_303, %dma_wait3A_304] : memref<2x1x128xi32, #tpu.memory_space<vmem>> -> memref<1x1x128xi32, #tpu.memory_space<vmem>>
          %dma_wait3A_306 = tpu.memref_squeeze %dma_wait3A_305 : memref<1x1x128xi32, #tpu.memory_space<vmem>> -> memref<1x128xi32, #tpu.memory_space<vmem>>
          %dma_wait3A_307 = arith.constant 0 : i32
          %dma_wait3A_308 = tpu.memref_slice %arg4[%dma_wait3A_307, %mul3A_292] : memref<1x65536xi32, #tpu.memory_space<hbm>> -> memref<1x128xi32, #tpu.memory_space<hbm>>
          tpu.wait_dma2 semaphore(%dma_wait3A_302 : memref<!tpu.dma_semaphore, #tpu.memory_space<semaphore_mem>>) src(%dma_wait3A_308 : memref<1x128xi32, #tpu.memory_space<hbm>>) dst(%dma_wait3A_306 : memref<1x128xi32, #tpu.memory_space<vmem>>)
          "tpu.trace_stop"() : () -> ()
        } else {
        }
        %ne3A_212 = arith.cmpi ne, %add3A_158, %add3A_167 : i32
        %or3A_213 = arith.constant false
        %or3A_214 = arith.ori %or3A_213, %ne3A_212 : i1
        %or3A_215 = arith.constant false
        %or3A_216 = arith.ori %or3A_214, %or3A_215 : i1
        %or3A_217 = arith.ori %or3A_216, %eq3A_155 : i1
        %convert_element_type3A_218 = arith.extui %or3A_217 : i1 to i32
        %cond3A_219 = arith.constant 0 : i32
        %cond3A_220 = arith.cmpi ne, %convert_element_type3A_218, %cond3A_219 : i32
        scf.if %cond3A_220 {
        } else {
        }
        %rem3A_221 = arith.constant 2 : i32
        %rem3A_222 = arith.remui %scan3A_150, %rem3A_221 : i32
        %rem3A_223 = arith.constant 2 : i32
        %rem3A_224 = arith.remui %scan3A_151, %rem3A_223 : i32
        %run_scoped3A_225 = arith.constant 0 : i32
        "tpu.trace_start"() <{level = 10 : i32, message = "ep_run_kernel"}> : () -> ()
        "tpu.region"() ({
          %run_scoped3A_291 = tpu.sem_alloc : memref<!tpu.dma_semaphore, #tpu.memory_space<semaphore_mem>>
          %dma_start3A_292 = arith.constant 0 : i32
          %dma_start3A_293 = arith.constant 0 : i32
          %dma_start3A_294 = tpu.memref_slice %run_scoped3A_35[%rem3A_224, %dma_start3A_292, %dma_start3A_293] : memref<2x128x16xf32, #tpu.memory_space<vmem>> -> memref<1x128x16xf32, #tpu.memory_space<vmem>>
          %dma_start3A_295 = tpu.memref_squeeze %dma_start3A_294 : memref<1x128x16xf32, #tpu.memory_space<vmem>> -> memref<128x16xf32, #tpu.memory_space<vmem>>
          %dma_start3A_296 = arith.constant 0 : i32
          %dma_start3A_297 = arith.constant 0 : i32
          %dma_start3A_298 = tpu.memref_slice %run_scoped3A[%rem3A_222, %dma_start3A_296, %dma_start3A_297] : memref<2x1x128xi32, #tpu.memory_space<vmem>> -> memref<1x1x128xi32, #tpu.memory_space<vmem>>
          %dma_start3A_299 = tpu.memref_squeeze %dma_start3A_298 : memref<1x1x128xi32, #tpu.memory_space<vmem>> -> memref<1x128xi32, #tpu.memory_space<vmem>>
          %dma_start3A_300 = arith.constant 0 : i32
          %dma_start3A_301 = tpu.memref_slice %dma_start3A_299[%run_scoped3A_225, %dma_start3A_300] : memref<1x128xi32, #tpu.memory_space<vmem>> -> memref<1x128xi32, #tpu.memory_space<vmem>>
          %dma_start3A_302 = tpu.memref_squeeze %dma_start3A_301 : memref<1x128xi32, #tpu.memory_space<vmem>> -> memref<128xi32, #tpu.memory_space<vmem>>
          %dma_start3A_303 = arith.constant 0 : i32
          %dma_start3A_304 = arith.constant 0 : i32
          %dma_start3A_305 = tpu.memref_slice %arg2[%dma_start3A_303, %dma_start3A_304] : memref<1007616x16xf32, #tpu.memory_space<hbm>> -> memref<1007616x16xf32, #tpu.memory_space<hbm>>
          tpu.enqueue_indirect_dma source(%dma_start3A_305 : memref<1007616x16xf32, #tpu.memory_space<hbm>>) target(%dma_start3A_295 : memref<128x16xf32, #tpu.memory_space<vmem>>) offsets(%dma_start3A_302 : memref<128xi32, #tpu.memory_space<vmem>>) semaphore(%run_scoped3A_291 : memref<!tpu.dma_semaphore, #tpu.memory_space<semaphore_mem>>)
          %dma_wait3A_306 = arith.constant 0 : i32
          %dma_wait3A_307 = arith.constant 0 : i32
          %dma_wait3A_308 = tpu.memref_slice %run_scoped3A_35[%rem3A_224, %dma_wait3A_306, %dma_wait3A_307] : memref<2x128x16xf32, #tpu.memory_space<vmem>> -> memref<1x128x16xf32, #tpu.memory_space<vmem>>
          %dma_wait3A_309 = tpu.memref_squeeze %dma_wait3A_308 : memref<1x128x16xf32, #tpu.memory_space<vmem>> -> memref<128x16xf32, #tpu.memory_space<vmem>>
          %dma_wait3A_310 = arith.constant 0 : i32
          %dma_wait3A_311 = arith.constant 0 : i32
          %dma_wait3A_312 = tpu.memref_slice %run_scoped3A[%rem3A_222, %dma_wait3A_310, %dma_wait3A_311] : memref<2x1x128xi32, #tpu.memory_space<vmem>> -> memref<1x1x128xi32, #tpu.memory_space<vmem>>
          %dma_wait3A_313 = tpu.memref_squeeze %dma_wait3A_312 : memref<1x1x128xi32, #tpu.memory_space<vmem>> -> memref<1x128xi32, #tpu.memory_space<vmem>>
          %dma_wait3A_314 = arith.constant 0 : i32
          %dma_wait3A_315 = tpu.memref_slice %dma_wait3A_313[%run_scoped3A_225, %dma_wait3A_314] : memref<1x128xi32, #tpu.memory_space<vmem>> -> memref<1x128xi32, #tpu.memory_space<vmem>>
          %dma_wait3A_316 = tpu.memref_squeeze %dma_wait3A_315 : memref<1x128xi32, #tpu.memory_space<vmem>> -> memref<128xi32, #tpu.memory_space<vmem>>
          %dma_wait3A_317 = arith.constant 0 : i32
          %dma_wait3A_318 = arith.constant 0 : i32
          %dma_wait3A_319 = tpu.memref_slice %arg2[%dma_wait3A_317, %dma_wait3A_318] : memref<1007616x16xf32, #tpu.memory_space<hbm>> -> memref<1007616x16xf32, #tpu.memory_space<hbm>>
          tpu.wait_indirect_dma semaphore(%run_scoped3A_291 : memref<!tpu.dma_semaphore, #tpu.memory_space<semaphore_mem>>) src(%dma_wait3A_319 : memref<1007616x16xf32, #tpu.memory_space<hbm>>) dst(%dma_wait3A_309 : memref<128x16xf32, #tpu.memory_space<vmem>>)
          tpu.yield
        }) : () -> ()
        "tpu.trace_stop"() : () -> ()
        %ne3A_226 = arith.cmpi ne, %add3A_158, %add3A_176 : i32
        %or3A_227 = arith.constant false
        %or3A_228 = arith.ori %or3A_227, %ne3A_226 : i1
        %or3A_229 = arith.ori %or3A_228, %eq3A_157 : i1
        %convert_element_type3A_230 = arith.extui %or3A_229 : i1 to i32
        %cond3A_231 = arith.constant 0 : i32
        %cond3A_232 = arith.cmpi ne, %convert_element_type3A_230, %cond3A_231 : i32
        scf.if %cond3A_232 {
        } else {
        }
        %and3A_233 = arith.constant false
        %and3A_234 = arith.andi %or3A_229, %and3A_233 : i1
        %ne3A_235 = arith.cmpi ne, %add3A_158, %add3A_176 : i32
        %or3A_236 = arith.constant false
        %or3A_237 = arith.ori %or3A_236, %ne3A_235 : i1
        %or3A_238 = arith.constant false
        %or3A_239 = arith.ori %or3A_237, %or3A_238 : i1
        %or3A_240 = arith.ori %or3A_239, %eq3A_157 : i1
        %convert_element_type3A_241 = arith.extui %or3A_240 : i1 to i32
        %cond3A_242 = arith.constant 0 : i32
        %cond3A_243 = arith.cmpi ne, %convert_element_type3A_241, %cond3A_242 : i32
        scf.if %cond3A_243 {
          "tpu.trace_start"() <{level = 10 : i32, message = "ep_copy_out"}> : () -> ()
          %rem3A_291 = arith.constant 2 : i32
          %rem3A_292 = arith.remui %scan3A_151, %rem3A_291 : i32
          %mul3A_293 = arith.constant 128 : i32
          %mul3A_294 = arith.muli %mul3A_293, %add3A_158 : i32
          %dma_start3A_295 = arith.constant 0 : i32
          %dma_start3A_296 = arith.constant 0 : i32
          %dma_start3A_297 = tpu.memref_slice %run_scoped3A_35[%rem3A_292, %dma_start3A_295, %dma_start3A_296] : memref<2x128x16xf32, #tpu.memory_space<vmem>> -> memref<1x128x16xf32, #tpu.memory_space<vmem>>
          %dma_start3A_298 = tpu.memref_squeeze %dma_start3A_297 : memref<1x128x16xf32, #tpu.memory_space<vmem>> -> memref<128x16xf32, #tpu.memory_space<vmem>>
          %dma_start3A_299 = arith.constant 0 : i32
          %dma_start3A_300 = tpu.memref_slice %arg8[%mul3A_294, %dma_start3A_299] : memref<65536x16xf32, #tpu.memory_space<hbm>> -> memref<128x16xf32, #tpu.memory_space<hbm>>
          %dma_start3A_301 = tpu.memref_slice %run_scoped3A_36[%rem3A_292] : memref<2x!tpu.dma_semaphore, #tpu.memory_space<semaphore_mem>> -> memref<1x!tpu.dma_semaphore, #tpu.memory_space<semaphore_mem>>
          %dma_start3A_302 = tpu.memref_squeeze %dma_start3A_301 : memref<1x!tpu.dma_semaphore, #tpu.memory_space<semaphore_mem>> -> memref<!tpu.dma_semaphore, #tpu.memory_space<semaphore_mem>>
          %dma_start3A_303 = arith.constant 0 : i32
          %dma_start3A_304 = tpu.memref_slice %arg8[%mul3A_294, %dma_start3A_303] : memref<65536x16xf32, #tpu.memory_space<hbm>> -> memref<128x16xf32, #tpu.memory_space<hbm>>
          %dma_start3A_305 = arith.constant 0 : i32
          %dma_start3A_306 = arith.constant 0 : i32
          %dma_start3A_307 = tpu.memref_slice %run_scoped3A_35[%rem3A_292, %dma_start3A_305, %dma_start3A_306] : memref<2x128x16xf32, #tpu.memory_space<vmem>> -> memref<1x128x16xf32, #tpu.memory_space<vmem>>
          %dma_start3A_308 = tpu.memref_squeeze %dma_start3A_307 : memref<1x128x16xf32, #tpu.memory_space<vmem>> -> memref<128x16xf32, #tpu.memory_space<vmem>>
          tpu.enqueue_dma source(%dma_start3A_308 : memref<128x16xf32, #tpu.memory_space<vmem>>) target(%dma_start3A_304 : memref<128x16xf32, #tpu.memory_space<hbm>>) target_semaphore(%dma_start3A_302 : memref<!tpu.dma_semaphore, #tpu.memory_space<semaphore_mem>>)
          "tpu.trace_stop"() : () -> ()
        } else {
        }
        %and3A_244 = arith.constant true
        %and3A_245 = arith.andi %or3A_240, %and3A_244 : i1
        %add3A_246 = arith.constant 1 : i32
        %add3A_247 = arith.addi %scan3A_151, %add3A_246 : i32
        %select_n3A_248 = arith.select %and3A_245, %add3A_247, %scan3A_151 : i32
        %ne3A_249 = arith.cmpi ne, %add3A_158, %add3A_167 : i32
        %or3A_250 = arith.constant false
        %or3A_251 = arith.ori %or3A_250, %ne3A_249 : i1
        %not3A_252 = arith.constant true
        %not3A_253 = arith.xori %eq3A_155, %not3A_252 : i1
        %and3A_254 = arith.andi %or3A_251, %not3A_253 : i1
        %convert_element_type3A_255 = arith.extui %and3A_254 : i1 to i32
        %cond3A_256 = arith.constant 0 : i32
        %cond3A_257 = arith.cmpi ne, %convert_element_type3A_255, %cond3A_256 : i32
        scf.if %cond3A_257 {
        } else {
        }
        %and3A_258 = arith.constant false
        %and3A_259 = arith.andi %and3A_254, %and3A_258 : i1
        %ne3A_260 = arith.cmpi ne, %add3A_158, %add3A_167 : i32
        %or3A_261 = arith.constant false
        %or3A_262 = arith.ori %or3A_261, %ne3A_260 : i1
        %or3A_263 = arith.constant false
        %or3A_264 = arith.ori %or3A_262, %or3A_263 : i1
        %not3A_265 = arith.constant true
        %not3A_266 = arith.xori %eq3A_155, %not3A_265 : i1
        %and3A_267 = arith.andi %or3A_264, %not3A_266 : i1
        %convert_element_type3A_268 = arith.extui %and3A_267 : i1 to i32
        %cond3A_269 = arith.constant 0 : i32
        %cond3A_270 = arith.cmpi ne, %convert_element_type3A_268, %cond3A_269 : i32
        scf.if %cond3A_270 {
          "tpu.trace_start"() <{level = 10 : i32, message = "ep_wait_out"}> : () -> ()
          %rem3A_291 = arith.constant 2 : i32
          %rem3A_292 = arith.remui %scan3A_152, %rem3A_291 : i32
          %mul3A_293 = arith.constant 128 : i32
          %mul3A_294 = arith.muli %mul3A_293, %add3A_167 : i32
          %dma_wait3A_295 = arith.constant 0 : i32
          %dma_wait3A_296 = arith.constant 0 : i32
          %dma_wait3A_297 = tpu.memref_slice %run_scoped3A_35[%rem3A_292, %dma_wait3A_295, %dma_wait3A_296] : memref<2x128x16xf32, #tpu.memory_space<vmem>> -> memref<1x128x16xf32, #tpu.memory_space<vmem>>
          %dma_wait3A_298 = tpu.memref_squeeze %dma_wait3A_297 : memref<1x128x16xf32, #tpu.memory_space<vmem>> -> memref<128x16xf32, #tpu.memory_space<vmem>>
          %dma_wait3A_299 = arith.constant 0 : i32
          %dma_wait3A_300 = tpu.memref_slice %arg8[%mul3A_294, %dma_wait3A_299] : memref<65536x16xf32, #tpu.memory_space<hbm>> -> memref<128x16xf32, #tpu.memory_space<hbm>>
          %dma_wait3A_301 = tpu.memref_slice %run_scoped3A_36[%rem3A_292] : memref<2x!tpu.dma_semaphore, #tpu.memory_space<semaphore_mem>> -> memref<1x!tpu.dma_semaphore, #tpu.memory_space<semaphore_mem>>
          %dma_wait3A_302 = tpu.memref_squeeze %dma_wait3A_301 : memref<1x!tpu.dma_semaphore, #tpu.memory_space<semaphore_mem>> -> memref<!tpu.dma_semaphore, #tpu.memory_space<semaphore_mem>>
          %dma_wait3A_303 = arith.constant 0 : i32
          %dma_wait3A_304 = tpu.memref_slice %arg8[%mul3A_294, %dma_wait3A_303] : memref<65536x16xf32, #tpu.memory_space<hbm>> -> memref<128x16xf32, #tpu.memory_space<hbm>>
          %dma_wait3A_305 = arith.constant 0 : i32
          %dma_wait3A_306 = arith.constant 0 : i32
          %dma_wait3A_307 = tpu.memref_slice %run_scoped3A_35[%rem3A_292, %dma_wait3A_305, %dma_wait3A_306] : memref<2x128x16xf32, #tpu.memory_space<vmem>> -> memref<1x128x16xf32, #tpu.memory_space<vmem>>
          %dma_wait3A_308 = tpu.memref_squeeze %dma_wait3A_307 : memref<1x128x16xf32, #tpu.memory_space<vmem>> -> memref<128x16xf32, #tpu.memory_space<vmem>>
          tpu.wait_dma2 semaphore(%dma_wait3A_302 : memref<!tpu.dma_semaphore, #tpu.memory_space<semaphore_mem>>) src(%dma_wait3A_308 : memref<128x16xf32, #tpu.memory_space<vmem>>) dst(%dma_wait3A_304 : memref<128x16xf32, #tpu.memory_space<hbm>>)
          "tpu.trace_stop"() : () -> ()
        } else {
        }
        %and3A_271 = arith.constant true
        %and3A_272 = arith.andi %and3A_267, %and3A_271 : i1
        %add3A_273 = arith.constant 1 : i32
        %add3A_274 = arith.addi %scan3A_152, %add3A_273 : i32
        %select_n3A_275 = arith.select %and3A_272, %add3A_274, %scan3A_152 : i32
        %ne3A_276 = arith.cmpi ne, %add3A_158, %add3A_176 : i32
        %or3A_277 = arith.constant false
        %or3A_278 = arith.ori %or3A_277, %ne3A_276 : i1
        %or3A_279 = arith.ori %or3A_278, %eq3A_157 : i1
        %add3A_280 = arith.constant 1 : i32
        %add3A_281 = arith.addi %scan3A_150, %add3A_280 : i32
        %select_n3A_282 = arith.select %or3A_279, %add3A_281, %scan3A_150 : i32
        %add3A_283 = arith.constant 1 : i32
        %add3A_284 = arith.addi %scan3A_153, %add3A_283 : i32
        %select_n3A_285 = arith.constant true
        %select_n3A_286 = arith.select %select_n3A_285, %add3A_284, %scan3A_153 : i32
        %eq3A_287 = arith.constant 16 : i32
        %eq3A_288 = arith.cmpi eq, %select_n3A_286, %eq3A_287 : i32
        %select_n3A_289 = arith.constant 0 : i32
        %select_n3A_290 = arith.select %eq3A_288, %select_n3A_289, %select_n3A_286 : i32
        scf.yield %select_n3A_194, %select_n3A_282, %select_n3A_248, %select_n3A_275, %select_n3A_290 : i32, i32, i32, i32, i32
      }
      %scan3A_95 = arith.constant 16 : i32
      %sub3A = arith.constant 1 : i32
      %sub3A_96 = arith.subi %scan3A_94#4, %sub3A : i32
      %select_n3A_97 = arith.constant true
      %select_n3A_98 = arith.select %select_n3A_97, %sub3A_96, %scan3A_94#4 : i32
      %eq3A_99 = arith.constant -1 : i32
      %eq3A_100 = arith.cmpi eq, %select_n3A_98, %eq3A_99 : i32
      %select_n3A_101 = arith.constant 15 : i32
      %select_n3A_102 = arith.select %eq3A_100, %select_n3A_101, %select_n3A_98 : i32
      %add3A_103 = arith.addi %select_n3A_102, %mul3A_15 : i32
      %sub3A_104 = arith.constant 1 : i32
      %sub3A_105 = arith.subi %select_n3A_102, %sub3A_104 : i32
      %select_n3A_106 = arith.constant true
      %select_n3A_107 = arith.select %select_n3A_106, %sub3A_105, %select_n3A_102 : i32
      %eq3A_108 = arith.constant -1 : i32
      %eq3A_109 = arith.cmpi eq, %select_n3A_107, %eq3A_108 : i32
      %select_n3A_110 = arith.constant 15 : i32
      %select_n3A_111 = arith.select %eq3A_109, %select_n3A_110, %select_n3A_107 : i32
      %add3A_112 = arith.addi %select_n3A_111, %mul3A_15 : i32
      %add3A_113 = arith.constant 1 : i32
      %add3A_114 = arith.addi %select_n3A_102, %add3A_113 : i32
      %select_n3A_115 = arith.constant true
      %select_n3A_116 = arith.select %select_n3A_115, %add3A_114, %select_n3A_102 : i32
      %eq3A_117 = arith.constant 16 : i32
      %eq3A_118 = arith.cmpi eq, %select_n3A_116, %eq3A_117 : i32
      %select_n3A_119 = arith.constant 0 : i32
      %select_n3A_120 = arith.select %eq3A_118, %select_n3A_119, %select_n3A_116 : i32
      %add3A_121 = arith.addi %select_n3A_120, %mul3A_15 : i32
      %add3A_122 = arith.constant 1 : i32
      %add3A_123 = arith.addi %select_n3A_120, %add3A_122 : i32
      %select_n3A_124 = arith.constant true
      %select_n3A_125 = arith.select %select_n3A_124, %add3A_123, %select_n3A_120 : i32
      %eq3A_126 = arith.constant 16 : i32
      %eq3A_127 = arith.cmpi eq, %select_n3A_125, %eq3A_126 : i32
      %select_n3A_128 = arith.constant 0 : i32
      %select_n3A_129 = arith.select %eq3A_127, %select_n3A_128, %select_n3A_125 : i32
      %add3A_130 = arith.addi %select_n3A_129, %mul3A_15 : i32
      "tpu.trace_start"() <{level = 10 : i32, message = "ep_finalize"}> : () -> ()
      %rem3A_131 = arith.constant 2 : i32
      %rem3A_132 = arith.remui %scan3A_94#3, %rem3A_131 : i32
      %mul3A_133 = arith.constant 128 : i32
      %mul3A_134 = arith.muli %mul3A_133, %add3A_103 : i32
      %dma_wait3A = arith.constant 0 : i32
      %dma_wait3A_135 = arith.constant 0 : i32
      %dma_wait3A_136 = tpu.memref_slice %run_scoped3A_35[%rem3A_132, %dma_wait3A, %dma_wait3A_135] : memref<2x128x16xf32, #tpu.memory_space<vmem>> -> memref<1x128x16xf32, #tpu.memory_space<vmem>>
      %dma_wait3A_137 = tpu.memref_squeeze %dma_wait3A_136 : memref<1x128x16xf32, #tpu.memory_space<vmem>> -> memref<128x16xf32, #tpu.memory_space<vmem>>
      %dma_wait3A_138 = arith.constant 0 : i32
      %dma_wait3A_139 = tpu.memref_slice %arg8[%mul3A_134, %dma_wait3A_138] : memref<65536x16xf32, #tpu.memory_space<hbm>> -> memref<128x16xf32, #tpu.memory_space<hbm>>
      %dma_wait3A_140 = tpu.memref_slice %run_scoped3A_36[%rem3A_132] : memref<2x!tpu.dma_semaphore, #tpu.memory_space<semaphore_mem>> -> memref<1x!tpu.dma_semaphore, #tpu.memory_space<semaphore_mem>>
      %dma_wait3A_141 = tpu.memref_squeeze %dma_wait3A_140 : memref<1x!tpu.dma_semaphore, #tpu.memory_space<semaphore_mem>> -> memref<!tpu.dma_semaphore, #tpu.memory_space<semaphore_mem>>
      %dma_wait3A_142 = arith.constant 0 : i32
      %dma_wait3A_143 = tpu.memref_slice %arg8[%mul3A_134, %dma_wait3A_142] : memref<65536x16xf32, #tpu.memory_space<hbm>> -> memref<128x16xf32, #tpu.memory_space<hbm>>
      %dma_wait3A_144 = arith.constant 0 : i32
      %dma_wait3A_145 = arith.constant 0 : i32
      %dma_wait3A_146 = tpu.memref_slice %run_scoped3A_35[%rem3A_132, %dma_wait3A_144, %dma_wait3A_145] : memref<2x128x16xf32, #tpu.memory_space<vmem>> -> memref<1x128x16xf32, #tpu.memory_space<vmem>>
      %dma_wait3A_147 = tpu.memref_squeeze %dma_wait3A_146 : memref<1x128x16xf32, #tpu.memory_space<vmem>> -> memref<128x16xf32, #tpu.memory_space<vmem>>
      tpu.wait_dma2 semaphore(%dma_wait3A_141 : memref<!tpu.dma_semaphore, #tpu.memory_space<semaphore_mem>>) src(%dma_wait3A_147 : memref<128x16xf32, #tpu.memory_space<vmem>>) dst(%dma_wait3A_143 : memref<128x16xf32, #tpu.memory_space<hbm>>)
      "tpu.trace_stop"() : () -> ()
      tpu.yield
    }) : () -> ()
    %mul3A_16 = arith.constant 1 : i32
    %mul3A_17 = arith.muli %arg1, %mul3A_16 : i32
    %add3A_18 = arith.constant 0 : i32
    %add3A_19 = arith.addi %add3A_18, %mul3A_17 : i32
    %mul3A_20 = arith.constant 16 : i32
    %mul3A_21 = arith.muli %arg0, %mul3A_20 : i32
    %add3A_22 = arith.addi %add3A_19, %mul3A_21 : i32
    %mul3A_23 = arith.constant 16 : i32
    %mul3A_24 = arith.muli %add3A_22, %mul3A_23 : i32
    "tpu.region"() ({
      %run_scoped3A = memref.alloca() : memref<2x1x128xi32, #tpu.memory_space<vmem>>
      %run_scoped3A_34 = tpu.sem_alloc : memref<2x!tpu.dma_semaphore, #tpu.memory_space<semaphore_mem>>
      %run_scoped3A_35 = memref.alloca() : memref<2x128x16xf32, #tpu.memory_space<vmem>>
      %run_scoped3A_36 = tpu.sem_alloc : memref<2x!tpu.dma_semaphore, #tpu.memory_space<semaphore_mem>>
      %add3A_37 = arith.constant 0 : i32
      %add3A_38 = arith.addi %add3A_37, %mul3A_24 : i32
      %select_n3A = arith.constant true
      %select_n3A_39 = arith.constant 0 : i32
      %select_n3A_40 = arith.constant -1 : i32
      %select_n3A_41 = arith.select %select_n3A, %select_n3A_40, %select_n3A_39 : i32
      %eq3A = arith.constant -1 : i32
      %eq3A_42 = arith.cmpi eq, %select_n3A_41, %eq3A : i32
      %select_n3A_43 = arith.constant 15 : i32
      %select_n3A_44 = arith.select %eq3A_42, %select_n3A_43, %select_n3A_41 : i32
      %add3A_45 = arith.addi %select_n3A_44, %mul3A_24 : i32
      %select_n3A_46 = arith.constant true
      %select_n3A_47 = arith.constant 0 : i32
      %select_n3A_48 = arith.constant 1 : i32
      %select_n3A_49 = arith.select %select_n3A_46, %select_n3A_48, %select_n3A_47 : i32
      %eq3A_50 = arith.constant 16 : i32
      %eq3A_51 = arith.cmpi eq, %select_n3A_49, %eq3A_50 : i32
      %select_n3A_52 = arith.constant 0 : i32
      %select_n3A_53 = arith.select %eq3A_51, %select_n3A_52, %select_n3A_49 : i32
      %add3A_54 = arith.addi %select_n3A_53, %mul3A_24 : i32
      %add3A_55 = arith.constant 1 : i32
      %add3A_56 = arith.addi %select_n3A_53, %add3A_55 : i32
      %select_n3A_57 = arith.constant true
      %select_n3A_58 = arith.select %select_n3A_57, %add3A_56, %select_n3A_53 : i32
      %eq3A_59 = arith.constant 16 : i32
      %eq3A_60 = arith.cmpi eq, %select_n3A_58, %eq3A_59 : i32
      %select_n3A_61 = arith.constant 0 : i32
      %select_n3A_62 = arith.select %eq3A_60, %select_n3A_61, %select_n3A_58 : i32
      %add3A_63 = arith.addi %select_n3A_62, %mul3A_24 : i32
      "tpu.trace_start"() <{level = 10 : i32, message = "ep_initialize_0"}> : () -> ()
      %rem3A = arith.constant 0 : i32
      %rem3A_64 = arith.constant 2 : i32
      %rem3A_65 = arith.remui %rem3A, %rem3A_64 : i32
      %mul3A_66 = arith.constant 128 : i32
      %mul3A_67 = arith.muli %mul3A_66, %add3A_38 : i32
      %dma_start3A = arith.constant 0 : i32
      %dma_start3A_68 = arith.constant 0 : i32
      %dma_start3A_69 = tpu.memref_slice %run_scoped3A[%rem3A_65, %dma_start3A, %dma_start3A_68] : memref<2x1x128xi32, #tpu.memory_space<vmem>> -> memref<1x1x128xi32, #tpu.memory_space<vmem>>
      %dma_start3A_70 = tpu.memref_squeeze %dma_start3A_69 : memref<1x1x128xi32, #tpu.memory_space<vmem>> -> memref<1x128xi32, #tpu.memory_space<vmem>>
      %dma_start3A_71 = arith.constant 0 : i32
      %dma_start3A_72 = tpu.memref_slice %arg5[%dma_start3A_71, %mul3A_67] : memref<1x65536xi32, #tpu.memory_space<hbm>> -> memref<1x128xi32, #tpu.memory_space<hbm>>
      %dma_start3A_73 = tpu.memref_slice %run_scoped3A_34[%rem3A_65] : memref<2x!tpu.dma_semaphore, #tpu.memory_space<semaphore_mem>> -> memref<1x!tpu.dma_semaphore, #tpu.memory_space<semaphore_mem>>
      %dma_start3A_74 = tpu.memref_squeeze %dma_start3A_73 : memref<1x!tpu.dma_semaphore, #tpu.memory_space<semaphore_mem>> -> memref<!tpu.dma_semaphore, #tpu.memory_space<semaphore_mem>>
      %dma_start3A_75 = arith.constant 0 : i32
      %dma_start3A_76 = arith.constant 0 : i32
      %dma_start3A_77 = tpu.memref_slice %run_scoped3A[%rem3A_65, %dma_start3A_75, %dma_start3A_76] : memref<2x1x128xi32, #tpu.memory_space<vmem>> -> memref<1x1x128xi32, #tpu.memory_space<vmem>>
      %dma_start3A_78 = tpu.memref_squeeze %dma_start3A_77 : memref<1x1x128xi32, #tpu.memory_space<vmem>> -> memref<1x128xi32, #tpu.memory_space<vmem>>
      %dma_start3A_79 = arith.constant 0 : i32
      %dma_start3A_80 = tpu.memref_slice %arg5[%dma_start3A_79, %mul3A_67] : memref<1x65536xi32, #tpu.memory_space<hbm>> -> memref<1x128xi32, #tpu.memory_space<hbm>>
      tpu.enqueue_dma source(%dma_start3A_80 : memref<1x128xi32, #tpu.memory_space<hbm>>) target(%dma_start3A_78 : memref<1x128xi32, #tpu.memory_space<vmem>>) target_semaphore(%dma_start3A_74 : memref<!tpu.dma_semaphore, #tpu.memory_space<semaphore_mem>>)
      %add3A_81 = arith.constant 0 : i32
      %add3A_82 = arith.constant 1 : i32
      %add3A_83 = arith.addi %add3A_81, %add3A_82 : i32
      %select_n3A_84 = arith.constant true
      %select_n3A_85 = arith.constant 0 : i32
      %select_n3A_86 = arith.select %select_n3A_84, %add3A_83, %select_n3A_85 : i32
      "tpu.trace_stop"() : () -> ()
      %scan3A = arith.constant 0 : i32
      %scan3A_87 = arith.constant 0 : i32
      %scan3A_88 = arith.constant 0 : i32
      %scan3A_89 = arith.constant 0 : i32
      %scan3A_90 = arith.constant 0 : i32
      %scan3A_91 = arith.constant 16 : i32
      %scan3A_92 = arith.addi %scan3A_90, %scan3A_91 : i32
      %scan3A_93 = arith.constant 1 : i32
      %scan3A_94:5 = scf.for %scan3A_148 = %scan3A_90 to %scan3A_92 step %scan3A_93 iter_args(%scan3A_149 = %select_n3A_86, %scan3A_150 = %scan3A, %scan3A_151 = %scan3A_87, %scan3A_152 = %scan3A_88, %scan3A_153 = %scan3A_89) -> (i32, i32, i32, i32, i32)  : i32 {
        %eq3A_154 = arith.constant 0 : i32
        %eq3A_155 = arith.cmpi eq, %scan3A_148, %eq3A_154 : i32
        %eq3A_156 = arith.constant 15 : i32
        %eq3A_157 = arith.cmpi eq, %scan3A_148, %eq3A_156 : i32
        %add3A_158 = arith.addi %scan3A_153, %mul3A_24 : i32
        %sub3A_159 = arith.constant 1 : i32
        %sub3A_160 = arith.subi %scan3A_153, %sub3A_159 : i32
        %select_n3A_161 = arith.constant true
        %select_n3A_162 = arith.select %select_n3A_161, %sub3A_160, %scan3A_153 : i32
        %eq3A_163 = arith.constant -1 : i32
        %eq3A_164 = arith.cmpi eq, %select_n3A_162, %eq3A_163 : i32
        %select_n3A_165 = arith.constant 15 : i32
        %select_n3A_166 = arith.select %eq3A_164, %select_n3A_165, %select_n3A_162 : i32
        %add3A_167 = arith.addi %select_n3A_166, %mul3A_24 : i32
        %add3A_168 = arith.constant 1 : i32
        %add3A_169 = arith.addi %scan3A_153, %add3A_168 : i32
        %select_n3A_170 = arith.constant true
        %select_n3A_171 = arith.select %select_n3A_170, %add3A_169, %scan3A_153 : i32
        %eq3A_172 = arith.constant 16 : i32
        %eq3A_173 = arith.cmpi eq, %select_n3A_171, %eq3A_172 : i32
        %select_n3A_174 = arith.constant 0 : i32
        %select_n3A_175 = arith.select %eq3A_173, %select_n3A_174, %select_n3A_171 : i32
        %add3A_176 = arith.addi %select_n3A_175, %mul3A_24 : i32
        %add3A_177 = arith.constant 1 : i32
        %add3A_178 = arith.addi %select_n3A_175, %add3A_177 : i32
        %select_n3A_179 = arith.constant true
        %select_n3A_180 = arith.select %select_n3A_179, %add3A_178, %select_n3A_175 : i32
        %eq3A_181 = arith.constant 16 : i32
        %eq3A_182 = arith.cmpi eq, %select_n3A_180, %eq3A_181 : i32
        %select_n3A_183 = arith.constant 0 : i32
        %select_n3A_184 = arith.select %eq3A_182, %select_n3A_183, %select_n3A_180 : i32
        %add3A_185 = arith.addi %select_n3A_184, %mul3A_24 : i32
        %ne3A = arith.cmpi ne, %add3A_158, %add3A_176 : i32
        %or3A = arith.constant false
        %or3A_186 = arith.ori %or3A, %ne3A : i1
        %ge3A = arith.constant 15 : i32
        %ge3A_187 = arith.cmpi sge, %scan3A_148, %ge3A : i32
        %not3A = arith.constant true
        %not3A_188 = arith.xori %ge3A_187, %not3A : i1
        %and3A = arith.andi %or3A_186, %not3A_188 : i1
        %convert_element_type3A = arith.extui %and3A : i1 to i32
        %cond3A = arith.constant 0 : i32
        %cond3A_189 = arith.cmpi ne, %convert_element_type3A, %cond3A : i32
        scf.if %cond3A_189 {
          "tpu.trace_start"() <{level = 10 : i32, message = "ep_copy_in"}> : () -> ()
          %rem3A_291 = arith.constant 2 : i32
          %rem3A_292 = arith.remui %scan3A_149, %rem3A_291 : i32
          %mul3A_293 = arith.constant 128 : i32
          %mul3A_294 = arith.muli %mul3A_293, %add3A_176 : i32
          %dma_start3A_295 = arith.constant 0 : i32
          %dma_start3A_296 = arith.constant 0 : i32
          %dma_start3A_297 = tpu.memref_slice %run_scoped3A[%rem3A_292, %dma_start3A_295, %dma_start3A_296] : memref<2x1x128xi32, #tpu.memory_space<vmem>> -> memref<1x1x128xi32, #tpu.memory_space<vmem>>
          %dma_start3A_298 = tpu.memref_squeeze %dma_start3A_297 : memref<1x1x128xi32, #tpu.memory_space<vmem>> -> memref<1x128xi32, #tpu.memory_space<vmem>>
          %dma_start3A_299 = arith.constant 0 : i32
          %dma_start3A_300 = tpu.memref_slice %arg5[%dma_start3A_299, %mul3A_294] : memref<1x65536xi32, #tpu.memory_space<hbm>> -> memref<1x128xi32, #tpu.memory_space<hbm>>
          %dma_start3A_301 = tpu.memref_slice %run_scoped3A_34[%rem3A_292] : memref<2x!tpu.dma_semaphore, #tpu.memory_space<semaphore_mem>> -> memref<1x!tpu.dma_semaphore, #tpu.memory_space<semaphore_mem>>
          %dma_start3A_302 = tpu.memref_squeeze %dma_start3A_301 : memref<1x!tpu.dma_semaphore, #tpu.memory_space<semaphore_mem>> -> memref<!tpu.dma_semaphore, #tpu.memory_space<semaphore_mem>>
          %dma_start3A_303 = arith.constant 0 : i32
          %dma_start3A_304 = arith.constant 0 : i32
          %dma_start3A_305 = tpu.memref_slice %run_scoped3A[%rem3A_292, %dma_start3A_303, %dma_start3A_304] : memref<2x1x128xi32, #tpu.memory_space<vmem>> -> memref<1x1x128xi32, #tpu.memory_space<vmem>>
          %dma_start3A_306 = tpu.memref_squeeze %dma_start3A_305 : memref<1x1x128xi32, #tpu.memory_space<vmem>> -> memref<1x128xi32, #tpu.memory_space<vmem>>
          %dma_start3A_307 = arith.constant 0 : i32
          %dma_start3A_308 = tpu.memref_slice %arg5[%dma_start3A_307, %mul3A_294] : memref<1x65536xi32, #tpu.memory_space<hbm>> -> memref<1x128xi32, #tpu.memory_space<hbm>>
          tpu.enqueue_dma source(%dma_start3A_308 : memref<1x128xi32, #tpu.memory_space<hbm>>) target(%dma_start3A_306 : memref<1x128xi32, #tpu.memory_space<vmem>>) target_semaphore(%dma_start3A_302 : memref<!tpu.dma_semaphore, #tpu.memory_space<semaphore_mem>>)
          "tpu.trace_stop"() : () -> ()
        } else {
        }
        %and3A_190 = arith.constant true
        %and3A_191 = arith.andi %and3A, %and3A_190 : i1
        %add3A_192 = arith.constant 1 : i32
        %add3A_193 = arith.addi %scan3A_149, %add3A_192 : i32
        %select_n3A_194 = arith.select %and3A_191, %add3A_193, %scan3A_149 : i32
        %ne3A_195 = arith.cmpi ne, %add3A_158, %add3A_176 : i32
        %or3A_196 = arith.constant false
        %or3A_197 = arith.ori %or3A_196, %ne3A_195 : i1
        %or3A_198 = arith.constant false
        %or3A_199 = arith.ori %or3A_197, %or3A_198 : i1
        %ge3A_200 = arith.constant 15 : i32
        %ge3A_201 = arith.cmpi sge, %scan3A_148, %ge3A_200 : i32
        %not3A_202 = arith.constant true
        %not3A_203 = arith.xori %ge3A_201, %not3A_202 : i1
        %and3A_204 = arith.andi %or3A_199, %not3A_203 : i1
        %ne3A_205 = arith.cmpi ne, %add3A_158, %add3A_167 : i32
        %or3A_206 = arith.constant false
        %or3A_207 = arith.ori %or3A_206, %ne3A_205 : i1
        %or3A_208 = arith.ori %or3A_207, %eq3A_155 : i1
        %convert_element_type3A_209 = arith.extui %or3A_208 : i1 to i32
        %cond3A_210 = arith.constant 0 : i32
        %cond3A_211 = arith.cmpi ne, %convert_element_type3A_209, %cond3A_210 : i32
        scf.if %cond3A_211 {
          "tpu.trace_start"() <{level = 10 : i32, message = "ep_wait_in"}> : () -> ()
          %mul3A_291 = arith.constant 128 : i32
          %mul3A_292 = arith.muli %mul3A_291, %add3A_158 : i32
          %rem3A_293 = arith.constant 2 : i32
          %rem3A_294 = arith.remui %scan3A_150, %rem3A_293 : i32
          %dma_wait3A_295 = arith.constant 0 : i32
          %dma_wait3A_296 = arith.constant 0 : i32
          %dma_wait3A_297 = tpu.memref_slice %run_scoped3A[%rem3A_294, %dma_wait3A_295, %dma_wait3A_296] : memref<2x1x128xi32, #tpu.memory_space<vmem>> -> memref<1x1x128xi32, #tpu.memory_space<vmem>>
          %dma_wait3A_298 = tpu.memref_squeeze %dma_wait3A_297 : memref<1x1x128xi32, #tpu.memory_space<vmem>> -> memref<1x128xi32, #tpu.memory_space<vmem>>
          %dma_wait3A_299 = arith.constant 0 : i32
          %dma_wait3A_300 = tpu.memref_slice %arg5[%dma_wait3A_299, %mul3A_292] : memref<1x65536xi32, #tpu.memory_space<hbm>> -> memref<1x128xi32, #tpu.memory_space<hbm>>
          %dma_wait3A_301 = tpu.memref_slice %run_scoped3A_34[%rem3A_294] : memref<2x!tpu.dma_semaphore, #tpu.memory_space<semaphore_mem>> -> memref<1x!tpu.dma_semaphore, #tpu.memory_space<semaphore_mem>>
          %dma_wait3A_302 = tpu.memref_squeeze %dma_wait3A_301 : memref<1x!tpu.dma_semaphore, #tpu.memory_space<semaphore_mem>> -> memref<!tpu.dma_semaphore, #tpu.memory_space<semaphore_mem>>
          %dma_wait3A_303 = arith.constant 0 : i32
          %dma_wait3A_304 = arith.constant 0 : i32
          %dma_wait3A_305 = tpu.memref_slice %run_scoped3A[%rem3A_294, %dma_wait3A_303, %dma_wait3A_304] : memref<2x1x128xi32, #tpu.memory_space<vmem>> -> memref<1x1x128xi32, #tpu.memory_space<vmem>>
          %dma_wait3A_306 = tpu.memref_squeeze %dma_wait3A_305 : memref<1x1x128xi32, #tpu.memory_space<vmem>> -> memref<1x128xi32, #tpu.memory_space<vmem>>
          %dma_wait3A_307 = arith.constant 0 : i32
          %dma_wait3A_308 = tpu.memref_slice %arg5[%dma_wait3A_307, %mul3A_292] : memref<1x65536xi32, #tpu.memory_space<hbm>> -> memref<1x128xi32, #tpu.memory_space<hbm>>
          tpu.wait_dma2 semaphore(%dma_wait3A_302 : memref<!tpu.dma_semaphore, #tpu.memory_space<semaphore_mem>>) src(%dma_wait3A_308 : memref<1x128xi32, #tpu.memory_space<hbm>>) dst(%dma_wait3A_306 : memref<1x128xi32, #tpu.memory_space<vmem>>)
          "tpu.trace_stop"() : () -> ()
        } else {
        }
        %ne3A_212 = arith.cmpi ne, %add3A_158, %add3A_167 : i32
        %or3A_213 = arith.constant false
        %or3A_214 = arith.ori %or3A_213, %ne3A_212 : i1
        %or3A_215 = arith.constant false
        %or3A_216 = arith.ori %or3A_214, %or3A_215 : i1
        %or3A_217 = arith.ori %or3A_216, %eq3A_155 : i1
        %convert_element_type3A_218 = arith.extui %or3A_217 : i1 to i32
        %cond3A_219 = arith.constant 0 : i32
        %cond3A_220 = arith.cmpi ne, %convert_element_type3A_218, %cond3A_219 : i32
        scf.if %cond3A_220 {
        } else {
        }
        %rem3A_221 = arith.constant 2 : i32
        %rem3A_222 = arith.remui %scan3A_150, %rem3A_221 : i32
        %rem3A_223 = arith.constant 2 : i32
        %rem3A_224 = arith.remui %scan3A_151, %rem3A_223 : i32
        %run_scoped3A_225 = arith.constant 0 : i32
        "tpu.trace_start"() <{level = 10 : i32, message = "ep_run_kernel"}> : () -> ()
        "tpu.region"() ({
          %run_scoped3A_291 = tpu.sem_alloc : memref<!tpu.dma_semaphore, #tpu.memory_space<semaphore_mem>>
          %dma_start3A_292 = arith.constant 0 : i32
          %dma_start3A_293 = arith.constant 0 : i32
          %dma_start3A_294 = tpu.memref_slice %run_scoped3A_35[%rem3A_224, %dma_start3A_292, %dma_start3A_293] : memref<2x128x16xf32, #tpu.memory_space<vmem>> -> memref<1x128x16xf32, #tpu.memory_space<vmem>>
          %dma_start3A_295 = tpu.memref_squeeze %dma_start3A_294 : memref<1x128x16xf32, #tpu.memory_space<vmem>> -> memref<128x16xf32, #tpu.memory_space<vmem>>
          %dma_start3A_296 = arith.constant 0 : i32
          %dma_start3A_297 = arith.constant 0 : i32
          %dma_start3A_298 = tpu.memref_slice %run_scoped3A[%rem3A_222, %dma_start3A_296, %dma_start3A_297] : memref<2x1x128xi32, #tpu.memory_space<vmem>> -> memref<1x1x128xi32, #tpu.memory_space<vmem>>
          %dma_start3A_299 = tpu.memref_squeeze %dma_start3A_298 : memref<1x1x128xi32, #tpu.memory_space<vmem>> -> memref<1x128xi32, #tpu.memory_space<vmem>>
          %dma_start3A_300 = arith.constant 0 : i32
          %dma_start3A_301 = tpu.memref_slice %dma_start3A_299[%run_scoped3A_225, %dma_start3A_300] : memref<1x128xi32, #tpu.memory_space<vmem>> -> memref<1x128xi32, #tpu.memory_space<vmem>>
          %dma_start3A_302 = tpu.memref_squeeze %dma_start3A_301 : memref<1x128xi32, #tpu.memory_space<vmem>> -> memref<128xi32, #tpu.memory_space<vmem>>
          %dma_start3A_303 = arith.constant 0 : i32
          %dma_start3A_304 = arith.constant 0 : i32
          %dma_start3A_305 = tpu.memref_slice %arg2[%dma_start3A_303, %dma_start3A_304] : memref<1007616x16xf32, #tpu.memory_space<hbm>> -> memref<1007616x16xf32, #tpu.memory_space<hbm>>
          tpu.enqueue_indirect_dma source(%dma_start3A_305 : memref<1007616x16xf32, #tpu.memory_space<hbm>>) target(%dma_start3A_295 : memref<128x16xf32, #tpu.memory_space<vmem>>) offsets(%dma_start3A_302 : memref<128xi32, #tpu.memory_space<vmem>>) semaphore(%run_scoped3A_291 : memref<!tpu.dma_semaphore, #tpu.memory_space<semaphore_mem>>)
          %dma_wait3A_306 = arith.constant 0 : i32
          %dma_wait3A_307 = arith.constant 0 : i32
          %dma_wait3A_308 = tpu.memref_slice %run_scoped3A_35[%rem3A_224, %dma_wait3A_306, %dma_wait3A_307] : memref<2x128x16xf32, #tpu.memory_space<vmem>> -> memref<1x128x16xf32, #tpu.memory_space<vmem>>
          %dma_wait3A_309 = tpu.memref_squeeze %dma_wait3A_308 : memref<1x128x16xf32, #tpu.memory_space<vmem>> -> memref<128x16xf32, #tpu.memory_space<vmem>>
          %dma_wait3A_310 = arith.constant 0 : i32
          %dma_wait3A_311 = arith.constant 0 : i32
          %dma_wait3A_312 = tpu.memref_slice %run_scoped3A[%rem3A_222, %dma_wait3A_310, %dma_wait3A_311] : memref<2x1x128xi32, #tpu.memory_space<vmem>> -> memref<1x1x128xi32, #tpu.memory_space<vmem>>
          %dma_wait3A_313 = tpu.memref_squeeze %dma_wait3A_312 : memref<1x1x128xi32, #tpu.memory_space<vmem>> -> memref<1x128xi32, #tpu.memory_space<vmem>>
          %dma_wait3A_314 = arith.constant 0 : i32
          %dma_wait3A_315 = tpu.memref_slice %dma_wait3A_313[%run_scoped3A_225, %dma_wait3A_314] : memref<1x128xi32, #tpu.memory_space<vmem>> -> memref<1x128xi32, #tpu.memory_space<vmem>>
          %dma_wait3A_316 = tpu.memref_squeeze %dma_wait3A_315 : memref<1x128xi32, #tpu.memory_space<vmem>> -> memref<128xi32, #tpu.memory_space<vmem>>
          %dma_wait3A_317 = arith.constant 0 : i32
          %dma_wait3A_318 = arith.constant 0 : i32
          %dma_wait3A_319 = tpu.memref_slice %arg2[%dma_wait3A_317, %dma_wait3A_318] : memref<1007616x16xf32, #tpu.memory_space<hbm>> -> memref<1007616x16xf32, #tpu.memory_space<hbm>>
          tpu.wait_indirect_dma semaphore(%run_scoped3A_291 : memref<!tpu.dma_semaphore, #tpu.memory_space<semaphore_mem>>) src(%dma_wait3A_319 : memref<1007616x16xf32, #tpu.memory_space<hbm>>) dst(%dma_wait3A_309 : memref<128x16xf32, #tpu.memory_space<vmem>>)
          tpu.yield
        }) : () -> ()
        "tpu.trace_stop"() : () -> ()
        %ne3A_226 = arith.cmpi ne, %add3A_158, %add3A_176 : i32
        %or3A_227 = arith.constant false
        %or3A_228 = arith.ori %or3A_227, %ne3A_226 : i1
        %or3A_229 = arith.ori %or3A_228, %eq3A_157 : i1
        %convert_element_type3A_230 = arith.extui %or3A_229 : i1 to i32
        %cond3A_231 = arith.constant 0 : i32
        %cond3A_232 = arith.cmpi ne, %convert_element_type3A_230, %cond3A_231 : i32
        scf.if %cond3A_232 {
        } else {
        }
        %and3A_233 = arith.constant false
        %and3A_234 = arith.andi %or3A_229, %and3A_233 : i1
        %ne3A_235 = arith.cmpi ne, %add3A_158, %add3A_176 : i32
        %or3A_236 = arith.constant false
        %or3A_237 = arith.ori %or3A_236, %ne3A_235 : i1
        %or3A_238 = arith.constant false
        %or3A_239 = arith.ori %or3A_237, %or3A_238 : i1
        %or3A_240 = arith.ori %or3A_239, %eq3A_157 : i1
        %convert_element_type3A_241 = arith.extui %or3A_240 : i1 to i32
        %cond3A_242 = arith.constant 0 : i32
        %cond3A_243 = arith.cmpi ne, %convert_element_type3A_241, %cond3A_242 : i32
        scf.if %cond3A_243 {
          "tpu.trace_start"() <{level = 10 : i32, message = "ep_copy_out"}> : () -> ()
          %rem3A_291 = arith.constant 2 : i32
          %rem3A_292 = arith.remui %scan3A_151, %rem3A_291 : i32
          %mul3A_293 = arith.constant 128 : i32
          %mul3A_294 = arith.muli %mul3A_293, %add3A_158 : i32
          %dma_start3A_295 = arith.constant 0 : i32
          %dma_start3A_296 = arith.constant 0 : i32
          %dma_start3A_297 = tpu.memref_slice %run_scoped3A_35[%rem3A_292, %dma_start3A_295, %dma_start3A_296] : memref<2x128x16xf32, #tpu.memory_space<vmem>> -> memref<1x128x16xf32, #tpu.memory_space<vmem>>
          %dma_start3A_298 = tpu.memref_squeeze %dma_start3A_297 : memref<1x128x16xf32, #tpu.memory_space<vmem>> -> memref<128x16xf32, #tpu.memory_space<vmem>>
          %dma_start3A_299 = arith.constant 0 : i32
          %dma_start3A_300 = tpu.memref_slice %arg9[%mul3A_294, %dma_start3A_299] : memref<65536x16xf32, #tpu.memory_space<hbm>> -> memref<128x16xf32, #tpu.memory_space<hbm>>
          %dma_start3A_301 = tpu.memref_slice %run_scoped3A_36[%rem3A_292] : memref<2x!tpu.dma_semaphore, #tpu.memory_space<semaphore_mem>> -> memref<1x!tpu.dma_semaphore, #tpu.memory_space<semaphore_mem>>
          %dma_start3A_302 = tpu.memref_squeeze %dma_start3A_301 : memref<1x!tpu.dma_semaphore, #tpu.memory_space<semaphore_mem>> -> memref<!tpu.dma_semaphore, #tpu.memory_space<semaphore_mem>>
          %dma_start3A_303 = arith.constant 0 : i32
          %dma_start3A_304 = tpu.memref_slice %arg9[%mul3A_294, %dma_start3A_303] : memref<65536x16xf32, #tpu.memory_space<hbm>> -> memref<128x16xf32, #tpu.memory_space<hbm>>
          %dma_start3A_305 = arith.constant 0 : i32
          %dma_start3A_306 = arith.constant 0 : i32
          %dma_start3A_307 = tpu.memref_slice %run_scoped3A_35[%rem3A_292, %dma_start3A_305, %dma_start3A_306] : memref<2x128x16xf32, #tpu.memory_space<vmem>> -> memref<1x128x16xf32, #tpu.memory_space<vmem>>
          %dma_start3A_308 = tpu.memref_squeeze %dma_start3A_307 : memref<1x128x16xf32, #tpu.memory_space<vmem>> -> memref<128x16xf32, #tpu.memory_space<vmem>>
          tpu.enqueue_dma source(%dma_start3A_308 : memref<128x16xf32, #tpu.memory_space<vmem>>) target(%dma_start3A_304 : memref<128x16xf32, #tpu.memory_space<hbm>>) target_semaphore(%dma_start3A_302 : memref<!tpu.dma_semaphore, #tpu.memory_space<semaphore_mem>>)
          "tpu.trace_stop"() : () -> ()
        } else {
        }
        %and3A_244 = arith.constant true
        %and3A_245 = arith.andi %or3A_240, %and3A_244 : i1
        %add3A_246 = arith.constant 1 : i32
        %add3A_247 = arith.addi %scan3A_151, %add3A_246 : i32
        %select_n3A_248 = arith.select %and3A_245, %add3A_247, %scan3A_151 : i32
        %ne3A_249 = arith.cmpi ne, %add3A_158, %add3A_167 : i32
        %or3A_250 = arith.constant false
        %or3A_251 = arith.ori %or3A_250, %ne3A_249 : i1
        %not3A_252 = arith.constant true
        %not3A_253 = arith.xori %eq3A_155, %not3A_252 : i1
        %and3A_254 = arith.andi %or3A_251, %not3A_253 : i1
        %convert_element_type3A_255 = arith.extui %and3A_254 : i1 to i32
        %cond3A_256 = arith.constant 0 : i32
        %cond3A_257 = arith.cmpi ne, %convert_element_type3A_255, %cond3A_256 : i32
        scf.if %cond3A_257 {
        } else {
        }
        %and3A_258 = arith.constant false
        %and3A_259 = arith.andi %and3A_254, %and3A_258 : i1
        %ne3A_260 = arith.cmpi ne, %add3A_158, %add3A_167 : i32
        %or3A_261 = arith.constant false
        %or3A_262 = arith.ori %or3A_261, %ne3A_260 : i1
        %or3A_263 = arith.constant false
        %or3A_264 = arith.ori %or3A_262, %or3A_263 : i1
        %not3A_265 = arith.constant true
        %not3A_266 = arith.xori %eq3A_155, %not3A_265 : i1
        %and3A_267 = arith.andi %or3A_264, %not3A_266 : i1
        %convert_element_type3A_268 = arith.extui %and3A_267 : i1 to i32
        %cond3A_269 = arith.constant 0 : i32
        %cond3A_270 = arith.cmpi ne, %convert_element_type3A_268, %cond3A_269 : i32
        scf.if %cond3A_270 {
          "tpu.trace_start"() <{level = 10 : i32, message = "ep_wait_out"}> : () -> ()
          %rem3A_291 = arith.constant 2 : i32
          %rem3A_292 = arith.remui %scan3A_152, %rem3A_291 : i32
          %mul3A_293 = arith.constant 128 : i32
          %mul3A_294 = arith.muli %mul3A_293, %add3A_167 : i32
          %dma_wait3A_295 = arith.constant 0 : i32
          %dma_wait3A_296 = arith.constant 0 : i32
          %dma_wait3A_297 = tpu.memref_slice %run_scoped3A_35[%rem3A_292, %dma_wait3A_295, %dma_wait3A_296] : memref<2x128x16xf32, #tpu.memory_space<vmem>> -> memref<1x128x16xf32, #tpu.memory_space<vmem>>
          %dma_wait3A_298 = tpu.memref_squeeze %dma_wait3A_297 : memref<1x128x16xf32, #tpu.memory_space<vmem>> -> memref<128x16xf32, #tpu.memory_space<vmem>>
          %dma_wait3A_299 = arith.constant 0 : i32
          %dma_wait3A_300 = tpu.memref_slice %arg9[%mul3A_294, %dma_wait3A_299] : memref<65536x16xf32, #tpu.memory_space<hbm>> -> memref<128x16xf32, #tpu.memory_space<hbm>>
          %dma_wait3A_301 = tpu.memref_slice %run_scoped3A_36[%rem3A_292] : memref<2x!tpu.dma_semaphore, #tpu.memory_space<semaphore_mem>> -> memref<1x!tpu.dma_semaphore, #tpu.memory_space<semaphore_mem>>
          %dma_wait3A_302 = tpu.memref_squeeze %dma_wait3A_301 : memref<1x!tpu.dma_semaphore, #tpu.memory_space<semaphore_mem>> -> memref<!tpu.dma_semaphore, #tpu.memory_space<semaphore_mem>>
          %dma_wait3A_303 = arith.constant 0 : i32
          %dma_wait3A_304 = tpu.memref_slice %arg9[%mul3A_294, %dma_wait3A_303] : memref<65536x16xf32, #tpu.memory_space<hbm>> -> memref<128x16xf32, #tpu.memory_space<hbm>>
          %dma_wait3A_305 = arith.constant 0 : i32
          %dma_wait3A_306 = arith.constant 0 : i32
          %dma_wait3A_307 = tpu.memref_slice %run_scoped3A_35[%rem3A_292, %dma_wait3A_305, %dma_wait3A_306] : memref<2x128x16xf32, #tpu.memory_space<vmem>> -> memref<1x128x16xf32, #tpu.memory_space<vmem>>
          %dma_wait3A_308 = tpu.memref_squeeze %dma_wait3A_307 : memref<1x128x16xf32, #tpu.memory_space<vmem>> -> memref<128x16xf32, #tpu.memory_space<vmem>>
          tpu.wait_dma2 semaphore(%dma_wait3A_302 : memref<!tpu.dma_semaphore, #tpu.memory_space<semaphore_mem>>) src(%dma_wait3A_308 : memref<128x16xf32, #tpu.memory_space<vmem>>) dst(%dma_wait3A_304 : memref<128x16xf32, #tpu.memory_space<hbm>>)
          "tpu.trace_stop"() : () -> ()
        } else {
        }
        %and3A_271 = arith.constant true
        %and3A_272 = arith.andi %and3A_267, %and3A_271 : i1
        %add3A_273 = arith.constant 1 : i32
        %add3A_274 = arith.addi %scan3A_152, %add3A_273 : i32
        %select_n3A_275 = arith.select %and3A_272, %add3A_274, %scan3A_152 : i32
        %ne3A_276 = arith.cmpi ne, %add3A_158, %add3A_176 : i32
        %or3A_277 = arith.constant false
        %or3A_278 = arith.ori %or3A_277, %ne3A_276 : i1
        %or3A_279 = arith.ori %or3A_278, %eq3A_157 : i1
        %add3A_280 = arith.constant 1 : i32
        %add3A_281 = arith.addi %scan3A_150, %add3A_280 : i32
        %select_n3A_282 = arith.select %or3A_279, %add3A_281, %scan3A_150 : i32
        %add3A_283 = arith.constant 1 : i32
        %add3A_284 = arith.addi %scan3A_153, %add3A_283 : i32
        %select_n3A_285 = arith.constant true
        %select_n3A_286 = arith.select %select_n3A_285, %add3A_284, %scan3A_153 : i32
        %eq3A_287 = arith.constant 16 : i32
        %eq3A_288 = arith.cmpi eq, %select_n3A_286, %eq3A_287 : i32
        %select_n3A_289 = arith.constant 0 : i32
        %select_n3A_290 = arith.select %eq3A_288, %select_n3A_289, %select_n3A_286 : i32
        scf.yield %select_n3A_194, %select_n3A_282, %select_n3A_248, %select_n3A_275, %select_n3A_290 : i32, i32, i32, i32, i32
      }
      %scan3A_95 = arith.constant 16 : i32
      %sub3A = arith.constant 1 : i32
      %sub3A_96 = arith.subi %scan3A_94#4, %sub3A : i32
      %select_n3A_97 = arith.constant true
      %select_n3A_98 = arith.select %select_n3A_97, %sub3A_96, %scan3A_94#4 : i32
      %eq3A_99 = arith.constant -1 : i32
      %eq3A_100 = arith.cmpi eq, %select_n3A_98, %eq3A_99 : i32
      %select_n3A_101 = arith.constant 15 : i32
      %select_n3A_102 = arith.select %eq3A_100, %select_n3A_101, %select_n3A_98 : i32
      %add3A_103 = arith.addi %select_n3A_102, %mul3A_24 : i32
      %sub3A_104 = arith.constant 1 : i32
      %sub3A_105 = arith.subi %select_n3A_102, %sub3A_104 : i32
      %select_n3A_106 = arith.constant true
      %select_n3A_107 = arith.select %select_n3A_106, %sub3A_105, %select_n3A_102 : i32
      %eq3A_108 = arith.constant -1 : i32
      %eq3A_109 = arith.cmpi eq, %select_n3A_107, %eq3A_108 : i32
      %select_n3A_110 = arith.constant 15 : i32
      %select_n3A_111 = arith.select %eq3A_109, %select_n3A_110, %select_n3A_107 : i32
      %add3A_112 = arith.addi %select_n3A_111, %mul3A_24 : i32
      %add3A_113 = arith.constant 1 : i32
      %add3A_114 = arith.addi %select_n3A_102, %add3A_113 : i32
      %select_n3A_115 = arith.constant true
      %select_n3A_116 = arith.select %select_n3A_115, %add3A_114, %select_n3A_102 : i32
      %eq3A_117 = arith.constant 16 : i32
      %eq3A_118 = arith.cmpi eq, %select_n3A_116, %eq3A_117 : i32
      %select_n3A_119 = arith.constant 0 : i32
      %select_n3A_120 = arith.select %eq3A_118, %select_n3A_119, %select_n3A_116 : i32
      %add3A_121 = arith.addi %select_n3A_120, %mul3A_24 : i32
      %add3A_122 = arith.constant 1 : i32
      %add3A_123 = arith.addi %select_n3A_120, %add3A_122 : i32
      %select_n3A_124 = arith.constant true
      %select_n3A_125 = arith.select %select_n3A_124, %add3A_123, %select_n3A_120 : i32
      %eq3A_126 = arith.constant 16 : i32
      %eq3A_127 = arith.cmpi eq, %select_n3A_125, %eq3A_126 : i32
      %select_n3A_128 = arith.constant 0 : i32
      %select_n3A_129 = arith.select %eq3A_127, %select_n3A_128, %select_n3A_125 : i32
      %add3A_130 = arith.addi %select_n3A_129, %mul3A_24 : i32
      "tpu.trace_start"() <{level = 10 : i32, message = "ep_finalize"}> : () -> ()
      %rem3A_131 = arith.constant 2 : i32
      %rem3A_132 = arith.remui %scan3A_94#3, %rem3A_131 : i32
      %mul3A_133 = arith.constant 128 : i32
      %mul3A_134 = arith.muli %mul3A_133, %add3A_103 : i32
      %dma_wait3A = arith.constant 0 : i32
      %dma_wait3A_135 = arith.constant 0 : i32
      %dma_wait3A_136 = tpu.memref_slice %run_scoped3A_35[%rem3A_132, %dma_wait3A, %dma_wait3A_135] : memref<2x128x16xf32, #tpu.memory_space<vmem>> -> memref<1x128x16xf32, #tpu.memory_space<vmem>>
      %dma_wait3A_137 = tpu.memref_squeeze %dma_wait3A_136 : memref<1x128x16xf32, #tpu.memory_space<vmem>> -> memref<128x16xf32, #tpu.memory_space<vmem>>
      %dma_wait3A_138 = arith.constant 0 : i32
      %dma_wait3A_139 = tpu.memref_slice %arg9[%mul3A_134, %dma_wait3A_138] : memref<65536x16xf32, #tpu.memory_space<hbm>> -> memref<128x16xf32, #tpu.memory_space<hbm>>
      %dma_wait3A_140 = tpu.memref_slice %run_scoped3A_36[%rem3A_132] : memref<2x!tpu.dma_semaphore, #tpu.memory_space<semaphore_mem>> -> memref<1x!tpu.dma_semaphore, #tpu.memory_space<semaphore_mem>>
      %dma_wait3A_141 = tpu.memref_squeeze %dma_wait3A_140 : memref<1x!tpu.dma_semaphore, #tpu.memory_space<semaphore_mem>> -> memref<!tpu.dma_semaphore, #tpu.memory_space<semaphore_mem>>
      %dma_wait3A_142 = arith.constant 0 : i32
      %dma_wait3A_143 = tpu.memref_slice %arg9[%mul3A_134, %dma_wait3A_142] : memref<65536x16xf32, #tpu.memory_space<hbm>> -> memref<128x16xf32, #tpu.memory_space<hbm>>
      %dma_wait3A_144 = arith.constant 0 : i32
      %dma_wait3A_145 = arith.constant 0 : i32
      %dma_wait3A_146 = tpu.memref_slice %run_scoped3A_35[%rem3A_132, %dma_wait3A_144, %dma_wait3A_145] : memref<2x128x16xf32, #tpu.memory_space<vmem>> -> memref<1x128x16xf32, #tpu.memory_space<vmem>>
      %dma_wait3A_147 = tpu.memref_squeeze %dma_wait3A_146 : memref<1x128x16xf32, #tpu.memory_space<vmem>> -> memref<128x16xf32, #tpu.memory_space<vmem>>
      tpu.wait_dma2 semaphore(%dma_wait3A_141 : memref<!tpu.dma_semaphore, #tpu.memory_space<semaphore_mem>>) src(%dma_wait3A_147 : memref<128x16xf32, #tpu.memory_space<vmem>>) dst(%dma_wait3A_143 : memref<128x16xf32, #tpu.memory_space<hbm>>)
      "tpu.trace_stop"() : () -> ()
      tpu.yield
    }) : () -> ()
    %mul3A_25 = arith.constant 1 : i32
    %mul3A_26 = arith.muli %arg1, %mul3A_25 : i32
    %add3A_27 = arith.constant 0 : i32
    %add3A_28 = arith.addi %add3A_27, %mul3A_26 : i32
    %mul3A_29 = arith.constant 16 : i32
    %mul3A_30 = arith.muli %arg0, %mul3A_29 : i32
    %add3A_31 = arith.addi %add3A_28, %mul3A_30 : i32
    %mul3A_32 = arith.constant 4 : i32
    %mul3A_33 = arith.muli %add3A_31, %mul3A_32 : i32
    "tpu.region"() ({
      %run_scoped3A = memref.alloca() : memref<2x1x128xi32, #tpu.memory_space<vmem>>
      %run_scoped3A_34 = tpu.sem_alloc : memref<2x!tpu.dma_semaphore, #tpu.memory_space<semaphore_mem>>
      %run_scoped3A_35 = memref.alloca() : memref<2x128x16xf32, #tpu.memory_space<vmem>>
      %run_scoped3A_36 = tpu.sem_alloc : memref<2x!tpu.dma_semaphore, #tpu.memory_space<semaphore_mem>>
      %add3A_37 = arith.constant 0 : i32
      %add3A_38 = arith.addi %add3A_37, %mul3A_33 : i32
      %select_n3A = arith.constant true
      %select_n3A_39 = arith.constant 0 : i32
      %select_n3A_40 = arith.constant -1 : i32
      %select_n3A_41 = arith.select %select_n3A, %select_n3A_40, %select_n3A_39 : i32
      %eq3A = arith.constant -1 : i32
      %eq3A_42 = arith.cmpi eq, %select_n3A_41, %eq3A : i32
      %select_n3A_43 = arith.constant 3 : i32
      %select_n3A_44 = arith.select %eq3A_42, %select_n3A_43, %select_n3A_41 : i32
      %add3A_45 = arith.addi %select_n3A_44, %mul3A_33 : i32
      %select_n3A_46 = arith.constant true
      %select_n3A_47 = arith.constant 0 : i32
      %select_n3A_48 = arith.constant 1 : i32
      %select_n3A_49 = arith.select %select_n3A_46, %select_n3A_48, %select_n3A_47 : i32
      %eq3A_50 = arith.constant 4 : i32
      %eq3A_51 = arith.cmpi eq, %select_n3A_49, %eq3A_50 : i32
      %select_n3A_52 = arith.constant 0 : i32
      %select_n3A_53 = arith.select %eq3A_51, %select_n3A_52, %select_n3A_49 : i32
      %add3A_54 = arith.addi %select_n3A_53, %mul3A_33 : i32
      %add3A_55 = arith.constant 1 : i32
      %add3A_56 = arith.addi %select_n3A_53, %add3A_55 : i32
      %select_n3A_57 = arith.constant true
      %select_n3A_58 = arith.select %select_n3A_57, %add3A_56, %select_n3A_53 : i32
      %eq3A_59 = arith.constant 4 : i32
      %eq3A_60 = arith.cmpi eq, %select_n3A_58, %eq3A_59 : i32
      %select_n3A_61 = arith.constant 0 : i32
      %select_n3A_62 = arith.select %eq3A_60, %select_n3A_61, %select_n3A_58 : i32
      %add3A_63 = arith.addi %select_n3A_62, %mul3A_33 : i32
      "tpu.trace_start"() <{level = 10 : i32, message = "ep_initialize_0"}> : () -> ()
      %rem3A = arith.constant 0 : i32
      %rem3A_64 = arith.constant 2 : i32
      %rem3A_65 = arith.remui %rem3A, %rem3A_64 : i32
      %mul3A_66 = arith.constant 128 : i32
      %mul3A_67 = arith.muli %mul3A_66, %add3A_38 : i32
      %dma_start3A = arith.constant 0 : i32
      %dma_start3A_68 = arith.constant 0 : i32
      %dma_start3A_69 = tpu.memref_slice %run_scoped3A[%rem3A_65, %dma_start3A, %dma_start3A_68] : memref<2x1x128xi32, #tpu.memory_space<vmem>> -> memref<1x1x128xi32, #tpu.memory_space<vmem>>
      %dma_start3A_70 = tpu.memref_squeeze %dma_start3A_69 : memref<1x1x128xi32, #tpu.memory_space<vmem>> -> memref<1x128xi32, #tpu.memory_space<vmem>>
      %dma_start3A_71 = arith.constant 0 : i32
      %dma_start3A_72 = tpu.memref_slice %arg6[%dma_start3A_71, %mul3A_67] : memref<1x16384xi32, #tpu.memory_space<hbm>> -> memref<1x128xi32, #tpu.memory_space<hbm>>
      %dma_start3A_73 = tpu.memref_slice %run_scoped3A_34[%rem3A_65] : memref<2x!tpu.dma_semaphore, #tpu.memory_space<semaphore_mem>> -> memref<1x!tpu.dma_semaphore, #tpu.memory_space<semaphore_mem>>
      %dma_start3A_74 = tpu.memref_squeeze %dma_start3A_73 : memref<1x!tpu.dma_semaphore, #tpu.memory_space<semaphore_mem>> -> memref<!tpu.dma_semaphore, #tpu.memory_space<semaphore_mem>>
      %dma_start3A_75 = arith.constant 0 : i32
      %dma_start3A_76 = arith.constant 0 : i32
      %dma_start3A_77 = tpu.memref_slice %run_scoped3A[%rem3A_65, %dma_start3A_75, %dma_start3A_76] : memref<2x1x128xi32, #tpu.memory_space<vmem>> -> memref<1x1x128xi32, #tpu.memory_space<vmem>>
      %dma_start3A_78 = tpu.memref_squeeze %dma_start3A_77 : memref<1x1x128xi32, #tpu.memory_space<vmem>> -> memref<1x128xi32, #tpu.memory_space<vmem>>
      %dma_start3A_79 = arith.constant 0 : i32
      %dma_start3A_80 = tpu.memref_slice %arg6[%dma_start3A_79, %mul3A_67] : memref<1x16384xi32, #tpu.memory_space<hbm>> -> memref<1x128xi32, #tpu.memory_space<hbm>>
      tpu.enqueue_dma source(%dma_start3A_80 : memref<1x128xi32, #tpu.memory_space<hbm>>) target(%dma_start3A_78 : memref<1x128xi32, #tpu.memory_space<vmem>>) target_semaphore(%dma_start3A_74 : memref<!tpu.dma_semaphore, #tpu.memory_space<semaphore_mem>>)
      %add3A_81 = arith.constant 0 : i32
      %add3A_82 = arith.constant 1 : i32
      %add3A_83 = arith.addi %add3A_81, %add3A_82 : i32
      %select_n3A_84 = arith.constant true
      %select_n3A_85 = arith.constant 0 : i32
      %select_n3A_86 = arith.select %select_n3A_84, %add3A_83, %select_n3A_85 : i32
      "tpu.trace_stop"() : () -> ()
      %scan3A = arith.constant 0 : i32
      %scan3A_87 = arith.constant 0 : i32
      %scan3A_88 = arith.constant 0 : i32
      %scan3A_89 = arith.constant 0 : i32
      %scan3A_90 = arith.constant 0 : i32
      %scan3A_91 = arith.constant 4 : i32
      %scan3A_92 = arith.addi %scan3A_90, %scan3A_91 : i32
      %scan3A_93 = arith.constant 1 : i32
      %scan3A_94:5 = scf.for %scan3A_148 = %scan3A_90 to %scan3A_92 step %scan3A_93 iter_args(%scan3A_149 = %select_n3A_86, %scan3A_150 = %scan3A, %scan3A_151 = %scan3A_87, %scan3A_152 = %scan3A_88, %scan3A_153 = %scan3A_89) -> (i32, i32, i32, i32, i32)  : i32 {
        %eq3A_154 = arith.constant 0 : i32
        %eq3A_155 = arith.cmpi eq, %scan3A_148, %eq3A_154 : i32
        %eq3A_156 = arith.constant 3 : i32
        %eq3A_157 = arith.cmpi eq, %scan3A_148, %eq3A_156 : i32
        %add3A_158 = arith.addi %scan3A_153, %mul3A_33 : i32
        %sub3A_159 = arith.constant 1 : i32
        %sub3A_160 = arith.subi %scan3A_153, %sub3A_159 : i32
        %select_n3A_161 = arith.constant true
        %select_n3A_162 = arith.select %select_n3A_161, %sub3A_160, %scan3A_153 : i32
        %eq3A_163 = arith.constant -1 : i32
        %eq3A_164 = arith.cmpi eq, %select_n3A_162, %eq3A_163 : i32
        %select_n3A_165 = arith.constant 3 : i32
        %select_n3A_166 = arith.select %eq3A_164, %select_n3A_165, %select_n3A_162 : i32
        %add3A_167 = arith.addi %select_n3A_166, %mul3A_33 : i32
        %add3A_168 = arith.constant 1 : i32
        %add3A_169 = arith.addi %scan3A_153, %add3A_168 : i32
        %select_n3A_170 = arith.constant true
        %select_n3A_171 = arith.select %select_n3A_170, %add3A_169, %scan3A_153 : i32
        %eq3A_172 = arith.constant 4 : i32
        %eq3A_173 = arith.cmpi eq, %select_n3A_171, %eq3A_172 : i32
        %select_n3A_174 = arith.constant 0 : i32
        %select_n3A_175 = arith.select %eq3A_173, %select_n3A_174, %select_n3A_171 : i32
        %add3A_176 = arith.addi %select_n3A_175, %mul3A_33 : i32
        %add3A_177 = arith.constant 1 : i32
        %add3A_178 = arith.addi %select_n3A_175, %add3A_177 : i32
        %select_n3A_179 = arith.constant true
        %select_n3A_180 = arith.select %select_n3A_179, %add3A_178, %select_n3A_175 : i32
        %eq3A_181 = arith.constant 4 : i32
        %eq3A_182 = arith.cmpi eq, %select_n3A_180, %eq3A_181 : i32
        %select_n3A_183 = arith.constant 0 : i32
        %select_n3A_184 = arith.select %eq3A_182, %select_n3A_183, %select_n3A_180 : i32
        %add3A_185 = arith.addi %select_n3A_184, %mul3A_33 : i32
        %ne3A = arith.cmpi ne, %add3A_158, %add3A_176 : i32
        %or3A = arith.constant false
        %or3A_186 = arith.ori %or3A, %ne3A : i1
        %ge3A = arith.constant 3 : i32
        %ge3A_187 = arith.cmpi sge, %scan3A_148, %ge3A : i32
        %not3A = arith.constant true
        %not3A_188 = arith.xori %ge3A_187, %not3A : i1
        %and3A = arith.andi %or3A_186, %not3A_188 : i1
        %convert_element_type3A = arith.extui %and3A : i1 to i32
        %cond3A = arith.constant 0 : i32
        %cond3A_189 = arith.cmpi ne, %convert_element_type3A, %cond3A : i32
        scf.if %cond3A_189 {
          "tpu.trace_start"() <{level = 10 : i32, message = "ep_copy_in"}> : () -> ()
          %rem3A_291 = arith.constant 2 : i32
          %rem3A_292 = arith.remui %scan3A_149, %rem3A_291 : i32
          %mul3A_293 = arith.constant 128 : i32
          %mul3A_294 = arith.muli %mul3A_293, %add3A_176 : i32
          %dma_start3A_295 = arith.constant 0 : i32
          %dma_start3A_296 = arith.constant 0 : i32
          %dma_start3A_297 = tpu.memref_slice %run_scoped3A[%rem3A_292, %dma_start3A_295, %dma_start3A_296] : memref<2x1x128xi32, #tpu.memory_space<vmem>> -> memref<1x1x128xi32, #tpu.memory_space<vmem>>
          %dma_start3A_298 = tpu.memref_squeeze %dma_start3A_297 : memref<1x1x128xi32, #tpu.memory_space<vmem>> -> memref<1x128xi32, #tpu.memory_space<vmem>>
          %dma_start3A_299 = arith.constant 0 : i32
          %dma_start3A_300 = tpu.memref_slice %arg6[%dma_start3A_299, %mul3A_294] : memref<1x16384xi32, #tpu.memory_space<hbm>> -> memref<1x128xi32, #tpu.memory_space<hbm>>
          %dma_start3A_301 = tpu.memref_slice %run_scoped3A_34[%rem3A_292] : memref<2x!tpu.dma_semaphore, #tpu.memory_space<semaphore_mem>> -> memref<1x!tpu.dma_semaphore, #tpu.memory_space<semaphore_mem>>
          %dma_start3A_302 = tpu.memref_squeeze %dma_start3A_301 : memref<1x!tpu.dma_semaphore, #tpu.memory_space<semaphore_mem>> -> memref<!tpu.dma_semaphore, #tpu.memory_space<semaphore_mem>>
          %dma_start3A_303 = arith.constant 0 : i32
          %dma_start3A_304 = arith.constant 0 : i32
          %dma_start3A_305 = tpu.memref_slice %run_scoped3A[%rem3A_292, %dma_start3A_303, %dma_start3A_304] : memref<2x1x128xi32, #tpu.memory_space<vmem>> -> memref<1x1x128xi32, #tpu.memory_space<vmem>>
          %dma_start3A_306 = tpu.memref_squeeze %dma_start3A_305 : memref<1x1x128xi32, #tpu.memory_space<vmem>> -> memref<1x128xi32, #tpu.memory_space<vmem>>
          %dma_start3A_307 = arith.constant 0 : i32
          %dma_start3A_308 = tpu.memref_slice %arg6[%dma_start3A_307, %mul3A_294] : memref<1x16384xi32, #tpu.memory_space<hbm>> -> memref<1x128xi32, #tpu.memory_space<hbm>>
          tpu.enqueue_dma source(%dma_start3A_308 : memref<1x128xi32, #tpu.memory_space<hbm>>) target(%dma_start3A_306 : memref<1x128xi32, #tpu.memory_space<vmem>>) target_semaphore(%dma_start3A_302 : memref<!tpu.dma_semaphore, #tpu.memory_space<semaphore_mem>>)
          "tpu.trace_stop"() : () -> ()
        } else {
        }
        %and3A_190 = arith.constant true
        %and3A_191 = arith.andi %and3A, %and3A_190 : i1
        %add3A_192 = arith.constant 1 : i32
        %add3A_193 = arith.addi %scan3A_149, %add3A_192 : i32
        %select_n3A_194 = arith.select %and3A_191, %add3A_193, %scan3A_149 : i32
        %ne3A_195 = arith.cmpi ne, %add3A_158, %add3A_176 : i32
        %or3A_196 = arith.constant false
        %or3A_197 = arith.ori %or3A_196, %ne3A_195 : i1
        %or3A_198 = arith.constant false
        %or3A_199 = arith.ori %or3A_197, %or3A_198 : i1
        %ge3A_200 = arith.constant 3 : i32
        %ge3A_201 = arith.cmpi sge, %scan3A_148, %ge3A_200 : i32
        %not3A_202 = arith.constant true
        %not3A_203 = arith.xori %ge3A_201, %not3A_202 : i1
        %and3A_204 = arith.andi %or3A_199, %not3A_203 : i1
        %ne3A_205 = arith.cmpi ne, %add3A_158, %add3A_167 : i32
        %or3A_206 = arith.constant false
        %or3A_207 = arith.ori %or3A_206, %ne3A_205 : i1
        %or3A_208 = arith.ori %or3A_207, %eq3A_155 : i1
        %convert_element_type3A_209 = arith.extui %or3A_208 : i1 to i32
        %cond3A_210 = arith.constant 0 : i32
        %cond3A_211 = arith.cmpi ne, %convert_element_type3A_209, %cond3A_210 : i32
        scf.if %cond3A_211 {
          "tpu.trace_start"() <{level = 10 : i32, message = "ep_wait_in"}> : () -> ()
          %mul3A_291 = arith.constant 128 : i32
          %mul3A_292 = arith.muli %mul3A_291, %add3A_158 : i32
          %rem3A_293 = arith.constant 2 : i32
          %rem3A_294 = arith.remui %scan3A_150, %rem3A_293 : i32
          %dma_wait3A_295 = arith.constant 0 : i32
          %dma_wait3A_296 = arith.constant 0 : i32
          %dma_wait3A_297 = tpu.memref_slice %run_scoped3A[%rem3A_294, %dma_wait3A_295, %dma_wait3A_296] : memref<2x1x128xi32, #tpu.memory_space<vmem>> -> memref<1x1x128xi32, #tpu.memory_space<vmem>>
          %dma_wait3A_298 = tpu.memref_squeeze %dma_wait3A_297 : memref<1x1x128xi32, #tpu.memory_space<vmem>> -> memref<1x128xi32, #tpu.memory_space<vmem>>
          %dma_wait3A_299 = arith.constant 0 : i32
          %dma_wait3A_300 = tpu.memref_slice %arg6[%dma_wait3A_299, %mul3A_292] : memref<1x16384xi32, #tpu.memory_space<hbm>> -> memref<1x128xi32, #tpu.memory_space<hbm>>
          %dma_wait3A_301 = tpu.memref_slice %run_scoped3A_34[%rem3A_294] : memref<2x!tpu.dma_semaphore, #tpu.memory_space<semaphore_mem>> -> memref<1x!tpu.dma_semaphore, #tpu.memory_space<semaphore_mem>>
          %dma_wait3A_302 = tpu.memref_squeeze %dma_wait3A_301 : memref<1x!tpu.dma_semaphore, #tpu.memory_space<semaphore_mem>> -> memref<!tpu.dma_semaphore, #tpu.memory_space<semaphore_mem>>
          %dma_wait3A_303 = arith.constant 0 : i32
          %dma_wait3A_304 = arith.constant 0 : i32
          %dma_wait3A_305 = tpu.memref_slice %run_scoped3A[%rem3A_294, %dma_wait3A_303, %dma_wait3A_304] : memref<2x1x128xi32, #tpu.memory_space<vmem>> -> memref<1x1x128xi32, #tpu.memory_space<vmem>>
          %dma_wait3A_306 = tpu.memref_squeeze %dma_wait3A_305 : memref<1x1x128xi32, #tpu.memory_space<vmem>> -> memref<1x128xi32, #tpu.memory_space<vmem>>
          %dma_wait3A_307 = arith.constant 0 : i32
          %dma_wait3A_308 = tpu.memref_slice %arg6[%dma_wait3A_307, %mul3A_292] : memref<1x16384xi32, #tpu.memory_space<hbm>> -> memref<1x128xi32, #tpu.memory_space<hbm>>
          tpu.wait_dma2 semaphore(%dma_wait3A_302 : memref<!tpu.dma_semaphore, #tpu.memory_space<semaphore_mem>>) src(%dma_wait3A_308 : memref<1x128xi32, #tpu.memory_space<hbm>>) dst(%dma_wait3A_306 : memref<1x128xi32, #tpu.memory_space<vmem>>)
          "tpu.trace_stop"() : () -> ()
        } else {
        }
        %ne3A_212 = arith.cmpi ne, %add3A_158, %add3A_167 : i32
        %or3A_213 = arith.constant false
        %or3A_214 = arith.ori %or3A_213, %ne3A_212 : i1
        %or3A_215 = arith.constant false
        %or3A_216 = arith.ori %or3A_214, %or3A_215 : i1
        %or3A_217 = arith.ori %or3A_216, %eq3A_155 : i1
        %convert_element_type3A_218 = arith.extui %or3A_217 : i1 to i32
        %cond3A_219 = arith.constant 0 : i32
        %cond3A_220 = arith.cmpi ne, %convert_element_type3A_218, %cond3A_219 : i32
        scf.if %cond3A_220 {
        } else {
        }
        %rem3A_221 = arith.constant 2 : i32
        %rem3A_222 = arith.remui %scan3A_150, %rem3A_221 : i32
        %rem3A_223 = arith.constant 2 : i32
        %rem3A_224 = arith.remui %scan3A_151, %rem3A_223 : i32
        %run_scoped3A_225 = arith.constant 0 : i32
        "tpu.trace_start"() <{level = 10 : i32, message = "ep_run_kernel"}> : () -> ()
        "tpu.region"() ({
          %run_scoped3A_291 = tpu.sem_alloc : memref<!tpu.dma_semaphore, #tpu.memory_space<semaphore_mem>>
          %dma_start3A_292 = arith.constant 0 : i32
          %dma_start3A_293 = arith.constant 0 : i32
          %dma_start3A_294 = tpu.memref_slice %run_scoped3A_35[%rem3A_224, %dma_start3A_292, %dma_start3A_293] : memref<2x128x16xf32, #tpu.memory_space<vmem>> -> memref<1x128x16xf32, #tpu.memory_space<vmem>>
          %dma_start3A_295 = tpu.memref_squeeze %dma_start3A_294 : memref<1x128x16xf32, #tpu.memory_space<vmem>> -> memref<128x16xf32, #tpu.memory_space<vmem>>
          %dma_start3A_296 = arith.constant 0 : i32
          %dma_start3A_297 = arith.constant 0 : i32
          %dma_start3A_298 = tpu.memref_slice %run_scoped3A[%rem3A_222, %dma_start3A_296, %dma_start3A_297] : memref<2x1x128xi32, #tpu.memory_space<vmem>> -> memref<1x1x128xi32, #tpu.memory_space<vmem>>
          %dma_start3A_299 = tpu.memref_squeeze %dma_start3A_298 : memref<1x1x128xi32, #tpu.memory_space<vmem>> -> memref<1x128xi32, #tpu.memory_space<vmem>>
          %dma_start3A_300 = arith.constant 0 : i32
          %dma_start3A_301 = tpu.memref_slice %dma_start3A_299[%run_scoped3A_225, %dma_start3A_300] : memref<1x128xi32, #tpu.memory_space<vmem>> -> memref<1x128xi32, #tpu.memory_space<vmem>>
          %dma_start3A_302 = tpu.memref_squeeze %dma_start3A_301 : memref<1x128xi32, #tpu.memory_space<vmem>> -> memref<128xi32, #tpu.memory_space<vmem>>
          %dma_start3A_303 = arith.constant 0 : i32
          %dma_start3A_304 = arith.constant 0 : i32
          %dma_start3A_305 = tpu.memref_slice %arg2[%dma_start3A_303, %dma_start3A_304] : memref<1007616x16xf32, #tpu.memory_space<hbm>> -> memref<1007616x16xf32, #tpu.memory_space<hbm>>
          tpu.enqueue_indirect_dma source(%dma_start3A_305 : memref<1007616x16xf32, #tpu.memory_space<hbm>>) target(%dma_start3A_295 : memref<128x16xf32, #tpu.memory_space<vmem>>) offsets(%dma_start3A_302 : memref<128xi32, #tpu.memory_space<vmem>>) semaphore(%run_scoped3A_291 : memref<!tpu.dma_semaphore, #tpu.memory_space<semaphore_mem>>)
          %dma_wait3A_306 = arith.constant 0 : i32
          %dma_wait3A_307 = arith.constant 0 : i32
          %dma_wait3A_308 = tpu.memref_slice %run_scoped3A_35[%rem3A_224, %dma_wait3A_306, %dma_wait3A_307] : memref<2x128x16xf32, #tpu.memory_space<vmem>> -> memref<1x128x16xf32, #tpu.memory_space<vmem>>
          %dma_wait3A_309 = tpu.memref_squeeze %dma_wait3A_308 : memref<1x128x16xf32, #tpu.memory_space<vmem>> -> memref<128x16xf32, #tpu.memory_space<vmem>>
          %dma_wait3A_310 = arith.constant 0 : i32
          %dma_wait3A_311 = arith.constant 0 : i32
          %dma_wait3A_312 = tpu.memref_slice %run_scoped3A[%rem3A_222, %dma_wait3A_310, %dma_wait3A_311] : memref<2x1x128xi32, #tpu.memory_space<vmem>> -> memref<1x1x128xi32, #tpu.memory_space<vmem>>
          %dma_wait3A_313 = tpu.memref_squeeze %dma_wait3A_312 : memref<1x1x128xi32, #tpu.memory_space<vmem>> -> memref<1x128xi32, #tpu.memory_space<vmem>>
          %dma_wait3A_314 = arith.constant 0 : i32
          %dma_wait3A_315 = tpu.memref_slice %dma_wait3A_313[%run_scoped3A_225, %dma_wait3A_314] : memref<1x128xi32, #tpu.memory_space<vmem>> -> memref<1x128xi32, #tpu.memory_space<vmem>>
          %dma_wait3A_316 = tpu.memref_squeeze %dma_wait3A_315 : memref<1x128xi32, #tpu.memory_space<vmem>> -> memref<128xi32, #tpu.memory_space<vmem>>
          %dma_wait3A_317 = arith.constant 0 : i32
          %dma_wait3A_318 = arith.constant 0 : i32
          %dma_wait3A_319 = tpu.memref_slice %arg2[%dma_wait3A_317, %dma_wait3A_318] : memref<1007616x16xf32, #tpu.memory_space<hbm>> -> memref<1007616x16xf32, #tpu.memory_space<hbm>>
          tpu.wait_indirect_dma semaphore(%run_scoped3A_291 : memref<!tpu.dma_semaphore, #tpu.memory_space<semaphore_mem>>) src(%dma_wait3A_319 : memref<1007616x16xf32, #tpu.memory_space<hbm>>) dst(%dma_wait3A_309 : memref<128x16xf32, #tpu.memory_space<vmem>>)
          tpu.yield
        }) : () -> ()
        "tpu.trace_stop"() : () -> ()
        %ne3A_226 = arith.cmpi ne, %add3A_158, %add3A_176 : i32
        %or3A_227 = arith.constant false
        %or3A_228 = arith.ori %or3A_227, %ne3A_226 : i1
        %or3A_229 = arith.ori %or3A_228, %eq3A_157 : i1
        %convert_element_type3A_230 = arith.extui %or3A_229 : i1 to i32
        %cond3A_231 = arith.constant 0 : i32
        %cond3A_232 = arith.cmpi ne, %convert_element_type3A_230, %cond3A_231 : i32
        scf.if %cond3A_232 {
        } else {
        }
        %and3A_233 = arith.constant false
        %and3A_234 = arith.andi %or3A_229, %and3A_233 : i1
        %ne3A_235 = arith.cmpi ne, %add3A_158, %add3A_176 : i32
        %or3A_236 = arith.constant false
        %or3A_237 = arith.ori %or3A_236, %ne3A_235 : i1
        %or3A_238 = arith.constant false
        %or3A_239 = arith.ori %or3A_237, %or3A_238 : i1
        %or3A_240 = arith.ori %or3A_239, %eq3A_157 : i1
        %convert_element_type3A_241 = arith.extui %or3A_240 : i1 to i32
        %cond3A_242 = arith.constant 0 : i32
        %cond3A_243 = arith.cmpi ne, %convert_element_type3A_241, %cond3A_242 : i32
        scf.if %cond3A_243 {
          "tpu.trace_start"() <{level = 10 : i32, message = "ep_copy_out"}> : () -> ()
          %rem3A_291 = arith.constant 2 : i32
          %rem3A_292 = arith.remui %scan3A_151, %rem3A_291 : i32
          %mul3A_293 = arith.constant 128 : i32
          %mul3A_294 = arith.muli %mul3A_293, %add3A_158 : i32
          %dma_start3A_295 = arith.constant 0 : i32
          %dma_start3A_296 = arith.constant 0 : i32
          %dma_start3A_297 = tpu.memref_slice %run_scoped3A_35[%rem3A_292, %dma_start3A_295, %dma_start3A_296] : memref<2x128x16xf32, #tpu.memory_space<vmem>> -> memref<1x128x16xf32, #tpu.memory_space<vmem>>
          %dma_start3A_298 = tpu.memref_squeeze %dma_start3A_297 : memref<1x128x16xf32, #tpu.memory_space<vmem>> -> memref<128x16xf32, #tpu.memory_space<vmem>>
          %dma_start3A_299 = arith.constant 0 : i32
          %dma_start3A_300 = tpu.memref_slice %arg10[%mul3A_294, %dma_start3A_299] : memref<16384x16xf32, #tpu.memory_space<hbm>> -> memref<128x16xf32, #tpu.memory_space<hbm>>
          %dma_start3A_301 = tpu.memref_slice %run_scoped3A_36[%rem3A_292] : memref<2x!tpu.dma_semaphore, #tpu.memory_space<semaphore_mem>> -> memref<1x!tpu.dma_semaphore, #tpu.memory_space<semaphore_mem>>
          %dma_start3A_302 = tpu.memref_squeeze %dma_start3A_301 : memref<1x!tpu.dma_semaphore, #tpu.memory_space<semaphore_mem>> -> memref<!tpu.dma_semaphore, #tpu.memory_space<semaphore_mem>>
          %dma_start3A_303 = arith.constant 0 : i32
          %dma_start3A_304 = tpu.memref_slice %arg10[%mul3A_294, %dma_start3A_303] : memref<16384x16xf32, #tpu.memory_space<hbm>> -> memref<128x16xf32, #tpu.memory_space<hbm>>
          %dma_start3A_305 = arith.constant 0 : i32
          %dma_start3A_306 = arith.constant 0 : i32
          %dma_start3A_307 = tpu.memref_slice %run_scoped3A_35[%rem3A_292, %dma_start3A_305, %dma_start3A_306] : memref<2x128x16xf32, #tpu.memory_space<vmem>> -> memref<1x128x16xf32, #tpu.memory_space<vmem>>
          %dma_start3A_308 = tpu.memref_squeeze %dma_start3A_307 : memref<1x128x16xf32, #tpu.memory_space<vmem>> -> memref<128x16xf32, #tpu.memory_space<vmem>>
          tpu.enqueue_dma source(%dma_start3A_308 : memref<128x16xf32, #tpu.memory_space<vmem>>) target(%dma_start3A_304 : memref<128x16xf32, #tpu.memory_space<hbm>>) target_semaphore(%dma_start3A_302 : memref<!tpu.dma_semaphore, #tpu.memory_space<semaphore_mem>>)
          "tpu.trace_stop"() : () -> ()
        } else {
        }
        %and3A_244 = arith.constant true
        %and3A_245 = arith.andi %or3A_240, %and3A_244 : i1
        %add3A_246 = arith.constant 1 : i32
        %add3A_247 = arith.addi %scan3A_151, %add3A_246 : i32
        %select_n3A_248 = arith.select %and3A_245, %add3A_247, %scan3A_151 : i32
        %ne3A_249 = arith.cmpi ne, %add3A_158, %add3A_167 : i32
        %or3A_250 = arith.constant false
        %or3A_251 = arith.ori %or3A_250, %ne3A_249 : i1
        %not3A_252 = arith.constant true
        %not3A_253 = arith.xori %eq3A_155, %not3A_252 : i1
        %and3A_254 = arith.andi %or3A_251, %not3A_253 : i1
        %convert_element_type3A_255 = arith.extui %and3A_254 : i1 to i32
        %cond3A_256 = arith.constant 0 : i32
        %cond3A_257 = arith.cmpi ne, %convert_element_type3A_255, %cond3A_256 : i32
        scf.if %cond3A_257 {
        } else {
        }
        %and3A_258 = arith.constant false
        %and3A_259 = arith.andi %and3A_254, %and3A_258 : i1
        %ne3A_260 = arith.cmpi ne, %add3A_158, %add3A_167 : i32
        %or3A_261 = arith.constant false
        %or3A_262 = arith.ori %or3A_261, %ne3A_260 : i1
        %or3A_263 = arith.constant false
        %or3A_264 = arith.ori %or3A_262, %or3A_263 : i1
        %not3A_265 = arith.constant true
        %not3A_266 = arith.xori %eq3A_155, %not3A_265 : i1
        %and3A_267 = arith.andi %or3A_264, %not3A_266 : i1
        %convert_element_type3A_268 = arith.extui %and3A_267 : i1 to i32
        %cond3A_269 = arith.constant 0 : i32
        %cond3A_270 = arith.cmpi ne, %convert_element_type3A_268, %cond3A_269 : i32
        scf.if %cond3A_270 {
          "tpu.trace_start"() <{level = 10 : i32, message = "ep_wait_out"}> : () -> ()
          %rem3A_291 = arith.constant 2 : i32
          %rem3A_292 = arith.remui %scan3A_152, %rem3A_291 : i32
          %mul3A_293 = arith.constant 128 : i32
          %mul3A_294 = arith.muli %mul3A_293, %add3A_167 : i32
          %dma_wait3A_295 = arith.constant 0 : i32
          %dma_wait3A_296 = arith.constant 0 : i32
          %dma_wait3A_297 = tpu.memref_slice %run_scoped3A_35[%rem3A_292, %dma_wait3A_295, %dma_wait3A_296] : memref<2x128x16xf32, #tpu.memory_space<vmem>> -> memref<1x128x16xf32, #tpu.memory_space<vmem>>
          %dma_wait3A_298 = tpu.memref_squeeze %dma_wait3A_297 : memref<1x128x16xf32, #tpu.memory_space<vmem>> -> memref<128x16xf32, #tpu.memory_space<vmem>>
          %dma_wait3A_299 = arith.constant 0 : i32
          %dma_wait3A_300 = tpu.memref_slice %arg10[%mul3A_294, %dma_wait3A_299] : memref<16384x16xf32, #tpu.memory_space<hbm>> -> memref<128x16xf32, #tpu.memory_space<hbm>>
          %dma_wait3A_301 = tpu.memref_slice %run_scoped3A_36[%rem3A_292] : memref<2x!tpu.dma_semaphore, #tpu.memory_space<semaphore_mem>> -> memref<1x!tpu.dma_semaphore, #tpu.memory_space<semaphore_mem>>
          %dma_wait3A_302 = tpu.memref_squeeze %dma_wait3A_301 : memref<1x!tpu.dma_semaphore, #tpu.memory_space<semaphore_mem>> -> memref<!tpu.dma_semaphore, #tpu.memory_space<semaphore_mem>>
          %dma_wait3A_303 = arith.constant 0 : i32
          %dma_wait3A_304 = tpu.memref_slice %arg10[%mul3A_294, %dma_wait3A_303] : memref<16384x16xf32, #tpu.memory_space<hbm>> -> memref<128x16xf32, #tpu.memory_space<hbm>>
          %dma_wait3A_305 = arith.constant 0 : i32
          %dma_wait3A_306 = arith.constant 0 : i32
          %dma_wait3A_307 = tpu.memref_slice %run_scoped3A_35[%rem3A_292, %dma_wait3A_305, %dma_wait3A_306] : memref<2x128x16xf32, #tpu.memory_space<vmem>> -> memref<1x128x16xf32, #tpu.memory_space<vmem>>
          %dma_wait3A_308 = tpu.memref_squeeze %dma_wait3A_307 : memref<1x128x16xf32, #tpu.memory_space<vmem>> -> memref<128x16xf32, #tpu.memory_space<vmem>>
          tpu.wait_dma2 semaphore(%dma_wait3A_302 : memref<!tpu.dma_semaphore, #tpu.memory_space<semaphore_mem>>) src(%dma_wait3A_308 : memref<128x16xf32, #tpu.memory_space<vmem>>) dst(%dma_wait3A_304 : memref<128x16xf32, #tpu.memory_space<hbm>>)
          "tpu.trace_stop"() : () -> ()
        } else {
        }
        %and3A_271 = arith.constant true
        %and3A_272 = arith.andi %and3A_267, %and3A_271 : i1
        %add3A_273 = arith.constant 1 : i32
        %add3A_274 = arith.addi %scan3A_152, %add3A_273 : i32
        %select_n3A_275 = arith.select %and3A_272, %add3A_274, %scan3A_152 : i32
        %ne3A_276 = arith.cmpi ne, %add3A_158, %add3A_176 : i32
        %or3A_277 = arith.constant false
        %or3A_278 = arith.ori %or3A_277, %ne3A_276 : i1
        %or3A_279 = arith.ori %or3A_278, %eq3A_157 : i1
        %add3A_280 = arith.constant 1 : i32
        %add3A_281 = arith.addi %scan3A_150, %add3A_280 : i32
        %select_n3A_282 = arith.select %or3A_279, %add3A_281, %scan3A_150 : i32
        %add3A_283 = arith.constant 1 : i32
        %add3A_284 = arith.addi %scan3A_153, %add3A_283 : i32
        %select_n3A_285 = arith.constant true
        %select_n3A_286 = arith.select %select_n3A_285, %add3A_284, %scan3A_153 : i32
        %eq3A_287 = arith.constant 4 : i32
        %eq3A_288 = arith.cmpi eq, %select_n3A_286, %eq3A_287 : i32
        %select_n3A_289 = arith.constant 0 : i32
        %select_n3A_290 = arith.select %eq3A_288, %select_n3A_289, %select_n3A_286 : i32
        scf.yield %select_n3A_194, %select_n3A_282, %select_n3A_248, %select_n3A_275, %select_n3A_290 : i32, i32, i32, i32, i32
      }
      %scan3A_95 = arith.constant 4 : i32
      %sub3A = arith.constant 1 : i32
      %sub3A_96 = arith.subi %scan3A_94#4, %sub3A : i32
      %select_n3A_97 = arith.constant true
      %select_n3A_98 = arith.select %select_n3A_97, %sub3A_96, %scan3A_94#4 : i32
      %eq3A_99 = arith.constant -1 : i32
      %eq3A_100 = arith.cmpi eq, %select_n3A_98, %eq3A_99 : i32
      %select_n3A_101 = arith.constant 3 : i32
      %select_n3A_102 = arith.select %eq3A_100, %select_n3A_101, %select_n3A_98 : i32
      %add3A_103 = arith.addi %select_n3A_102, %mul3A_33 : i32
      %sub3A_104 = arith.constant 1 : i32
      %sub3A_105 = arith.subi %select_n3A_102, %sub3A_104 : i32
      %select_n3A_106 = arith.constant true
      %select_n3A_107 = arith.select %select_n3A_106, %sub3A_105, %select_n3A_102 : i32
      %eq3A_108 = arith.constant -1 : i32
      %eq3A_109 = arith.cmpi eq, %select_n3A_107, %eq3A_108 : i32
      %select_n3A_110 = arith.constant 3 : i32
      %select_n3A_111 = arith.select %eq3A_109, %select_n3A_110, %select_n3A_107 : i32
      %add3A_112 = arith.addi %select_n3A_111, %mul3A_33 : i32
      %add3A_113 = arith.constant 1 : i32
      %add3A_114 = arith.addi %select_n3A_102, %add3A_113 : i32
      %select_n3A_115 = arith.constant true
      %select_n3A_116 = arith.select %select_n3A_115, %add3A_114, %select_n3A_102 : i32
      %eq3A_117 = arith.constant 4 : i32
      %eq3A_118 = arith.cmpi eq, %select_n3A_116, %eq3A_117 : i32
      %select_n3A_119 = arith.constant 0 : i32
      %select_n3A_120 = arith.select %eq3A_118, %select_n3A_119, %select_n3A_116 : i32
      %add3A_121 = arith.addi %select_n3A_120, %mul3A_33 : i32
      %add3A_122 = arith.constant 1 : i32
      %add3A_123 = arith.addi %select_n3A_120, %add3A_122 : i32
      %select_n3A_124 = arith.constant true
      %select_n3A_125 = arith.select %select_n3A_124, %add3A_123, %select_n3A_120 : i32
      %eq3A_126 = arith.constant 4 : i32
      %eq3A_127 = arith.cmpi eq, %select_n3A_125, %eq3A_126 : i32
      %select_n3A_128 = arith.constant 0 : i32
      %select_n3A_129 = arith.select %eq3A_127, %select_n3A_128, %select_n3A_125 : i32
      %add3A_130 = arith.addi %select_n3A_129, %mul3A_33 : i32
      "tpu.trace_start"() <{level = 10 : i32, message = "ep_finalize"}> : () -> ()
      %rem3A_131 = arith.constant 2 : i32
      %rem3A_132 = arith.remui %scan3A_94#3, %rem3A_131 : i32
      %mul3A_133 = arith.constant 128 : i32
      %mul3A_134 = arith.muli %mul3A_133, %add3A_103 : i32
      %dma_wait3A = arith.constant 0 : i32
      %dma_wait3A_135 = arith.constant 0 : i32
      %dma_wait3A_136 = tpu.memref_slice %run_scoped3A_35[%rem3A_132, %dma_wait3A, %dma_wait3A_135] : memref<2x128x16xf32, #tpu.memory_space<vmem>> -> memref<1x128x16xf32, #tpu.memory_space<vmem>>
      %dma_wait3A_137 = tpu.memref_squeeze %dma_wait3A_136 : memref<1x128x16xf32, #tpu.memory_space<vmem>> -> memref<128x16xf32, #tpu.memory_space<vmem>>
      %dma_wait3A_138 = arith.constant 0 : i32
      %dma_wait3A_139 = tpu.memref_slice %arg10[%mul3A_134, %dma_wait3A_138] : memref<16384x16xf32, #tpu.memory_space<hbm>> -> memref<128x16xf32, #tpu.memory_space<hbm>>
      %dma_wait3A_140 = tpu.memref_slice %run_scoped3A_36[%rem3A_132] : memref<2x!tpu.dma_semaphore, #tpu.memory_space<semaphore_mem>> -> memref<1x!tpu.dma_semaphore, #tpu.memory_space<semaphore_mem>>
      %dma_wait3A_141 = tpu.memref_squeeze %dma_wait3A_140 : memref<1x!tpu.dma_semaphore, #tpu.memory_space<semaphore_mem>> -> memref<!tpu.dma_semaphore, #tpu.memory_space<semaphore_mem>>
      %dma_wait3A_142 = arith.constant 0 : i32
      %dma_wait3A_143 = tpu.memref_slice %arg10[%mul3A_134, %dma_wait3A_142] : memref<16384x16xf32, #tpu.memory_space<hbm>> -> memref<128x16xf32, #tpu.memory_space<hbm>>
      %dma_wait3A_144 = arith.constant 0 : i32
      %dma_wait3A_145 = arith.constant 0 : i32
      %dma_wait3A_146 = tpu.memref_slice %run_scoped3A_35[%rem3A_132, %dma_wait3A_144, %dma_wait3A_145] : memref<2x128x16xf32, #tpu.memory_space<vmem>> -> memref<1x128x16xf32, #tpu.memory_space<vmem>>
      %dma_wait3A_147 = tpu.memref_squeeze %dma_wait3A_146 : memref<1x128x16xf32, #tpu.memory_space<vmem>> -> memref<128x16xf32, #tpu.memory_space<vmem>>
      tpu.wait_dma2 semaphore(%dma_wait3A_141 : memref<!tpu.dma_semaphore, #tpu.memory_space<semaphore_mem>>) src(%dma_wait3A_147 : memref<128x16xf32, #tpu.memory_space<vmem>>) dst(%dma_wait3A_143 : memref<128x16xf32, #tpu.memory_space<hbm>>)
      "tpu.trace_stop"() : () -> ()
      tpu.yield
    }) : () -> ()
    return
  }
}

#map = affine_map<(d0, d1) -> (0, 0)>
module attributes {stable_mosaic.version = 14 : i64} {
  func.func @k(%arg0: i32, %arg1: i32, %arg2: memref<1007616x16xf32, #tpu.memory_space<hbm>>, %arg3: memref<1x65536xi32, #tpu.memory_space<hbm>>, %arg4: memref<1x65536xi32, #tpu.memory_space<hbm>>, %arg5: memref<1x65536xi32, #tpu.memory_space<hbm>>, %arg6: memref<1x16384xi32, #tpu.memory_space<hbm>>, %arg7: memref<65536x16xf32, #tpu.memory_space<hbm>>, %arg8: memref<65536x16xf32, #tpu.memory_space<hbm>>, %arg9: memref<65536x16xf32, #tpu.memory_space<hbm>>, %arg10: memref<16384x16xf32, #tpu.memory_space<hbm>>) attributes {dimension_semantics = [#tpu.dimension_semantics<core_parallel>, #tpu.dimension_semantics<subcore_parallel>], iteration_bounds = array<i64: 2, 16>, scalar_prefetch = 0 : i64, scratch_operands = 0 : i64, tpu.core_type = #tpu.core_type<sc_vector_subcore>, window_params = [{transform_indices = #map}, {transform_indices = #map}, {transform_indices = #map}, {transform_indices = #map}, {transform_indices = #map}, {transform_indices = #map}, {transform_indices = #map}, {transform_indices = #map}, {transform_indices = #map}]} {
    %mul3A = arith.constant 1 : i32
    %mul3A_0 = arith.muli %arg1, %mul3A : i32
    %add3A = arith.constant 0 : i32
    %add3A_1 = arith.addi %add3A, %mul3A_0 : i32
    %mul3A_2 = arith.constant 16 : i32
    %mul3A_3 = arith.muli %arg0, %mul3A_2 : i32
    %add3A_4 = arith.addi %add3A_1, %mul3A_3 : i32
    %mul3A_5 = arith.constant 16 : i32
    %mul3A_6 = arith.muli %add3A_4, %mul3A_5 : i32
    "tpu.region"() ({
      %run_scoped3A = memref.alloca() : memref<2x1x128xi32, #tpu.memory_space<vmem>>
      %run_scoped3A_34 = tpu.sem_alloc : memref<2x!tpu.dma_semaphore, #tpu.memory_space<semaphore_mem>>
      %run_scoped3A_35 = memref.alloca() : memref<2x128x16xf32, #tpu.memory_space<vmem>>
      %run_scoped3A_36 = tpu.sem_alloc : memref<2x!tpu.dma_semaphore, #tpu.memory_space<semaphore_mem>>
      %add3A_37 = arith.constant 0 : i32
      %add3A_38 = arith.addi %add3A_37, %mul3A_6 : i32
      %select_n3A = arith.constant true
      %select_n3A_39 = arith.constant 0 : i32
      %select_n3A_40 = arith.constant -1 : i32
      %select_n3A_41 = arith.select %select_n3A, %select_n3A_40, %select_n3A_39 : i32
      %eq3A = arith.constant -1 : i32
      %eq3A_42 = arith.cmpi eq, %select_n3A_41, %eq3A : i32
      %select_n3A_43 = arith.constant 15 : i32
      %select_n3A_44 = arith.select %eq3A_42, %select_n3A_43, %select_n3A_41 : i32
      %add3A_45 = arith.addi %select_n3A_44, %mul3A_6 : i32
      %select_n3A_46 = arith.constant true
      %select_n3A_47 = arith.constant 0 : i32
      %select_n3A_48 = arith.constant 1 : i32
      %select_n3A_49 = arith.select %select_n3A_46, %select_n3A_48, %select_n3A_47 : i32
      %eq3A_50 = arith.constant 16 : i32
      %eq3A_51 = arith.cmpi eq, %select_n3A_49, %eq3A_50 : i32
      %select_n3A_52 = arith.constant 0 : i32
      %select_n3A_53 = arith.select %eq3A_51, %select_n3A_52, %select_n3A_49 : i32
      %add3A_54 = arith.addi %select_n3A_53, %mul3A_6 : i32
      %add3A_55 = arith.constant 1 : i32
      %add3A_56 = arith.addi %select_n3A_53, %add3A_55 : i32
      %select_n3A_57 = arith.constant true
      %select_n3A_58 = arith.select %select_n3A_57, %add3A_56, %select_n3A_53 : i32
      %eq3A_59 = arith.constant 16 : i32
      %eq3A_60 = arith.cmpi eq, %select_n3A_58, %eq3A_59 : i32
      %select_n3A_61 = arith.constant 0 : i32
      %select_n3A_62 = arith.select %eq3A_60, %select_n3A_61, %select_n3A_58 : i32
      %add3A_63 = arith.addi %select_n3A_62, %mul3A_6 : i32
      "tpu.trace_start"() <{level = 10 : i32, message = "ep_initialize_0"}> : () -> ()
      %rem3A = arith.constant 0 : i32
      %rem3A_64 = arith.constant 2 : i32
      %rem3A_65 = arith.remui %rem3A, %rem3A_64 : i32
      %mul3A_66 = arith.constant 128 : i32
      %mul3A_67 = arith.muli %mul3A_66, %add3A_38 : i32
      %dma_start3A = arith.constant 0 : i32
      %dma_start3A_68 = arith.constant 0 : i32
      %dma_start3A_69 = tpu.memref_slice %run_scoped3A[%rem3A_65, %dma_start3A, %dma_start3A_68] : memref<2x1x128xi32, #tpu.memory_space<vmem>> -> memref<1x1x128xi32, #tpu.memory_space<vmem>>
      %dma_start3A_70 = tpu.memref_squeeze %dma_start3A_69 : memref<1x1x128xi32, #tpu.memory_space<vmem>> -> memref<1x128xi32, #tpu.memory_space<vmem>>
      %dma_start3A_71 = arith.constant 0 : i32
      %dma_start3A_72 = tpu.memref_slice %arg3[%dma_start3A_71, %mul3A_67] : memref<1x65536xi32, #tpu.memory_space<hbm>> -> memref<1x128xi32, #tpu.memory_space<hbm>>
      %dma_start3A_73 = tpu.memref_slice %run_scoped3A_34[%rem3A_65] : memref<2x!tpu.dma_semaphore, #tpu.memory_space<semaphore_mem>> -> memref<1x!tpu.dma_semaphore, #tpu.memory_space<semaphore_mem>>
      %dma_start3A_74 = tpu.memref_squeeze %dma_start3A_73 : memref<1x!tpu.dma_semaphore, #tpu.memory_space<semaphore_mem>> -> memref<!tpu.dma_semaphore, #tpu.memory_space<semaphore_mem>>
      %dma_start3A_75 = arith.constant 0 : i32
      %dma_start3A_76 = arith.constant 0 : i32
      %dma_start3A_77 = tpu.memref_slice %run_scoped3A[%rem3A_65, %dma_start3A_75, %dma_start3A_76] : memref<2x1x128xi32, #tpu.memory_space<vmem>> -> memref<1x1x128xi32, #tpu.memory_space<vmem>>
      %dma_start3A_78 = tpu.memref_squeeze %dma_start3A_77 : memref<1x1x128xi32, #tpu.memory_space<vmem>> -> memref<1x128xi32, #tpu.memory_space<vmem>>
      %dma_start3A_79 = arith.constant 0 : i32
      %dma_start3A_80 = tpu.memref_slice %arg3[%dma_start3A_79, %mul3A_67] : memref<1x65536xi32, #tpu.memory_space<hbm>> -> memref<1x128xi32, #tpu.memory_space<hbm>>
      tpu.enqueue_dma source(%dma_start3A_80 : memref<1x128xi32, #tpu.memory_space<hbm>>) target(%dma_start3A_78 : memref<1x128xi32, #tpu.memory_space<vmem>>) target_semaphore(%dma_start3A_74 : memref<!tpu.dma_semaphore, #tpu.memory_space<semaphore_mem>>)
      %add3A_81 = arith.constant 0 : i32
      %add3A_82 = arith.constant 1 : i32
      %add3A_83 = arith.addi %add3A_81, %add3A_82 : i32
      %select_n3A_84 = arith.constant true
      %select_n3A_85 = arith.constant 0 : i32
      %select_n3A_86 = arith.select %select_n3A_84, %add3A_83, %select_n3A_85 : i32
      "tpu.trace_stop"() : () -> ()
      %scan3A = arith.constant 0 : i32
      %scan3A_87 = arith.constant 0 : i32
      %scan3A_88 = arith.constant 0 : i32
      %scan3A_89 = arith.constant 0 : i32
      %scan3A_90 = arith.constant 0 : i32
      %scan3A_91 = arith.constant 16 : i32
      %scan3A_92 = arith.addi %scan3A_90, %scan3A_91 : i32
      %scan3A_93 = arith.constant 1 : i32
      %scan3A_94:5 = scf.for %scan3A_148 = %scan3A_90 to %scan3A_92 step %scan3A_93 iter_args(%scan3A_149 = %select_n3A_86, %scan3A_150 = %scan3A, %scan3A_151 = %scan3A_87, %scan3A_152 = %scan3A_88, %scan3A_153 = %scan3A_89) -> (i32, i32, i32, i32, i32)  : i32 {
        %eq3A_154 = arith.constant 0 : i32
        %eq3A_155 = arith.cmpi eq, %scan3A_148, %eq3A_154 : i32
        %eq3A_156 = arith.constant 15 : i32
        %eq3A_157 = arith.cmpi eq, %scan3A_148, %eq3A_156 : i32
        %add3A_158 = arith.addi %scan3A_153, %mul3A_6 : i32
        %sub3A_159 = arith.constant 1 : i32
        %sub3A_160 = arith.subi %scan3A_153, %sub3A_159 : i32
        %select_n3A_161 = arith.constant true
        %select_n3A_162 = arith.select %select_n3A_161, %sub3A_160, %scan3A_153 : i32
        %eq3A_163 = arith.constant -1 : i32
        %eq3A_164 = arith.cmpi eq, %select_n3A_162, %eq3A_163 : i32
        %select_n3A_165 = arith.constant 15 : i32
        %select_n3A_166 = arith.select %eq3A_164, %select_n3A_165, %select_n3A_162 : i32
        %add3A_167 = arith.addi %select_n3A_166, %mul3A_6 : i32
        %add3A_168 = arith.constant 1 : i32
        %add3A_169 = arith.addi %scan3A_153, %add3A_168 : i32
        %select_n3A_170 = arith.constant true
        %select_n3A_171 = arith.select %select_n3A_170, %add3A_169, %scan3A_153 : i32
        %eq3A_172 = arith.constant 16 : i32
        %eq3A_173 = arith.cmpi eq, %select_n3A_171, %eq3A_172 : i32
        %select_n3A_174 = arith.constant 0 : i32
        %select_n3A_175 = arith.select %eq3A_173, %select_n3A_174, %select_n3A_171 : i32
        %add3A_176 = arith.addi %select_n3A_175, %mul3A_6 : i32
        %add3A_177 = arith.constant 1 : i32
        %add3A_178 = arith.addi %select_n3A_175, %add3A_177 : i32
        %select_n3A_179 = arith.constant true
        %select_n3A_180 = arith.select %select_n3A_179, %add3A_178, %select_n3A_175 : i32
        %eq3A_181 = arith.constant 16 : i32
        %eq3A_182 = arith.cmpi eq, %select_n3A_180, %eq3A_181 : i32
        %select_n3A_183 = arith.constant 0 : i32
        %select_n3A_184 = arith.select %eq3A_182, %select_n3A_183, %select_n3A_180 : i32
        %add3A_185 = arith.addi %select_n3A_184, %mul3A_6 : i32
        %ne3A = arith.cmpi ne, %add3A_158, %add3A_176 : i32
        %or3A = arith.constant false
        %or3A_186 = arith.ori %or3A, %ne3A : i1
        %ge3A = arith.constant 15 : i32
        %ge3A_187 = arith.cmpi sge, %scan3A_148, %ge3A : i32
        %not3A = arith.constant true
        %not3A_188 = arith.xori %ge3A_187, %not3A : i1
        %and3A = arith.andi %or3A_186, %not3A_188 : i1
        %convert_element_type3A = arith.extui %and3A : i1 to i32
        %cond3A = arith.constant 0 : i32
        %cond3A_189 = arith.cmpi ne, %convert_element_type3A, %cond3A : i32
        scf.if %cond3A_189 {
          "tpu.trace_start"() <{level = 10 : i32, message = "ep_copy_in"}> : () -> ()
          %rem3A_291 = arith.constant 2 : i32
          %rem3A_292 = arith.remui %scan3A_149, %rem3A_291 : i32
          %mul3A_293 = arith.constant 128 : i32
          %mul3A_294 = arith.muli %mul3A_293, %add3A_176 : i32
          %dma_start3A_295 = arith.constant 0 : i32
          %dma_start3A_296 = arith.constant 0 : i32
          %dma_start3A_297 = tpu.memref_slice %run_scoped3A[%rem3A_292, %dma_start3A_295, %dma_start3A_296] : memref<2x1x128xi32, #tpu.memory_space<vmem>> -> memref<1x1x128xi32, #tpu.memory_space<vmem>>
          %dma_start3A_298 = tpu.memref_squeeze %dma_start3A_297 : memref<1x1x128xi32, #tpu.memory_space<vmem>> -> memref<1x128xi32, #tpu.memory_space<vmem>>
          %dma_start3A_299 = arith.constant 0 : i32
          %dma_start3A_300 = tpu.memref_slice %arg3[%dma_start3A_299, %mul3A_294] : memref<1x65536xi32, #tpu.memory_space<hbm>> -> memref<1x128xi32, #tpu.memory_space<hbm>>
          %dma_start3A_301 = tpu.memref_slice %run_scoped3A_34[%rem3A_292] : memref<2x!tpu.dma_semaphore, #tpu.memory_space<semaphore_mem>> -> memref<1x!tpu.dma_semaphore, #tpu.memory_space<semaphore_mem>>
          %dma_start3A_302 = tpu.memref_squeeze %dma_start3A_301 : memref<1x!tpu.dma_semaphore, #tpu.memory_space<semaphore_mem>> -> memref<!tpu.dma_semaphore, #tpu.memory_space<semaphore_mem>>
          %dma_start3A_303 = arith.constant 0 : i32
          %dma_start3A_304 = arith.constant 0 : i32
          %dma_start3A_305 = tpu.memref_slice %run_scoped3A[%rem3A_292, %dma_start3A_303, %dma_start3A_304] : memref<2x1x128xi32, #tpu.memory_space<vmem>> -> memref<1x1x128xi32, #tpu.memory_space<vmem>>
          %dma_start3A_306 = tpu.memref_squeeze %dma_start3A_305 : memref<1x1x128xi32, #tpu.memory_space<vmem>> -> memref<1x128xi32, #tpu.memory_space<vmem>>
          %dma_start3A_307 = arith.constant 0 : i32
          %dma_start3A_308 = tpu.memref_slice %arg3[%dma_start3A_307, %mul3A_294] : memref<1x65536xi32, #tpu.memory_space<hbm>> -> memref<1x128xi32, #tpu.memory_space<hbm>>
          tpu.enqueue_dma source(%dma_start3A_308 : memref<1x128xi32, #tpu.memory_space<hbm>>) target(%dma_start3A_306 : memref<1x128xi32, #tpu.memory_space<vmem>>) target_semaphore(%dma_start3A_302 : memref<!tpu.dma_semaphore, #tpu.memory_space<semaphore_mem>>)
          "tpu.trace_stop"() : () -> ()
        } else {
        }
        %and3A_190 = arith.constant true
        %and3A_191 = arith.andi %and3A, %and3A_190 : i1
        %add3A_192 = arith.constant 1 : i32
        %add3A_193 = arith.addi %scan3A_149, %add3A_192 : i32
        %select_n3A_194 = arith.select %and3A_191, %add3A_193, %scan3A_149 : i32
        %ne3A_195 = arith.cmpi ne, %add3A_158, %add3A_176 : i32
        %or3A_196 = arith.constant false
        %or3A_197 = arith.ori %or3A_196, %ne3A_195 : i1
        %or3A_198 = arith.constant false
        %or3A_199 = arith.ori %or3A_197, %or3A_198 : i1
        %ge3A_200 = arith.constant 15 : i32
        %ge3A_201 = arith.cmpi sge, %scan3A_148, %ge3A_200 : i32
        %not3A_202 = arith.constant true
        %not3A_203 = arith.xori %ge3A_201, %not3A_202 : i1
        %and3A_204 = arith.andi %or3A_199, %not3A_203 : i1
        %ne3A_205 = arith.cmpi ne, %add3A_158, %add3A_167 : i32
        %or3A_206 = arith.constant false
        %or3A_207 = arith.ori %or3A_206, %ne3A_205 : i1
        %or3A_208 = arith.ori %or3A_207, %eq3A_155 : i1
        %convert_element_type3A_209 = arith.extui %or3A_208 : i1 to i32
        %cond3A_210 = arith.constant 0 : i32
        %cond3A_211 = arith.cmpi ne, %convert_element_type3A_209, %cond3A_210 : i32
        scf.if %cond3A_211 {
          "tpu.trace_start"() <{level = 10 : i32, message = "ep_wait_in"}> : () -> ()
          %mul3A_291 = arith.constant 128 : i32
          %mul3A_292 = arith.muli %mul3A_291, %add3A_158 : i32
          %rem3A_293 = arith.constant 2 : i32
          %rem3A_294 = arith.remui %scan3A_150, %rem3A_293 : i32
          %dma_wait3A_295 = arith.constant 0 : i32
          %dma_wait3A_296 = arith.constant 0 : i32
          %dma_wait3A_297 = tpu.memref_slice %run_scoped3A[%rem3A_294, %dma_wait3A_295, %dma_wait3A_296] : memref<2x1x128xi32, #tpu.memory_space<vmem>> -> memref<1x1x128xi32, #tpu.memory_space<vmem>>
          %dma_wait3A_298 = tpu.memref_squeeze %dma_wait3A_297 : memref<1x1x128xi32, #tpu.memory_space<vmem>> -> memref<1x128xi32, #tpu.memory_space<vmem>>
          %dma_wait3A_299 = arith.constant 0 : i32
          %dma_wait3A_300 = tpu.memref_slice %arg3[%dma_wait3A_299, %mul3A_292] : memref<1x65536xi32, #tpu.memory_space<hbm>> -> memref<1x128xi32, #tpu.memory_space<hbm>>
          %dma_wait3A_301 = tpu.memref_slice %run_scoped3A_34[%rem3A_294] : memref<2x!tpu.dma_semaphore, #tpu.memory_space<semaphore_mem>> -> memref<1x!tpu.dma_semaphore, #tpu.memory_space<semaphore_mem>>
          %dma_wait3A_302 = tpu.memref_squeeze %dma_wait3A_301 : memref<1x!tpu.dma_semaphore, #tpu.memory_space<semaphore_mem>> -> memref<!tpu.dma_semaphore, #tpu.memory_space<semaphore_mem>>
          %dma_wait3A_303 = arith.constant 0 : i32
          %dma_wait3A_304 = arith.constant 0 : i32
          %dma_wait3A_305 = tpu.memref_slice %run_scoped3A[%rem3A_294, %dma_wait3A_303, %dma_wait3A_304] : memref<2x1x128xi32, #tpu.memory_space<vmem>> -> memref<1x1x128xi32, #tpu.memory_space<vmem>>
          %dma_wait3A_306 = tpu.memref_squeeze %dma_wait3A_305 : memref<1x1x128xi32, #tpu.memory_space<vmem>> -> memref<1x128xi32, #tpu.memory_space<vmem>>
          %dma_wait3A_307 = arith.constant 0 : i32
          %dma_wait3A_308 = tpu.memref_slice %arg3[%dma_wait3A_307, %mul3A_292] : memref<1x65536xi32, #tpu.memory_space<hbm>> -> memref<1x128xi32, #tpu.memory_space<hbm>>
          tpu.wait_dma2 semaphore(%dma_wait3A_302 : memref<!tpu.dma_semaphore, #tpu.memory_space<semaphore_mem>>) src(%dma_wait3A_308 : memref<1x128xi32, #tpu.memory_space<hbm>>) dst(%dma_wait3A_306 : memref<1x128xi32, #tpu.memory_space<vmem>>)
          "tpu.trace_stop"() : () -> ()
        } else {
        }
        %ne3A_212 = arith.cmpi ne, %add3A_158, %add3A_167 : i32
        %or3A_213 = arith.constant false
        %or3A_214 = arith.ori %or3A_213, %ne3A_212 : i1
        %or3A_215 = arith.constant false
        %or3A_216 = arith.ori %or3A_214, %or3A_215 : i1
        %or3A_217 = arith.ori %or3A_216, %eq3A_155 : i1
        %convert_element_type3A_218 = arith.extui %or3A_217 : i1 to i32
        %cond3A_219 = arith.constant 0 : i32
        %cond3A_220 = arith.cmpi ne, %convert_element_type3A_218, %cond3A_219 : i32
        scf.if %cond3A_220 {
        } else {
        }
        %rem3A_221 = arith.constant 2 : i32
        %rem3A_222 = arith.remui %scan3A_150, %rem3A_221 : i32
        %rem3A_223 = arith.constant 2 : i32
        %rem3A_224 = arith.remui %scan3A_151, %rem3A_223 : i32
        %run_scoped3A_225 = arith.constant 0 : i32
        "tpu.trace_start"() <{level = 10 : i32, message = "ep_run_kernel"}> : () -> ()
        "tpu.region"() ({
          %run_scoped3A_291 = tpu.sem_alloc : memref<!tpu.dma_semaphore, #tpu.memory_space<semaphore_mem>>
          %dma_start3A_292 = arith.constant 0 : i32
          %dma_start3A_293 = arith.constant 0 : i32
          %dma_start3A_294 = tpu.memref_slice %run_scoped3A_35[%rem3A_224, %dma_start3A_292, %dma_start3A_293] : memref<2x128x16xf32, #tpu.memory_space<vmem>> -> memref<1x128x16xf32, #tpu.memory_space<vmem>>
          %dma_start3A_295 = tpu.memref_squeeze %dma_start3A_294 : memref<1x128x16xf32, #tpu.memory_space<vmem>> -> memref<128x16xf32, #tpu.memory_space<vmem>>
          %dma_start3A_296 = arith.constant 0 : i32
          %dma_start3A_297 = arith.constant 0 : i32
          %dma_start3A_298 = tpu.memref_slice %run_scoped3A[%rem3A_222, %dma_start3A_296, %dma_start3A_297] : memref<2x1x128xi32, #tpu.memory_space<vmem>> -> memref<1x1x128xi32, #tpu.memory_space<vmem>>
          %dma_start3A_299 = tpu.memref_squeeze %dma_start3A_298 : memref<1x1x128xi32, #tpu.memory_space<vmem>> -> memref<1x128xi32, #tpu.memory_space<vmem>>
          %dma_start3A_300 = arith.constant 0 : i32
          %dma_start3A_301 = tpu.memref_slice %dma_start3A_299[%run_scoped3A_225, %dma_start3A_300] : memref<1x128xi32, #tpu.memory_space<vmem>> -> memref<1x128xi32, #tpu.memory_space<vmem>>
          %dma_start3A_302 = tpu.memref_squeeze %dma_start3A_301 : memref<1x128xi32, #tpu.memory_space<vmem>> -> memref<128xi32, #tpu.memory_space<vmem>>
          %dma_start3A_303 = arith.constant 0 : i32
          %dma_start3A_304 = arith.constant 0 : i32
          %dma_start3A_305 = tpu.memref_slice %arg2[%dma_start3A_303, %dma_start3A_304] : memref<1007616x16xf32, #tpu.memory_space<hbm>> -> memref<1007616x16xf32, #tpu.memory_space<hbm>>
          tpu.enqueue_indirect_dma source(%dma_start3A_305 : memref<1007616x16xf32, #tpu.memory_space<hbm>>) target(%dma_start3A_295 : memref<128x16xf32, #tpu.memory_space<vmem>>) offsets(%dma_start3A_302 : memref<128xi32, #tpu.memory_space<vmem>>) semaphore(%run_scoped3A_291 : memref<!tpu.dma_semaphore, #tpu.memory_space<semaphore_mem>>)
          %dma_wait3A_306 = arith.constant 0 : i32
          %dma_wait3A_307 = arith.constant 0 : i32
          %dma_wait3A_308 = tpu.memref_slice %run_scoped3A_35[%rem3A_224, %dma_wait3A_306, %dma_wait3A_307] : memref<2x128x16xf32, #tpu.memory_space<vmem>> -> memref<1x128x16xf32, #tpu.memory_space<vmem>>
          %dma_wait3A_309 = tpu.memref_squeeze %dma_wait3A_308 : memref<1x128x16xf32, #tpu.memory_space<vmem>> -> memref<128x16xf32, #tpu.memory_space<vmem>>
          %dma_wait3A_310 = arith.constant 0 : i32
          %dma_wait3A_311 = arith.constant 0 : i32
          %dma_wait3A_312 = tpu.memref_slice %run_scoped3A[%rem3A_222, %dma_wait3A_310, %dma_wait3A_311] : memref<2x1x128xi32, #tpu.memory_space<vmem>> -> memref<1x1x128xi32, #tpu.memory_space<vmem>>
          %dma_wait3A_313 = tpu.memref_squeeze %dma_wait3A_312 : memref<1x1x128xi32, #tpu.memory_space<vmem>> -> memref<1x128xi32, #tpu.memory_space<vmem>>
          %dma_wait3A_314 = arith.constant 0 : i32
          %dma_wait3A_315 = tpu.memref_slice %dma_wait3A_313[%run_scoped3A_225, %dma_wait3A_314] : memref<1x128xi32, #tpu.memory_space<vmem>> -> memref<1x128xi32, #tpu.memory_space<vmem>>
          %dma_wait3A_316 = tpu.memref_squeeze %dma_wait3A_315 : memref<1x128xi32, #tpu.memory_space<vmem>> -> memref<128xi32, #tpu.memory_space<vmem>>
          %dma_wait3A_317 = arith.constant 0 : i32
          %dma_wait3A_318 = arith.constant 0 : i32
          %dma_wait3A_319 = tpu.memref_slice %arg2[%dma_wait3A_317, %dma_wait3A_318] : memref<1007616x16xf32, #tpu.memory_space<hbm>> -> memref<1007616x16xf32, #tpu.memory_space<hbm>>
          tpu.wait_indirect_dma semaphore(%run_scoped3A_291 : memref<!tpu.dma_semaphore, #tpu.memory_space<semaphore_mem>>) src(%dma_wait3A_319 : memref<1007616x16xf32, #tpu.memory_space<hbm>>) dst(%dma_wait3A_309 : memref<128x16xf32, #tpu.memory_space<vmem>>)
          tpu.yield
        }) : () -> ()
        "tpu.trace_stop"() : () -> ()
        %ne3A_226 = arith.cmpi ne, %add3A_158, %add3A_176 : i32
        %or3A_227 = arith.constant false
        %or3A_228 = arith.ori %or3A_227, %ne3A_226 : i1
        %or3A_229 = arith.ori %or3A_228, %eq3A_157 : i1
        %convert_element_type3A_230 = arith.extui %or3A_229 : i1 to i32
        %cond3A_231 = arith.constant 0 : i32
        %cond3A_232 = arith.cmpi ne, %convert_element_type3A_230, %cond3A_231 : i32
        scf.if %cond3A_232 {
        } else {
        }
        %and3A_233 = arith.constant false
        %and3A_234 = arith.andi %or3A_229, %and3A_233 : i1
        %ne3A_235 = arith.cmpi ne, %add3A_158, %add3A_176 : i32
        %or3A_236 = arith.constant false
        %or3A_237 = arith.ori %or3A_236, %ne3A_235 : i1
        %or3A_238 = arith.constant false
        %or3A_239 = arith.ori %or3A_237, %or3A_238 : i1
        %or3A_240 = arith.ori %or3A_239, %eq3A_157 : i1
        %convert_element_type3A_241 = arith.extui %or3A_240 : i1 to i32
        %cond3A_242 = arith.constant 0 : i32
        %cond3A_243 = arith.cmpi ne, %convert_element_type3A_241, %cond3A_242 : i32
        scf.if %cond3A_243 {
          "tpu.trace_start"() <{level = 10 : i32, message = "ep_copy_out"}> : () -> ()
          %rem3A_291 = arith.constant 2 : i32
          %rem3A_292 = arith.remui %scan3A_151, %rem3A_291 : i32
          %mul3A_293 = arith.constant 128 : i32
          %mul3A_294 = arith.muli %mul3A_293, %add3A_158 : i32
          %dma_start3A_295 = arith.constant 0 : i32
          %dma_start3A_296 = arith.constant 0 : i32
          %dma_start3A_297 = tpu.memref_slice %run_scoped3A_35[%rem3A_292, %dma_start3A_295, %dma_start3A_296] : memref<2x128x16xf32, #tpu.memory_space<vmem>> -> memref<1x128x16xf32, #tpu.memory_space<vmem>>
          %dma_start3A_298 = tpu.memref_squeeze %dma_start3A_297 : memref<1x128x16xf32, #tpu.memory_space<vmem>> -> memref<128x16xf32, #tpu.memory_space<vmem>>
          %dma_start3A_299 = arith.constant 0 : i32
          %dma_start3A_300 = tpu.memref_slice %arg7[%mul3A_294, %dma_start3A_299] : memref<65536x16xf32, #tpu.memory_space<hbm>> -> memref<128x16xf32, #tpu.memory_space<hbm>>
          %dma_start3A_301 = tpu.memref_slice %run_scoped3A_36[%rem3A_292] : memref<2x!tpu.dma_semaphore, #tpu.memory_space<semaphore_mem>> -> memref<1x!tpu.dma_semaphore, #tpu.memory_space<semaphore_mem>>
          %dma_start3A_302 = tpu.memref_squeeze %dma_start3A_301 : memref<1x!tpu.dma_semaphore, #tpu.memory_space<semaphore_mem>> -> memref<!tpu.dma_semaphore, #tpu.memory_space<semaphore_mem>>
          %dma_start3A_303 = arith.constant 0 : i32
          %dma_start3A_304 = tpu.memref_slice %arg7[%mul3A_294, %dma_start3A_303] : memref<65536x16xf32, #tpu.memory_space<hbm>> -> memref<128x16xf32, #tpu.memory_space<hbm>>
          %dma_start3A_305 = arith.constant 0 : i32
          %dma_start3A_306 = arith.constant 0 : i32
          %dma_start3A_307 = tpu.memref_slice %run_scoped3A_35[%rem3A_292, %dma_start3A_305, %dma_start3A_306] : memref<2x128x16xf32, #tpu.memory_space<vmem>> -> memref<1x128x16xf32, #tpu.memory_space<vmem>>
          %dma_start3A_308 = tpu.memref_squeeze %dma_start3A_307 : memref<1x128x16xf32, #tpu.memory_space<vmem>> -> memref<128x16xf32, #tpu.memory_space<vmem>>
          tpu.enqueue_dma source(%dma_start3A_308 : memref<128x16xf32, #tpu.memory_space<vmem>>) target(%dma_start3A_304 : memref<128x16xf32, #tpu.memory_space<hbm>>) target_semaphore(%dma_start3A_302 : memref<!tpu.dma_semaphore, #tpu.memory_space<semaphore_mem>>)
          "tpu.trace_stop"() : () -> ()
        } else {
        }
        %and3A_244 = arith.constant true
        %and3A_245 = arith.andi %or3A_240, %and3A_244 : i1
        %add3A_246 = arith.constant 1 : i32
        %add3A_247 = arith.addi %scan3A_151, %add3A_246 : i32
        %select_n3A_248 = arith.select %and3A_245, %add3A_247, %scan3A_151 : i32
        %ne3A_249 = arith.cmpi ne, %add3A_158, %add3A_167 : i32
        %or3A_250 = arith.constant false
        %or3A_251 = arith.ori %or3A_250, %ne3A_249 : i1
        %not3A_252 = arith.constant true
        %not3A_253 = arith.xori %eq3A_155, %not3A_252 : i1
        %and3A_254 = arith.andi %or3A_251, %not3A_253 : i1
        %convert_element_type3A_255 = arith.extui %and3A_254 : i1 to i32
        %cond3A_256 = arith.constant 0 : i32
        %cond3A_257 = arith.cmpi ne, %convert_element_type3A_255, %cond3A_256 : i32
        scf.if %cond3A_257 {
        } else {
        }
        %and3A_258 = arith.constant false
        %and3A_259 = arith.andi %and3A_254, %and3A_258 : i1
        %ne3A_260 = arith.cmpi ne, %add3A_158, %add3A_167 : i32
        %or3A_261 = arith.constant false
        %or3A_262 = arith.ori %or3A_261, %ne3A_260 : i1
        %or3A_263 = arith.constant false
        %or3A_264 = arith.ori %or3A_262, %or3A_263 : i1
        %not3A_265 = arith.constant true
        %not3A_266 = arith.xori %eq3A_155, %not3A_265 : i1
        %and3A_267 = arith.andi %or3A_264, %not3A_266 : i1
        %convert_element_type3A_268 = arith.extui %and3A_267 : i1 to i32
        %cond3A_269 = arith.constant 0 : i32
        %cond3A_270 = arith.cmpi ne, %convert_element_type3A_268, %cond3A_269 : i32
        scf.if %cond3A_270 {
          "tpu.trace_start"() <{level = 10 : i32, message = "ep_wait_out"}> : () -> ()
          %rem3A_291 = arith.constant 2 : i32
          %rem3A_292 = arith.remui %scan3A_152, %rem3A_291 : i32
          %mul3A_293 = arith.constant 128 : i32
          %mul3A_294 = arith.muli %mul3A_293, %add3A_167 : i32
          %dma_wait3A_295 = arith.constant 0 : i32
          %dma_wait3A_296 = arith.constant 0 : i32
          %dma_wait3A_297 = tpu.memref_slice %run_scoped3A_35[%rem3A_292, %dma_wait3A_295, %dma_wait3A_296] : memref<2x128x16xf32, #tpu.memory_space<vmem>> -> memref<1x128x16xf32, #tpu.memory_space<vmem>>
          %dma_wait3A_298 = tpu.memref_squeeze %dma_wait3A_297 : memref<1x128x16xf32, #tpu.memory_space<vmem>> -> memref<128x16xf32, #tpu.memory_space<vmem>>
          %dma_wait3A_299 = arith.constant 0 : i32
          %dma_wait3A_300 = tpu.memref_slice %arg7[%mul3A_294, %dma_wait3A_299] : memref<65536x16xf32, #tpu.memory_space<hbm>> -> memref<128x16xf32, #tpu.memory_space<hbm>>
          %dma_wait3A_301 = tpu.memref_slice %run_scoped3A_36[%rem3A_292] : memref<2x!tpu.dma_semaphore, #tpu.memory_space<semaphore_mem>> -> memref<1x!tpu.dma_semaphore, #tpu.memory_space<semaphore_mem>>
          %dma_wait3A_302 = tpu.memref_squeeze %dma_wait3A_301 : memref<1x!tpu.dma_semaphore, #tpu.memory_space<semaphore_mem>> -> memref<!tpu.dma_semaphore, #tpu.memory_space<semaphore_mem>>
          %dma_wait3A_303 = arith.constant 0 : i32
          %dma_wait3A_304 = tpu.memref_slice %arg7[%mul3A_294, %dma_wait3A_303] : memref<65536x16xf32, #tpu.memory_space<hbm>> -> memref<128x16xf32, #tpu.memory_space<hbm>>
          %dma_wait3A_305 = arith.constant 0 : i32
          %dma_wait3A_306 = arith.constant 0 : i32
          %dma_wait3A_307 = tpu.memref_slice %run_scoped3A_35[%rem3A_292, %dma_wait3A_305, %dma_wait3A_306] : memref<2x128x16xf32, #tpu.memory_space<vmem>> -> memref<1x128x16xf32, #tpu.memory_space<vmem>>
          %dma_wait3A_308 = tpu.memref_squeeze %dma_wait3A_307 : memref<1x128x16xf32, #tpu.memory_space<vmem>> -> memref<128x16xf32, #tpu.memory_space<vmem>>
          tpu.wait_dma2 semaphore(%dma_wait3A_302 : memref<!tpu.dma_semaphore, #tpu.memory_space<semaphore_mem>>) src(%dma_wait3A_308 : memref<128x16xf32, #tpu.memory_space<vmem>>) dst(%dma_wait3A_304 : memref<128x16xf32, #tpu.memory_space<hbm>>)
          "tpu.trace_stop"() : () -> ()
        } else {
        }
        %and3A_271 = arith.constant true
        %and3A_272 = arith.andi %and3A_267, %and3A_271 : i1
        %add3A_273 = arith.constant 1 : i32
        %add3A_274 = arith.addi %scan3A_152, %add3A_273 : i32
        %select_n3A_275 = arith.select %and3A_272, %add3A_274, %scan3A_152 : i32
        %ne3A_276 = arith.cmpi ne, %add3A_158, %add3A_176 : i32
        %or3A_277 = arith.constant false
        %or3A_278 = arith.ori %or3A_277, %ne3A_276 : i1
        %or3A_279 = arith.ori %or3A_278, %eq3A_157 : i1
        %add3A_280 = arith.constant 1 : i32
        %add3A_281 = arith.addi %scan3A_150, %add3A_280 : i32
        %select_n3A_282 = arith.select %or3A_279, %add3A_281, %scan3A_150 : i32
        %add3A_283 = arith.constant 1 : i32
        %add3A_284 = arith.addi %scan3A_153, %add3A_283 : i32
        %select_n3A_285 = arith.constant true
        %select_n3A_286 = arith.select %select_n3A_285, %add3A_284, %scan3A_153 : i32
        %eq3A_287 = arith.constant 16 : i32
        %eq3A_288 = arith.cmpi eq, %select_n3A_286, %eq3A_287 : i32
        %select_n3A_289 = arith.constant 0 : i32
        %select_n3A_290 = arith.select %eq3A_288, %select_n3A_289, %select_n3A_286 : i32
        scf.yield %select_n3A_194, %select_n3A_282, %select_n3A_248, %select_n3A_275, %select_n3A_290 : i32, i32, i32, i32, i32
      }
      %scan3A_95 = arith.constant 16 : i32
      %sub3A = arith.constant 1 : i32
      %sub3A_96 = arith.subi %scan3A_94#4, %sub3A : i32
      %select_n3A_97 = arith.constant true
      %select_n3A_98 = arith.select %select_n3A_97, %sub3A_96, %scan3A_94#4 : i32
      %eq3A_99 = arith.constant -1 : i32
      %eq3A_100 = arith.cmpi eq, %select_n3A_98, %eq3A_99 : i32
      %select_n3A_101 = arith.constant 15 : i32
      %select_n3A_102 = arith.select %eq3A_100, %select_n3A_101, %select_n3A_98 : i32
      %add3A_103 = arith.addi %select_n3A_102, %mul3A_6 : i32
      %sub3A_104 = arith.constant 1 : i32
      %sub3A_105 = arith.subi %select_n3A_102, %sub3A_104 : i32
      %select_n3A_106 = arith.constant true
      %select_n3A_107 = arith.select %select_n3A_106, %sub3A_105, %select_n3A_102 : i32
      %eq3A_108 = arith.constant -1 : i32
      %eq3A_109 = arith.cmpi eq, %select_n3A_107, %eq3A_108 : i32
      %select_n3A_110 = arith.constant 15 : i32
      %select_n3A_111 = arith.select %eq3A_109, %select_n3A_110, %select_n3A_107 : i32
      %add3A_112 = arith.addi %select_n3A_111, %mul3A_6 : i32
      %add3A_113 = arith.constant 1 : i32
      %add3A_114 = arith.addi %select_n3A_102, %add3A_113 : i32
      %select_n3A_115 = arith.constant true
      %select_n3A_116 = arith.select %select_n3A_115, %add3A_114, %select_n3A_102 : i32
      %eq3A_117 = arith.constant 16 : i32
      %eq3A_118 = arith.cmpi eq, %select_n3A_116, %eq3A_117 : i32
      %select_n3A_119 = arith.constant 0 : i32
      %select_n3A_120 = arith.select %eq3A_118, %select_n3A_119, %select_n3A_116 : i32
      %add3A_121 = arith.addi %select_n3A_120, %mul3A_6 : i32
      %add3A_122 = arith.constant 1 : i32
      %add3A_123 = arith.addi %select_n3A_120, %add3A_122 : i32
      %select_n3A_124 = arith.constant true
      %select_n3A_125 = arith.select %select_n3A_124, %add3A_123, %select_n3A_120 : i32
      %eq3A_126 = arith.constant 16 : i32
      %eq3A_127 = arith.cmpi eq, %select_n3A_125, %eq3A_126 : i32
      %select_n3A_128 = arith.constant 0 : i32
      %select_n3A_129 = arith.select %eq3A_127, %select_n3A_128, %select_n3A_125 : i32
      %add3A_130 = arith.addi %select_n3A_129, %mul3A_6 : i32
      "tpu.trace_start"() <{level = 10 : i32, message = "ep_finalize"}> : () -> ()
      %rem3A_131 = arith.constant 2 : i32
      %rem3A_132 = arith.remui %scan3A_94#3, %rem3A_131 : i32
      %mul3A_133 = arith.constant 128 : i32
      %mul3A_134 = arith.muli %mul3A_133, %add3A_103 : i32
      %dma_wait3A = arith.constant 0 : i32
      %dma_wait3A_135 = arith.constant 0 : i32
      %dma_wait3A_136 = tpu.memref_slice %run_scoped3A_35[%rem3A_132, %dma_wait3A, %dma_wait3A_135] : memref<2x128x16xf32, #tpu.memory_space<vmem>> -> memref<1x128x16xf32, #tpu.memory_space<vmem>>
      %dma_wait3A_137 = tpu.memref_squeeze %dma_wait3A_136 : memref<1x128x16xf32, #tpu.memory_space<vmem>> -> memref<128x16xf32, #tpu.memory_space<vmem>>
      %dma_wait3A_138 = arith.constant 0 : i32
      %dma_wait3A_139 = tpu.memref_slice %arg7[%mul3A_134, %dma_wait3A_138] : memref<65536x16xf32, #tpu.memory_space<hbm>> -> memref<128x16xf32, #tpu.memory_space<hbm>>
      %dma_wait3A_140 = tpu.memref_slice %run_scoped3A_36[%rem3A_132] : memref<2x!tpu.dma_semaphore, #tpu.memory_space<semaphore_mem>> -> memref<1x!tpu.dma_semaphore, #tpu.memory_space<semaphore_mem>>
      %dma_wait3A_141 = tpu.memref_squeeze %dma_wait3A_140 : memref<1x!tpu.dma_semaphore, #tpu.memory_space<semaphore_mem>> -> memref<!tpu.dma_semaphore, #tpu.memory_space<semaphore_mem>>
      %dma_wait3A_142 = arith.constant 0 : i32
      %dma_wait3A_143 = tpu.memref_slice %arg7[%mul3A_134, %dma_wait3A_142] : memref<65536x16xf32, #tpu.memory_space<hbm>> -> memref<128x16xf32, #tpu.memory_space<hbm>>
      %dma_wait3A_144 = arith.constant 0 : i32
      %dma_wait3A_145 = arith.constant 0 : i32
      %dma_wait3A_146 = tpu.memref_slice %run_scoped3A_35[%rem3A_132, %dma_wait3A_144, %dma_wait3A_145] : memref<2x128x16xf32, #tpu.memory_space<vmem>> -> memref<1x128x16xf32, #tpu.memory_space<vmem>>
      %dma_wait3A_147 = tpu.memref_squeeze %dma_wait3A_146 : memref<1x128x16xf32, #tpu.memory_space<vmem>> -> memref<128x16xf32, #tpu.memory_space<vmem>>
      tpu.wait_dma2 semaphore(%dma_wait3A_141 : memref<!tpu.dma_semaphore, #tpu.memory_space<semaphore_mem>>) src(%dma_wait3A_147 : memref<128x16xf32, #tpu.memory_space<vmem>>) dst(%dma_wait3A_143 : memref<128x16xf32, #tpu.memory_space<hbm>>)
      "tpu.trace_stop"() : () -> ()
      tpu.yield
    }) : () -> ()
    %mul3A_7 = arith.constant 1 : i32
    %mul3A_8 = arith.muli %arg1, %mul3A_7 : i32
    %add3A_9 = arith.constant 0 : i32
    %add3A_10 = arith.addi %add3A_9, %mul3A_8 : i32
    %mul3A_11 = arith.constant 16 : i32
    %mul3A_12 = arith.muli %arg0, %mul3A_11 : i32
    %add3A_13 = arith.addi %add3A_10, %mul3A_12 : i32
    %mul3A_14 = arith.constant 16 : i32
    %mul3A_15 = arith.muli %add3A_13, %mul3A_14 : i32
    "tpu.region"() ({
      %run_scoped3A = memref.alloca() : memref<2x1x128xi32, #tpu.memory_space<vmem>>
      %run_scoped3A_34 = tpu.sem_alloc : memref<2x!tpu.dma_semaphore, #tpu.memory_space<semaphore_mem>>
      %run_scoped3A_35 = memref.alloca() : memref<2x128x16xf32, #tpu.memory_space<vmem>>
      %run_scoped3A_36 = tpu.sem_alloc : memref<2x!tpu.dma_semaphore, #tpu.memory_space<semaphore_mem>>
      %add3A_37 = arith.constant 0 : i32
      %add3A_38 = arith.addi %add3A_37, %mul3A_15 : i32
      %select_n3A = arith.constant true
      %select_n3A_39 = arith.constant 0 : i32
      %select_n3A_40 = arith.constant -1 : i32
      %select_n3A_41 = arith.select %select_n3A, %select_n3A_40, %select_n3A_39 : i32
      %eq3A = arith.constant -1 : i32
      %eq3A_42 = arith.cmpi eq, %select_n3A_41, %eq3A : i32
      %select_n3A_43 = arith.constant 15 : i32
      %select_n3A_44 = arith.select %eq3A_42, %select_n3A_43, %select_n3A_41 : i32
      %add3A_45 = arith.addi %select_n3A_44, %mul3A_15 : i32
      %select_n3A_46 = arith.constant true
      %select_n3A_47 = arith.constant 0 : i32
      %select_n3A_48 = arith.constant 1 : i32
      %select_n3A_49 = arith.select %select_n3A_46, %select_n3A_48, %select_n3A_47 : i32
      %eq3A_50 = arith.constant 16 : i32
      %eq3A_51 = arith.cmpi eq, %select_n3A_49, %eq3A_50 : i32
      %select_n3A_52 = arith.constant 0 : i32
      %select_n3A_53 = arith.select %eq3A_51, %select_n3A_52, %select_n3A_49 : i32
      %add3A_54 = arith.addi %select_n3A_53, %mul3A_15 : i32
      %add3A_55 = arith.constant 1 : i32
      %add3A_56 = arith.addi %select_n3A_53, %add3A_55 : i32
      %select_n3A_57 = arith.constant true
      %select_n3A_58 = arith.select %select_n3A_57, %add3A_56, %select_n3A_53 : i32
      %eq3A_59 = arith.constant 16 : i32
      %eq3A_60 = arith.cmpi eq, %select_n3A_58, %eq3A_59 : i32
      %select_n3A_61 = arith.constant 0 : i32
      %select_n3A_62 = arith.select %eq3A_60, %select_n3A_61, %select_n3A_58 : i32
      %add3A_63 = arith.addi %select_n3A_62, %mul3A_15 : i32
      "tpu.trace_start"() <{level = 10 : i32, message = "ep_initialize_0"}> : () -> ()
      %rem3A = arith.constant 0 : i32
      %rem3A_64 = arith.constant 2 : i32
      %rem3A_65 = arith.remui %rem3A, %rem3A_64 : i32
      %mul3A_66 = arith.constant 128 : i32
      %mul3A_67 = arith.muli %mul3A_66, %add3A_38 : i32
      %dma_start3A = arith.constant 0 : i32
      %dma_start3A_68 = arith.constant 0 : i32
      %dma_start3A_69 = tpu.memref_slice %run_scoped3A[%rem3A_65, %dma_start3A, %dma_start3A_68] : memref<2x1x128xi32, #tpu.memory_space<vmem>> -> memref<1x1x128xi32, #tpu.memory_space<vmem>>
      %dma_start3A_70 = tpu.memref_squeeze %dma_start3A_69 : memref<1x1x128xi32, #tpu.memory_space<vmem>> -> memref<1x128xi32, #tpu.memory_space<vmem>>
      %dma_start3A_71 = arith.constant 0 : i32
      %dma_start3A_72 = tpu.memref_slice %arg4[%dma_start3A_71, %mul3A_67] : memref<1x65536xi32, #tpu.memory_space<hbm>> -> memref<1x128xi32, #tpu.memory_space<hbm>>
      %dma_start3A_73 = tpu.memref_slice %run_scoped3A_34[%rem3A_65] : memref<2x!tpu.dma_semaphore, #tpu.memory_space<semaphore_mem>> -> memref<1x!tpu.dma_semaphore, #tpu.memory_space<semaphore_mem>>
      %dma_start3A_74 = tpu.memref_squeeze %dma_start3A_73 : memref<1x!tpu.dma_semaphore, #tpu.memory_space<semaphore_mem>> -> memref<!tpu.dma_semaphore, #tpu.memory_space<semaphore_mem>>
      %dma_start3A_75 = arith.constant 0 : i32
      %dma_start3A_76 = arith.constant 0 : i32
      %dma_start3A_77 = tpu.memref_slice %run_scoped3A[%rem3A_65, %dma_start3A_75, %dma_start3A_76] : memref<2x1x128xi32, #tpu.memory_space<vmem>> -> memref<1x1x128xi32, #tpu.memory_space<vmem>>
      %dma_start3A_78 = tpu.memref_squeeze %dma_start3A_77 : memref<1x1x128xi32, #tpu.memory_space<vmem>> -> memref<1x128xi32, #tpu.memory_space<vmem>>
      %dma_start3A_79 = arith.constant 0 : i32
      %dma_start3A_80 = tpu.memref_slice %arg4[%dma_start3A_79, %mul3A_67] : memref<1x65536xi32, #tpu.memory_space<hbm>> -> memref<1x128xi32, #tpu.memory_space<hbm>>
      tpu.enqueue_dma source(%dma_start3A_80 : memref<1x128xi32, #tpu.memory_space<hbm>>) target(%dma_start3A_78 : memref<1x128xi32, #tpu.memory_space<vmem>>) target_semaphore(%dma_start3A_74 : memref<!tpu.dma_semaphore, #tpu.memory_space<semaphore_mem>>)
      %add3A_81 = arith.constant 0 : i32
      %add3A_82 = arith.constant 1 : i32
      %add3A_83 = arith.addi %add3A_81, %add3A_82 : i32
      %select_n3A_84 = arith.constant true
      %select_n3A_85 = arith.constant 0 : i32
      %select_n3A_86 = arith.select %select_n3A_84, %add3A_83, %select_n3A_85 : i32
      "tpu.trace_stop"() : () -> ()
      %scan3A = arith.constant 0 : i32
      %scan3A_87 = arith.constant 0 : i32
      %scan3A_88 = arith.constant 0 : i32
      %scan3A_89 = arith.constant 0 : i32
      %scan3A_90 = arith.constant 0 : i32
      %scan3A_91 = arith.constant 16 : i32
      %scan3A_92 = arith.addi %scan3A_90, %scan3A_91 : i32
      %scan3A_93 = arith.constant 1 : i32
      %scan3A_94:5 = scf.for %scan3A_148 = %scan3A_90 to %scan3A_92 step %scan3A_93 iter_args(%scan3A_149 = %select_n3A_86, %scan3A_150 = %scan3A, %scan3A_151 = %scan3A_87, %scan3A_152 = %scan3A_88, %scan3A_153 = %scan3A_89) -> (i32, i32, i32, i32, i32)  : i32 {
        %eq3A_154 = arith.constant 0 : i32
        %eq3A_155 = arith.cmpi eq, %scan3A_148, %eq3A_154 : i32
        %eq3A_156 = arith.constant 15 : i32
        %eq3A_157 = arith.cmpi eq, %scan3A_148, %eq3A_156 : i32
        %add3A_158 = arith.addi %scan3A_153, %mul3A_15 : i32
        %sub3A_159 = arith.constant 1 : i32
        %sub3A_160 = arith.subi %scan3A_153, %sub3A_159 : i32
        %select_n3A_161 = arith.constant true
        %select_n3A_162 = arith.select %select_n3A_161, %sub3A_160, %scan3A_153 : i32
        %eq3A_163 = arith.constant -1 : i32
        %eq3A_164 = arith.cmpi eq, %select_n3A_162, %eq3A_163 : i32
        %select_n3A_165 = arith.constant 15 : i32
        %select_n3A_166 = arith.select %eq3A_164, %select_n3A_165, %select_n3A_162 : i32
        %add3A_167 = arith.addi %select_n3A_166, %mul3A_15 : i32
        %add3A_168 = arith.constant 1 : i32
        %add3A_169 = arith.addi %scan3A_153, %add3A_168 : i32
        %select_n3A_170 = arith.constant true
        %select_n3A_171 = arith.select %select_n3A_170, %add3A_169, %scan3A_153 : i32
        %eq3A_172 = arith.constant 16 : i32
        %eq3A_173 = arith.cmpi eq, %select_n3A_171, %eq3A_172 : i32
        %select_n3A_174 = arith.constant 0 : i32
        %select_n3A_175 = arith.select %eq3A_173, %select_n3A_174, %select_n3A_171 : i32
        %add3A_176 = arith.addi %select_n3A_175, %mul3A_15 : i32
        %add3A_177 = arith.constant 1 : i32
        %add3A_178 = arith.addi %select_n3A_175, %add3A_177 : i32
        %select_n3A_179 = arith.constant true
        %select_n3A_180 = arith.select %select_n3A_179, %add3A_178, %select_n3A_175 : i32
        %eq3A_181 = arith.constant 16 : i32
        %eq3A_182 = arith.cmpi eq, %select_n3A_180, %eq3A_181 : i32
        %select_n3A_183 = arith.constant 0 : i32
        %select_n3A_184 = arith.select %eq3A_182, %select_n3A_183, %select_n3A_180 : i32
        %add3A_185 = arith.addi %select_n3A_184, %mul3A_15 : i32
        %ne3A = arith.cmpi ne, %add3A_158, %add3A_176 : i32
        %or3A = arith.constant false
        %or3A_186 = arith.ori %or3A, %ne3A : i1
        %ge3A = arith.constant 15 : i32
        %ge3A_187 = arith.cmpi sge, %scan3A_148, %ge3A : i32
        %not3A = arith.constant true
        %not3A_188 = arith.xori %ge3A_187, %not3A : i1
        %and3A = arith.andi %or3A_186, %not3A_188 : i1
        %convert_element_type3A = arith.extui %and3A : i1 to i32
        %cond3A = arith.constant 0 : i32
        %cond3A_189 = arith.cmpi ne, %convert_element_type3A, %cond3A : i32
        scf.if %cond3A_189 {
          "tpu.trace_start"() <{level = 10 : i32, message = "ep_copy_in"}> : () -> ()
          %rem3A_291 = arith.constant 2 : i32
          %rem3A_292 = arith.remui %scan3A_149, %rem3A_291 : i32
          %mul3A_293 = arith.constant 128 : i32
          %mul3A_294 = arith.muli %mul3A_293, %add3A_176 : i32
          %dma_start3A_295 = arith.constant 0 : i32
          %dma_start3A_296 = arith.constant 0 : i32
          %dma_start3A_297 = tpu.memref_slice %run_scoped3A[%rem3A_292, %dma_start3A_295, %dma_start3A_296] : memref<2x1x128xi32, #tpu.memory_space<vmem>> -> memref<1x1x128xi32, #tpu.memory_space<vmem>>
          %dma_start3A_298 = tpu.memref_squeeze %dma_start3A_297 : memref<1x1x128xi32, #tpu.memory_space<vmem>> -> memref<1x128xi32, #tpu.memory_space<vmem>>
          %dma_start3A_299 = arith.constant 0 : i32
          %dma_start3A_300 = tpu.memref_slice %arg4[%dma_start3A_299, %mul3A_294] : memref<1x65536xi32, #tpu.memory_space<hbm>> -> memref<1x128xi32, #tpu.memory_space<hbm>>
          %dma_start3A_301 = tpu.memref_slice %run_scoped3A_34[%rem3A_292] : memref<2x!tpu.dma_semaphore, #tpu.memory_space<semaphore_mem>> -> memref<1x!tpu.dma_semaphore, #tpu.memory_space<semaphore_mem>>
          %dma_start3A_302 = tpu.memref_squeeze %dma_start3A_301 : memref<1x!tpu.dma_semaphore, #tpu.memory_space<semaphore_mem>> -> memref<!tpu.dma_semaphore, #tpu.memory_space<semaphore_mem>>
          %dma_start3A_303 = arith.constant 0 : i32
          %dma_start3A_304 = arith.constant 0 : i32
          %dma_start3A_305 = tpu.memref_slice %run_scoped3A[%rem3A_292, %dma_start3A_303, %dma_start3A_304] : memref<2x1x128xi32, #tpu.memory_space<vmem>> -> memref<1x1x128xi32, #tpu.memory_space<vmem>>
          %dma_start3A_306 = tpu.memref_squeeze %dma_start3A_305 : memref<1x1x128xi32, #tpu.memory_space<vmem>> -> memref<1x128xi32, #tpu.memory_space<vmem>>
          %dma_start3A_307 = arith.constant 0 : i32
          %dma_start3A_308 = tpu.memref_slice %arg4[%dma_start3A_307, %mul3A_294] : memref<1x65536xi32, #tpu.memory_space<hbm>> -> memref<1x128xi32, #tpu.memory_space<hbm>>
          tpu.enqueue_dma source(%dma_start3A_308 : memref<1x128xi32, #tpu.memory_space<hbm>>) target(%dma_start3A_306 : memref<1x128xi32, #tpu.memory_space<vmem>>) target_semaphore(%dma_start3A_302 : memref<!tpu.dma_semaphore, #tpu.memory_space<semaphore_mem>>)
          "tpu.trace_stop"() : () -> ()
        } else {
        }
        %and3A_190 = arith.constant true
        %and3A_191 = arith.andi %and3A, %and3A_190 : i1
        %add3A_192 = arith.constant 1 : i32
        %add3A_193 = arith.addi %scan3A_149, %add3A_192 : i32
        %select_n3A_194 = arith.select %and3A_191, %add3A_193, %scan3A_149 : i32
        %ne3A_195 = arith.cmpi ne, %add3A_158, %add3A_176 : i32
        %or3A_196 = arith.constant false
        %or3A_197 = arith.ori %or3A_196, %ne3A_195 : i1
        %or3A_198 = arith.constant false
        %or3A_199 = arith.ori %or3A_197, %or3A_198 : i1
        %ge3A_200 = arith.constant 15 : i32
        %ge3A_201 = arith.cmpi sge, %scan3A_148, %ge3A_200 : i32
        %not3A_202 = arith.constant true
        %not3A_203 = arith.xori %ge3A_201, %not3A_202 : i1
        %and3A_204 = arith.andi %or3A_199, %not3A_203 : i1
        %ne3A_205 = arith.cmpi ne, %add3A_158, %add3A_167 : i32
        %or3A_206 = arith.constant false
        %or3A_207 = arith.ori %or3A_206, %ne3A_205 : i1
        %or3A_208 = arith.ori %or3A_207, %eq3A_155 : i1
        %convert_element_type3A_209 = arith.extui %or3A_208 : i1 to i32
        %cond3A_210 = arith.constant 0 : i32
        %cond3A_211 = arith.cmpi ne, %convert_element_type3A_209, %cond3A_210 : i32
        scf.if %cond3A_211 {
          "tpu.trace_start"() <{level = 10 : i32, message = "ep_wait_in"}> : () -> ()
          %mul3A_291 = arith.constant 128 : i32
          %mul3A_292 = arith.muli %mul3A_291, %add3A_158 : i32
          %rem3A_293 = arith.constant 2 : i32
          %rem3A_294 = arith.remui %scan3A_150, %rem3A_293 : i32
          %dma_wait3A_295 = arith.constant 0 : i32
          %dma_wait3A_296 = arith.constant 0 : i32
          %dma_wait3A_297 = tpu.memref_slice %run_scoped3A[%rem3A_294, %dma_wait3A_295, %dma_wait3A_296] : memref<2x1x128xi32, #tpu.memory_space<vmem>> -> memref<1x1x128xi32, #tpu.memory_space<vmem>>
          %dma_wait3A_298 = tpu.memref_squeeze %dma_wait3A_297 : memref<1x1x128xi32, #tpu.memory_space<vmem>> -> memref<1x128xi32, #tpu.memory_space<vmem>>
          %dma_wait3A_299 = arith.constant 0 : i32
          %dma_wait3A_300 = tpu.memref_slice %arg4[%dma_wait3A_299, %mul3A_292] : memref<1x65536xi32, #tpu.memory_space<hbm>> -> memref<1x128xi32, #tpu.memory_space<hbm>>
          %dma_wait3A_301 = tpu.memref_slice %run_scoped3A_34[%rem3A_294] : memref<2x!tpu.dma_semaphore, #tpu.memory_space<semaphore_mem>> -> memref<1x!tpu.dma_semaphore, #tpu.memory_space<semaphore_mem>>
          %dma_wait3A_302 = tpu.memref_squeeze %dma_wait3A_301 : memref<1x!tpu.dma_semaphore, #tpu.memory_space<semaphore_mem>> -> memref<!tpu.dma_semaphore, #tpu.memory_space<semaphore_mem>>
          %dma_wait3A_303 = arith.constant 0 : i32
          %dma_wait3A_304 = arith.constant 0 : i32
          %dma_wait3A_305 = tpu.memref_slice %run_scoped3A[%rem3A_294, %dma_wait3A_303, %dma_wait3A_304] : memref<2x1x128xi32, #tpu.memory_space<vmem>> -> memref<1x1x128xi32, #tpu.memory_space<vmem>>
          %dma_wait3A_306 = tpu.memref_squeeze %dma_wait3A_305 : memref<1x1x128xi32, #tpu.memory_space<vmem>> -> memref<1x128xi32, #tpu.memory_space<vmem>>
          %dma_wait3A_307 = arith.constant 0 : i32
          %dma_wait3A_308 = tpu.memref_slice %arg4[%dma_wait3A_307, %mul3A_292] : memref<1x65536xi32, #tpu.memory_space<hbm>> -> memref<1x128xi32, #tpu.memory_space<hbm>>
          tpu.wait_dma2 semaphore(%dma_wait3A_302 : memref<!tpu.dma_semaphore, #tpu.memory_space<semaphore_mem>>) src(%dma_wait3A_308 : memref<1x128xi32, #tpu.memory_space<hbm>>) dst(%dma_wait3A_306 : memref<1x128xi32, #tpu.memory_space<vmem>>)
          "tpu.trace_stop"() : () -> ()
        } else {
        }
        %ne3A_212 = arith.cmpi ne, %add3A_158, %add3A_167 : i32
        %or3A_213 = arith.constant false
        %or3A_214 = arith.ori %or3A_213, %ne3A_212 : i1
        %or3A_215 = arith.constant false
        %or3A_216 = arith.ori %or3A_214, %or3A_215 : i1
        %or3A_217 = arith.ori %or3A_216, %eq3A_155 : i1
        %convert_element_type3A_218 = arith.extui %or3A_217 : i1 to i32
        %cond3A_219 = arith.constant 0 : i32
        %cond3A_220 = arith.cmpi ne, %convert_element_type3A_218, %cond3A_219 : i32
        scf.if %cond3A_220 {
        } else {
        }
        %rem3A_221 = arith.constant 2 : i32
        %rem3A_222 = arith.remui %scan3A_150, %rem3A_221 : i32
        %rem3A_223 = arith.constant 2 : i32
        %rem3A_224 = arith.remui %scan3A_151, %rem3A_223 : i32
        %run_scoped3A_225 = arith.constant 0 : i32
        "tpu.trace_start"() <{level = 10 : i32, message = "ep_run_kernel"}> : () -> ()
        "tpu.region"() ({
          %run_scoped3A_291 = tpu.sem_alloc : memref<!tpu.dma_semaphore, #tpu.memory_space<semaphore_mem>>
          %dma_start3A_292 = arith.constant 0 : i32
          %dma_start3A_293 = arith.constant 0 : i32
          %dma_start3A_294 = tpu.memref_slice %run_scoped3A_35[%rem3A_224, %dma_start3A_292, %dma_start3A_293] : memref<2x128x16xf32, #tpu.memory_space<vmem>> -> memref<1x128x16xf32, #tpu.memory_space<vmem>>
          %dma_start3A_295 = tpu.memref_squeeze %dma_start3A_294 : memref<1x128x16xf32, #tpu.memory_space<vmem>> -> memref<128x16xf32, #tpu.memory_space<vmem>>
          %dma_start3A_296 = arith.constant 0 : i32
          %dma_start3A_297 = arith.constant 0 : i32
          %dma_start3A_298 = tpu.memref_slice %run_scoped3A[%rem3A_222, %dma_start3A_296, %dma_start3A_297] : memref<2x1x128xi32, #tpu.memory_space<vmem>> -> memref<1x1x128xi32, #tpu.memory_space<vmem>>
          %dma_start3A_299 = tpu.memref_squeeze %dma_start3A_298 : memref<1x1x128xi32, #tpu.memory_space<vmem>> -> memref<1x128xi32, #tpu.memory_space<vmem>>
          %dma_start3A_300 = arith.constant 0 : i32
          %dma_start3A_301 = tpu.memref_slice %dma_start3A_299[%run_scoped3A_225, %dma_start3A_300] : memref<1x128xi32, #tpu.memory_space<vmem>> -> memref<1x128xi32, #tpu.memory_space<vmem>>
          %dma_start3A_302 = tpu.memref_squeeze %dma_start3A_301 : memref<1x128xi32, #tpu.memory_space<vmem>> -> memref<128xi32, #tpu.memory_space<vmem>>
          %dma_start3A_303 = arith.constant 0 : i32
          %dma_start3A_304 = arith.constant 0 : i32
          %dma_start3A_305 = tpu.memref_slice %arg2[%dma_start3A_303, %dma_start3A_304] : memref<1007616x16xf32, #tpu.memory_space<hbm>> -> memref<1007616x16xf32, #tpu.memory_space<hbm>>
          tpu.enqueue_indirect_dma source(%dma_start3A_305 : memref<1007616x16xf32, #tpu.memory_space<hbm>>) target(%dma_start3A_295 : memref<128x16xf32, #tpu.memory_space<vmem>>) offsets(%dma_start3A_302 : memref<128xi32, #tpu.memory_space<vmem>>) semaphore(%run_scoped3A_291 : memref<!tpu.dma_semaphore, #tpu.memory_space<semaphore_mem>>)
          %dma_wait3A_306 = arith.constant 0 : i32
          %dma_wait3A_307 = arith.constant 0 : i32
          %dma_wait3A_308 = tpu.memref_slice %run_scoped3A_35[%rem3A_224, %dma_wait3A_306, %dma_wait3A_307] : memref<2x128x16xf32, #tpu.memory_space<vmem>> -> memref<1x128x16xf32, #tpu.memory_space<vmem>>
          %dma_wait3A_309 = tpu.memref_squeeze %dma_wait3A_308 : memref<1x128x16xf32, #tpu.memory_space<vmem>> -> memref<128x16xf32, #tpu.memory_space<vmem>>
          %dma_wait3A_310 = arith.constant 0 : i32
          %dma_wait3A_311 = arith.constant 0 : i32
          %dma_wait3A_312 = tpu.memref_slice %run_scoped3A[%rem3A_222, %dma_wait3A_310, %dma_wait3A_311] : memref<2x1x128xi32, #tpu.memory_space<vmem>> -> memref<1x1x128xi32, #tpu.memory_space<vmem>>
          %dma_wait3A_313 = tpu.memref_squeeze %dma_wait3A_312 : memref<1x1x128xi32, #tpu.memory_space<vmem>> -> memref<1x128xi32, #tpu.memory_space<vmem>>
          %dma_wait3A_314 = arith.constant 0 : i32
          %dma_wait3A_315 = tpu.memref_slice %dma_wait3A_313[%run_scoped3A_225, %dma_wait3A_314] : memref<1x128xi32, #tpu.memory_space<vmem>> -> memref<1x128xi32, #tpu.memory_space<vmem>>
          %dma_wait3A_316 = tpu.memref_squeeze %dma_wait3A_315 : memref<1x128xi32, #tpu.memory_space<vmem>> -> memref<128xi32, #tpu.memory_space<vmem>>
          %dma_wait3A_317 = arith.constant 0 : i32
          %dma_wait3A_318 = arith.constant 0 : i32
          %dma_wait3A_319 = tpu.memref_slice %arg2[%dma_wait3A_317, %dma_wait3A_318] : memref<1007616x16xf32, #tpu.memory_space<hbm>> -> memref<1007616x16xf32, #tpu.memory_space<hbm>>
          tpu.wait_indirect_dma semaphore(%run_scoped3A_291 : memref<!tpu.dma_semaphore, #tpu.memory_space<semaphore_mem>>) src(%dma_wait3A_319 : memref<1007616x16xf32, #tpu.memory_space<hbm>>) dst(%dma_wait3A_309 : memref<128x16xf32, #tpu.memory_space<vmem>>)
          tpu.yield
        }) : () -> ()
        "tpu.trace_stop"() : () -> ()
        %ne3A_226 = arith.cmpi ne, %add3A_158, %add3A_176 : i32
        %or3A_227 = arith.constant false
        %or3A_228 = arith.ori %or3A_227, %ne3A_226 : i1
        %or3A_229 = arith.ori %or3A_228, %eq3A_157 : i1
        %convert_element_type3A_230 = arith.extui %or3A_229 : i1 to i32
        %cond3A_231 = arith.constant 0 : i32
        %cond3A_232 = arith.cmpi ne, %convert_element_type3A_230, %cond3A_231 : i32
        scf.if %cond3A_232 {
        } else {
        }
        %and3A_233 = arith.constant false
        %and3A_234 = arith.andi %or3A_229, %and3A_233 : i1
        %ne3A_235 = arith.cmpi ne, %add3A_158, %add3A_176 : i32
        %or3A_236 = arith.constant false
        %or3A_237 = arith.ori %or3A_236, %ne3A_235 : i1
        %or3A_238 = arith.constant false
        %or3A_239 = arith.ori %or3A_237, %or3A_238 : i1
        %or3A_240 = arith.ori %or3A_239, %eq3A_157 : i1
        %convert_element_type3A_241 = arith.extui %or3A_240 : i1 to i32
        %cond3A_242 = arith.constant 0 : i32
        %cond3A_243 = arith.cmpi ne, %convert_element_type3A_241, %cond3A_242 : i32
        scf.if %cond3A_243 {
          "tpu.trace_start"() <{level = 10 : i32, message = "ep_copy_out"}> : () -> ()
          %rem3A_291 = arith.constant 2 : i32
          %rem3A_292 = arith.remui %scan3A_151, %rem3A_291 : i32
          %mul3A_293 = arith.constant 128 : i32
          %mul3A_294 = arith.muli %mul3A_293, %add3A_158 : i32
          %dma_start3A_295 = arith.constant 0 : i32
          %dma_start3A_296 = arith.constant 0 : i32
          %dma_start3A_297 = tpu.memref_slice %run_scoped3A_35[%rem3A_292, %dma_start3A_295, %dma_start3A_296] : memref<2x128x16xf32, #tpu.memory_space<vmem>> -> memref<1x128x16xf32, #tpu.memory_space<vmem>>
          %dma_start3A_298 = tpu.memref_squeeze %dma_start3A_297 : memref<1x128x16xf32, #tpu.memory_space<vmem>> -> memref<128x16xf32, #tpu.memory_space<vmem>>
          %dma_start3A_299 = arith.constant 0 : i32
          %dma_start3A_300 = tpu.memref_slice %arg8[%mul3A_294, %dma_start3A_299] : memref<65536x16xf32, #tpu.memory_space<hbm>> -> memref<128x16xf32, #tpu.memory_space<hbm>>
          %dma_start3A_301 = tpu.memref_slice %run_scoped3A_36[%rem3A_292] : memref<2x!tpu.dma_semaphore, #tpu.memory_space<semaphore_mem>> -> memref<1x!tpu.dma_semaphore, #tpu.memory_space<semaphore_mem>>
          %dma_start3A_302 = tpu.memref_squeeze %dma_start3A_301 : memref<1x!tpu.dma_semaphore, #tpu.memory_space<semaphore_mem>> -> memref<!tpu.dma_semaphore, #tpu.memory_space<semaphore_mem>>
          %dma_start3A_303 = arith.constant 0 : i32
          %dma_start3A_304 = tpu.memref_slice %arg8[%mul3A_294, %dma_start3A_303] : memref<65536x16xf32, #tpu.memory_space<hbm>> -> memref<128x16xf32, #tpu.memory_space<hbm>>
          %dma_start3A_305 = arith.constant 0 : i32
          %dma_start3A_306 = arith.constant 0 : i32
          %dma_start3A_307 = tpu.memref_slice %run_scoped3A_35[%rem3A_292, %dma_start3A_305, %dma_start3A_306] : memref<2x128x16xf32, #tpu.memory_space<vmem>> -> memref<1x128x16xf32, #tpu.memory_space<vmem>>
          %dma_start3A_308 = tpu.memref_squeeze %dma_start3A_307 : memref<1x128x16xf32, #tpu.memory_space<vmem>> -> memref<128x16xf32, #tpu.memory_space<vmem>>
          tpu.enqueue_dma source(%dma_start3A_308 : memref<128x16xf32, #tpu.memory_space<vmem>>) target(%dma_start3A_304 : memref<128x16xf32, #tpu.memory_space<hbm>>) target_semaphore(%dma_start3A_302 : memref<!tpu.dma_semaphore, #tpu.memory_space<semaphore_mem>>)
          "tpu.trace_stop"() : () -> ()
        } else {
        }
        %and3A_244 = arith.constant true
        %and3A_245 = arith.andi %or3A_240, %and3A_244 : i1
        %add3A_246 = arith.constant 1 : i32
        %add3A_247 = arith.addi %scan3A_151, %add3A_246 : i32
        %select_n3A_248 = arith.select %and3A_245, %add3A_247, %scan3A_151 : i32
        %ne3A_249 = arith.cmpi ne, %add3A_158, %add3A_167 : i32
        %or3A_250 = arith.constant false
        %or3A_251 = arith.ori %or3A_250, %ne3A_249 : i1
        %not3A_252 = arith.constant true
        %not3A_253 = arith.xori %eq3A_155, %not3A_252 : i1
        %and3A_254 = arith.andi %or3A_251, %not3A_253 : i1
        %convert_element_type3A_255 = arith.extui %and3A_254 : i1 to i32
        %cond3A_256 = arith.constant 0 : i32
        %cond3A_257 = arith.cmpi ne, %convert_element_type3A_255, %cond3A_256 : i32
        scf.if %cond3A_257 {
        } else {
        }
        %and3A_258 = arith.constant false
        %and3A_259 = arith.andi %and3A_254, %and3A_258 : i1
        %ne3A_260 = arith.cmpi ne, %add3A_158, %add3A_167 : i32
        %or3A_261 = arith.constant false
        %or3A_262 = arith.ori %or3A_261, %ne3A_260 : i1
        %or3A_263 = arith.constant false
        %or3A_264 = arith.ori %or3A_262, %or3A_263 : i1
        %not3A_265 = arith.constant true
        %not3A_266 = arith.xori %eq3A_155, %not3A_265 : i1
        %and3A_267 = arith.andi %or3A_264, %not3A_266 : i1
        %convert_element_type3A_268 = arith.extui %and3A_267 : i1 to i32
        %cond3A_269 = arith.constant 0 : i32
        %cond3A_270 = arith.cmpi ne, %convert_element_type3A_268, %cond3A_269 : i32
        scf.if %cond3A_270 {
          "tpu.trace_start"() <{level = 10 : i32, message = "ep_wait_out"}> : () -> ()
          %rem3A_291 = arith.constant 2 : i32
          %rem3A_292 = arith.remui %scan3A_152, %rem3A_291 : i32
          %mul3A_293 = arith.constant 128 : i32
          %mul3A_294 = arith.muli %mul3A_293, %add3A_167 : i32
          %dma_wait3A_295 = arith.constant 0 : i32
          %dma_wait3A_296 = arith.constant 0 : i32
          %dma_wait3A_297 = tpu.memref_slice %run_scoped3A_35[%rem3A_292, %dma_wait3A_295, %dma_wait3A_296] : memref<2x128x16xf32, #tpu.memory_space<vmem>> -> memref<1x128x16xf32, #tpu.memory_space<vmem>>
          %dma_wait3A_298 = tpu.memref_squeeze %dma_wait3A_297 : memref<1x128x16xf32, #tpu.memory_space<vmem>> -> memref<128x16xf32, #tpu.memory_space<vmem>>
          %dma_wait3A_299 = arith.constant 0 : i32
          %dma_wait3A_300 = tpu.memref_slice %arg8[%mul3A_294, %dma_wait3A_299] : memref<65536x16xf32, #tpu.memory_space<hbm>> -> memref<128x16xf32, #tpu.memory_space<hbm>>
          %dma_wait3A_301 = tpu.memref_slice %run_scoped3A_36[%rem3A_292] : memref<2x!tpu.dma_semaphore, #tpu.memory_space<semaphore_mem>> -> memref<1x!tpu.dma_semaphore, #tpu.memory_space<semaphore_mem>>
          %dma_wait3A_302 = tpu.memref_squeeze %dma_wait3A_301 : memref<1x!tpu.dma_semaphore, #tpu.memory_space<semaphore_mem>> -> memref<!tpu.dma_semaphore, #tpu.memory_space<semaphore_mem>>
          %dma_wait3A_303 = arith.constant 0 : i32
          %dma_wait3A_304 = tpu.memref_slice %arg8[%mul3A_294, %dma_wait3A_303] : memref<65536x16xf32, #tpu.memory_space<hbm>> -> memref<128x16xf32, #tpu.memory_space<hbm>>
          %dma_wait3A_305 = arith.constant 0 : i32
          %dma_wait3A_306 = arith.constant 0 : i32
          %dma_wait3A_307 = tpu.memref_slice %run_scoped3A_35[%rem3A_292, %dma_wait3A_305, %dma_wait3A_306] : memref<2x128x16xf32, #tpu.memory_space<vmem>> -> memref<1x128x16xf32, #tpu.memory_space<vmem>>
          %dma_wait3A_308 = tpu.memref_squeeze %dma_wait3A_307 : memref<1x128x16xf32, #tpu.memory_space<vmem>> -> memref<128x16xf32, #tpu.memory_space<vmem>>
          tpu.wait_dma2 semaphore(%dma_wait3A_302 : memref<!tpu.dma_semaphore, #tpu.memory_space<semaphore_mem>>) src(%dma_wait3A_308 : memref<128x16xf32, #tpu.memory_space<vmem>>) dst(%dma_wait3A_304 : memref<128x16xf32, #tpu.memory_space<hbm>>)
          "tpu.trace_stop"() : () -> ()
        } else {
        }
        %and3A_271 = arith.constant true
        %and3A_272 = arith.andi %and3A_267, %and3A_271 : i1
        %add3A_273 = arith.constant 1 : i32
        %add3A_274 = arith.addi %scan3A_152, %add3A_273 : i32
        %select_n3A_275 = arith.select %and3A_272, %add3A_274, %scan3A_152 : i32
        %ne3A_276 = arith.cmpi ne, %add3A_158, %add3A_176 : i32
        %or3A_277 = arith.constant false
        %or3A_278 = arith.ori %or3A_277, %ne3A_276 : i1
        %or3A_279 = arith.ori %or3A_278, %eq3A_157 : i1
        %add3A_280 = arith.constant 1 : i32
        %add3A_281 = arith.addi %scan3A_150, %add3A_280 : i32
        %select_n3A_282 = arith.select %or3A_279, %add3A_281, %scan3A_150 : i32
        %add3A_283 = arith.constant 1 : i32
        %add3A_284 = arith.addi %scan3A_153, %add3A_283 : i32
        %select_n3A_285 = arith.constant true
        %select_n3A_286 = arith.select %select_n3A_285, %add3A_284, %scan3A_153 : i32
        %eq3A_287 = arith.constant 16 : i32
        %eq3A_288 = arith.cmpi eq, %select_n3A_286, %eq3A_287 : i32
        %select_n3A_289 = arith.constant 0 : i32
        %select_n3A_290 = arith.select %eq3A_288, %select_n3A_289, %select_n3A_286 : i32
        scf.yield %select_n3A_194, %select_n3A_282, %select_n3A_248, %select_n3A_275, %select_n3A_290 : i32, i32, i32, i32, i32
      }
      %scan3A_95 = arith.constant 16 : i32
      %sub3A = arith.constant 1 : i32
      %sub3A_96 = arith.subi %scan3A_94#4, %sub3A : i32
      %select_n3A_97 = arith.constant true
      %select_n3A_98 = arith.select %select_n3A_97, %sub3A_96, %scan3A_94#4 : i32
      %eq3A_99 = arith.constant -1 : i32
      %eq3A_100 = arith.cmpi eq, %select_n3A_98, %eq3A_99 : i32
      %select_n3A_101 = arith.constant 15 : i32
      %select_n3A_102 = arith.select %eq3A_100, %select_n3A_101, %select_n3A_98 : i32
      %add3A_103 = arith.addi %select_n3A_102, %mul3A_15 : i32
      %sub3A_104 = arith.constant 1 : i32
      %sub3A_105 = arith.subi %select_n3A_102, %sub3A_104 : i32
      %select_n3A_106 = arith.constant true
      %select_n3A_107 = arith.select %select_n3A_106, %sub3A_105, %select_n3A_102 : i32
      %eq3A_108 = arith.constant -1 : i32
      %eq3A_109 = arith.cmpi eq, %select_n3A_107, %eq3A_108 : i32
      %select_n3A_110 = arith.constant 15 : i32
      %select_n3A_111 = arith.select %eq3A_109, %select_n3A_110, %select_n3A_107 : i32
      %add3A_112 = arith.addi %select_n3A_111, %mul3A_15 : i32
      %add3A_113 = arith.constant 1 : i32
      %add3A_114 = arith.addi %select_n3A_102, %add3A_113 : i32
      %select_n3A_115 = arith.constant true
      %select_n3A_116 = arith.select %select_n3A_115, %add3A_114, %select_n3A_102 : i32
      %eq3A_117 = arith.constant 16 : i32
      %eq3A_118 = arith.cmpi eq, %select_n3A_116, %eq3A_117 : i32
      %select_n3A_119 = arith.constant 0 : i32
      %select_n3A_120 = arith.select %eq3A_118, %select_n3A_119, %select_n3A_116 : i32
      %add3A_121 = arith.addi %select_n3A_120, %mul3A_15 : i32
      %add3A_122 = arith.constant 1 : i32
      %add3A_123 = arith.addi %select_n3A_120, %add3A_122 : i32
      %select_n3A_124 = arith.constant true
      %select_n3A_125 = arith.select %select_n3A_124, %add3A_123, %select_n3A_120 : i32
      %eq3A_126 = arith.constant 16 : i32
      %eq3A_127 = arith.cmpi eq, %select_n3A_125, %eq3A_126 : i32
      %select_n3A_128 = arith.constant 0 : i32
      %select_n3A_129 = arith.select %eq3A_127, %select_n3A_128, %select_n3A_125 : i32
      %add3A_130 = arith.addi %select_n3A_129, %mul3A_15 : i32
      "tpu.trace_start"() <{level = 10 : i32, message = "ep_finalize"}> : () -> ()
      %rem3A_131 = arith.constant 2 : i32
      %rem3A_132 = arith.remui %scan3A_94#3, %rem3A_131 : i32
      %mul3A_133 = arith.constant 128 : i32
      %mul3A_134 = arith.muli %mul3A_133, %add3A_103 : i32
      %dma_wait3A = arith.constant 0 : i32
      %dma_wait3A_135 = arith.constant 0 : i32
      %dma_wait3A_136 = tpu.memref_slice %run_scoped3A_35[%rem3A_132, %dma_wait3A, %dma_wait3A_135] : memref<2x128x16xf32, #tpu.memory_space<vmem>> -> memref<1x128x16xf32, #tpu.memory_space<vmem>>
      %dma_wait3A_137 = tpu.memref_squeeze %dma_wait3A_136 : memref<1x128x16xf32, #tpu.memory_space<vmem>> -> memref<128x16xf32, #tpu.memory_space<vmem>>
      %dma_wait3A_138 = arith.constant 0 : i32
      %dma_wait3A_139 = tpu.memref_slice %arg8[%mul3A_134, %dma_wait3A_138] : memref<65536x16xf32, #tpu.memory_space<hbm>> -> memref<128x16xf32, #tpu.memory_space<hbm>>
      %dma_wait3A_140 = tpu.memref_slice %run_scoped3A_36[%rem3A_132] : memref<2x!tpu.dma_semaphore, #tpu.memory_space<semaphore_mem>> -> memref<1x!tpu.dma_semaphore, #tpu.memory_space<semaphore_mem>>
      %dma_wait3A_141 = tpu.memref_squeeze %dma_wait3A_140 : memref<1x!tpu.dma_semaphore, #tpu.memory_space<semaphore_mem>> -> memref<!tpu.dma_semaphore, #tpu.memory_space<semaphore_mem>>
      %dma_wait3A_142 = arith.constant 0 : i32
      %dma_wait3A_143 = tpu.memref_slice %arg8[%mul3A_134, %dma_wait3A_142] : memref<65536x16xf32, #tpu.memory_space<hbm>> -> memref<128x16xf32, #tpu.memory_space<hbm>>
      %dma_wait3A_144 = arith.constant 0 : i32
      %dma_wait3A_145 = arith.constant 0 : i32
      %dma_wait3A_146 = tpu.memref_slice %run_scoped3A_35[%rem3A_132, %dma_wait3A_144, %dma_wait3A_145] : memref<2x128x16xf32, #tpu.memory_space<vmem>> -> memref<1x128x16xf32, #tpu.memory_space<vmem>>
      %dma_wait3A_147 = tpu.memref_squeeze %dma_wait3A_146 : memref<1x128x16xf32, #tpu.memory_space<vmem>> -> memref<128x16xf32, #tpu.memory_space<vmem>>
      tpu.wait_dma2 semaphore(%dma_wait3A_141 : memref<!tpu.dma_semaphore, #tpu.memory_space<semaphore_mem>>) src(%dma_wait3A_147 : memref<128x16xf32, #tpu.memory_space<vmem>>) dst(%dma_wait3A_143 : memref<128x16xf32, #tpu.memory_space<hbm>>)
      "tpu.trace_stop"() : () -> ()
      tpu.yield
    }) : () -> ()
    %mul3A_16 = arith.constant 1 : i32
    %mul3A_17 = arith.muli %arg1, %mul3A_16 : i32
    %add3A_18 = arith.constant 0 : i32
    %add3A_19 = arith.addi %add3A_18, %mul3A_17 : i32
    %mul3A_20 = arith.constant 16 : i32
    %mul3A_21 = arith.muli %arg0, %mul3A_20 : i32
    %add3A_22 = arith.addi %add3A_19, %mul3A_21 : i32
    %mul3A_23 = arith.constant 16 : i32
    %mul3A_24 = arith.muli %add3A_22, %mul3A_23 : i32
    "tpu.region"() ({
      %run_scoped3A = memref.alloca() : memref<2x1x128xi32, #tpu.memory_space<vmem>>
      %run_scoped3A_34 = tpu.sem_alloc : memref<2x!tpu.dma_semaphore, #tpu.memory_space<semaphore_mem>>
      %run_scoped3A_35 = memref.alloca() : memref<2x128x16xf32, #tpu.memory_space<vmem>>
      %run_scoped3A_36 = tpu.sem_alloc : memref<2x!tpu.dma_semaphore, #tpu.memory_space<semaphore_mem>>
      %add3A_37 = arith.constant 0 : i32
      %add3A_38 = arith.addi %add3A_37, %mul3A_24 : i32
      %select_n3A = arith.constant true
      %select_n3A_39 = arith.constant 0 : i32
      %select_n3A_40 = arith.constant -1 : i32
      %select_n3A_41 = arith.select %select_n3A, %select_n3A_40, %select_n3A_39 : i32
      %eq3A = arith.constant -1 : i32
      %eq3A_42 = arith.cmpi eq, %select_n3A_41, %eq3A : i32
      %select_n3A_43 = arith.constant 15 : i32
      %select_n3A_44 = arith.select %eq3A_42, %select_n3A_43, %select_n3A_41 : i32
      %add3A_45 = arith.addi %select_n3A_44, %mul3A_24 : i32
      %select_n3A_46 = arith.constant true
      %select_n3A_47 = arith.constant 0 : i32
      %select_n3A_48 = arith.constant 1 : i32
      %select_n3A_49 = arith.select %select_n3A_46, %select_n3A_48, %select_n3A_47 : i32
      %eq3A_50 = arith.constant 16 : i32
      %eq3A_51 = arith.cmpi eq, %select_n3A_49, %eq3A_50 : i32
      %select_n3A_52 = arith.constant 0 : i32
      %select_n3A_53 = arith.select %eq3A_51, %select_n3A_52, %select_n3A_49 : i32
      %add3A_54 = arith.addi %select_n3A_53, %mul3A_24 : i32
      %add3A_55 = arith.constant 1 : i32
      %add3A_56 = arith.addi %select_n3A_53, %add3A_55 : i32
      %select_n3A_57 = arith.constant true
      %select_n3A_58 = arith.select %select_n3A_57, %add3A_56, %select_n3A_53 : i32
      %eq3A_59 = arith.constant 16 : i32
      %eq3A_60 = arith.cmpi eq, %select_n3A_58, %eq3A_59 : i32
      %select_n3A_61 = arith.constant 0 : i32
      %select_n3A_62 = arith.select %eq3A_60, %select_n3A_61, %select_n3A_58 : i32
      %add3A_63 = arith.addi %select_n3A_62, %mul3A_24 : i32
      "tpu.trace_start"() <{level = 10 : i32, message = "ep_initialize_0"}> : () -> ()
      %rem3A = arith.constant 0 : i32
      %rem3A_64 = arith.constant 2 : i32
      %rem3A_65 = arith.remui %rem3A, %rem3A_64 : i32
      %mul3A_66 = arith.constant 128 : i32
      %mul3A_67 = arith.muli %mul3A_66, %add3A_38 : i32
      %dma_start3A = arith.constant 0 : i32
      %dma_start3A_68 = arith.constant 0 : i32
      %dma_start3A_69 = tpu.memref_slice %run_scoped3A[%rem3A_65, %dma_start3A, %dma_start3A_68] : memref<2x1x128xi32, #tpu.memory_space<vmem>> -> memref<1x1x128xi32, #tpu.memory_space<vmem>>
      %dma_start3A_70 = tpu.memref_squeeze %dma_start3A_69 : memref<1x1x128xi32, #tpu.memory_space<vmem>> -> memref<1x128xi32, #tpu.memory_space<vmem>>
      %dma_start3A_71 = arith.constant 0 : i32
      %dma_start3A_72 = tpu.memref_slice %arg5[%dma_start3A_71, %mul3A_67] : memref<1x65536xi32, #tpu.memory_space<hbm>> -> memref<1x128xi32, #tpu.memory_space<hbm>>
      %dma_start3A_73 = tpu.memref_slice %run_scoped3A_34[%rem3A_65] : memref<2x!tpu.dma_semaphore, #tpu.memory_space<semaphore_mem>> -> memref<1x!tpu.dma_semaphore, #tpu.memory_space<semaphore_mem>>
      %dma_start3A_74 = tpu.memref_squeeze %dma_start3A_73 : memref<1x!tpu.dma_semaphore, #tpu.memory_space<semaphore_mem>> -> memref<!tpu.dma_semaphore, #tpu.memory_space<semaphore_mem>>
      %dma_start3A_75 = arith.constant 0 : i32
      %dma_start3A_76 = arith.constant 0 : i32
      %dma_start3A_77 = tpu.memref_slice %run_scoped3A[%rem3A_65, %dma_start3A_75, %dma_start3A_76] : memref<2x1x128xi32, #tpu.memory_space<vmem>> -> memref<1x1x128xi32, #tpu.memory_space<vmem>>
      %dma_start3A_78 = tpu.memref_squeeze %dma_start3A_77 : memref<1x1x128xi32, #tpu.memory_space<vmem>> -> memref<1x128xi32, #tpu.memory_space<vmem>>
      %dma_start3A_79 = arith.constant 0 : i32
      %dma_start3A_80 = tpu.memref_slice %arg5[%dma_start3A_79, %mul3A_67] : memref<1x65536xi32, #tpu.memory_space<hbm>> -> memref<1x128xi32, #tpu.memory_space<hbm>>
      tpu.enqueue_dma source(%dma_start3A_80 : memref<1x128xi32, #tpu.memory_space<hbm>>) target(%dma_start3A_78 : memref<1x128xi32, #tpu.memory_space<vmem>>) target_semaphore(%dma_start3A_74 : memref<!tpu.dma_semaphore, #tpu.memory_space<semaphore_mem>>)
      %add3A_81 = arith.constant 0 : i32
      %add3A_82 = arith.constant 1 : i32
      %add3A_83 = arith.addi %add3A_81, %add3A_82 : i32
      %select_n3A_84 = arith.constant true
      %select_n3A_85 = arith.constant 0 : i32
      %select_n3A_86 = arith.select %select_n3A_84, %add3A_83, %select_n3A_85 : i32
      "tpu.trace_stop"() : () -> ()
      %scan3A = arith.constant 0 : i32
      %scan3A_87 = arith.constant 0 : i32
      %scan3A_88 = arith.constant 0 : i32
      %scan3A_89 = arith.constant 0 : i32
      %scan3A_90 = arith.constant 0 : i32
      %scan3A_91 = arith.constant 16 : i32
      %scan3A_92 = arith.addi %scan3A_90, %scan3A_91 : i32
      %scan3A_93 = arith.constant 1 : i32
      %scan3A_94:5 = scf.for %scan3A_148 = %scan3A_90 to %scan3A_92 step %scan3A_93 iter_args(%scan3A_149 = %select_n3A_86, %scan3A_150 = %scan3A, %scan3A_151 = %scan3A_87, %scan3A_152 = %scan3A_88, %scan3A_153 = %scan3A_89) -> (i32, i32, i32, i32, i32)  : i32 {
        %eq3A_154 = arith.constant 0 : i32
        %eq3A_155 = arith.cmpi eq, %scan3A_148, %eq3A_154 : i32
        %eq3A_156 = arith.constant 15 : i32
        %eq3A_157 = arith.cmpi eq, %scan3A_148, %eq3A_156 : i32
        %add3A_158 = arith.addi %scan3A_153, %mul3A_24 : i32
        %sub3A_159 = arith.constant 1 : i32
        %sub3A_160 = arith.subi %scan3A_153, %sub3A_159 : i32
        %select_n3A_161 = arith.constant true
        %select_n3A_162 = arith.select %select_n3A_161, %sub3A_160, %scan3A_153 : i32
        %eq3A_163 = arith.constant -1 : i32
        %eq3A_164 = arith.cmpi eq, %select_n3A_162, %eq3A_163 : i32
        %select_n3A_165 = arith.constant 15 : i32
        %select_n3A_166 = arith.select %eq3A_164, %select_n3A_165, %select_n3A_162 : i32
        %add3A_167 = arith.addi %select_n3A_166, %mul3A_24 : i32
        %add3A_168 = arith.constant 1 : i32
        %add3A_169 = arith.addi %scan3A_153, %add3A_168 : i32
        %select_n3A_170 = arith.constant true
        %select_n3A_171 = arith.select %select_n3A_170, %add3A_169, %scan3A_153 : i32
        %eq3A_172 = arith.constant 16 : i32
        %eq3A_173 = arith.cmpi eq, %select_n3A_171, %eq3A_172 : i32
        %select_n3A_174 = arith.constant 0 : i32
        %select_n3A_175 = arith.select %eq3A_173, %select_n3A_174, %select_n3A_171 : i32
        %add3A_176 = arith.addi %select_n3A_175, %mul3A_24 : i32
        %add3A_177 = arith.constant 1 : i32
        %add3A_178 = arith.addi %select_n3A_175, %add3A_177 : i32
        %select_n3A_179 = arith.constant true
        %select_n3A_180 = arith.select %select_n3A_179, %add3A_178, %select_n3A_175 : i32
        %eq3A_181 = arith.constant 16 : i32
        %eq3A_182 = arith.cmpi eq, %select_n3A_180, %eq3A_181 : i32
        %select_n3A_183 = arith.constant 0 : i32
        %select_n3A_184 = arith.select %eq3A_182, %select_n3A_183, %select_n3A_180 : i32
        %add3A_185 = arith.addi %select_n3A_184, %mul3A_24 : i32
        %ne3A = arith.cmpi ne, %add3A_158, %add3A_176 : i32
        %or3A = arith.constant false
        %or3A_186 = arith.ori %or3A, %ne3A : i1
        %ge3A = arith.constant 15 : i32
        %ge3A_187 = arith.cmpi sge, %scan3A_148, %ge3A : i32
        %not3A = arith.constant true
        %not3A_188 = arith.xori %ge3A_187, %not3A : i1
        %and3A = arith.andi %or3A_186, %not3A_188 : i1
        %convert_element_type3A = arith.extui %and3A : i1 to i32
        %cond3A = arith.constant 0 : i32
        %cond3A_189 = arith.cmpi ne, %convert_element_type3A, %cond3A : i32
        scf.if %cond3A_189 {
          "tpu.trace_start"() <{level = 10 : i32, message = "ep_copy_in"}> : () -> ()
          %rem3A_291 = arith.constant 2 : i32
          %rem3A_292 = arith.remui %scan3A_149, %rem3A_291 : i32
          %mul3A_293 = arith.constant 128 : i32
          %mul3A_294 = arith.muli %mul3A_293, %add3A_176 : i32
          %dma_start3A_295 = arith.constant 0 : i32
          %dma_start3A_296 = arith.constant 0 : i32
          %dma_start3A_297 = tpu.memref_slice %run_scoped3A[%rem3A_292, %dma_start3A_295, %dma_start3A_296] : memref<2x1x128xi32, #tpu.memory_space<vmem>> -> memref<1x1x128xi32, #tpu.memory_space<vmem>>
          %dma_start3A_298 = tpu.memref_squeeze %dma_start3A_297 : memref<1x1x128xi32, #tpu.memory_space<vmem>> -> memref<1x128xi32, #tpu.memory_space<vmem>>
          %dma_start3A_299 = arith.constant 0 : i32
          %dma_start3A_300 = tpu.memref_slice %arg5[%dma_start3A_299, %mul3A_294] : memref<1x65536xi32, #tpu.memory_space<hbm>> -> memref<1x128xi32, #tpu.memory_space<hbm>>
          %dma_start3A_301 = tpu.memref_slice %run_scoped3A_34[%rem3A_292] : memref<2x!tpu.dma_semaphore, #tpu.memory_space<semaphore_mem>> -> memref<1x!tpu.dma_semaphore, #tpu.memory_space<semaphore_mem>>
          %dma_start3A_302 = tpu.memref_squeeze %dma_start3A_301 : memref<1x!tpu.dma_semaphore, #tpu.memory_space<semaphore_mem>> -> memref<!tpu.dma_semaphore, #tpu.memory_space<semaphore_mem>>
          %dma_start3A_303 = arith.constant 0 : i32
          %dma_start3A_304 = arith.constant 0 : i32
          %dma_start3A_305 = tpu.memref_slice %run_scoped3A[%rem3A_292, %dma_start3A_303, %dma_start3A_304] : memref<2x1x128xi32, #tpu.memory_space<vmem>> -> memref<1x1x128xi32, #tpu.memory_space<vmem>>
          %dma_start3A_306 = tpu.memref_squeeze %dma_start3A_305 : memref<1x1x128xi32, #tpu.memory_space<vmem>> -> memref<1x128xi32, #tpu.memory_space<vmem>>
          %dma_start3A_307 = arith.constant 0 : i32
          %dma_start3A_308 = tpu.memref_slice %arg5[%dma_start3A_307, %mul3A_294] : memref<1x65536xi32, #tpu.memory_space<hbm>> -> memref<1x128xi32, #tpu.memory_space<hbm>>
          tpu.enqueue_dma source(%dma_start3A_308 : memref<1x128xi32, #tpu.memory_space<hbm>>) target(%dma_start3A_306 : memref<1x128xi32, #tpu.memory_space<vmem>>) target_semaphore(%dma_start3A_302 : memref<!tpu.dma_semaphore, #tpu.memory_space<semaphore_mem>>)
          "tpu.trace_stop"() : () -> ()
        } else {
        }
        %and3A_190 = arith.constant true
        %and3A_191 = arith.andi %and3A, %and3A_190 : i1
        %add3A_192 = arith.constant 1 : i32
        %add3A_193 = arith.addi %scan3A_149, %add3A_192 : i32
        %select_n3A_194 = arith.select %and3A_191, %add3A_193, %scan3A_149 : i32
        %ne3A_195 = arith.cmpi ne, %add3A_158, %add3A_176 : i32
        %or3A_196 = arith.constant false
        %or3A_197 = arith.ori %or3A_196, %ne3A_195 : i1
        %or3A_198 = arith.constant false
        %or3A_199 = arith.ori %or3A_197, %or3A_198 : i1
        %ge3A_200 = arith.constant 15 : i32
        %ge3A_201 = arith.cmpi sge, %scan3A_148, %ge3A_200 : i32
        %not3A_202 = arith.constant true
        %not3A_203 = arith.xori %ge3A_201, %not3A_202 : i1
        %and3A_204 = arith.andi %or3A_199, %not3A_203 : i1
        %ne3A_205 = arith.cmpi ne, %add3A_158, %add3A_167 : i32
        %or3A_206 = arith.constant false
        %or3A_207 = arith.ori %or3A_206, %ne3A_205 : i1
        %or3A_208 = arith.ori %or3A_207, %eq3A_155 : i1
        %convert_element_type3A_209 = arith.extui %or3A_208 : i1 to i32
        %cond3A_210 = arith.constant 0 : i32
        %cond3A_211 = arith.cmpi ne, %convert_element_type3A_209, %cond3A_210 : i32
        scf.if %cond3A_211 {
          "tpu.trace_start"() <{level = 10 : i32, message = "ep_wait_in"}> : () -> ()
          %mul3A_291 = arith.constant 128 : i32
          %mul3A_292 = arith.muli %mul3A_291, %add3A_158 : i32
          %rem3A_293 = arith.constant 2 : i32
          %rem3A_294 = arith.remui %scan3A_150, %rem3A_293 : i32
          %dma_wait3A_295 = arith.constant 0 : i32
          %dma_wait3A_296 = arith.constant 0 : i32
          %dma_wait3A_297 = tpu.memref_slice %run_scoped3A[%rem3A_294, %dma_wait3A_295, %dma_wait3A_296] : memref<2x1x128xi32, #tpu.memory_space<vmem>> -> memref<1x1x128xi32, #tpu.memory_space<vmem>>
          %dma_wait3A_298 = tpu.memref_squeeze %dma_wait3A_297 : memref<1x1x128xi32, #tpu.memory_space<vmem>> -> memref<1x128xi32, #tpu.memory_space<vmem>>
          %dma_wait3A_299 = arith.constant 0 : i32
          %dma_wait3A_300 = tpu.memref_slice %arg5[%dma_wait3A_299, %mul3A_292] : memref<1x65536xi32, #tpu.memory_space<hbm>> -> memref<1x128xi32, #tpu.memory_space<hbm>>
          %dma_wait3A_301 = tpu.memref_slice %run_scoped3A_34[%rem3A_294] : memref<2x!tpu.dma_semaphore, #tpu.memory_space<semaphore_mem>> -> memref<1x!tpu.dma_semaphore, #tpu.memory_space<semaphore_mem>>
          %dma_wait3A_302 = tpu.memref_squeeze %dma_wait3A_301 : memref<1x!tpu.dma_semaphore, #tpu.memory_space<semaphore_mem>> -> memref<!tpu.dma_semaphore, #tpu.memory_space<semaphore_mem>>
          %dma_wait3A_303 = arith.constant 0 : i32
          %dma_wait3A_304 = arith.constant 0 : i32
          %dma_wait3A_305 = tpu.memref_slice %run_scoped3A[%rem3A_294, %dma_wait3A_303, %dma_wait3A_304] : memref<2x1x128xi32, #tpu.memory_space<vmem>> -> memref<1x1x128xi32, #tpu.memory_space<vmem>>
          %dma_wait3A_306 = tpu.memref_squeeze %dma_wait3A_305 : memref<1x1x128xi32, #tpu.memory_space<vmem>> -> memref<1x128xi32, #tpu.memory_space<vmem>>
          %dma_wait3A_307 = arith.constant 0 : i32
          %dma_wait3A_308 = tpu.memref_slice %arg5[%dma_wait3A_307, %mul3A_292] : memref<1x65536xi32, #tpu.memory_space<hbm>> -> memref<1x128xi32, #tpu.memory_space<hbm>>
          tpu.wait_dma2 semaphore(%dma_wait3A_302 : memref<!tpu.dma_semaphore, #tpu.memory_space<semaphore_mem>>) src(%dma_wait3A_308 : memref<1x128xi32, #tpu.memory_space<hbm>>) dst(%dma_wait3A_306 : memref<1x128xi32, #tpu.memory_space<vmem>>)
          "tpu.trace_stop"() : () -> ()
        } else {
        }
        %ne3A_212 = arith.cmpi ne, %add3A_158, %add3A_167 : i32
        %or3A_213 = arith.constant false
        %or3A_214 = arith.ori %or3A_213, %ne3A_212 : i1
        %or3A_215 = arith.constant false
        %or3A_216 = arith.ori %or3A_214, %or3A_215 : i1
        %or3A_217 = arith.ori %or3A_216, %eq3A_155 : i1
        %convert_element_type3A_218 = arith.extui %or3A_217 : i1 to i32
        %cond3A_219 = arith.constant 0 : i32
        %cond3A_220 = arith.cmpi ne, %convert_element_type3A_218, %cond3A_219 : i32
        scf.if %cond3A_220 {
        } else {
        }
        %rem3A_221 = arith.constant 2 : i32
        %rem3A_222 = arith.remui %scan3A_150, %rem3A_221 : i32
        %rem3A_223 = arith.constant 2 : i32
        %rem3A_224 = arith.remui %scan3A_151, %rem3A_223 : i32
        %run_scoped3A_225 = arith.constant 0 : i32
        "tpu.trace_start"() <{level = 10 : i32, message = "ep_run_kernel"}> : () -> ()
        "tpu.region"() ({
          %run_scoped3A_291 = tpu.sem_alloc : memref<!tpu.dma_semaphore, #tpu.memory_space<semaphore_mem>>
          %dma_start3A_292 = arith.constant 0 : i32
          %dma_start3A_293 = arith.constant 0 : i32
          %dma_start3A_294 = tpu.memref_slice %run_scoped3A_35[%rem3A_224, %dma_start3A_292, %dma_start3A_293] : memref<2x128x16xf32, #tpu.memory_space<vmem>> -> memref<1x128x16xf32, #tpu.memory_space<vmem>>
          %dma_start3A_295 = tpu.memref_squeeze %dma_start3A_294 : memref<1x128x16xf32, #tpu.memory_space<vmem>> -> memref<128x16xf32, #tpu.memory_space<vmem>>
          %dma_start3A_296 = arith.constant 0 : i32
          %dma_start3A_297 = arith.constant 0 : i32
          %dma_start3A_298 = tpu.memref_slice %run_scoped3A[%rem3A_222, %dma_start3A_296, %dma_start3A_297] : memref<2x1x128xi32, #tpu.memory_space<vmem>> -> memref<1x1x128xi32, #tpu.memory_space<vmem>>
          %dma_start3A_299 = tpu.memref_squeeze %dma_start3A_298 : memref<1x1x128xi32, #tpu.memory_space<vmem>> -> memref<1x128xi32, #tpu.memory_space<vmem>>
          %dma_start3A_300 = arith.constant 0 : i32
          %dma_start3A_301 = tpu.memref_slice %dma_start3A_299[%run_scoped3A_225, %dma_start3A_300] : memref<1x128xi32, #tpu.memory_space<vmem>> -> memref<1x128xi32, #tpu.memory_space<vmem>>
          %dma_start3A_302 = tpu.memref_squeeze %dma_start3A_301 : memref<1x128xi32, #tpu.memory_space<vmem>> -> memref<128xi32, #tpu.memory_space<vmem>>
          %dma_start3A_303 = arith.constant 0 : i32
          %dma_start3A_304 = arith.constant 0 : i32
          %dma_start3A_305 = tpu.memref_slice %arg2[%dma_start3A_303, %dma_start3A_304] : memref<1007616x16xf32, #tpu.memory_space<hbm>> -> memref<1007616x16xf32, #tpu.memory_space<hbm>>
          tpu.enqueue_indirect_dma source(%dma_start3A_305 : memref<1007616x16xf32, #tpu.memory_space<hbm>>) target(%dma_start3A_295 : memref<128x16xf32, #tpu.memory_space<vmem>>) offsets(%dma_start3A_302 : memref<128xi32, #tpu.memory_space<vmem>>) semaphore(%run_scoped3A_291 : memref<!tpu.dma_semaphore, #tpu.memory_space<semaphore_mem>>)
          %dma_wait3A_306 = arith.constant 0 : i32
          %dma_wait3A_307 = arith.constant 0 : i32
          %dma_wait3A_308 = tpu.memref_slice %run_scoped3A_35[%rem3A_224, %dma_wait3A_306, %dma_wait3A_307] : memref<2x128x16xf32, #tpu.memory_space<vmem>> -> memref<1x128x16xf32, #tpu.memory_space<vmem>>
          %dma_wait3A_309 = tpu.memref_squeeze %dma_wait3A_308 : memref<1x128x16xf32, #tpu.memory_space<vmem>> -> memref<128x16xf32, #tpu.memory_space<vmem>>
          %dma_wait3A_310 = arith.constant 0 : i32
          %dma_wait3A_311 = arith.constant 0 : i32
          %dma_wait3A_312 = tpu.memref_slice %run_scoped3A[%rem3A_222, %dma_wait3A_310, %dma_wait3A_311] : memref<2x1x128xi32, #tpu.memory_space<vmem>> -> memref<1x1x128xi32, #tpu.memory_space<vmem>>
          %dma_wait3A_313 = tpu.memref_squeeze %dma_wait3A_312 : memref<1x1x128xi32, #tpu.memory_space<vmem>> -> memref<1x128xi32, #tpu.memory_space<vmem>>
          %dma_wait3A_314 = arith.constant 0 : i32
          %dma_wait3A_315 = tpu.memref_slice %dma_wait3A_313[%run_scoped3A_225, %dma_wait3A_314] : memref<1x128xi32, #tpu.memory_space<vmem>> -> memref<1x128xi32, #tpu.memory_space<vmem>>
          %dma_wait3A_316 = tpu.memref_squeeze %dma_wait3A_315 : memref<1x128xi32, #tpu.memory_space<vmem>> -> memref<128xi32, #tpu.memory_space<vmem>>
          %dma_wait3A_317 = arith.constant 0 : i32
          %dma_wait3A_318 = arith.constant 0 : i32
          %dma_wait3A_319 = tpu.memref_slice %arg2[%dma_wait3A_317, %dma_wait3A_318] : memref<1007616x16xf32, #tpu.memory_space<hbm>> -> memref<1007616x16xf32, #tpu.memory_space<hbm>>
          tpu.wait_indirect_dma semaphore(%run_scoped3A_291 : memref<!tpu.dma_semaphore, #tpu.memory_space<semaphore_mem>>) src(%dma_wait3A_319 : memref<1007616x16xf32, #tpu.memory_space<hbm>>) dst(%dma_wait3A_309 : memref<128x16xf32, #tpu.memory_space<vmem>>)
          tpu.yield
        }) : () -> ()
        "tpu.trace_stop"() : () -> ()
        %ne3A_226 = arith.cmpi ne, %add3A_158, %add3A_176 : i32
        %or3A_227 = arith.constant false
        %or3A_228 = arith.ori %or3A_227, %ne3A_226 : i1
        %or3A_229 = arith.ori %or3A_228, %eq3A_157 : i1
        %convert_element_type3A_230 = arith.extui %or3A_229 : i1 to i32
        %cond3A_231 = arith.constant 0 : i32
        %cond3A_232 = arith.cmpi ne, %convert_element_type3A_230, %cond3A_231 : i32
        scf.if %cond3A_232 {
        } else {
        }
        %and3A_233 = arith.constant false
        %and3A_234 = arith.andi %or3A_229, %and3A_233 : i1
        %ne3A_235 = arith.cmpi ne, %add3A_158, %add3A_176 : i32
        %or3A_236 = arith.constant false
        %or3A_237 = arith.ori %or3A_236, %ne3A_235 : i1
        %or3A_238 = arith.constant false
        %or3A_239 = arith.ori %or3A_237, %or3A_238 : i1
        %or3A_240 = arith.ori %or3A_239, %eq3A_157 : i1
        %convert_element_type3A_241 = arith.extui %or3A_240 : i1 to i32
        %cond3A_242 = arith.constant 0 : i32
        %cond3A_243 = arith.cmpi ne, %convert_element_type3A_241, %cond3A_242 : i32
        scf.if %cond3A_243 {
          "tpu.trace_start"() <{level = 10 : i32, message = "ep_copy_out"}> : () -> ()
          %rem3A_291 = arith.constant 2 : i32
          %rem3A_292 = arith.remui %scan3A_151, %rem3A_291 : i32
          %mul3A_293 = arith.constant 128 : i32
          %mul3A_294 = arith.muli %mul3A_293, %add3A_158 : i32
          %dma_start3A_295 = arith.constant 0 : i32
          %dma_start3A_296 = arith.constant 0 : i32
          %dma_start3A_297 = tpu.memref_slice %run_scoped3A_35[%rem3A_292, %dma_start3A_295, %dma_start3A_296] : memref<2x128x16xf32, #tpu.memory_space<vmem>> -> memref<1x128x16xf32, #tpu.memory_space<vmem>>
          %dma_start3A_298 = tpu.memref_squeeze %dma_start3A_297 : memref<1x128x16xf32, #tpu.memory_space<vmem>> -> memref<128x16xf32, #tpu.memory_space<vmem>>
          %dma_start3A_299 = arith.constant 0 : i32
          %dma_start3A_300 = tpu.memref_slice %arg9[%mul3A_294, %dma_start3A_299] : memref<65536x16xf32, #tpu.memory_space<hbm>> -> memref<128x16xf32, #tpu.memory_space<hbm>>
          %dma_start3A_301 = tpu.memref_slice %run_scoped3A_36[%rem3A_292] : memref<2x!tpu.dma_semaphore, #tpu.memory_space<semaphore_mem>> -> memref<1x!tpu.dma_semaphore, #tpu.memory_space<semaphore_mem>>
          %dma_start3A_302 = tpu.memref_squeeze %dma_start3A_301 : memref<1x!tpu.dma_semaphore, #tpu.memory_space<semaphore_mem>> -> memref<!tpu.dma_semaphore, #tpu.memory_space<semaphore_mem>>
          %dma_start3A_303 = arith.constant 0 : i32
          %dma_start3A_304 = tpu.memref_slice %arg9[%mul3A_294, %dma_start3A_303] : memref<65536x16xf32, #tpu.memory_space<hbm>> -> memref<128x16xf32, #tpu.memory_space<hbm>>
          %dma_start3A_305 = arith.constant 0 : i32
          %dma_start3A_306 = arith.constant 0 : i32
          %dma_start3A_307 = tpu.memref_slice %run_scoped3A_35[%rem3A_292, %dma_start3A_305, %dma_start3A_306] : memref<2x128x16xf32, #tpu.memory_space<vmem>> -> memref<1x128x16xf32, #tpu.memory_space<vmem>>
          %dma_start3A_308 = tpu.memref_squeeze %dma_start3A_307 : memref<1x128x16xf32, #tpu.memory_space<vmem>> -> memref<128x16xf32, #tpu.memory_space<vmem>>
          tpu.enqueue_dma source(%dma_start3A_308 : memref<128x16xf32, #tpu.memory_space<vmem>>) target(%dma_start3A_304 : memref<128x16xf32, #tpu.memory_space<hbm>>) target_semaphore(%dma_start3A_302 : memref<!tpu.dma_semaphore, #tpu.memory_space<semaphore_mem>>)
          "tpu.trace_stop"() : () -> ()
        } else {
        }
        %and3A_244 = arith.constant true
        %and3A_245 = arith.andi %or3A_240, %and3A_244 : i1
        %add3A_246 = arith.constant 1 : i32
        %add3A_247 = arith.addi %scan3A_151, %add3A_246 : i32
        %select_n3A_248 = arith.select %and3A_245, %add3A_247, %scan3A_151 : i32
        %ne3A_249 = arith.cmpi ne, %add3A_158, %add3A_167 : i32
        %or3A_250 = arith.constant false
        %or3A_251 = arith.ori %or3A_250, %ne3A_249 : i1
        %not3A_252 = arith.constant true
        %not3A_253 = arith.xori %eq3A_155, %not3A_252 : i1
        %and3A_254 = arith.andi %or3A_251, %not3A_253 : i1
        %convert_element_type3A_255 = arith.extui %and3A_254 : i1 to i32
        %cond3A_256 = arith.constant 0 : i32
        %cond3A_257 = arith.cmpi ne, %convert_element_type3A_255, %cond3A_256 : i32
        scf.if %cond3A_257 {
        } else {
        }
        %and3A_258 = arith.constant false
        %and3A_259 = arith.andi %and3A_254, %and3A_258 : i1
        %ne3A_260 = arith.cmpi ne, %add3A_158, %add3A_167 : i32
        %or3A_261 = arith.constant false
        %or3A_262 = arith.ori %or3A_261, %ne3A_260 : i1
        %or3A_263 = arith.constant false
        %or3A_264 = arith.ori %or3A_262, %or3A_263 : i1
        %not3A_265 = arith.constant true
        %not3A_266 = arith.xori %eq3A_155, %not3A_265 : i1
        %and3A_267 = arith.andi %or3A_264, %not3A_266 : i1
        %convert_element_type3A_268 = arith.extui %and3A_267 : i1 to i32
        %cond3A_269 = arith.constant 0 : i32
        %cond3A_270 = arith.cmpi ne, %convert_element_type3A_268, %cond3A_269 : i32
        scf.if %cond3A_270 {
          "tpu.trace_start"() <{level = 10 : i32, message = "ep_wait_out"}> : () -> ()
          %rem3A_291 = arith.constant 2 : i32
          %rem3A_292 = arith.remui %scan3A_152, %rem3A_291 : i32
          %mul3A_293 = arith.constant 128 : i32
          %mul3A_294 = arith.muli %mul3A_293, %add3A_167 : i32
          %dma_wait3A_295 = arith.constant 0 : i32
          %dma_wait3A_296 = arith.constant 0 : i32
          %dma_wait3A_297 = tpu.memref_slice %run_scoped3A_35[%rem3A_292, %dma_wait3A_295, %dma_wait3A_296] : memref<2x128x16xf32, #tpu.memory_space<vmem>> -> memref<1x128x16xf32, #tpu.memory_space<vmem>>
          %dma_wait3A_298 = tpu.memref_squeeze %dma_wait3A_297 : memref<1x128x16xf32, #tpu.memory_space<vmem>> -> memref<128x16xf32, #tpu.memory_space<vmem>>
          %dma_wait3A_299 = arith.constant 0 : i32
          %dma_wait3A_300 = tpu.memref_slice %arg9[%mul3A_294, %dma_wait3A_299] : memref<65536x16xf32, #tpu.memory_space<hbm>> -> memref<128x16xf32, #tpu.memory_space<hbm>>
          %dma_wait3A_301 = tpu.memref_slice %run_scoped3A_36[%rem3A_292] : memref<2x!tpu.dma_semaphore, #tpu.memory_space<semaphore_mem>> -> memref<1x!tpu.dma_semaphore, #tpu.memory_space<semaphore_mem>>
          %dma_wait3A_302 = tpu.memref_squeeze %dma_wait3A_301 : memref<1x!tpu.dma_semaphore, #tpu.memory_space<semaphore_mem>> -> memref<!tpu.dma_semaphore, #tpu.memory_space<semaphore_mem>>
          %dma_wait3A_303 = arith.constant 0 : i32
          %dma_wait3A_304 = tpu.memref_slice %arg9[%mul3A_294, %dma_wait3A_303] : memref<65536x16xf32, #tpu.memory_space<hbm>> -> memref<128x16xf32, #tpu.memory_space<hbm>>
          %dma_wait3A_305 = arith.constant 0 : i32
          %dma_wait3A_306 = arith.constant 0 : i32
          %dma_wait3A_307 = tpu.memref_slice %run_scoped3A_35[%rem3A_292, %dma_wait3A_305, %dma_wait3A_306] : memref<2x128x16xf32, #tpu.memory_space<vmem>> -> memref<1x128x16xf32, #tpu.memory_space<vmem>>
          %dma_wait3A_308 = tpu.memref_squeeze %dma_wait3A_307 : memref<1x128x16xf32, #tpu.memory_space<vmem>> -> memref<128x16xf32, #tpu.memory_space<vmem>>
          tpu.wait_dma2 semaphore(%dma_wait3A_302 : memref<!tpu.dma_semaphore, #tpu.memory_space<semaphore_mem>>) src(%dma_wait3A_308 : memref<128x16xf32, #tpu.memory_space<vmem>>) dst(%dma_wait3A_304 : memref<128x16xf32, #tpu.memory_space<hbm>>)
          "tpu.trace_stop"() : () -> ()
        } else {
        }
        %and3A_271 = arith.constant true
        %and3A_272 = arith.andi %and3A_267, %and3A_271 : i1
        %add3A_273 = arith.constant 1 : i32
        %add3A_274 = arith.addi %scan3A_152, %add3A_273 : i32
        %select_n3A_275 = arith.select %and3A_272, %add3A_274, %scan3A_152 : i32
        %ne3A_276 = arith.cmpi ne, %add3A_158, %add3A_176 : i32
        %or3A_277 = arith.constant false
        %or3A_278 = arith.ori %or3A_277, %ne3A_276 : i1
        %or3A_279 = arith.ori %or3A_278, %eq3A_157 : i1
        %add3A_280 = arith.constant 1 : i32
        %add3A_281 = arith.addi %scan3A_150, %add3A_280 : i32
        %select_n3A_282 = arith.select %or3A_279, %add3A_281, %scan3A_150 : i32
        %add3A_283 = arith.constant 1 : i32
        %add3A_284 = arith.addi %scan3A_153, %add3A_283 : i32
        %select_n3A_285 = arith.constant true
        %select_n3A_286 = arith.select %select_n3A_285, %add3A_284, %scan3A_153 : i32
        %eq3A_287 = arith.constant 16 : i32
        %eq3A_288 = arith.cmpi eq, %select_n3A_286, %eq3A_287 : i32
        %select_n3A_289 = arith.constant 0 : i32
        %select_n3A_290 = arith.select %eq3A_288, %select_n3A_289, %select_n3A_286 : i32
        scf.yield %select_n3A_194, %select_n3A_282, %select_n3A_248, %select_n3A_275, %select_n3A_290 : i32, i32, i32, i32, i32
      }
      %scan3A_95 = arith.constant 16 : i32
      %sub3A = arith.constant 1 : i32
      %sub3A_96 = arith.subi %scan3A_94#4, %sub3A : i32
      %select_n3A_97 = arith.constant true
      %select_n3A_98 = arith.select %select_n3A_97, %sub3A_96, %scan3A_94#4 : i32
      %eq3A_99 = arith.constant -1 : i32
      %eq3A_100 = arith.cmpi eq, %select_n3A_98, %eq3A_99 : i32
      %select_n3A_101 = arith.constant 15 : i32
      %select_n3A_102 = arith.select %eq3A_100, %select_n3A_101, %select_n3A_98 : i32
      %add3A_103 = arith.addi %select_n3A_102, %mul3A_24 : i32
      %sub3A_104 = arith.constant 1 : i32
      %sub3A_105 = arith.subi %select_n3A_102, %sub3A_104 : i32
      %select_n3A_106 = arith.constant true
      %select_n3A_107 = arith.select %select_n3A_106, %sub3A_105, %select_n3A_102 : i32
      %eq3A_108 = arith.constant -1 : i32
      %eq3A_109 = arith.cmpi eq, %select_n3A_107, %eq3A_108 : i32
      %select_n3A_110 = arith.constant 15 : i32
      %select_n3A_111 = arith.select %eq3A_109, %select_n3A_110, %select_n3A_107 : i32
      %add3A_112 = arith.addi %select_n3A_111, %mul3A_24 : i32
      %add3A_113 = arith.constant 1 : i32
      %add3A_114 = arith.addi %select_n3A_102, %add3A_113 : i32
      %select_n3A_115 = arith.constant true
      %select_n3A_116 = arith.select %select_n3A_115, %add3A_114, %select_n3A_102 : i32
      %eq3A_117 = arith.constant 16 : i32
      %eq3A_118 = arith.cmpi eq, %select_n3A_116, %eq3A_117 : i32
      %select_n3A_119 = arith.constant 0 : i32
      %select_n3A_120 = arith.select %eq3A_118, %select_n3A_119, %select_n3A_116 : i32
      %add3A_121 = arith.addi %select_n3A_120, %mul3A_24 : i32
      %add3A_122 = arith.constant 1 : i32
      %add3A_123 = arith.addi %select_n3A_120, %add3A_122 : i32
      %select_n3A_124 = arith.constant true
      %select_n3A_125 = arith.select %select_n3A_124, %add3A_123, %select_n3A_120 : i32
      %eq3A_126 = arith.constant 16 : i32
      %eq3A_127 = arith.cmpi eq, %select_n3A_125, %eq3A_126 : i32
      %select_n3A_128 = arith.constant 0 : i32
      %select_n3A_129 = arith.select %eq3A_127, %select_n3A_128, %select_n3A_125 : i32
      %add3A_130 = arith.addi %select_n3A_129, %mul3A_24 : i32
      "tpu.trace_start"() <{level = 10 : i32, message = "ep_finalize"}> : () -> ()
      %rem3A_131 = arith.constant 2 : i32
      %rem3A_132 = arith.remui %scan3A_94#3, %rem3A_131 : i32
      %mul3A_133 = arith.constant 128 : i32
      %mul3A_134 = arith.muli %mul3A_133, %add3A_103 : i32
      %dma_wait3A = arith.constant 0 : i32
      %dma_wait3A_135 = arith.constant 0 : i32
      %dma_wait3A_136 = tpu.memref_slice %run_scoped3A_35[%rem3A_132, %dma_wait3A, %dma_wait3A_135] : memref<2x128x16xf32, #tpu.memory_space<vmem>> -> memref<1x128x16xf32, #tpu.memory_space<vmem>>
      %dma_wait3A_137 = tpu.memref_squeeze %dma_wait3A_136 : memref<1x128x16xf32, #tpu.memory_space<vmem>> -> memref<128x16xf32, #tpu.memory_space<vmem>>
      %dma_wait3A_138 = arith.constant 0 : i32
      %dma_wait3A_139 = tpu.memref_slice %arg9[%mul3A_134, %dma_wait3A_138] : memref<65536x16xf32, #tpu.memory_space<hbm>> -> memref<128x16xf32, #tpu.memory_space<hbm>>
      %dma_wait3A_140 = tpu.memref_slice %run_scoped3A_36[%rem3A_132] : memref<2x!tpu.dma_semaphore, #tpu.memory_space<semaphore_mem>> -> memref<1x!tpu.dma_semaphore, #tpu.memory_space<semaphore_mem>>
      %dma_wait3A_141 = tpu.memref_squeeze %dma_wait3A_140 : memref<1x!tpu.dma_semaphore, #tpu.memory_space<semaphore_mem>> -> memref<!tpu.dma_semaphore, #tpu.memory_space<semaphore_mem>>
      %dma_wait3A_142 = arith.constant 0 : i32
      %dma_wait3A_143 = tpu.memref_slice %arg9[%mul3A_134, %dma_wait3A_142] : memref<65536x16xf32, #tpu.memory_space<hbm>> -> memref<128x16xf32, #tpu.memory_space<hbm>>
      %dma_wait3A_144 = arith.constant 0 : i32
      %dma_wait3A_145 = arith.constant 0 : i32
      %dma_wait3A_146 = tpu.memref_slice %run_scoped3A_35[%rem3A_132, %dma_wait3A_144, %dma_wait3A_145] : memref<2x128x16xf32, #tpu.memory_space<vmem>> -> memref<1x128x16xf32, #tpu.memory_space<vmem>>
      %dma_wait3A_147 = tpu.memref_squeeze %dma_wait3A_146 : memref<1x128x16xf32, #tpu.memory_space<vmem>> -> memref<128x16xf32, #tpu.memory_space<vmem>>
      tpu.wait_dma2 semaphore(%dma_wait3A_141 : memref<!tpu.dma_semaphore, #tpu.memory_space<semaphore_mem>>) src(%dma_wait3A_147 : memref<128x16xf32, #tpu.memory_space<vmem>>) dst(%dma_wait3A_143 : memref<128x16xf32, #tpu.memory_space<hbm>>)
      "tpu.trace_stop"() : () -> ()
      tpu.yield
    }) : () -> ()
    %mul3A_25 = arith.constant 1 : i32
    %mul3A_26 = arith.muli %arg1, %mul3A_25 : i32
    %add3A_27 = arith.constant 0 : i32
    %add3A_28 = arith.addi %add3A_27, %mul3A_26 : i32
    %mul3A_29 = arith.constant 16 : i32
    %mul3A_30 = arith.muli %arg0, %mul3A_29 : i32
    %add3A_31 = arith.addi %add3A_28, %mul3A_30 : i32
    %mul3A_32 = arith.constant 4 : i32
    %mul3A_33 = arith.muli %add3A_31, %mul3A_32 : i32
    "tpu.region"() ({
      %run_scoped3A = memref.alloca() : memref<2x1x128xi32, #tpu.memory_space<vmem>>
      %run_scoped3A_34 = tpu.sem_alloc : memref<2x!tpu.dma_semaphore, #tpu.memory_space<semaphore_mem>>
      %run_scoped3A_35 = memref.alloca() : memref<2x128x16xf32, #tpu.memory_space<vmem>>
      %run_scoped3A_36 = tpu.sem_alloc : memref<2x!tpu.dma_semaphore, #tpu.memory_space<semaphore_mem>>
      %add3A_37 = arith.constant 0 : i32
      %add3A_38 = arith.addi %add3A_37, %mul3A_33 : i32
      %select_n3A = arith.constant true
      %select_n3A_39 = arith.constant 0 : i32
      %select_n3A_40 = arith.constant -1 : i32
      %select_n3A_41 = arith.select %select_n3A, %select_n3A_40, %select_n3A_39 : i32
      %eq3A = arith.constant -1 : i32
      %eq3A_42 = arith.cmpi eq, %select_n3A_41, %eq3A : i32
      %select_n3A_43 = arith.constant 3 : i32
      %select_n3A_44 = arith.select %eq3A_42, %select_n3A_43, %select_n3A_41 : i32
      %add3A_45 = arith.addi %select_n3A_44, %mul3A_33 : i32
      %select_n3A_46 = arith.constant true
      %select_n3A_47 = arith.constant 0 : i32
      %select_n3A_48 = arith.constant 1 : i32
      %select_n3A_49 = arith.select %select_n3A_46, %select_n3A_48, %select_n3A_47 : i32
      %eq3A_50 = arith.constant 4 : i32
      %eq3A_51 = arith.cmpi eq, %select_n3A_49, %eq3A_50 : i32
      %select_n3A_52 = arith.constant 0 : i32
      %select_n3A_53 = arith.select %eq3A_51, %select_n3A_52, %select_n3A_49 : i32
      %add3A_54 = arith.addi %select_n3A_53, %mul3A_33 : i32
      %add3A_55 = arith.constant 1 : i32
      %add3A_56 = arith.addi %select_n3A_53, %add3A_55 : i32
      %select_n3A_57 = arith.constant true
      %select_n3A_58 = arith.select %select_n3A_57, %add3A_56, %select_n3A_53 : i32
      %eq3A_59 = arith.constant 4 : i32
      %eq3A_60 = arith.cmpi eq, %select_n3A_58, %eq3A_59 : i32
      %select_n3A_61 = arith.constant 0 : i32
      %select_n3A_62 = arith.select %eq3A_60, %select_n3A_61, %select_n3A_58 : i32
      %add3A_63 = arith.addi %select_n3A_62, %mul3A_33 : i32
      "tpu.trace_start"() <{level = 10 : i32, message = "ep_initialize_0"}> : () -> ()
      %rem3A = arith.constant 0 : i32
      %rem3A_64 = arith.constant 2 : i32
      %rem3A_65 = arith.remui %rem3A, %rem3A_64 : i32
      %mul3A_66 = arith.constant 128 : i32
      %mul3A_67 = arith.muli %mul3A_66, %add3A_38 : i32
      %dma_start3A = arith.constant 0 : i32
      %dma_start3A_68 = arith.constant 0 : i32
      %dma_start3A_69 = tpu.memref_slice %run_scoped3A[%rem3A_65, %dma_start3A, %dma_start3A_68] : memref<2x1x128xi32, #tpu.memory_space<vmem>> -> memref<1x1x128xi32, #tpu.memory_space<vmem>>
      %dma_start3A_70 = tpu.memref_squeeze %dma_start3A_69 : memref<1x1x128xi32, #tpu.memory_space<vmem>> -> memref<1x128xi32, #tpu.memory_space<vmem>>
      %dma_start3A_71 = arith.constant 0 : i32
      %dma_start3A_72 = tpu.memref_slice %arg6[%dma_start3A_71, %mul3A_67] : memref<1x16384xi32, #tpu.memory_space<hbm>> -> memref<1x128xi32, #tpu.memory_space<hbm>>
      %dma_start3A_73 = tpu.memref_slice %run_scoped3A_34[%rem3A_65] : memref<2x!tpu.dma_semaphore, #tpu.memory_space<semaphore_mem>> -> memref<1x!tpu.dma_semaphore, #tpu.memory_space<semaphore_mem>>
      %dma_start3A_74 = tpu.memref_squeeze %dma_start3A_73 : memref<1x!tpu.dma_semaphore, #tpu.memory_space<semaphore_mem>> -> memref<!tpu.dma_semaphore, #tpu.memory_space<semaphore_mem>>
      %dma_start3A_75 = arith.constant 0 : i32
      %dma_start3A_76 = arith.constant 0 : i32
      %dma_start3A_77 = tpu.memref_slice %run_scoped3A[%rem3A_65, %dma_start3A_75, %dma_start3A_76] : memref<2x1x128xi32, #tpu.memory_space<vmem>> -> memref<1x1x128xi32, #tpu.memory_space<vmem>>
      %dma_start3A_78 = tpu.memref_squeeze %dma_start3A_77 : memref<1x1x128xi32, #tpu.memory_space<vmem>> -> memref<1x128xi32, #tpu.memory_space<vmem>>
      %dma_start3A_79 = arith.constant 0 : i32
      %dma_start3A_80 = tpu.memref_slice %arg6[%dma_start3A_79, %mul3A_67] : memref<1x16384xi32, #tpu.memory_space<hbm>> -> memref<1x128xi32, #tpu.memory_space<hbm>>
      tpu.enqueue_dma source(%dma_start3A_80 : memref<1x128xi32, #tpu.memory_space<hbm>>) target(%dma_start3A_78 : memref<1x128xi32, #tpu.memory_space<vmem>>) target_semaphore(%dma_start3A_74 : memref<!tpu.dma_semaphore, #tpu.memory_space<semaphore_mem>>)
      %add3A_81 = arith.constant 0 : i32
      %add3A_82 = arith.constant 1 : i32
      %add3A_83 = arith.addi %add3A_81, %add3A_82 : i32
      %select_n3A_84 = arith.constant true
      %select_n3A_85 = arith.constant 0 : i32
      %select_n3A_86 = arith.select %select_n3A_84, %add3A_83, %select_n3A_85 : i32
      "tpu.trace_stop"() : () -> ()
      %scan3A = arith.constant 0 : i32
      %scan3A_87 = arith.constant 0 : i32
      %scan3A_88 = arith.constant 0 : i32
      %scan3A_89 = arith.constant 0 : i32
      %scan3A_90 = arith.constant 0 : i32
      %scan3A_91 = arith.constant 4 : i32
      %scan3A_92 = arith.addi %scan3A_90, %scan3A_91 : i32
      %scan3A_93 = arith.constant 1 : i32
      %scan3A_94:5 = scf.for %scan3A_148 = %scan3A_90 to %scan3A_92 step %scan3A_93 iter_args(%scan3A_149 = %select_n3A_86, %scan3A_150 = %scan3A, %scan3A_151 = %scan3A_87, %scan3A_152 = %scan3A_88, %scan3A_153 = %scan3A_89) -> (i32, i32, i32, i32, i32)  : i32 {
        %eq3A_154 = arith.constant 0 : i32
        %eq3A_155 = arith.cmpi eq, %scan3A_148, %eq3A_154 : i32
        %eq3A_156 = arith.constant 3 : i32
        %eq3A_157 = arith.cmpi eq, %scan3A_148, %eq3A_156 : i32
        %add3A_158 = arith.addi %scan3A_153, %mul3A_33 : i32
        %sub3A_159 = arith.constant 1 : i32
        %sub3A_160 = arith.subi %scan3A_153, %sub3A_159 : i32
        %select_n3A_161 = arith.constant true
        %select_n3A_162 = arith.select %select_n3A_161, %sub3A_160, %scan3A_153 : i32
        %eq3A_163 = arith.constant -1 : i32
        %eq3A_164 = arith.cmpi eq, %select_n3A_162, %eq3A_163 : i32
        %select_n3A_165 = arith.constant 3 : i32
        %select_n3A_166 = arith.select %eq3A_164, %select_n3A_165, %select_n3A_162 : i32
        %add3A_167 = arith.addi %select_n3A_166, %mul3A_33 : i32
        %add3A_168 = arith.constant 1 : i32
        %add3A_169 = arith.addi %scan3A_153, %add3A_168 : i32
        %select_n3A_170 = arith.constant true
        %select_n3A_171 = arith.select %select_n3A_170, %add3A_169, %scan3A_153 : i32
        %eq3A_172 = arith.constant 4 : i32
        %eq3A_173 = arith.cmpi eq, %select_n3A_171, %eq3A_172 : i32
        %select_n3A_174 = arith.constant 0 : i32
        %select_n3A_175 = arith.select %eq3A_173, %select_n3A_174, %select_n3A_171 : i32
        %add3A_176 = arith.addi %select_n3A_175, %mul3A_33 : i32
        %add3A_177 = arith.constant 1 : i32
        %add3A_178 = arith.addi %select_n3A_175, %add3A_177 : i32
        %select_n3A_179 = arith.constant true
        %select_n3A_180 = arith.select %select_n3A_179, %add3A_178, %select_n3A_175 : i32
        %eq3A_181 = arith.constant 4 : i32
        %eq3A_182 = arith.cmpi eq, %select_n3A_180, %eq3A_181 : i32
        %select_n3A_183 = arith.constant 0 : i32
        %select_n3A_184 = arith.select %eq3A_182, %select_n3A_183, %select_n3A_180 : i32
        %add3A_185 = arith.addi %select_n3A_184, %mul3A_33 : i32
        %ne3A = arith.cmpi ne, %add3A_158, %add3A_176 : i32
        %or3A = arith.constant false
        %or3A_186 = arith.ori %or3A, %ne3A : i1
        %ge3A = arith.constant 3 : i32
        %ge3A_187 = arith.cmpi sge, %scan3A_148, %ge3A : i32
        %not3A = arith.constant true
        %not3A_188 = arith.xori %ge3A_187, %not3A : i1
        %and3A = arith.andi %or3A_186, %not3A_188 : i1
        %convert_element_type3A = arith.extui %and3A : i1 to i32
        %cond3A = arith.constant 0 : i32
        %cond3A_189 = arith.cmpi ne, %convert_element_type3A, %cond3A : i32
        scf.if %cond3A_189 {
          "tpu.trace_start"() <{level = 10 : i32, message = "ep_copy_in"}> : () -> ()
          %rem3A_291 = arith.constant 2 : i32
          %rem3A_292 = arith.remui %scan3A_149, %rem3A_291 : i32
          %mul3A_293 = arith.constant 128 : i32
          %mul3A_294 = arith.muli %mul3A_293, %add3A_176 : i32
          %dma_start3A_295 = arith.constant 0 : i32
          %dma_start3A_296 = arith.constant 0 : i32
          %dma_start3A_297 = tpu.memref_slice %run_scoped3A[%rem3A_292, %dma_start3A_295, %dma_start3A_296] : memref<2x1x128xi32, #tpu.memory_space<vmem>> -> memref<1x1x128xi32, #tpu.memory_space<vmem>>
          %dma_start3A_298 = tpu.memref_squeeze %dma_start3A_297 : memref<1x1x128xi32, #tpu.memory_space<vmem>> -> memref<1x128xi32, #tpu.memory_space<vmem>>
          %dma_start3A_299 = arith.constant 0 : i32
          %dma_start3A_300 = tpu.memref_slice %arg6[%dma_start3A_299, %mul3A_294] : memref<1x16384xi32, #tpu.memory_space<hbm>> -> memref<1x128xi32, #tpu.memory_space<hbm>>
          %dma_start3A_301 = tpu.memref_slice %run_scoped3A_34[%rem3A_292] : memref<2x!tpu.dma_semaphore, #tpu.memory_space<semaphore_mem>> -> memref<1x!tpu.dma_semaphore, #tpu.memory_space<semaphore_mem>>
          %dma_start3A_302 = tpu.memref_squeeze %dma_start3A_301 : memref<1x!tpu.dma_semaphore, #tpu.memory_space<semaphore_mem>> -> memref<!tpu.dma_semaphore, #tpu.memory_space<semaphore_mem>>
          %dma_start3A_303 = arith.constant 0 : i32
          %dma_start3A_304 = arith.constant 0 : i32
          %dma_start3A_305 = tpu.memref_slice %run_scoped3A[%rem3A_292, %dma_start3A_303, %dma_start3A_304] : memref<2x1x128xi32, #tpu.memory_space<vmem>> -> memref<1x1x128xi32, #tpu.memory_space<vmem>>
          %dma_start3A_306 = tpu.memref_squeeze %dma_start3A_305 : memref<1x1x128xi32, #tpu.memory_space<vmem>> -> memref<1x128xi32, #tpu.memory_space<vmem>>
          %dma_start3A_307 = arith.constant 0 : i32
          %dma_start3A_308 = tpu.memref_slice %arg6[%dma_start3A_307, %mul3A_294] : memref<1x16384xi32, #tpu.memory_space<hbm>> -> memref<1x128xi32, #tpu.memory_space<hbm>>
          tpu.enqueue_dma source(%dma_start3A_308 : memref<1x128xi32, #tpu.memory_space<hbm>>) target(%dma_start3A_306 : memref<1x128xi32, #tpu.memory_space<vmem>>) target_semaphore(%dma_start3A_302 : memref<!tpu.dma_semaphore, #tpu.memory_space<semaphore_mem>>)
          "tpu.trace_stop"() : () -> ()
        } else {
        }
        %and3A_190 = arith.constant true
        %and3A_191 = arith.andi %and3A, %and3A_190 : i1
        %add3A_192 = arith.constant 1 : i32
        %add3A_193 = arith.addi %scan3A_149, %add3A_192 : i32
        %select_n3A_194 = arith.select %and3A_191, %add3A_193, %scan3A_149 : i32
        %ne3A_195 = arith.cmpi ne, %add3A_158, %add3A_176 : i32
        %or3A_196 = arith.constant false
        %or3A_197 = arith.ori %or3A_196, %ne3A_195 : i1
        %or3A_198 = arith.constant false
        %or3A_199 = arith.ori %or3A_197, %or3A_198 : i1
        %ge3A_200 = arith.constant 3 : i32
        %ge3A_201 = arith.cmpi sge, %scan3A_148, %ge3A_200 : i32
        %not3A_202 = arith.constant true
        %not3A_203 = arith.xori %ge3A_201, %not3A_202 : i1
        %and3A_204 = arith.andi %or3A_199, %not3A_203 : i1
        %ne3A_205 = arith.cmpi ne, %add3A_158, %add3A_167 : i32
        %or3A_206 = arith.constant false
        %or3A_207 = arith.ori %or3A_206, %ne3A_205 : i1
        %or3A_208 = arith.ori %or3A_207, %eq3A_155 : i1
        %convert_element_type3A_209 = arith.extui %or3A_208 : i1 to i32
        %cond3A_210 = arith.constant 0 : i32
        %cond3A_211 = arith.cmpi ne, %convert_element_type3A_209, %cond3A_210 : i32
        scf.if %cond3A_211 {
          "tpu.trace_start"() <{level = 10 : i32, message = "ep_wait_in"}> : () -> ()
          %mul3A_291 = arith.constant 128 : i32
          %mul3A_292 = arith.muli %mul3A_291, %add3A_158 : i32
          %rem3A_293 = arith.constant 2 : i32
          %rem3A_294 = arith.remui %scan3A_150, %rem3A_293 : i32
          %dma_wait3A_295 = arith.constant 0 : i32
          %dma_wait3A_296 = arith.constant 0 : i32
          %dma_wait3A_297 = tpu.memref_slice %run_scoped3A[%rem3A_294, %dma_wait3A_295, %dma_wait3A_296] : memref<2x1x128xi32, #tpu.memory_space<vmem>> -> memref<1x1x128xi32, #tpu.memory_space<vmem>>
          %dma_wait3A_298 = tpu.memref_squeeze %dma_wait3A_297 : memref<1x1x128xi32, #tpu.memory_space<vmem>> -> memref<1x128xi32, #tpu.memory_space<vmem>>
          %dma_wait3A_299 = arith.constant 0 : i32
          %dma_wait3A_300 = tpu.memref_slice %arg6[%dma_wait3A_299, %mul3A_292] : memref<1x16384xi32, #tpu.memory_space<hbm>> -> memref<1x128xi32, #tpu.memory_space<hbm>>
          %dma_wait3A_301 = tpu.memref_slice %run_scoped3A_34[%rem3A_294] : memref<2x!tpu.dma_semaphore, #tpu.memory_space<semaphore_mem>> -> memref<1x!tpu.dma_semaphore, #tpu.memory_space<semaphore_mem>>
          %dma_wait3A_302 = tpu.memref_squeeze %dma_wait3A_301 : memref<1x!tpu.dma_semaphore, #tpu.memory_space<semaphore_mem>> -> memref<!tpu.dma_semaphore, #tpu.memory_space<semaphore_mem>>
          %dma_wait3A_303 = arith.constant 0 : i32
          %dma_wait3A_304 = arith.constant 0 : i32
          %dma_wait3A_305 = tpu.memref_slice %run_scoped3A[%rem3A_294, %dma_wait3A_303, %dma_wait3A_304] : memref<2x1x128xi32, #tpu.memory_space<vmem>> -> memref<1x1x128xi32, #tpu.memory_space<vmem>>
          %dma_wait3A_306 = tpu.memref_squeeze %dma_wait3A_305 : memref<1x1x128xi32, #tpu.memory_space<vmem>> -> memref<1x128xi32, #tpu.memory_space<vmem>>
          %dma_wait3A_307 = arith.constant 0 : i32
          %dma_wait3A_308 = tpu.memref_slice %arg6[%dma_wait3A_307, %mul3A_292] : memref<1x16384xi32, #tpu.memory_space<hbm>> -> memref<1x128xi32, #tpu.memory_space<hbm>>
          tpu.wait_dma2 semaphore(%dma_wait3A_302 : memref<!tpu.dma_semaphore, #tpu.memory_space<semaphore_mem>>) src(%dma_wait3A_308 : memref<1x128xi32, #tpu.memory_space<hbm>>) dst(%dma_wait3A_306 : memref<1x128xi32, #tpu.memory_space<vmem>>)
          "tpu.trace_stop"() : () -> ()
        } else {
        }
        %ne3A_212 = arith.cmpi ne, %add3A_158, %add3A_167 : i32
        %or3A_213 = arith.constant false
        %or3A_214 = arith.ori %or3A_213, %ne3A_212 : i1
        %or3A_215 = arith.constant false
        %or3A_216 = arith.ori %or3A_214, %or3A_215 : i1
        %or3A_217 = arith.ori %or3A_216, %eq3A_155 : i1
        %convert_element_type3A_218 = arith.extui %or3A_217 : i1 to i32
        %cond3A_219 = arith.constant 0 : i32
        %cond3A_220 = arith.cmpi ne, %convert_element_type3A_218, %cond3A_219 : i32
        scf.if %cond3A_220 {
        } else {
        }
        %rem3A_221 = arith.constant 2 : i32
        %rem3A_222 = arith.remui %scan3A_150, %rem3A_221 : i32
        %rem3A_223 = arith.constant 2 : i32
        %rem3A_224 = arith.remui %scan3A_151, %rem3A_223 : i32
        %run_scoped3A_225 = arith.constant 0 : i32
        "tpu.trace_start"() <{level = 10 : i32, message = "ep_run_kernel"}> : () -> ()
        "tpu.region"() ({
          %run_scoped3A_291 = tpu.sem_alloc : memref<!tpu.dma_semaphore, #tpu.memory_space<semaphore_mem>>
          %dma_start3A_292 = arith.constant 0 : i32
          %dma_start3A_293 = arith.constant 0 : i32
          %dma_start3A_294 = tpu.memref_slice %run_scoped3A_35[%rem3A_224, %dma_start3A_292, %dma_start3A_293] : memref<2x128x16xf32, #tpu.memory_space<vmem>> -> memref<1x128x16xf32, #tpu.memory_space<vmem>>
          %dma_start3A_295 = tpu.memref_squeeze %dma_start3A_294 : memref<1x128x16xf32, #tpu.memory_space<vmem>> -> memref<128x16xf32, #tpu.memory_space<vmem>>
          %dma_start3A_296 = arith.constant 0 : i32
          %dma_start3A_297 = arith.constant 0 : i32
          %dma_start3A_298 = tpu.memref_slice %run_scoped3A[%rem3A_222, %dma_start3A_296, %dma_start3A_297] : memref<2x1x128xi32, #tpu.memory_space<vmem>> -> memref<1x1x128xi32, #tpu.memory_space<vmem>>
          %dma_start3A_299 = tpu.memref_squeeze %dma_start3A_298 : memref<1x1x128xi32, #tpu.memory_space<vmem>> -> memref<1x128xi32, #tpu.memory_space<vmem>>
          %dma_start3A_300 = arith.constant 0 : i32
          %dma_start3A_301 = tpu.memref_slice %dma_start3A_299[%run_scoped3A_225, %dma_start3A_300] : memref<1x128xi32, #tpu.memory_space<vmem>> -> memref<1x128xi32, #tpu.memory_space<vmem>>
          %dma_start3A_302 = tpu.memref_squeeze %dma_start3A_301 : memref<1x128xi32, #tpu.memory_space<vmem>> -> memref<128xi32, #tpu.memory_space<vmem>>
          %dma_start3A_303 = arith.constant 0 : i32
          %dma_start3A_304 = arith.constant 0 : i32
          %dma_start3A_305 = tpu.memref_slice %arg2[%dma_start3A_303, %dma_start3A_304] : memref<1007616x16xf32, #tpu.memory_space<hbm>> -> memref<1007616x16xf32, #tpu.memory_space<hbm>>
          tpu.enqueue_indirect_dma source(%dma_start3A_305 : memref<1007616x16xf32, #tpu.memory_space<hbm>>) target(%dma_start3A_295 : memref<128x16xf32, #tpu.memory_space<vmem>>) offsets(%dma_start3A_302 : memref<128xi32, #tpu.memory_space<vmem>>) semaphore(%run_scoped3A_291 : memref<!tpu.dma_semaphore, #tpu.memory_space<semaphore_mem>>)
          %dma_wait3A_306 = arith.constant 0 : i32
          %dma_wait3A_307 = arith.constant 0 : i32
          %dma_wait3A_308 = tpu.memref_slice %run_scoped3A_35[%rem3A_224, %dma_wait3A_306, %dma_wait3A_307] : memref<2x128x16xf32, #tpu.memory_space<vmem>> -> memref<1x128x16xf32, #tpu.memory_space<vmem>>
          %dma_wait3A_309 = tpu.memref_squeeze %dma_wait3A_308 : memref<1x128x16xf32, #tpu.memory_space<vmem>> -> memref<128x16xf32, #tpu.memory_space<vmem>>
          %dma_wait3A_310 = arith.constant 0 : i32
          %dma_wait3A_311 = arith.constant 0 : i32
          %dma_wait3A_312 = tpu.memref_slice %run_scoped3A[%rem3A_222, %dma_wait3A_310, %dma_wait3A_311] : memref<2x1x128xi32, #tpu.memory_space<vmem>> -> memref<1x1x128xi32, #tpu.memory_space<vmem>>
          %dma_wait3A_313 = tpu.memref_squeeze %dma_wait3A_312 : memref<1x1x128xi32, #tpu.memory_space<vmem>> -> memref<1x128xi32, #tpu.memory_space<vmem>>
          %dma_wait3A_314 = arith.constant 0 : i32
          %dma_wait3A_315 = tpu.memref_slice %dma_wait3A_313[%run_scoped3A_225, %dma_wait3A_314] : memref<1x128xi32, #tpu.memory_space<vmem>> -> memref<1x128xi32, #tpu.memory_space<vmem>>
          %dma_wait3A_316 = tpu.memref_squeeze %dma_wait3A_315 : memref<1x128xi32, #tpu.memory_space<vmem>> -> memref<128xi32, #tpu.memory_space<vmem>>
          %dma_wait3A_317 = arith.constant 0 : i32
          %dma_wait3A_318 = arith.constant 0 : i32
          %dma_wait3A_319 = tpu.memref_slice %arg2[%dma_wait3A_317, %dma_wait3A_318] : memref<1007616x16xf32, #tpu.memory_space<hbm>> -> memref<1007616x16xf32, #tpu.memory_space<hbm>>
          tpu.wait_indirect_dma semaphore(%run_scoped3A_291 : memref<!tpu.dma_semaphore, #tpu.memory_space<semaphore_mem>>) src(%dma_wait3A_319 : memref<1007616x16xf32, #tpu.memory_space<hbm>>) dst(%dma_wait3A_309 : memref<128x16xf32, #tpu.memory_space<vmem>>)
          tpu.yield
        }) : () -> ()
        "tpu.trace_stop"() : () -> ()
        %ne3A_226 = arith.cmpi ne, %add3A_158, %add3A_176 : i32
        %or3A_227 = arith.constant false
        %or3A_228 = arith.ori %or3A_227, %ne3A_226 : i1
        %or3A_229 = arith.ori %or3A_228, %eq3A_157 : i1
        %convert_element_type3A_230 = arith.extui %or3A_229 : i1 to i32
        %cond3A_231 = arith.constant 0 : i32
        %cond3A_232 = arith.cmpi ne, %convert_element_type3A_230, %cond3A_231 : i32
        scf.if %cond3A_232 {
        } else {
        }
        %and3A_233 = arith.constant false
        %and3A_234 = arith.andi %or3A_229, %and3A_233 : i1
        %ne3A_235 = arith.cmpi ne, %add3A_158, %add3A_176 : i32
        %or3A_236 = arith.constant false
        %or3A_237 = arith.ori %or3A_236, %ne3A_235 : i1
        %or3A_238 = arith.constant false
        %or3A_239 = arith.ori %or3A_237, %or3A_238 : i1
        %or3A_240 = arith.ori %or3A_239, %eq3A_157 : i1
        %convert_element_type3A_241 = arith.extui %or3A_240 : i1 to i32
        %cond3A_242 = arith.constant 0 : i32
        %cond3A_243 = arith.cmpi ne, %convert_element_type3A_241, %cond3A_242 : i32
        scf.if %cond3A_243 {
          "tpu.trace_start"() <{level = 10 : i32, message = "ep_copy_out"}> : () -> ()
          %rem3A_291 = arith.constant 2 : i32
          %rem3A_292 = arith.remui %scan3A_151, %rem3A_291 : i32
          %mul3A_293 = arith.constant 128 : i32
          %mul3A_294 = arith.muli %mul3A_293, %add3A_158 : i32
          %dma_start3A_295 = arith.constant 0 : i32
          %dma_start3A_296 = arith.constant 0 : i32
          %dma_start3A_297 = tpu.memref_slice %run_scoped3A_35[%rem3A_292, %dma_start3A_295, %dma_start3A_296] : memref<2x128x16xf32, #tpu.memory_space<vmem>> -> memref<1x128x16xf32, #tpu.memory_space<vmem>>
          %dma_start3A_298 = tpu.memref_squeeze %dma_start3A_297 : memref<1x128x16xf32, #tpu.memory_space<vmem>> -> memref<128x16xf32, #tpu.memory_space<vmem>>
          %dma_start3A_299 = arith.constant 0 : i32
          %dma_start3A_300 = tpu.memref_slice %arg10[%mul3A_294, %dma_start3A_299] : memref<16384x16xf32, #tpu.memory_space<hbm>> -> memref<128x16xf32, #tpu.memory_space<hbm>>
          %dma_start3A_301 = tpu.memref_slice %run_scoped3A_36[%rem3A_292] : memref<2x!tpu.dma_semaphore, #tpu.memory_space<semaphore_mem>> -> memref<1x!tpu.dma_semaphore, #tpu.memory_space<semaphore_mem>>
          %dma_start3A_302 = tpu.memref_squeeze %dma_start3A_301 : memref<1x!tpu.dma_semaphore, #tpu.memory_space<semaphore_mem>> -> memref<!tpu.dma_semaphore, #tpu.memory_space<semaphore_mem>>
          %dma_start3A_303 = arith.constant 0 : i32
          %dma_start3A_304 = tpu.memref_slice %arg10[%mul3A_294, %dma_start3A_303] : memref<16384x16xf32, #tpu.memory_space<hbm>> -> memref<128x16xf32, #tpu.memory_space<hbm>>
          %dma_start3A_305 = arith.constant 0 : i32
          %dma_start3A_306 = arith.constant 0 : i32
          %dma_start3A_307 = tpu.memref_slice %run_scoped3A_35[%rem3A_292, %dma_start3A_305, %dma_start3A_306] : memref<2x128x16xf32, #tpu.memory_space<vmem>> -> memref<1x128x16xf32, #tpu.memory_space<vmem>>
          %dma_start3A_308 = tpu.memref_squeeze %dma_start3A_307 : memref<1x128x16xf32, #tpu.memory_space<vmem>> -> memref<128x16xf32, #tpu.memory_space<vmem>>
          tpu.enqueue_dma source(%dma_start3A_308 : memref<128x16xf32, #tpu.memory_space<vmem>>) target(%dma_start3A_304 : memref<128x16xf32, #tpu.memory_space<hbm>>) target_semaphore(%dma_start3A_302 : memref<!tpu.dma_semaphore, #tpu.memory_space<semaphore_mem>>)
          "tpu.trace_stop"() : () -> ()
        } else {
        }
        %and3A_244 = arith.constant true
        %and3A_245 = arith.andi %or3A_240, %and3A_244 : i1
        %add3A_246 = arith.constant 1 : i32
        %add3A_247 = arith.addi %scan3A_151, %add3A_246 : i32
        %select_n3A_248 = arith.select %and3A_245, %add3A_247, %scan3A_151 : i32
        %ne3A_249 = arith.cmpi ne, %add3A_158, %add3A_167 : i32
        %or3A_250 = arith.constant false
        %or3A_251 = arith.ori %or3A_250, %ne3A_249 : i1
        %not3A_252 = arith.constant true
        %not3A_253 = arith.xori %eq3A_155, %not3A_252 : i1
        %and3A_254 = arith.andi %or3A_251, %not3A_253 : i1
        %convert_element_type3A_255 = arith.extui %and3A_254 : i1 to i32
        %cond3A_256 = arith.constant 0 : i32
        %cond3A_257 = arith.cmpi ne, %convert_element_type3A_255, %cond3A_256 : i32
        scf.if %cond3A_257 {
        } else {
        }
        %and3A_258 = arith.constant false
        %and3A_259 = arith.andi %and3A_254, %and3A_258 : i1
        %ne3A_260 = arith.cmpi ne, %add3A_158, %add3A_167 : i32
        %or3A_261 = arith.constant false
        %or3A_262 = arith.ori %or3A_261, %ne3A_260 : i1
        %or3A_263 = arith.constant false
        %or3A_264 = arith.ori %or3A_262, %or3A_263 : i1
        %not3A_265 = arith.constant true
        %not3A_266 = arith.xori %eq3A_155, %not3A_265 : i1
        %and3A_267 = arith.andi %or3A_264, %not3A_266 : i1
        %convert_element_type3A_268 = arith.extui %and3A_267 : i1 to i32
        %cond3A_269 = arith.constant 0 : i32
        %cond3A_270 = arith.cmpi ne, %convert_element_type3A_268, %cond3A_269 : i32
        scf.if %cond3A_270 {
          "tpu.trace_start"() <{level = 10 : i32, message = "ep_wait_out"}> : () -> ()
          %rem3A_291 = arith.constant 2 : i32
          %rem3A_292 = arith.remui %scan3A_152, %rem3A_291 : i32
          %mul3A_293 = arith.constant 128 : i32
          %mul3A_294 = arith.muli %mul3A_293, %add3A_167 : i32
          %dma_wait3A_295 = arith.constant 0 : i32
          %dma_wait3A_296 = arith.constant 0 : i32
          %dma_wait3A_297 = tpu.memref_slice %run_scoped3A_35[%rem3A_292, %dma_wait3A_295, %dma_wait3A_296] : memref<2x128x16xf32, #tpu.memory_space<vmem>> -> memref<1x128x16xf32, #tpu.memory_space<vmem>>
          %dma_wait3A_298 = tpu.memref_squeeze %dma_wait3A_297 : memref<1x128x16xf32, #tpu.memory_space<vmem>> -> memref<128x16xf32, #tpu.memory_space<vmem>>
          %dma_wait3A_299 = arith.constant 0 : i32
          %dma_wait3A_300 = tpu.memref_slice %arg10[%mul3A_294, %dma_wait3A_299] : memref<16384x16xf32, #tpu.memory_space<hbm>> -> memref<128x16xf32, #tpu.memory_space<hbm>>
          %dma_wait3A_301 = tpu.memref_slice %run_scoped3A_36[%rem3A_292] : memref<2x!tpu.dma_semaphore, #tpu.memory_space<semaphore_mem>> -> memref<1x!tpu.dma_semaphore, #tpu.memory_space<semaphore_mem>>
          %dma_wait3A_302 = tpu.memref_squeeze %dma_wait3A_301 : memref<1x!tpu.dma_semaphore, #tpu.memory_space<semaphore_mem>> -> memref<!tpu.dma_semaphore, #tpu.memory_space<semaphore_mem>>
          %dma_wait3A_303 = arith.constant 0 : i32
          %dma_wait3A_304 = tpu.memref_slice %arg10[%mul3A_294, %dma_wait3A_303] : memref<16384x16xf32, #tpu.memory_space<hbm>> -> memref<128x16xf32, #tpu.memory_space<hbm>>
          %dma_wait3A_305 = arith.constant 0 : i32
          %dma_wait3A_306 = arith.constant 0 : i32
          %dma_wait3A_307 = tpu.memref_slice %run_scoped3A_35[%rem3A_292, %dma_wait3A_305, %dma_wait3A_306] : memref<2x128x16xf32, #tpu.memory_space<vmem>> -> memref<1x128x16xf32, #tpu.memory_space<vmem>>
          %dma_wait3A_308 = tpu.memref_squeeze %dma_wait3A_307 : memref<1x128x16xf32, #tpu.memory_space<vmem>> -> memref<128x16xf32, #tpu.memory_space<vmem>>
          tpu.wait_dma2 semaphore(%dma_wait3A_302 : memref<!tpu.dma_semaphore, #tpu.memory_space<semaphore_mem>>) src(%dma_wait3A_308 : memref<128x16xf32, #tpu.memory_space<vmem>>) dst(%dma_wait3A_304 : memref<128x16xf32, #tpu.memory_space<hbm>>)
          "tpu.trace_stop"() : () -> ()
        } else {
        }
        %and3A_271 = arith.constant true
        %and3A_272 = arith.andi %and3A_267, %and3A_271 : i1
        %add3A_273 = arith.constant 1 : i32
        %add3A_274 = arith.addi %scan3A_152, %add3A_273 : i32
        %select_n3A_275 = arith.select %and3A_272, %add3A_274, %scan3A_152 : i32
        %ne3A_276 = arith.cmpi ne, %add3A_158, %add3A_176 : i32
        %or3A_277 = arith.constant false
        %or3A_278 = arith.ori %or3A_277, %ne3A_276 : i1
        %or3A_279 = arith.ori %or3A_278, %eq3A_157 : i1
        %add3A_280 = arith.constant 1 : i32
        %add3A_281 = arith.addi %scan3A_150, %add3A_280 : i32
        %select_n3A_282 = arith.select %or3A_279, %add3A_281, %scan3A_150 : i32
        %add3A_283 = arith.constant 1 : i32
        %add3A_284 = arith.addi %scan3A_153, %add3A_283 : i32
        %select_n3A_285 = arith.constant true
        %select_n3A_286 = arith.select %select_n3A_285, %add3A_284, %scan3A_153 : i32
        %eq3A_287 = arith.constant 4 : i32
        %eq3A_288 = arith.cmpi eq, %select_n3A_286, %eq3A_287 : i32
        %select_n3A_289 = arith.constant 0 : i32
        %select_n3A_290 = arith.select %eq3A_288, %select_n3A_289, %select_n3A_286 : i32
        scf.yield %select_n3A_194, %select_n3A_282, %select_n3A_248, %select_n3A_275, %select_n3A_290 : i32, i32, i32, i32, i32
      }
      %scan3A_95 = arith.constant 4 : i32
      %sub3A = arith.constant 1 : i32
      %sub3A_96 = arith.subi %scan3A_94#4, %sub3A : i32
      %select_n3A_97 = arith.constant true
      %select_n3A_98 = arith.select %select_n3A_97, %sub3A_96, %scan3A_94#4 : i32
      %eq3A_99 = arith.constant -1 : i32
      %eq3A_100 = arith.cmpi eq, %select_n3A_98, %eq3A_99 : i32
      %select_n3A_101 = arith.constant 3 : i32
      %select_n3A_102 = arith.select %eq3A_100, %select_n3A_101, %select_n3A_98 : i32
      %add3A_103 = arith.addi %select_n3A_102, %mul3A_33 : i32
      %sub3A_104 = arith.constant 1 : i32
      %sub3A_105 = arith.subi %select_n3A_102, %sub3A_104 : i32
      %select_n3A_106 = arith.constant true
      %select_n3A_107 = arith.select %select_n3A_106, %sub3A_105, %select_n3A_102 : i32
      %eq3A_108 = arith.constant -1 : i32
      %eq3A_109 = arith.cmpi eq, %select_n3A_107, %eq3A_108 : i32
      %select_n3A_110 = arith.constant 3 : i32
      %select_n3A_111 = arith.select %eq3A_109, %select_n3A_110, %select_n3A_107 : i32
      %add3A_112 = arith.addi %select_n3A_111, %mul3A_33 : i32
      %add3A_113 = arith.constant 1 : i32
      %add3A_114 = arith.addi %select_n3A_102, %add3A_113 : i32
      %select_n3A_115 = arith.constant true
      %select_n3A_116 = arith.select %select_n3A_115, %add3A_114, %select_n3A_102 : i32
      %eq3A_117 = arith.constant 4 : i32
      %eq3A_118 = arith.cmpi eq, %select_n3A_116, %eq3A_117 : i32
      %select_n3A_119 = arith.constant 0 : i32
      %select_n3A_120 = arith.select %eq3A_118, %select_n3A_119, %select_n3A_116 : i32
      %add3A_121 = arith.addi %select_n3A_120, %mul3A_33 : i32
      %add3A_122 = arith.constant 1 : i32
      %add3A_123 = arith.addi %select_n3A_120, %add3A_122 : i32
      %select_n3A_124 = arith.constant true
      %select_n3A_125 = arith.select %select_n3A_124, %add3A_123, %select_n3A_120 : i32
      %eq3A_126 = arith.constant 4 : i32
      %eq3A_127 = arith.cmpi eq, %select_n3A_125, %eq3A_126 : i32
      %select_n3A_128 = arith.constant 0 : i32
      %select_n3A_129 = arith.select %eq3A_127, %select_n3A_128, %select_n3A_125 : i32
      %add3A_130 = arith.addi %select_n3A_129, %mul3A_33 : i32
      "tpu.trace_start"() <{level = 10 : i32, message = "ep_finalize"}> : () -> ()
      %rem3A_131 = arith.constant 2 : i32
      %rem3A_132 = arith.remui %scan3A_94#3, %rem3A_131 : i32
      %mul3A_133 = arith.constant 128 : i32
      %mul3A_134 = arith.muli %mul3A_133, %add3A_103 : i32
      %dma_wait3A = arith.constant 0 : i32
      %dma_wait3A_135 = arith.constant 0 : i32
      %dma_wait3A_136 = tpu.memref_slice %run_scoped3A_35[%rem3A_132, %dma_wait3A, %dma_wait3A_135] : memref<2x128x16xf32, #tpu.memory_space<vmem>> -> memref<1x128x16xf32, #tpu.memory_space<vmem>>
      %dma_wait3A_137 = tpu.memref_squeeze %dma_wait3A_136 : memref<1x128x16xf32, #tpu.memory_space<vmem>> -> memref<128x16xf32, #tpu.memory_space<vmem>>
      %dma_wait3A_138 = arith.constant 0 : i32
      %dma_wait3A_139 = tpu.memref_slice %arg10[%mul3A_134, %dma_wait3A_138] : memref<16384x16xf32, #tpu.memory_space<hbm>> -> memref<128x16xf32, #tpu.memory_space<hbm>>
      %dma_wait3A_140 = tpu.memref_slice %run_scoped3A_36[%rem3A_132] : memref<2x!tpu.dma_semaphore, #tpu.memory_space<semaphore_mem>> -> memref<1x!tpu.dma_semaphore, #tpu.memory_space<semaphore_mem>>
      %dma_wait3A_141 = tpu.memref_squeeze %dma_wait3A_140 : memref<1x!tpu.dma_semaphore, #tpu.memory_space<semaphore_mem>> -> memref<!tpu.dma_semaphore, #tpu.memory_space<semaphore_mem>>
      %dma_wait3A_142 = arith.constant 0 : i32
      %dma_wait3A_143 = tpu.memref_slice %arg10[%mul3A_134, %dma_wait3A_142] : memref<16384x16xf32, #tpu.memory_space<hbm>> -> memref<128x16xf32, #tpu.memory_space<hbm>>
      %dma_wait3A_144 = arith.constant 0 : i32
      %dma_wait3A_145 = arith.constant 0 : i32
      %dma_wait3A_146 = tpu.memref_slice %run_scoped3A_35[%rem3A_132, %dma_wait3A_144, %dma_wait3A_145] : memref<2x128x16xf32, #tpu.memory_space<vmem>> -> memref<1x128x16xf32, #tpu.memory_space<vmem>>
      %dma_wait3A_147 = tpu.memref_squeeze %dma_wait3A_146 : memref<1x128x16xf32, #tpu.memory_space<vmem>> -> memref<128x16xf32, #tpu.memory_space<vmem>>
      tpu.wait_dma2 semaphore(%dma_wait3A_141 : memref<!tpu.dma_semaphore, #tpu.memory_space<semaphore_mem>>) src(%dma_wait3A_147 : memref<128x16xf32, #tpu.memory_space<vmem>>) dst(%dma_wait3A_143 : memref<128x16xf32, #tpu.memory_space<hbm>>)
      "tpu.trace_stop"() : () -> ()
      tpu.yield
    }) : () -> ()
    return
  }
}

module attributes {stable_mosaic.version = 14 : i64} {
  func.func @_transpose_body(%arg0: i32, %arg1: memref<16x8192xf32, #tpu.memory_space<vmem>>, %arg2: memref<1x8192xf32, #tpu.memory_space<vmem>>, %arg3: memref<1024x128xf32, #tpu.memory_space<vmem>>, %arg4: memref<1x1x8192xf32, #tpu.memory_space<vmem>>, %arg5: memref<8192x16xf32, #tpu.memory_space<vmem>>) attributes {dimension_semantics = [#tpu.dimension_semantics<arbitrary>], iteration_bounds = array<i64: 123>, scalar_prefetch = 0 : i64, scratch_operands = 1 : i64, tpu.core_type = #tpu.core_type<tc>, window_params = [{transform_indices = @transform_0, window_bounds = array<i64: 16, 8192>}, {transform_indices = @transform_1, window_bounds = array<i64: 1, 8192>}, {transform_indices = @transform_2, window_bounds = array<i64: 1024, 128>}, {transform_indices = @transform_3, window_bounds = array<i64: 1, 1, 8192>}]} {
    %get3A = arith.constant 0 : index
    %get3A_0 = arith.constant 0 : index
    %get3A_1 = vector.load %arg1[%get3A, %get3A_0] : memref<16x8192xf32, #tpu.memory_space<vmem>>, vector<16x8192xf32>
    %transpose3A = tpu.transpose %get3A_1, [1, 0] : vector<16x8192xf32> -> vector<8192x16xf32>
    %swap3A = arith.constant 0 : index
    %swap3A_2 = arith.constant 0 : index
    %swap3A_3 = vector.load %arg5[%swap3A, %swap3A_2] : memref<8192x16xf32, #tpu.memory_space<vmem>>, vector<8192x16xf32>
    tpu.vector_store %arg5[%swap3A, %swap3A_2], %transpose3A {strides = array<i32>} : memref<8192x16xf32, #tpu.memory_space<vmem>>, vector<8192x16xf32>,
    %get3A_4 = arith.constant 0 : index
    %get3A_5 = arith.constant 0 : index
    %get3A_6 = tpu.strided_load %arg5[%get3A_4, %get3A_5] {strides = array<i32: 8, 1>} : memref<8192x16xf32, #tpu.memory_space<vmem>>, vector<1024x16xf32>
    %swap3A_7 = arith.constant 0 : index
    %swap3A_8 = arith.constant 0 : index
    %swap3A_9 = vector.load %arg3[%swap3A_7, %swap3A_8] : memref<1024x128xf32, #tpu.memory_space<vmem>>, vector<1024x16xf32>
    tpu.vector_store %arg3[%swap3A_7, %swap3A_8], %get3A_6 {strides = array<i32>} : memref<1024x128xf32, #tpu.memory_space<vmem>>, vector<1024x16xf32>,
    %get3A_10 = arith.constant 1 : index
    %get3A_11 = arith.constant 0 : index
    %get3A_12 = tpu.strided_load %arg5[%get3A_10, %get3A_11] {strides = array<i32: 8, 1>} : memref<8192x16xf32, #tpu.memory_space<vmem>>, vector<1024x16xf32>
    %swap3A_13 = arith.constant 0 : index
    %swap3A_14 = arith.constant 16 : index
    %swap3A_15 = vector.load %arg3[%swap3A_13, %swap3A_14] : memref<1024x128xf32, #tpu.memory_space<vmem>>, vector<1024x16xf32>
    tpu.vector_store %arg3[%swap3A_13, %swap3A_14], %get3A_12 {strides = array<i32>} : memref<1024x128xf32, #tpu.memory_space<vmem>>, vector<1024x16xf32>,
    %get3A_16 = arith.constant 2 : index
    %get3A_17 = arith.constant 0 : index
    %get3A_18 = tpu.strided_load %arg5[%get3A_16, %get3A_17] {strides = array<i32: 8, 1>} : memref<8192x16xf32, #tpu.memory_space<vmem>>, vector<1024x16xf32>
    %swap3A_19 = arith.constant 0 : index
    %swap3A_20 = arith.constant 32 : index
    %swap3A_21 = vector.load %arg3[%swap3A_19, %swap3A_20] : memref<1024x128xf32, #tpu.memory_space<vmem>>, vector<1024x16xf32>
    tpu.vector_store %arg3[%swap3A_19, %swap3A_20], %get3A_18 {strides = array<i32>} : memref<1024x128xf32, #tpu.memory_space<vmem>>, vector<1024x16xf32>,
    %get3A_22 = arith.constant 3 : index
    %get3A_23 = arith.constant 0 : index
    %get3A_24 = tpu.strided_load %arg5[%get3A_22, %get3A_23] {strides = array<i32: 8, 1>} : memref<8192x16xf32, #tpu.memory_space<vmem>>, vector<1024x16xf32>
    %swap3A_25 = arith.constant 0 : index
    %swap3A_26 = arith.constant 48 : index
    %swap3A_27 = vector.load %arg3[%swap3A_25, %swap3A_26] : memref<1024x128xf32, #tpu.memory_space<vmem>>, vector<1024x16xf32>
    tpu.vector_store %arg3[%swap3A_25, %swap3A_26], %get3A_24 {strides = array<i32>} : memref<1024x128xf32, #tpu.memory_space<vmem>>, vector<1024x16xf32>,
    %get3A_28 = arith.constant 4 : index
    %get3A_29 = arith.constant 0 : index
    %get3A_30 = tpu.strided_load %arg5[%get3A_28, %get3A_29] {strides = array<i32: 8, 1>} : memref<8192x16xf32, #tpu.memory_space<vmem>>, vector<1024x16xf32>
    %swap3A_31 = arith.constant 0 : index
    %swap3A_32 = arith.constant 64 : index
    %swap3A_33 = vector.load %arg3[%swap3A_31, %swap3A_32] : memref<1024x128xf32, #tpu.memory_space<vmem>>, vector<1024x16xf32>
    tpu.vector_store %arg3[%swap3A_31, %swap3A_32], %get3A_30 {strides = array<i32>} : memref<1024x128xf32, #tpu.memory_space<vmem>>, vector<1024x16xf32>,
    %get3A_34 = arith.constant 5 : index
    %get3A_35 = arith.constant 0 : index
    %get3A_36 = tpu.strided_load %arg5[%get3A_34, %get3A_35] {strides = array<i32: 8, 1>} : memref<8192x16xf32, #tpu.memory_space<vmem>>, vector<1024x16xf32>
    %swap3A_37 = arith.constant 0 : index
    %swap3A_38 = arith.constant 80 : index
    %swap3A_39 = vector.load %arg3[%swap3A_37, %swap3A_38] : memref<1024x128xf32, #tpu.memory_space<vmem>>, vector<1024x16xf32>
    tpu.vector_store %arg3[%swap3A_37, %swap3A_38], %get3A_36 {strides = array<i32>} : memref<1024x128xf32, #tpu.memory_space<vmem>>, vector<1024x16xf32>,
    %get3A_40 = arith.constant 6 : index
    %get3A_41 = arith.constant 0 : index
    %get3A_42 = tpu.strided_load %arg5[%get3A_40, %get3A_41] {strides = array<i32: 8, 1>} : memref<8192x16xf32, #tpu.memory_space<vmem>>, vector<1024x16xf32>
    %swap3A_43 = arith.constant 0 : index
    %swap3A_44 = arith.constant 96 : index
    %swap3A_45 = vector.load %arg3[%swap3A_43, %swap3A_44] : memref<1024x128xf32, #tpu.memory_space<vmem>>, vector<1024x16xf32>
    tpu.vector_store %arg3[%swap3A_43, %swap3A_44], %get3A_42 {strides = array<i32>} : memref<1024x128xf32, #tpu.memory_space<vmem>>, vector<1024x16xf32>,
    %get3A_46 = arith.constant 7 : index
    %get3A_47 = arith.constant 0 : index
    %get3A_48 = tpu.strided_load %arg5[%get3A_46, %get3A_47] {strides = array<i32: 8, 1>} : memref<8192x16xf32, #tpu.memory_space<vmem>>, vector<1024x16xf32>
    %swap3A_49 = arith.constant 0 : index
    %swap3A_50 = arith.constant 112 : index
    %swap3A_51 = vector.load %arg3[%swap3A_49, %swap3A_50] : memref<1024x128xf32, #tpu.memory_space<vmem>>, vector<1024x16xf32>
    tpu.vector_store %arg3[%swap3A_49, %swap3A_50], %get3A_48 {strides = array<i32>} : memref<1024x128xf32, #tpu.memory_space<vmem>>, vector<1024x16xf32>,
    %get3A_52 = arith.constant 0 : index
    %get3A_53 = arith.constant 0 : index
    %get3A_54 = vector.load %arg2[%get3A_52, %get3A_53] : memref<1x8192xf32, #tpu.memory_space<vmem>>, vector<1x8192xf32>
    %swap3A_55 = arith.constant 0 : index
    %swap3A_56 = arith.constant 0 : index
    %swap3A_57 = arith.constant 0 : index
    %swap3A_58 = vector.load %arg4[%swap3A_55, %swap3A_56, %swap3A_57] : memref<1x1x8192xf32, #tpu.memory_space<vmem>>, vector<1x1x8192xf32>
    %swap3A_59 = vector.shape_cast %swap3A_58 : vector<1x1x8192xf32> to vector<1x8192xf32>
    %swap3A_60 = vector.shape_cast %get3A_54 : vector<1x8192xf32> to vector<1x1x8192xf32>
    tpu.vector_store %arg4[%swap3A_55, %swap3A_56, %swap3A_57], %swap3A_60 {strides = array<i32>} : memref<1x1x8192xf32, #tpu.memory_space<vmem>>, vector<1x1x8192xf32>,
    return
  }
  func.func @transform_0(%arg0: i32) -> (i32, i32) {
    %c0_i32 = arith.constant 0 : i32
    %c0_i32_0 = arith.constant 0 : i32
    return %c0_i32, %arg0 : i32, i32
  }
  func.func @transform_1(%arg0: i32) -> (i32, i32) {
    %c0_i32 = arith.constant 0 : i32
    %c0_i32_0 = arith.constant 0 : i32
    return %c0_i32, %arg0 : i32, i32
  }
  func.func @transform_2(%arg0: i32) -> (i32, i32) {
    %c0_i32 = arith.constant 0 : i32
    %c0_i32_0 = arith.constant 0 : i32
    return %arg0, %c0_i32 : i32, i32
  }
  func.func @transform_3(%arg0: i32) -> (i32, i32, i32) {
    %c0_i32 = arith.constant 0 : i32
    %c0_i32_0 = arith.constant 0 : i32
    %c0_i32_1 = arith.constant 0 : i32
    return %arg0, %c0_i32, %c0_i32_0 : i32, i32, i32
  }
}

module attributes {stable_mosaic.version = 14 : i64} {
  func.func @_tc_body(%arg0: i32, %arg1: memref<1024x128xf32, #tpu.memory_space<vmem>>, %arg2: memref<1024x128xf32, #tpu.memory_space<vmem>>, %arg3: memref<1024x128xf32, #tpu.memory_space<vmem>>, %arg4: memref<1024x32xf32, #tpu.memory_space<vmem>>, %arg5: memref<1024x1xf32, #tpu.memory_space<vmem>>, %arg6: memref<1024x13xf32, #tpu.memory_space<vmem>>, %arg7: memref<128x128xf32, #tpu.memory_space<vmem>>, %arg8: memref<128x128xf32, #tpu.memory_space<vmem>>, %arg9: memref<128x128xf32, #tpu.memory_space<vmem>>, %arg10: memref<32x128xf32, #tpu.memory_space<vmem>>, %arg11: memref<13x128xf32, #tpu.memory_space<vmem>>, %arg12: memref<1x128xf32, #tpu.memory_space<vmem>>, %arg13: memref<128x64xf32, #tpu.memory_space<vmem>>, %arg14: memref<1x64xf32, #tpu.memory_space<vmem>>, %arg15: memref<1x64xf32, #tpu.memory_space<vmem>>, %arg16: memref<13x1xf32, #tpu.memory_space<vmem>>, %arg17: memref<1x1xf32, #tpu.memory_space<vmem>>, %arg18: memref<1024x1xf32, #tpu.memory_space<vmem>>) attributes {dimension_semantics = [#tpu.dimension_semantics<arbitrary>], iteration_bounds = array<i64: 8>, scalar_prefetch = 0 : i64, scratch_operands = 0 : i64, tpu.core_type = #tpu.core_type<tc>, window_params = [{transform_indices = @transform_0, window_bounds = array<i64: 1024, 128>}, {transform_indices = @transform_1, window_bounds = array<i64: 1024, 128>}, {transform_indices = @transform_2, window_bounds = array<i64: 1024, 128>}, {transform_indices = @transform_3, window_bounds = array<i64: 1024, 32>}, {transform_indices = @transform_4, window_bounds = array<i64: 1024, 1>}, {transform_indices = @transform_5, window_bounds = array<i64: 1024, 13>}, {pipeline_mode = #tpu.pipeline_mode<synchronous>, transform_indices = @transform_6, window_bounds = array<i64: 128, 128>}, {pipeline_mode = #tpu.pipeline_mode<synchronous>, transform_indices = @transform_7, window_bounds = array<i64: 128, 128>}, {pipeline_mode = #tpu.pipeline_mode<synchronous>, transform_indices = @transform_8, window_bounds = array<i64: 128, 128>}, {pipeline_mode = #tpu.pipeline_mode<synchronous>, transform_indices = @transform_9, window_bounds = array<i64: 32, 128>}, {pipeline_mode = #tpu.pipeline_mode<synchronous>, transform_indices = @transform_10, window_bounds = array<i64: 13, 128>}, {pipeline_mode = #tpu.pipeline_mode<synchronous>, transform_indices = @transform_11, window_bounds = array<i64: 1, 128>}, {pipeline_mode = #tpu.pipeline_mode<synchronous>, transform_indices = @transform_12, window_bounds = array<i64: 128, 64>}, {pipeline_mode = #tpu.pipeline_mode<synchronous>, transform_indices = @transform_13, window_bounds = array<i64: 1, 64>}, {pipeline_mode = #tpu.pipeline_mode<synchronous>, transform_indices = @transform_14, window_bounds = array<i64: 1, 64>}, {pipeline_mode = #tpu.pipeline_mode<synchronous>, transform_indices = @transform_15, window_bounds = array<i64: 13, 1>}, {pipeline_mode = #tpu.pipeline_mode<synchronous>, transform_indices = @transform_16, window_bounds = array<i64: 1, 1>}, {transform_indices = @transform_17, window_bounds = array<i64: 1024, 1>}]} {
    %get3A = arith.constant 0 : index
    %get3A_0 = arith.constant 0 : index
    %get3A_1 = vector.load %arg1[%get3A, %get3A_0] : memref<1024x128xf32, #tpu.memory_space<vmem>>, vector<1024x128xf32>
    %get3A_2 = arith.constant 0 : index
    %get3A_3 = arith.constant 0 : index
    %get3A_4 = vector.load %arg2[%get3A_2, %get3A_3] : memref<1024x128xf32, #tpu.memory_space<vmem>>, vector<1024x128xf32>
    %get3A_5 = arith.constant 0 : index
    %get3A_6 = arith.constant 0 : index
    %get3A_7 = vector.load %arg3[%get3A_5, %get3A_6] : memref<1024x128xf32, #tpu.memory_space<vmem>>, vector<1024x128xf32>
    %get3A_8 = arith.constant 0 : index
    %get3A_9 = arith.constant 0 : index
    %get3A_10 = vector.load %arg4[%get3A_8, %get3A_9] : memref<1024x32xf32, #tpu.memory_space<vmem>>, vector<1024x32xf32>
    %get3A_11 = arith.constant 0 : index
    %get3A_12 = arith.constant 0 : index
    %get3A_13 = vector.load %arg6[%get3A_11, %get3A_12] : memref<1024x13xf32, #tpu.memory_space<vmem>>, vector<1024x13xf32>
    %slice3A = vector.extract_strided_slice %get3A_1 {offsets = [0, 0], sizes = [1024, 16], strides = [1, 1]} : vector<1024x128xf32> to vector<1024x16xf32>
    %slice3A_14 = vector.extract_strided_slice %get3A_1 {offsets = [0, 16], sizes = [1024, 16], strides = [1, 1]} : vector<1024x128xf32> to vector<1024x16xf32>
    %add3A = arith.addf %slice3A, %slice3A_14 : vector<1024x16xf32>
    %slice3A_15 = vector.extract_strided_slice %get3A_1 {offsets = [0, 32], sizes = [1024, 16], strides = [1, 1]} : vector<1024x128xf32> to vector<1024x16xf32>
    %add3A_16 = arith.addf %add3A, %slice3A_15 : vector<1024x16xf32>
    %slice3A_17 = vector.extract_strided_slice %get3A_1 {offsets = [0, 48], sizes = [1024, 16], strides = [1, 1]} : vector<1024x128xf32> to vector<1024x16xf32>
    %add3A_18 = arith.addf %add3A_16, %slice3A_17 : vector<1024x16xf32>
    %slice3A_19 = vector.extract_strided_slice %get3A_1 {offsets = [0, 64], sizes = [1024, 16], strides = [1, 1]} : vector<1024x128xf32> to vector<1024x16xf32>
    %add3A_20 = arith.addf %add3A_18, %slice3A_19 : vector<1024x16xf32>
    %slice3A_21 = vector.extract_strided_slice %get3A_1 {offsets = [0, 80], sizes = [1024, 16], strides = [1, 1]} : vector<1024x128xf32> to vector<1024x16xf32>
    %add3A_22 = arith.addf %add3A_20, %slice3A_21 : vector<1024x16xf32>
    %slice3A_23 = vector.extract_strided_slice %get3A_1 {offsets = [0, 96], sizes = [1024, 16], strides = [1, 1]} : vector<1024x128xf32> to vector<1024x16xf32>
    %add3A_24 = arith.addf %add3A_22, %slice3A_23 : vector<1024x16xf32>
    %slice3A_25 = vector.extract_strided_slice %get3A_1 {offsets = [0, 112], sizes = [1024, 16], strides = [1, 1]} : vector<1024x128xf32> to vector<1024x16xf32>
    %add3A_26 = arith.addf %add3A_24, %slice3A_25 : vector<1024x16xf32>
    %mul3A = arith.mulf %get3A_1, %get3A_1 : vector<1024x128xf32>
    %reduce_sum3A = arith.constant dense<0.000000e+00> : vector<1024xf32>
    %reduce_sum3A_27 = vector.multi_reduction <add>, %mul3A, %reduce_sum3A [1] : vector<1024x128xf32> to vector<1024xf32>
    %broadcast_in_dim3A = vector.shape_cast %reduce_sum3A_27 : vector<1024xf32> to vector<1024x1xf32>
    %slice3A_28 = vector.extract_strided_slice %get3A_4 {offsets = [0, 0], sizes = [1024, 16], strides = [1, 1]} : vector<1024x128xf32> to vector<1024x16xf32>
    %add3A_29 = arith.addf %add3A_26, %slice3A_28 : vector<1024x16xf32>
    %slice3A_30 = vector.extract_strided_slice %get3A_4 {offsets = [0, 16], sizes = [1024, 16], strides = [1, 1]} : vector<1024x128xf32> to vector<1024x16xf32>
    %add3A_31 = arith.addf %add3A_29, %slice3A_30 : vector<1024x16xf32>
    %slice3A_32 = vector.extract_strided_slice %get3A_4 {offsets = [0, 32], sizes = [1024, 16], strides = [1, 1]} : vector<1024x128xf32> to vector<1024x16xf32>
    %add3A_33 = arith.addf %add3A_31, %slice3A_32 : vector<1024x16xf32>
    %slice3A_34 = vector.extract_strided_slice %get3A_4 {offsets = [0, 48], sizes = [1024, 16], strides = [1, 1]} : vector<1024x128xf32> to vector<1024x16xf32>
    %add3A_35 = arith.addf %add3A_33, %slice3A_34 : vector<1024x16xf32>
    %slice3A_36 = vector.extract_strided_slice %get3A_4 {offsets = [0, 64], sizes = [1024, 16], strides = [1, 1]} : vector<1024x128xf32> to vector<1024x16xf32>
    %add3A_37 = arith.addf %add3A_35, %slice3A_36 : vector<1024x16xf32>
    %slice3A_38 = vector.extract_strided_slice %get3A_4 {offsets = [0, 80], sizes = [1024, 16], strides = [1, 1]} : vector<1024x128xf32> to vector<1024x16xf32>
    %add3A_39 = arith.addf %add3A_37, %slice3A_38 : vector<1024x16xf32>
    %slice3A_40 = vector.extract_strided_slice %get3A_4 {offsets = [0, 96], sizes = [1024, 16], strides = [1, 1]} : vector<1024x128xf32> to vector<1024x16xf32>
    %add3A_41 = arith.addf %add3A_39, %slice3A_40 : vector<1024x16xf32>
    %slice3A_42 = vector.extract_strided_slice %get3A_4 {offsets = [0, 112], sizes = [1024, 16], strides = [1, 1]} : vector<1024x128xf32> to vector<1024x16xf32>
    %add3A_43 = arith.addf %add3A_41, %slice3A_42 : vector<1024x16xf32>
    %mul3A_44 = arith.mulf %get3A_4, %get3A_4 : vector<1024x128xf32>
    %reduce_sum3A_45 = arith.constant dense<0.000000e+00> : vector<1024xf32>
    %reduce_sum3A_46 = vector.multi_reduction <add>, %mul3A_44, %reduce_sum3A_45 [1] : vector<1024x128xf32> to vector<1024xf32>
    %broadcast_in_dim3A_47 = vector.shape_cast %reduce_sum3A_46 : vector<1024xf32> to vector<1024x1xf32>
    %add3A_48 = arith.addf %broadcast_in_dim3A, %broadcast_in_dim3A_47 : vector<1024x1xf32>
    %slice3A_49 = vector.extract_strided_slice %get3A_7 {offsets = [0, 0], sizes = [1024, 16], strides = [1, 1]} : vector<1024x128xf32> to vector<1024x16xf32>
    %add3A_50 = arith.addf %add3A_43, %slice3A_49 : vector<1024x16xf32>
    %slice3A_51 = vector.extract_strided_slice %get3A_7 {offsets = [0, 16], sizes = [1024, 16], strides = [1, 1]} : vector<1024x128xf32> to vector<1024x16xf32>
    %add3A_52 = arith.addf %add3A_50, %slice3A_51 : vector<1024x16xf32>
    %slice3A_53 = vector.extract_strided_slice %get3A_7 {offsets = [0, 32], sizes = [1024, 16], strides = [1, 1]} : vector<1024x128xf32> to vector<1024x16xf32>
    %add3A_54 = arith.addf %add3A_52, %slice3A_53 : vector<1024x16xf32>
    %slice3A_55 = vector.extract_strided_slice %get3A_7 {offsets = [0, 48], sizes = [1024, 16], strides = [1, 1]} : vector<1024x128xf32> to vector<1024x16xf32>
    %add3A_56 = arith.addf %add3A_54, %slice3A_55 : vector<1024x16xf32>
    %slice3A_57 = vector.extract_strided_slice %get3A_7 {offsets = [0, 64], sizes = [1024, 16], strides = [1, 1]} : vector<1024x128xf32> to vector<1024x16xf32>
    %add3A_58 = arith.addf %add3A_56, %slice3A_57 : vector<1024x16xf32>
    %slice3A_59 = vector.extract_strided_slice %get3A_7 {offsets = [0, 80], sizes = [1024, 16], strides = [1, 1]} : vector<1024x128xf32> to vector<1024x16xf32>
    %add3A_60 = arith.addf %add3A_58, %slice3A_59 : vector<1024x16xf32>
    %slice3A_61 = vector.extract_strided_slice %get3A_7 {offsets = [0, 96], sizes = [1024, 16], strides = [1, 1]} : vector<1024x128xf32> to vector<1024x16xf32>
    %add3A_62 = arith.addf %add3A_60, %slice3A_61 : vector<1024x16xf32>
    %slice3A_63 = vector.extract_strided_slice %get3A_7 {offsets = [0, 112], sizes = [1024, 16], strides = [1, 1]} : vector<1024x128xf32> to vector<1024x16xf32>
    %add3A_64 = arith.addf %add3A_62, %slice3A_63 : vector<1024x16xf32>
    %mul3A_65 = arith.mulf %get3A_7, %get3A_7 : vector<1024x128xf32>
    %reduce_sum3A_66 = arith.constant dense<0.000000e+00> : vector<1024xf32>
    %reduce_sum3A_67 = vector.multi_reduction <add>, %mul3A_65, %reduce_sum3A_66 [1] : vector<1024x128xf32> to vector<1024xf32>
    %broadcast_in_dim3A_68 = vector.shape_cast %reduce_sum3A_67 : vector<1024xf32> to vector<1024x1xf32>
    %add3A_69 = arith.addf %add3A_48, %broadcast_in_dim3A_68 : vector<1024x1xf32>
    %slice3A_70 = vector.extract_strided_slice %get3A_10 {offsets = [0, 0], sizes = [1024, 16], strides = [1, 1]} : vector<1024x32xf32> to vector<1024x16xf32>
    %add3A_71 = arith.addf %add3A_64, %slice3A_70 : vector<1024x16xf32>
    %slice3A_72 = vector.extract_strided_slice %get3A_10 {offsets = [0, 16], sizes = [1024, 16], strides = [1, 1]} : vector<1024x32xf32> to vector<1024x16xf32>
    %add3A_73 = arith.addf %add3A_71, %slice3A_72 : vector<1024x16xf32>
    %mul3A_74 = arith.mulf %get3A_10, %get3A_10 : vector<1024x32xf32>
    %reduce_sum3A_75 = arith.constant dense<0.000000e+00> : vector<1024xf32>
    %reduce_sum3A_76 = vector.multi_reduction <add>, %mul3A_74, %reduce_sum3A_75 [1] : vector<1024x32xf32> to vector<1024xf32>
    %broadcast_in_dim3A_77 = vector.shape_cast %reduce_sum3A_76 : vector<1024xf32> to vector<1024x1xf32>
    %add3A_78 = arith.addf %add3A_69, %broadcast_in_dim3A_77 : vector<1024x1xf32>
    %mul3A_79 = arith.mulf %add3A_73, %add3A_73 : vector<1024x16xf32>
    %reduce_sum3A_80 = arith.constant dense<0.000000e+00> : vector<1024xf32>
    %reduce_sum3A_81 = vector.multi_reduction <add>, %mul3A_79, %reduce_sum3A_80 [1] : vector<1024x16xf32> to vector<1024xf32>
    %broadcast_in_dim3A_82 = vector.shape_cast %reduce_sum3A_81 : vector<1024xf32> to vector<1024x1xf32>
    %sub3A = arith.subf %broadcast_in_dim3A_82, %add3A_78 : vector<1024x1xf32>
    %mul3A_83 = arith.constant 5.000000e-01 : f32
    %mul3A_84 = vector.broadcast %mul3A_83 : f32 to vector<1024x1xf32>
    %mul3A_85 = arith.mulf %mul3A_84, %sub3A : vector<1024x1xf32>
    %get3A_86 = arith.constant 0 : index
    %get3A_87 = arith.constant 0 : index
    %get3A_88 = vector.load %arg16[%get3A_86, %get3A_87] : memref<13x1xf32, #tpu.memory_space<vmem>>, vector<13x1xf32>
    %dot_general3A = arith.constant dense<0.000000e+00> : vector<1024x1xf32>
    %dot_general3A_89 = tpu.matmul %get3A_13, %get3A_88, %dot_general3A {dimension_numbers = #tpu.dot_dimension_numbers<[1], [0], [0], [1], [0, 0, 1, 1], [], []>, transpose_lhs_hint = false} : vector<1024x13xf32>, vector<13x1xf32>, vector<1024x1xf32> -> vector<1024x1xf32>
    %get3A_90 = arith.constant 0 : index
    %get3A_91 = arith.constant 0 : index
    %get3A_92 = vector.load %arg7[%get3A_90, %get3A_91] : memref<128x128xf32, #tpu.memory_space<vmem>>, vector<128x128xf32>
    %dot_general3A_93 = arith.constant dense<0.000000e+00> : vector<1024x128xf32>
    %dot_general3A_94 = tpu.matmul %get3A_1, %get3A_92, %dot_general3A_93 {dimension_numbers = #tpu.dot_dimension_numbers<[1], [0], [0], [1], [0, 0, 1, 1], [], []>, transpose_lhs_hint = false} : vector<1024x128xf32>, vector<128x128xf32>, vector<1024x128xf32> -> vector<1024x128xf32>
    %get3A_95 = arith.constant 0 : index
    %get3A_96 = arith.constant 0 : index
    %get3A_97 = vector.load %arg8[%get3A_95, %get3A_96] : memref<128x128xf32, #tpu.memory_space<vmem>>, vector<128x128xf32>
    %dot_general3A_98 = arith.constant dense<0.000000e+00> : vector<1024x128xf32>
    %dot_general3A_99 = tpu.matmul %get3A_4, %get3A_97, %dot_general3A_98 {dimension_numbers = #tpu.dot_dimension_numbers<[1], [0], [0], [1], [0, 0, 1, 1], [], []>, transpose_lhs_hint = false} : vector<1024x128xf32>, vector<128x128xf32>, vector<1024x128xf32> -> vector<1024x128xf32>
    %add3A_100 = arith.addf %dot_general3A_94, %dot_general3A_99 : vector<1024x128xf32>
    %get3A_101 = arith.constant 0 : index
    %get3A_102 = arith.constant 0 : index
    %get3A_103 = vector.load %arg9[%get3A_101, %get3A_102] : memref<128x128xf32, #tpu.memory_space<vmem>>, vector<128x128xf32>
    %dot_general3A_104 = arith.constant dense<0.000000e+00> : vector<1024x128xf32>
    %dot_general3A_105 = tpu.matmul %get3A_7, %get3A_103, %dot_general3A_104 {dimension_numbers = #tpu.dot_dimension_numbers<[1], [0], [0], [1], [0, 0, 1, 1], [], []>, transpose_lhs_hint = false} : vector<1024x128xf32>, vector<128x128xf32>, vector<1024x128xf32> -> vector<1024x128xf32>
    %add3A_106 = arith.addf %add3A_100, %dot_general3A_105 : vector<1024x128xf32>
    %get3A_107 = arith.constant 0 : index
    %get3A_108 = arith.constant 0 : index
    %get3A_109 = vector.load %arg10[%get3A_107, %get3A_108] : memref<32x128xf32, #tpu.memory_space<vmem>>, vector<32x128xf32>
    %dot_general3A_110 = arith.constant dense<0.000000e+00> : vector<1024x128xf32>
    %dot_general3A_111 = tpu.matmul %get3A_10, %get3A_109, %dot_general3A_110 {dimension_numbers = #tpu.dot_dimension_numbers<[1], [0], [0], [1], [0, 0, 1, 1], [], []>, transpose_lhs_hint = false} : vector<1024x32xf32>, vector<32x128xf32>, vector<1024x128xf32> -> vector<1024x128xf32>
    %add3A_112 = arith.addf %add3A_106, %dot_general3A_111 : vector<1024x128xf32>
    %get3A_113 = arith.constant 0 : index
    %get3A_114 = arith.constant 0 : index
    %get3A_115 = vector.load %arg11[%get3A_113, %get3A_114] : memref<13x128xf32, #tpu.memory_space<vmem>>, vector<13x128xf32>
    %dot_general3A_116 = arith.constant dense<0.000000e+00> : vector<1024x128xf32>
    %dot_general3A_117 = tpu.matmul %get3A_13, %get3A_115, %dot_general3A_116 {dimension_numbers = #tpu.dot_dimension_numbers<[1], [0], [0], [1], [0, 0, 1, 1], [], []>, transpose_lhs_hint = false} : vector<1024x13xf32>, vector<13x128xf32>, vector<1024x128xf32> -> vector<1024x128xf32>
    %add3A_118 = arith.addf %add3A_112, %dot_general3A_117 : vector<1024x128xf32>
    %get3A_119 = arith.constant 0 : index
    %get3A_120 = arith.constant 0 : index
    %get3A_121 = vector.load %arg12[%get3A_119, %get3A_120] : memref<1x128xf32, #tpu.memory_space<vmem>>, vector<1x128xf32>
    %add3A_122 = vector.broadcast %get3A_121 : vector<1x128xf32> to vector<1024x128xf32>
    %add3A_123 = arith.addf %add3A_118, %add3A_122 : vector<1024x128xf32>
    %max3A = arith.constant 0.000000e+00 : f32
    %max3A_124 = vector.broadcast %max3A : f32 to vector<1024x128xf32>
    %max3A_125 = arith.maximumf %add3A_123, %max3A_124 : vector<1024x128xf32>
    %get3A_126 = arith.constant 0 : index
    %get3A_127 = arith.constant 0 : index
    %get3A_128 = vector.load %arg13[%get3A_126, %get3A_127] : memref<128x64xf32, #tpu.memory_space<vmem>>, vector<128x64xf32>
    %dot_general3A_129 = arith.constant dense<0.000000e+00> : vector<1024x64xf32>
    %dot_general3A_130 = tpu.matmul %max3A_125, %get3A_128, %dot_general3A_129 {dimension_numbers = #tpu.dot_dimension_numbers<[1], [0], [0], [1], [0, 0, 1, 1], [], []>, transpose_lhs_hint = false} : vector<1024x128xf32>, vector<128x64xf32>, vector<1024x64xf32> -> vector<1024x64xf32>
    %get3A_131 = arith.constant 0 : index
    %get3A_132 = arith.constant 0 : index
    %get3A_133 = vector.load %arg14[%get3A_131, %get3A_132] : memref<1x64xf32, #tpu.memory_space<vmem>>, vector<1x64xf32>
    %add3A_134 = vector.broadcast %get3A_133 : vector<1x64xf32> to vector<1024x64xf32>
    %add3A_135 = arith.addf %dot_general3A_130, %add3A_134 : vector<1024x64xf32>
    %max3A_136 = arith.constant 0.000000e+00 : f32
    %max3A_137 = vector.broadcast %max3A_136 : f32 to vector<1024x64xf32>
    %max3A_138 = arith.maximumf %add3A_135, %max3A_137 : vector<1024x64xf32>
    %get3A_139 = arith.constant 0 : index
    %get3A_140 = arith.constant 0 : index
    %get3A_141 = vector.load %arg15[%get3A_139, %get3A_140] : memref<1x64xf32, #tpu.memory_space<vmem>>, vector<1x64xf32>
    %mul3A_142 = vector.broadcast %get3A_141 : vector<1x64xf32> to vector<1024x64xf32>
    %mul3A_143 = arith.mulf %max3A_138, %mul3A_142 : vector<1024x64xf32>
    %reduce_sum3A_144 = arith.constant dense<0.000000e+00> : vector<1024xf32>
    %reduce_sum3A_145 = vector.multi_reduction <add>, %mul3A_143, %reduce_sum3A_144 [1] : vector<1024x64xf32> to vector<1024xf32>
    %broadcast_in_dim3A_146 = vector.shape_cast %reduce_sum3A_145 : vector<1024xf32> to vector<1024x1xf32>
    %get3A_147 = arith.constant 0 : index
    %get3A_148 = arith.constant 0 : index
    %get3A_149 = vector.load %arg5[%get3A_147, %get3A_148] : memref<1024x1xf32, #tpu.memory_space<vmem>>, vector<1024x1xf32>
    %add3A_150 = arith.addf %get3A_149, %dot_general3A_89 : vector<1024x1xf32>
    %add3A_151 = arith.addf %add3A_150, %mul3A_85 : vector<1024x1xf32>
    %add3A_152 = arith.addf %add3A_151, %broadcast_in_dim3A_146 : vector<1024x1xf32>
    %get3A_153 = arith.constant 0 : index
    %get3A_154 = arith.constant 0 : index
    %get3A_155 = vector.load %arg17[%get3A_153, %get3A_154] : memref<1x1xf32, #tpu.memory_space<vmem>>, vector<1x1xf32>
    %add3A_156 = vector.broadcast %get3A_155 : vector<1x1xf32> to vector<1024x1xf32>
    %add3A_157 = arith.addf %add3A_152, %add3A_156 : vector<1024x1xf32>
    %swap3A = arith.constant 0 : index
    %swap3A_158 = arith.constant 0 : index
    %swap3A_159 = vector.load %arg18[%swap3A, %swap3A_158] : memref<1024x1xf32, #tpu.memory_space<vmem>>, vector<1024x1xf32>
    tpu.vector_store %arg18[%swap3A, %swap3A_158], %add3A_157 {strides = array<i32>} : memref<1024x1xf32, #tpu.memory_space<vmem>>, vector<1024x1xf32>,
    return
  }
  func.func @transform_0(%arg0: i32) -> (i32, i32) {
    %c0_i32 = arith.constant 0 : i32
    %c0_i32_0 = arith.constant 0 : i32
    return %arg0, %c0_i32 : i32, i32
  }
  func.func @transform_1(%arg0: i32) -> (i32, i32) {
    %c0_i32 = arith.constant 0 : i32
    %c0_i32_0 = arith.constant 0 : i32
    return %arg0, %c0_i32 : i32, i32
  }
  func.func @transform_2(%arg0: i32) -> (i32, i32) {
    %c0_i32 = arith.constant 0 : i32
    %c0_i32_0 = arith.constant 0 : i32
    return %arg0, %c0_i32 : i32, i32
  }
  func.func @transform_3(%arg0: i32) -> (i32, i32) {
    %c0_i32 = arith.constant 0 : i32
    %c0_i32_0 = arith.constant 0 : i32
    return %arg0, %c0_i32 : i32, i32
  }
  func.func @transform_4(%arg0: i32) -> (i32, i32) {
    %c0_i32 = arith.constant 0 : i32
    %c0_i32_0 = arith.constant 0 : i32
    return %arg0, %c0_i32 : i32, i32
  }
  func.func @transform_5(%arg0: i32) -> (i32, i32) {
    %c0_i32 = arith.constant 0 : i32
    %c0_i32_0 = arith.constant 0 : i32
    return %arg0, %c0_i32 : i32, i32
  }
  func.func @transform_6(%arg0: i32) -> (i32, i32) {
    %c0_i32 = arith.constant 0 : i32
    %c0_i32_0 = arith.constant 0 : i32
    %c0_i32_1 = arith.constant 0 : i32
    return %c0_i32, %c0_i32_0 : i32, i32
  }
  func.func @transform_7(%arg0: i32) -> (i32, i32) {
    %c0_i32 = arith.constant 0 : i32
    %c0_i32_0 = arith.constant 0 : i32
    %c0_i32_1 = arith.constant 0 : i32
    return %c0_i32, %c0_i32_0 : i32, i32
  }
  func.func @transform_8(%arg0: i32) -> (i32, i32) {
    %c0_i32 = arith.constant 0 : i32
    %c0_i32_0 = arith.constant 0 : i32
    %c0_i32_1 = arith.constant 0 : i32
    return %c0_i32, %c0_i32_0 : i32, i32
  }
  func.func @transform_9(%arg0: i32) -> (i32, i32) {
    %c0_i32 = arith.constant 0 : i32
    %c0_i32_0 = arith.constant 0 : i32
    %c0_i32_1 = arith.constant 0 : i32
    return %c0_i32, %c0_i32_0 : i32, i32
  }
  func.func @transform_10(%arg0: i32) -> (i32, i32) {
    %c0_i32 = arith.constant 0 : i32
    %c0_i32_0 = arith.constant 0 : i32
    %c0_i32_1 = arith.constant 0 : i32
    return %c0_i32, %c0_i32_0 : i32, i32
  }
  func.func @transform_11(%arg0: i32) -> (i32, i32) {
    %c0_i32 = arith.constant 0 : i32
    %c0_i32_0 = arith.constant 0 : i32
    %c0_i32_1 = arith.constant 0 : i32
    return %c0_i32, %c0_i32_0 : i32, i32
  }
  func.func @transform_12(%arg0: i32) -> (i32, i32) {
    %c0_i32 = arith.constant 0 : i32
    %c0_i32_0 = arith.constant 0 : i32
    %c0_i32_1 = arith.constant 0 : i32
    return %c0_i32, %c0_i32_0 : i32, i32
  }
  func.func @transform_13(%arg0: i32) -> (i32, i32) {
    %c0_i32 = arith.constant 0 : i32
    %c0_i32_0 = arith.constant 0 : i32
    %c0_i32_1 = arith.constant 0 : i32
    return %c0_i32, %c0_i32_0 : i32, i32
  }
  func.func @transform_14(%arg0: i32) -> (i32, i32) {
    %c0_i32 = arith.constant 0 : i32
    %c0_i32_0 = arith.constant 0 : i32
    %c0_i32_1 = arith.constant 0 : i32
    return %c0_i32, %c0_i32_0 : i32, i32
  }
  func.func @transform_15(%arg0: i32) -> (i32, i32) {
    %c0_i32 = arith.constant 0 : i32
    %c0_i32_0 = arith.constant 0 : i32
    %c0_i32_1 = arith.constant 0 : i32
    return %c0_i32, %c0_i32_0 : i32, i32
  }
  func.func @transform_16(%arg0: i32) -> (i32, i32) {
    %c0_i32 = arith.constant 0 : i32
    %c0_i32_0 = arith.constant 0 : i32
    %c0_i32_1 = arith.constant 0 : i32
    return %c0_i32, %c0_i32_0 : i32, i32
  }
  func.func @transform_17(%arg0: i32) -> (i32, i32) {
    %c0_i32 = arith.constant 0 : i32
    %c0_i32_0 = arith.constant 0 : i32
    return %arg0, %c0_i32 : i32, i32
  }
}

</mosaic_0001>

<sc_bundles>
// kernel: kernel.11.cloned.1.call-start
scs
__scs_entry_jumppad:
0x0: {  	(pc) =	sbr.rel $0x88, $3  }
0x1: {  	(tag) =	ssettag $0x0;
	lr =	simm.s32 $0x1  }
0x2: {  	[smem:$0x3F95] =	sst lr;
	_ =	strace $0xD0000000  }
0x3: {  	_ = 	snop  }
0x4: {  	_ = 	snop  }
0x5: {  	_ = 	snop  }
0x6: {  	_ = 	snop  }
0x7: {  	_ = 	snop  }
__scs_overlays_trampoline_lowered:
0x8: {  	[smem:$0x3FA4] =	sst s0  }
0x9: {  	[smem:$0x3FA5] =	sst s1  }
0xa: {  	[smem:$0x3FA6] =	sst s2  }
0xb: {  	[smem:$0x3FA7] =	sst s3  }
0xc: {  	[smem:$0x3FA8] =	sst s4  }
0xd: {  	[smem:$0x3FA9] =	sst s5  }
0xe: {  	[smem:$0x3FAA] =	sst s6  }
0xf: {  	[smem:$0x3FAB] =	sst s7  }
0x10: {  	[smem:$0x3FAC] =	sst s8  }
0x11: {  	[smem:$0x3FAD] =	sst s9;
	s0 =	simm.s32 @!p0 $0x0  }
0x12: {  	s1 =	sld [smem:$0x3F93];
	s0 =	simm.s32 @p0 $0x1  }
0x13: {  	[smem:$0x3FAE] =	sst s0;
	s0 =	simm.s32 @!p1 $0x0  }
0x14: {  	s2 =	sld [smem:$0x3F92];
	s0 =	simm.s32 @p1 $0x1  }
0x15: {  	[smem:$0x3FAF] =	sst s0;
	s0 =	simm.s32 @!p2 $0x0  }
0x16: {  	s3 =	sld [smem:$0x3FDB];
	s0 =	simm.s32 @p2 $0x1  }
0x17: {  	s4 =	simm.s32 $0x1BF5;
	[smem:$0x3FB1] =	sst s0  }
0x18: {  	s0 =	sld [smem:$0x3F94];
	_ =	swait.ge [sflag:s4], $0x0  }
0x19: {  	s7 =	sld [smem:$0x3F95]  }
0x1a: {  	s8 =	sadd.s32 $0xFFFFE003, lr  }
0x1b: {  	s9 =	sadd.s32 $0xFFFFFEF7, lr;
	s5 =	simm.s32 $0xFFFFFFFF;
	p2 =	slt.u32 s8, $0xFFFFF086  }
0x1c: {  	p1 =	slt.u32 s9, $0xF7A;
	s5 =	simm.s32 @!p2 $0x0  }
0x1d: {  	s5 =	simm.s32 @p1 $0x1;
	p0 =	seq.s32 s7, s2  }
0x1e: {  	s7 =	smul.u32 @!p0 $0xF7A, s2;
	p2 =	seq.s32 @!p0 s5, $0x0  }
0x1f: {  	s9 =	smul.u32 $0xF7A, s1;
	s8 =	simm.s32 @!p0 $0x1BF5;
	p2 =	por !p2, p0  }
0x20: {  	[sflag:s8] =	ssyncset.s32 @!p0 $0xFFFFF086;
	s6 =	sadd.s32 @!p0 s3, s7;
	s7 =	simm.s32 @!p0 $0x108  }
0x21: {  	s3 =	sadd.s32 s3, s9;
	s6 =	sadd.s32 @!p0 $0x88, s6;
	s7 =	simm.s32 @p2 $0x1082  }
0x22: {  	[simem:s7], [sflag:s8] =	dma.local @!p0 [hbm:s6], $0xF7A  }
0x23: {  	s9 =	sor.u32 $0xD0000000, s2;
	s6 =	simm.s32 $0x108;
	_ =	swait.ge @!p0 [sflag:s8], $0x0  }
0x24: {  	s3 =	sadd.s32 $0x88, s3;
	s6 =	simm.s32 @!p1 $0x1082;
	[sflag:s4] =	ssyncset.s32 $0xFFFFF086  }
0x25: {  	[simem:s6], [sflag:s4] =	dma.local [hbm:s3], $0xF7A  }
0x26: {  	[smem:$0x3F95] =	sst s1;
	(tag) =	ssettag s2;
	_ =	strace s9  }
0x27: {  	s1 =	sld [smem:$0x3FA5]  }
0x28: {  	s2 =	sld [smem:$0x3FA6]  }
0x29: {  	s4 =	sld [smem:$0x3FA8]  }
0x2a: {  	p0 =	seq.s32 s5, $0x0;
	s5 =	sld [smem:$0x3FA9]  }
0x2b: {  	s6 =	sld [smem:$0x3FAA]  }
0x2c: {  	s7 =	sld [smem:$0x3FAB]  }
0x2d: {  	s3 =	simm.s32 $0x108;
	s8 =	sld [smem:$0x3FAC]  }
0x2e: {  	s3 =	simm.s32 @!p0 $0x1082;
	s9 =	sld [smem:$0x3FAD]  }
0x2f: {  	lr =	sadd.s32 s0, s3;
	s0 =	sld [smem:$0x3FA4]  }
0x30: {  	s3 =	sld [smem:$0x3FA7]  }
0x31: {  	[smem:$0x3FB0] =	sst s10  }
0x32: {  	s10 =	sld [smem:$0x3FAE];
	_ =	sdelay $0x3  }
0x33: {  	p0 =	seq.s32 s10, $0x1;
	s10 =	sld [smem:$0x3FB0];
	_ =	sdelay $0x3  }
0x34: {  	[smem:$0x3FB0] =	sst s10  }
0x35: {  	s10 =	sld [smem:$0x3FAF];
	_ =	sdelay $0x3  }
0x36: {  	p1 =	seq.s32 s10, $0x1;
	s10 =	sld [smem:$0x3FB0];
	_ =	sdelay $0x3  }
0x37: {  	[smem:$0x3FB0] =	sst s10  }
0x38: {  	s10 =	sld [smem:$0x3FB1]  }
0x39: {  	_ = 	snop;
	(pc) =	sbr.ind lr, $3  }
0x3a: {  	_ = 	snop  }
0x3b: {  	_ = 	snop  }
0x3c: {  	p2 =	seq.s32 s10, $0x1;
	s10 =	sld [smem:$0x3FB0]  }
0x3d: {  	_ =	shalt  }
0x3e: {  	_ =	shalt  }
0x3f: {  	_ =	shalt  }
0x40: {  	_ =	shalt  }
0x41: {  	_ =	shalt  }
0x42: {  	_ =	shalt  }
0x43: {  	_ =	shalt  }
0x44: {  	_ =	shalt  }
0x45: {  	_ =	shalt  }
0x46: {  	_ =	shalt  }
0x47: {  	_ =	shalt  }
0x48: {  	_ =	shalt  }
0x49: {  	_ =	shalt  }
0x4a: {  	_ =	shalt  }
0x4b: {  	_ =	shalt  }
0x4c: {  	_ =	shalt  }
0x4d: {  	_ =	shalt  }
0x4e: {  	_ =	shalt  }
0x4f: {  	_ =	shalt  }
0x50: {  	_ =	shalt  }
0x51: {  	_ =	shalt  }
0x52: {  	_ =	shalt  }
0x53: {  	_ =	shalt  }
0x54: {  	_ =	shalt  }
0x55: {  	_ =	shalt  }
0x56: {  	_ =	shalt  }
0x57: {  	_ =	shalt  }
0x58: {  	_ =	shalt  }
0x59: {  	_ =	shalt  }
0x5a: {  	_ =	shalt  }
0x5b: {  	_ =	shalt  }
0x5c: {  	_ =	shalt  }
0x5d: {  	_ =	shalt  }
0x5e: {  	_ =	shalt  }
0x5f: {  	_ =	shalt  }
0x60: {  	_ =	shalt  }
0x61: {  	_ =	shalt  }
0x62: {  	_ =	shalt  }
0x63: {  	_ =	shalt  }
0x64: {  	_ =	shalt  }
0x65: {  	_ =	shalt  }
0x66: {  	_ =	shalt  }
0x67: {  	_ =	shalt  }
0x68: {  	_ =	shalt  }
0x69: {  	_ =	shalt  }
0x6a: {  	_ =	shalt  }
0x6b: {  	_ =	shalt  }
0x6c: {  	_ =	shalt  }
0x6d: {  	_ =	shalt  }
0x6e: {  	_ =	shalt  }
0x6f: {  	_ =	shalt  }
0x70: {  	_ =	shalt  }
0x71: {  	_ =	shalt  }
0x72: {  	_ =	shalt  }
0x73: {  	_ =	shalt  }
0x74: {  	_ =	shalt  }
0x75: {  	_ =	shalt  }
0x76: {  	_ =	shalt  }
0x77: {  	_ =	shalt  }
0x78: {  	_ =	shalt  }
0x79: {  	_ =	shalt  }
0x7a: {  	_ =	shalt  }
0x7b: {  	_ =	shalt  }
0x7c: {  	_ =	shalt  }
0x7d: {  	_ =	shalt  }
0x7e: {  	_ =	shalt  }
0x7f: {  	_ =	shalt  }
0x80: {  	_ =	shalt  }
0x81: {  	_ =	shalt  }
0x82: {  	_ =	shalt  }
0x83: {  	_ =	shalt  }
0x84: {  	_ =	shalt  }
0x85: {  	_ =	shalt  }
0x86: {  	_ =	shalt  }
0x87: {  	_ =	shalt  }
.Lfunc_end0:
.L_simem_size_0:
called_computation.1_lowered:
.L_overlay_start_0:
0x88: {  	s2 =	sld [smem:$0x3FD9]  }
0x89: {  	s3 =	sld [smem:$0x3FFE];
	_ =	sdelay $0x1  }
0x8a: {  	s1 =	srdreg.scid  }
0x8b: {  	s0 =	sand.u32 $0x1, s1  }
0x8c: {  	s16 =	sshll.u32 s0, $0xA;
	s2 =	sadd.s32 s3, s2  }
0x8d: {  	s2 =	sadd.s32 s2, s16  }
0x8e: {  	[smem:$0x3FBC] =	sst s2  }
0x8f: {  	_ = 	snop  }
0x90: {  	(tm) =	ssettm $0x1  }
0x91: {  	s17 =	sld [smem:$0x3FFB];
	_ =	sdelay $0x3  }
0x92: {  	_ =	strace s17  }
0x93: {  	s2 =	sld [smem:$0x3FFC];
	_ =	sdelay $0x3  }
0x94: {  	_ =	strace s2  }
0x95: {  	s2 =	sld [smem:$0x3FFD];
	_ =	sdelay $0x3  }
0x96: {  	_ =	strace s2  }
0x97: {  	_ =	strace $0x8FFFFFFF  }
0x98: {  	s18 =	sld [smem:$0x3FDB];
	_ =	sdelay $0x1  }
0x99: {  	s19 =	simm.s32 $_scs_section_size  }
0x9a: {  	s4 =	simm.s32 $_size__tile_overlayer_lowered;
	s5 =	simm.s32 $_tile_overlayer_lowered  }
0x9b: {  	s22 =	simm.s32 $0x1BFF;
	s21 =	sshll.u32 s5, $0x1;
	s2 =	sadd.s32 s19, s18  }
0x9c: {  	s6 =	simm.s32 $0x0;
	s20 =	sshll.u32 s4, $0x1;
	s4 =	sadd.s32 s21, s2  }
0x9d: {  	[timem:s6], [sflag:s22] =	dma.local [hbm:s4], s20  }
0x9e: {  	_ =	swait.ge [sflag:s22], s20  }
0x9f: {  	s3 =	ssub.s32 $0x0, s20;
	[sflag:s22] =	ssyncset.done $0x0  }
0xa0: {  	[sflag:s22] =	ssyncadd.s32 s3;
	_ =	sdelay $0x1  }
0xa1: {  	s23 =	simm.s32 $0x1B8B  }
0xa2: {  	_ =	swait.ge [sflag:s23], $0x1  }
0xa3: {  	[sflag:s23] =	ssyncset.done $0x0  }
0xa4: {  	s25 =	simm.s32 $0x1B8E;
	s24 =	sld [smem:$0x3FFE];
	[sflag:s23] =	ssyncadd.s32 $0xFFFFFFFF  }
0xa5: {  	s26 =	simm.s32 $execute0_lowered;
	[smem:$0x3FD2] =	sst s25  }
0xa6: {  	s4 =	sshll.u32 s26, $0x1;
	_ =	strace $0x80000046;
	[dreg:$0x1] =	wrdreg $0xFFFFFFFF  }
0xa7: {  	s28 =	simm.s32 $_size_execute0_lowered;
	s2 =	sadd.s32 s2, s4;
	[dreg:$0x0] =	wrdreg $0x0  }
0xa8: {  	s4 =	sshll.u32 s28, $0x1;
	[dreg:$0x2] =	wrdreg s2  }
0xa9: {  	[dreg:$0x3] =	wrdreg s4  }
0xaa: {  	[dreg:$0x4] =	wrdreg $0xC0  }
0xab: {  	_ =	task [dreg:s6], $0x5FFFF  }
0xac: {  	[dreg:$0x1] =	wrdreg $0xFFFFFFFF  }
0xad: {  	[dreg:$0x0] =	wrdreg $0x60  }
0xae: {  	[dreg:$0x2] =	wrdreg s24  }
0xaf: {  	[dreg:$0x3] =	wrdreg $0xA  }
0xb0: {  	_ =	task.clear_ibuf [dreg:s6], $0x4FFFF;
	_ =	strace $0x90000046  }
0xb1: {  	s29 =	simm.s32 $0xA;
	_ =	strace $0x80000064  }
0xb2: {  	_ =	swait.ge [sflag:s29], $0x1  }
0xb3: {  	[sflag:s29] =	ssyncadd.s32 $0xFFFFFFFF  }
0xb4: {  	_ =	strace $0x90000064  }
0xb5: {  	_ =	sfence  }
0xb6: {  	s30 =	sld [smem:$0x0];
	_ =	sdelay $0x2  }
0xb7: {  	s31 =	sshll.u32 s1, $0xD;
	s1 =	sshrl.u32 s1, $0x2  }
0xb8: {  	s3 =	sand.u32 $0x4000, s31;
	s1 =	sadd.s32 s1, s30  }
0xb9: {  	s0 =	sor.u32 s3, s0;
	s1 =	sshll.u32 s1, $0x11  }
0xba: {  	s0 =	sor.u32 s1, s0  }
0xbb: {  	s0 =	sadd.s32 $0x8F2B, s0  }
0xbc: {  	[sflag:s0] =	ssyncadd.remote.s32 $0x1  }
0xbd: {  	_ =	sfence.sel $0xFFFF  }
0xbe: {  	[dreg:$0x0] =	wrdreg $0xFFFFFFFF;
	(pc) =	sbr.abs _section_cstart, $3  }
0xbf: {  	[dreg:$0x1] =	wrdreg $0xFFFFFFFF  }
0xc0: {  	_ =	task.clear_ibuf [dreg:s6], $0x2FFFF;
	_ =	strace $0x9FFFFFFF  }
0xc1: {  	(tm) =	ssettm $0x7FFFFFFF  }
tec
execute0_lowered:
.L_overlay_start_1:
0x0: {  	(tag) =	ssettag $0x1  }
0x1: {  	s0 =	rddreg [dreg:$0x0]  }
0x2: {  	s1 =	simm.s32 $0x0;
	s2 =	srdreg.scid;
	s6 =	stileid.u32  }
0x3: {  	[smem:$0x7FF] =	sst s1;
	s2 =	sand.u32 $0x1, s2;
	s3 =	sadd.s32 $0xA800, s0  }
0x4: {  	s4 =	sadd.s32 $0x8000, s0;
	s8 =	sadd.s32 $0x21D400, s0;
	_ =	strace $0x80000047  }
0x5: {  	s5 =	sshll.u32 s2, $0x4;
	[dreg:$0x2] =	wrdreg s8;
	s2 =	ssub.s32 $0x2, s2  }
0x6: {  	s8 =	sadd.s32 $0x25D400, s0;
	s10 =	sor.u32 s6, s5;
	s5 =	sadd.s32 $0x6000, s0  }
0x7: {  	s6 =	sadd.s32 $0x4000, s0;
	s14 =	sshrl.u32 s2, $0x1;
	s12 =	sshll.u32 s10, $0x8  }
0x8: {  	s7 =	sshll.u32 s10, $0x6;
	s9 =	sshll.u32 s10, $0xA;
	s13 =	sadd.s32 s4, s12  }
0x9: {  	s2 =	ssub.s32 s2, s14;
	s15 =	sadd.s32 s5, s12;
	[dreg:$0x3] =	wrdreg s13  }
0xa: {  	s11 =	sadd.s32 s7, s0;
	s16 =	sadd.s32 s6, s12;
	[dreg:$0x4] =	wrdreg s15  }
0xb: {  	s7 =	sadd.s32 $0x23D400, s0;
	s2 =	smax.u32 s2, $0x1;
	[dreg:$0x5] =	wrdreg s16  }
0xc: {  	s0 =	sadd.s32 s9, s0;
	s17 =	sadd.s32 $0xA000, s11;
	[dreg:$0x7] =	wrdreg s2  }
0xd: {  	s18 =	sadd.s32 $0x215400, s0;
	[dreg:$0x6] =	wrdreg s17  }
0xe: {  	s19 =	sadd.s32 $0xA010, s11;
	[dreg:$0x8] =	wrdreg s18  }
0xf: {  	s20 =	sadd.s32 $0xA020, s11;
	[dreg:$0x9] =	wrdreg s19  }
0x10: {  	s21 =	sadd.s32 $0x215500, s0;
	[dreg:$0xa] =	wrdreg s20  }
0x11: {  	s22 =	sadd.s32 $0xA030, s11;
	[dreg:$0xb] =	wrdreg s21  }
0x12: {  	s28 =	simm.s32 $0x80;
	s23 =	sadd.s32 $0x215600, s0;
	[dreg:$0xc] =	wrdreg s22  }
0x13: {  	s24 =	sor.u32 $0x10, s12;
	s0 =	sadd.s32 $0x215700, s0;
	[dreg:$0xd] =	wrdreg s23  }
0x14: {  	s26 =	sshll.u32 s10, $0xC;
	s25 =	sadd.s32 s5, s24;
	[dreg:$0xe] =	wrdreg s0  }
0x15: {  	s9 =	sshll.u32 s10, $0x4;
	s10 =	sadd.s32 s7, s26;
	[dreg:$0xf] =	wrdreg s25  }
0x16: {  	s29 =	simm.s32 $0x5;
	s2 =	sadd.s32 s6, s24;
	[dreg:$0x10] =	wrdreg s10  }
0x17: {  	s30 =	simm.s32 $0x4;
	[dreg:$0x11] =	wrdreg s2;
	s0 =	sadd.s32 s8, s26  }
0x18: {  	s31 =	simm.s32 $0x100;
	s11 =	simm.s32 $0x0;
	[dreg:$0x12] =	wrdreg s0  }
.LBB2_1:
0x19: {  	_ =	strace $0x80000048  }
0x1a: {  	s13 =	simm.s32 $0x1;
	p0 =	por $0x0, $0x0;
	p5 =	por $0x1, $0x1  }
0x1b: {  	s12 =	simm.s32 $0xF;
	s2 =	simm.s32 $0x1;
	s21 =	sand.u32 $0x1, s1  }
0x1c: {  	s24 =	simm.s32 $0x0;
	s0 =	rddreg [dreg:$0x3];
	s13 =	simm.s32 @p0 $0x0  }
0x1d: {  	[tilespmem:s1], [sflag:$0x1] =	stream.linear.gather [hbm4b:s0+s1], $0x80, $0x200038;
	[tilespmem:$0x1100] =	vst v63  }
0x1e: {  	s16 =	sadd.s32 $0x0, s9;
	p4 =	por $0x0, $0x0;
	p2 =	sne.s32 s13, $0x0  }
0x1f: {  	s17 =	simm.s32 $0x1;
	p6 =	por $0x0, $0x0;
	p0 =	por !p5, !p2  }
0x20: {  	s19 =	simm.s32 $0x0;
	s25 =	sadd.s32 $0x1, s21;
	p3 =	por !p0, !p0  }
0x21: {  	s26 =	sshll.u32 s21, $0xB;
	s17 =	simm.s32 @!p4 $0x0;
	s0 =	sadd.s32 @p3 s9, s13  }
0x22: {  	_ =	strace $0x90000048;
	s2 =	sand.u32 @p3 $0x1, s2;
	s0 =	sshll.u32 @p3 s0, $0x4  }
0x23: {  	s14 =	simm.s32 @p3 $0x0;
	_ =	strace @p3 $0x80000049;
	s0 =	sand.u32 @p3 $0x1FFFFFF0, s0  }
0x24: {  	s15 =	sshll.u32 @p3 s2, $0x7;
	s2 =	sadd.s32 @p3 $0x1, s2;
	s0 =	sadd.s32 @p3 s4, s0  }
0x25: {  	[tilespmem:s15], [sflag:s2] =	stream.linear.gather @p3 [hbm4b:s0+s14], $0x80, $0x200038;
	[tilespmem:$0x1100] =	vst v63  }
0x26: {  	s22 =	sor.u32 $0x100, s26;
	p0 =	por $0x1, $0x1;
	_ =	strace @p3 $0x90000049  }
0x27: {  	p1 =	por p0, p0;
	s14 =	sand.u32 @!p0 $0x1, s1;
	_ =	strace $0x8000004A  }
0x28: {  	s15 =	simm.s32 $0xE;
	s18 =	sadd.s32 @!p1 $0x3, s14;
	_ =	swait.ge [sflag:s25], $0x80  }
0x29: {  	s14 =	sadd.s32 $0x0, s17;
	s17 =	sadd.s32 $0x1, s13;
	[sflag:s25] =	ssyncset.done $0x0  }
0x2a: {  	p0 =	por $0x0, $0x0;
	p5 =	seq.s32 s17, $0x10;
	[sflag:s25] =	ssyncadd.s32 $0xFFFFFF80  }
0x2b: {  	s0 =	sand.u32 $0x80, s24;
	s17 =	simm.s32 @p5 $0x0;
	_ =	strace $0x9000004A  }
0x2c: {  	p5 =	por p6, p2;
	p6 =	por $0x1, $0x1;
	_ =	strace $0x8000004B  }
0x2d: {  	[tilespmem:s22], [sflag:$0x5] =	stream.indirect.gather [hbm4b:s3+s28], $0x10, s0, s28, $0x2000b8;
	[tilespmem:$0x1100] =	vst v63  }
0x2e: {  	p2 =	sne.s32 s13, s17;
	s23 =	sshll.u32 @p5 s16, $0x8;
	_ =	swait.ge [sflag:s29], $0x800  }
0x2f: {  	s16 =	simm.s32 $0x0;
	s25 =	simm.s32 $0x1;
	[sflag:s29] =	ssyncset.done $0x0  }
0x30: {  	s25 =	simm.s32 @!p5 $0x0;
	s0 =	simm.s32 $0x1;
	[sflag:s29] =	ssyncadd.s32 $0xFFFFF800  }
0x31: {  	s0 =	simm.s32 @!p3 $0x0;
	p3 =	por !p6, !p2;
	_ =	strace $0x9000004B  }
0x32: {  	p3 =	por !p3, !p3;
	s20 =	sadd.s32 $0x1, s0;
	_ =	strace @p5 $0x8000004C  }
0x33: {  	s24 =	sand.u32 @p3 $0x1, s20;
	s0 =	sadd.s32 @p3 s9, s17;
	s2 =	rddreg [dreg:$0x2]  }
.LBB2_2:
0x34: {  	s0 =	sshll.u32 @p3 s0, $0x4;
	s10 =	sand.u32 @p5 $0x1FFFFF00, s23;
	s16 =	sadd.s32 s25, s16  }
0x35: {  	s23 =	smov.u32 s12;
	s12 =	smov.u32 s15;
	s26 =	smov.u32 s13  }
0x36: {  	s13 =	sadd.s32 @p5 $0x3, s21;
	s21 =	simm.s32 @p5 $0x0;
	s19 =	sadd.s32 s25, s19  }
0x37: {  	s15 =	sadd.s32 $0xFFFFFFFF, s15;
	s0 =	sand.u32 @p3 $0x1FFFFFF0, s0;
	s2 =	sadd.s32 @p5 s2, s10  }
0x38: {  	[hbm4b:s2+s21] =	stream.linear.scatter @p5 [tilespmem:s22], [sflag:s13], $0x800, $0x200038;
	[tilespmem:$0x1100] =	vst v63  }
0x39: {  	s25 =	sand.u32 $0x1, s19;
	s10 =	sshll.u32 s19, $0x7;
	_ =	strace @p5 $0x9000004C  }
0x3a: {  	p4 =	sne.s32 s15, $0x0;
	s0 =	sadd.s32 @p3 s4, s0;
	_ =	strace @!p1 $0x8000004D  }
0x3b: {  	s21 =	sand.u32 @!p0 $0x1, s14;
	s13 =	smov.u32 s17;
	_ =	swait.ge @!p1 [sflag:s18], $0x800  }
0x3c: {  	s22 =	simm.s32 @p3 $0x0;
	s25 =	sadd.s32 $0x1, s25;
	[sflag:s18] =	ssyncset.done @!p1 $0x0  }
0x3d: {  	s2 =	sadd.s32 s9, s26;
	s17 =	sadd.s32 $0x1, s17;
	[sflag:s18] =	ssyncadd.s32 @!p1 $0xFFFFF800  }
0x3e: {  	s10 =	sand.u32 $0x80, s10;
	p6 =	seq.s32 s17, $0x10;
	_ =	strace @!p1 $0x9000004D  }
0x3f: {  	s18 =	sshll.u32 @p3 s24, $0x7;
	s24 =	sadd.s32 @p3 $0x1, s24;
	_ =	strace @p3 $0x80000049  }
0x40: {  	[tilespmem:s18], [sflag:s24] =	stream.linear.gather @p3 [hbm4b:s0+s22], $0x80, $0x200038;
	[tilespmem:$0x1100] =	vst v63  }
0x41: {  	p5 =	sne.s32 s23, $0x10;
	s17 =	simm.s32 @p6 $0x0;
	_ =	strace @p3 $0x90000049  }
0x42: {  	p6 =	sne.s32 s12, $0x1;
	p1 =	por p0, p0;
	_ =	strace $0x8000004A  }
0x43: {  	p0 =	seq.s32 s12, $0x10;
	s18 =	sadd.s32 @!p1 $0x3, s21;
	_ =	swait.ge [sflag:s25], $0x80  }
0x44: {  	s21 =	sand.u32 $0x1, s16;
	s24 =	simm.s32 $0x1;
	[sflag:s25] =	ssyncset.done $0x0  }
0x45: {  	s0 =	simm.s32 $0x1;
	s26 =	sshll.u32 s21, $0xB;
	[sflag:s25] =	ssyncadd.s32 $0xFFFFFF80  }
0x46: {  	s24 =	simm.s32 @!p5 $0x0;
	p5 =	seq.s32 s23, $0x1;
	_ =	strace $0x9000004A  }
0x47: {  	s0 =	simm.s32 @!p3 $0x0;
	s22 =	sor.u32 $0x100, s26;
	_ =	strace $0x8000004B  }
0x48: {  	[tilespmem:s22], [sflag:$0x5] =	stream.indirect.gather [hbm4b:s3+s28], $0x10, s10, s28, $0x2000b8;
	[tilespmem:$0x1100] =	vst v63  }
0x49: {  	s14 =	sadd.s32 s24, s14;
	p5 =	por p5, p2;
	_ =	swait.ge [sflag:s29], $0x800  }
.Ltmp0:
0x4a: {  	p2 =	sne.s32 s13, s17;
	[sflag:s29] =	ssyncset.done $0x0;
	(pc) =	sbr.rel @p4 .LBB2_2-.Ltmp0, $4  }
0x4b: {  	s20 =	sadd.s32 s0, s20;
	p3 =	por !p6, !p2;
	[sflag:s29] =	ssyncadd.s32 $0xFFFFF800  }
0x4c: {  	s23 =	sshll.u32 @p5 s2, $0x8;
	p3 =	por !p3, !p3;
	_ =	strace $0x9000004B  }
0x4d: {  	s25 =	simm.s32 $0x1;
	s24 =	sand.u32 @p3 $0x1, s20;
	_ =	strace @p5 $0x8000004C  }
0x4e: {  	s0 =	sadd.s32 @p3 s9, s17;
	s25 =	simm.s32 @!p5 $0x0;
	s2 =	rddreg [dreg:$0x2]  }
0x4f: {  	s10 =	sand.u32 @p5 $0x1FFFFF00, s23  }
0x50: {  	s15 =	sadd.s32 @p5 $0x3, s21;
	s17 =	simm.s32 @p5 $0x0;
	s2 =	sadd.s32 @p5 s2, s10  }
0x51: {  	[hbm4b:s2+s17] =	stream.linear.scatter @p5 [tilespmem:s22], [sflag:s15], $0x800, $0x200038;
	[tilespmem:$0x1100] =	vst v63  }
0x52: {  	_ =	strace @p5 $0x9000004C  }
0x53: {  	_ =	strace @!p1 $0x8000004D  }
0x54: {  	_ =	swait.ge @!p1 [sflag:s18], $0x800  }
0x55: {  	s0 =	sshll.u32 @p3 s0, $0x4;
	[sflag:s18] =	ssyncset.done @!p1 $0x0  }
0x56: {  	s26 =	sadd.s32 s25, s19;
	s0 =	sand.u32 @p3 $0x1FFFFFF0, s0;
	[sflag:s18] =	ssyncadd.s32 @!p1 $0xFFFFF800  }
0x57: {  	s10 =	simm.s32 @p3 $0x0;
	s0 =	sadd.s32 @p3 s4, s0;
	_ =	strace @!p1 $0x9000004D  }
0x58: {  	s15 =	sshll.u32 @p3 s24, $0x7;
	s17 =	sadd.s32 @p3 $0x1, s24;
	_ =	strace @p3 $0x80000049  }
0x59: {  	[tilespmem:s15], [sflag:s17] =	stream.linear.gather @p3 [hbm4b:s0+s10], $0x80, $0x200038;
	[tilespmem:$0x1100] =	vst v63  }
0x5a: {  	s17 =	sand.u32 $0x1, s26;
	_ =	strace @p3 $0x90000049  }
0x5b: {  	s0 =	sadd.s32 $0x1, s17;
	_ =	strace $0x8000004A  }
0x5c: {  	_ =	swait.ge [sflag:s0], $0x80  }
0x5d: {  	s18 =	sadd.s32 s25, s16;
	[sflag:s0] =	ssyncset.done $0x0  }
0x5e: {  	[sflag:s0] =	ssyncadd.s32 $0xFFFFFF80;
	s0 =	sand.u32 $0x1, s18  }
0x5f: {  	s2 =	sshll.u32 s26, $0x7;
	_ =	strace $0x9000004A;
	s10 =	sshll.u32 s0, $0xB  }
0x60: {  	s2 =	sand.u32 $0x80, s2;
	_ =	strace $0x8000004B;
	s10 =	sor.u32 $0x100, s10  }
0x61: {  	[tilespmem:s10], [sflag:$0x5] =	stream.indirect.gather [hbm4b:s3+s28], $0x10, s2, s28, $0x2000b8;
	[tilespmem:$0x1100] =	vst v63  }
0x62: {  	_ =	swait.ge [sflag:s29], $0x800  }
0x63: {  	[sflag:s29] =	ssyncset.done $0x0  }
0x64: {  	p6 =	seq.s32 s12, $0x1;
	[sflag:s29] =	ssyncadd.s32 $0xFFFFF800  }
0x65: {  	p1 =	por p6, p2;
	s2 =	sadd.s32 s9, s13;
	_ =	strace $0x9000004B  }
0x66: {  	s2 =	sshll.u32 @p1 s2, $0x8;
	_ =	strace @p1 $0x8000004C  }
0x67: {  	s2 =	sand.u32 @p1 $0x1FFFFF00, s2;
	s12 =	rddreg [dreg:$0x2]  }
0x68: {  	s0 =	sadd.s32 @p1 $0x3, s0;
	s13 =	simm.s32 @p1 $0x0;
	s2 =	sadd.s32 @p1 s12, s2  }
0x69: {  	[hbm4b:s2+s13] =	stream.linear.scatter @p1 [tilespmem:s10], [sflag:s0], $0x800, $0x200038;
	[tilespmem:$0x1100] =	vst v63  }
0x6a: {  	s0 =	sand.u32 @!p0 $0x1, s14;
	p0 =	por p0, p0;
	_ =	strace @p1 $0x9000004C  }
0x6b: {  	s0 =	sadd.s32 @!p0 $0x3, s0;
	_ =	strace @!p0 $0x8000004D  }
0x6c: {  	_ =	swait.ge @!p0 [sflag:s0], $0x800  }
0x6d: {  	[sflag:s0] =	ssyncset.done @!p0 $0x0  }
0x6e: {  	[sflag:s0] =	ssyncadd.s32 @!p0 $0xFFFFF800  }
0x6f: {  	_ =	strace @!p0 $0x9000004D  }
0x70: {  	_ =	strace $0x8000004E  }
0x71: {  	_ =	swait.ge [sflag:s30], $0x800  }
0x72: {  	[sflag:s30] =	ssyncset.done $0x0  }
0x73: {  	[sflag:s30] =	ssyncadd.s32 $0xFFFFF800  }
0x74: {  	_ =	strace $0x9000004E  }
0x75: {  	_ =	strace $0x8000004F  }
0x76: {  	s19 =	simm.s32 $0x0;
	s20 =	rddreg [dreg:$0x4]  }
0x77: {  	[tilespmem:s19], [sflag:$0x1] =	stream.linear.gather [hbm4b:s20+s19], $0x80, $0x200038;
	[tilespmem:$0x1100] =	vst v63  }
0x78: {  	_ =	strace $0x9000004F  }
0x79: {  	_ =	strace $0x80000050  }
0x7a: {  	s21 =	rddreg [dreg:$0xf]  }
0x7b: {  	[tilespmem:s28], [sflag:$0x2] =	stream.linear.gather [hbm4b:s21+s19], $0x80, $0x200038;
	[tilespmem:$0x1100] =	vst v63  }
0x7c: {  	_ =	strace $0x90000050  }
0x7d: {  	s22 =	simm.s32 $0x1;
	_ =	strace $0x80000051  }
0x7e: {  	_ =	swait.ge [sflag:s22], $0x80  }
0x7f: {  	[sflag:s22] =	ssyncset.done $0x0  }
0x80: {  	[sflag:s22] =	ssyncadd.s32 $0xFFFFFF80  }
0x81: {  	p4 =	por $0x0, $0x0;
	_ =	strace $0x90000051  }
0x82: {  	s12 =	simm.s32 $0x2;
	p0 =	por $0x0, $0x0;
	_ =	strace $0x80000052  }
0x83: {  	[tilespmem:s31], [sflag:$0x5] =	stream.indirect.gather [hbm4b:s3+s28], $0x10, s19, s28, $0x2000b8;
	[tilespmem:$0x1100] =	vst v63  }
0x84: {  	p5 =	por $0x1, $0x1;
	s12 =	simm.s32 @p0 $0x0;
	_ =	swait.ge [sflag:s29], $0x800  }
0x85: {  	p3 =	por $0x1, $0x1;
	p0 =	sne.s32 s12, $0x1;
	[sflag:s29] =	ssyncset.done $0x0  }
0x86: {  	s26 =	simm.s32 $0x80;
	p1 =	por !p3, !p0;
	[sflag:s29] =	ssyncadd.s32 $0xFFFFF800  }
0x87: {  	s14 =	simm.s32 $0x2;
	p2 =	por !p1, !p1;
	_ =	strace $0x90000052  }
0x88: {  	s10 =	sadd.s32 @p2 s9, s12;
	s13 =	sand.u32 @p2 $0x1, s14;
	_ =	strace $0x80000053  }
0x89: {  	s15 =	simm.s32 @p2 $0x0;
	s10 =	sshll.u32 @p2 s10, $0x4;
	s23 =	rddreg [dreg:$0x10]  }
0x8a: {  	[hbm4b:s23+s19] =	stream.linear.scatter [tilespmem:s31], [sflag:$0x3], $0x800, $0x200038;
	[tilespmem:$0x1100] =	vst v63  }
0x8b: {  	s16 =	sshll.u32 @p2 s13, $0x7;
	s10 =	sand.u32 @p2 $0x1FFFFFF0, s10;
	_ =	strace $0x90000053  }
0x8c: {  	s13 =	sadd.s32 @p2 $0x1, s13;
	s10 =	sadd.s32 @p2 s5, s10;
	_ =	strace @p2 $0x80000050  }
0x8d: {  	[tilespmem:s16], [sflag:s13] =	stream.linear.gather @p2 [hbm4b:s10+s15], $0x80, $0x200038;
	[tilespmem:$0x1100] =	vst v63  }
0x8e: {  	s17 =	sadd.s32 $0x1, s9;
	s2 =	sand.u32 $0x1, s22;
	_ =	strace @p2 $0x90000050  }
0x8f: {  	s24 =	sadd.s32 $0x1, s2;
	s25 =	sshll.u32 s2, $0xB;
	_ =	strace $0x80000051  }
0x90: {  	s0 =	sand.u32 $0x1, s19;
	s18 =	sadd.s32 $0x1, s12;
	_ =	swait.ge [sflag:s24], $0x80  }
0x91: {  	p0 =	por p4, p0;
	p1 =	seq.s32 s18, $0x10;
	[sflag:s24] =	ssyncset.done $0x0  }
0x92: {  	s2 =	sadd.s32 @p0 $0x3, s2;
	s18 =	simm.s32 @p1 $0x0;
	[sflag:s24] =	ssyncadd.s32 $0xFFFFFF80  }
0x93: {  	s20 =	sadd.s32 $0x3, s0;
	s0 =	simm.s32 $0x1;
	_ =	strace $0x90000051  }
0x94: {  	s16 =	sor.u32 $0x100, s25;
	s10 =	sand.u32 $0x80, s26;
	_ =	strace $0x80000052  }
0x95: {  	[tilespmem:s16], [sflag:$0x5] =	stream.indirect.gather [hbm4b:s3+s28], $0x10, s10, s28, $0x2000b8;
	[tilespmem:$0x1100] =	vst v63  }
0x96: {  	p1 =	sne.s32 s12, s18;
	s0 =	simm.s32 @!p0 $0x0;
	_ =	swait.ge [sflag:s29], $0x800  }
0x97: {  	p6 =	por !p5, !p1;
	s19 =	sadd.s32 $0x1, s0;
	[sflag:s29] =	ssyncset.done $0x0  }
0x98: {  	s13 =	simm.s32 $0x1;
	s10 =	sshll.u32 @p0 s17, $0x8;
	[sflag:s29] =	ssyncadd.s32 $0xFFFFF800  }
0x99: {  	s15 =	simm.s32 $0x2;
	s10 =	sand.u32 @p0 $0x1FFFFF00, s10;
	_ =	strace $0x90000052  }
0x9a: {  	s17 =	simm.s32 @p0 $0x0;
	s10 =	sadd.s32 @p0 s7, s10;
	_ =	strace @p0 $0x80000053  }
0x9b: {  	[hbm4b:s10+s17] =	stream.linear.scatter @p0 [tilespmem:s16], [sflag:s2], $0x800, $0x200038;
	[tilespmem:$0x1100] =	vst v63  }
0x9c: {  	s16 =	sadd.s32 $0x1, s0;
	s17 =	sand.u32 $0x1, s19;
	_ =	strace @p0 $0x90000053  }
0x9d: {  	s0 =	simm.s32 $0x1;
	s21 =	sshll.u32 s17, $0xB;
	_ =	strace $0x80000054  }
0x9e: {  	p0 =	por !p6, !p6;
	s0 =	simm.s32 @!p2 $0x0;
	_ =	swait.ge [sflag:s20], $0x800  }
.LBB2_4:
0x9f: {  	s2 =	sadd.s32 @p0 s9, s18;
	s14 =	sadd.s32 s0, s14  }
0xa0: {  	[sflag:s20] =	ssyncset.done $0x0;
	s0 =	smov.u32 s13;
	s13 =	smov.u32 s15  }
0xa1: {  	s10 =	simm.s32 @p0 $0x0;
	s2 =	sshll.u32 @p0 s2, $0x4;
	[sflag:s20] =	ssyncadd.s32 $0xFFFFF800  }
0xa2: {  	s20 =	sand.u32 @p0 $0x1, s14;
	s2 =	sand.u32 @p0 $0x1FFFFFF0, s2;
	_ =	strace $0x90000054  }
0xa3: {  	s22 =	sshll.u32 @p0 s20, $0x7;
	s20 =	sadd.s32 @p0 $0x1, s20;
	s2 =	sadd.s32 @p0 s5, s2  }
0xa4: {  	s15 =	sadd.s32 $0x1, s15;
	s23 =	sand.u32 $0x1, s16;
	_ =	strace @p0 $0x80000050  }
0xa5: {  	[tilespmem:s22], [sflag:s20] =	stream.linear.gather @p0 [hbm4b:s2+s10], $0x80, $0x200038;
	[tilespmem:$0x1100] =	vst v63  }
0xa6: {  	p2 =	sne.s32 s15, $0xF;
	s2 =	sadd.s32 $0x1, s23;
	_ =	strace @p0 $0x90000050  }
0xa7: {  	s21 =	sor.u32 $0x100, s21;
	_ =	strace $0x80000051  }
0xa8: {  	p4 =	seq.s32 s0, $0xE;
	p3 =	sne.s32 s13, $0xE;
	_ =	swait.ge [sflag:s2], $0x80  }
0xa9: {  	s10 =	sadd.s32 s9, s12;
	s12 =	smov.u32 s18;
	[sflag:s2] =	ssyncset.done $0x0  }
0xaa: {  	s20 =	sand.u32 $0x1, s0;
	[sflag:s2] =	ssyncadd.s32 $0xFFFFFF80;
	s2 =	sshll.u32 s16, $0x7  }
0xab: {  	p4 =	por p4, p1;
	_ =	strace $0x90000051;
	s2 =	sand.u32 $0x80, s2  }
0xac: {  	s18 =	sadd.s32 $0x1, s18;
	s20 =	sadd.s32 $0x3, s20;
	_ =	strace $0x80000052  }
0xad: {  	[tilespmem:s21], [sflag:$0x5] =	stream.indirect.gather [hbm4b:s3+s28], $0x10, s2, s28, $0x2000b8;
	[tilespmem:$0x1100] =	vst v63  }
0xae: {  	s0 =	simm.s32 $0x1;
	p1 =	seq.s32 s18, $0x10;
	_ =	swait.ge [sflag:s29], $0x800  }
0xaf: {  	s0 =	simm.s32 @!p4 $0x0;
	s18 =	simm.s32 @p1 $0x0;
	[sflag:s29] =	ssyncset.done $0x0  }
0xb0: {  	s16 =	sadd.s32 s0, s16;
	s2 =	sshll.u32 @p4 s10, $0x8;
	[sflag:s29] =	ssyncadd.s32 $0xFFFFF800  }
0xb1: {  	s10 =	sadd.s32 @p4 $0x3, s17;
	s17 =	simm.s32 @p4 $0x0;
	_ =	strace $0x90000052  }
0xb2: {  	s19 =	sadd.s32 s0, s19;
	s2 =	sand.u32 @p4 $0x1FFFFF00, s2;
	_ =	strace @p4 $0x80000053  }
.Ltmp1:
0xb3: {  	p1 =	sne.s32 s12, s18;
	s2 =	sadd.s32 @p4 s7, s2;
	(pc) =	sbr.rel @p2 .LBB2_4-.Ltmp1, $4  }
0xb4: {  	[hbm4b:s2+s17] =	stream.linear.scatter @p4 [tilespmem:s21], [sflag:s10], $0x800, $0x200038;
	[tilespmem:$0x1100] =	vst v63  }
0xb5: {  	p3 =	por !p3, !p1;
	s17 =	sand.u32 $0x1, s19;
	_ =	strace @p4 $0x90000053  }
0xb6: {  	s0 =	simm.s32 $0x1;
	s21 =	sshll.u32 s17, $0xB;
	_ =	strace $0x80000054  }
0xb7: {  	s0 =	simm.s32 @!p0 $0x0;
	p0 =	por !p3, !p3;
	_ =	swait.ge [sflag:s20], $0x800  }
0xb8: {  	s2 =	sadd.s32 @p0 s9, s18  }
0xb9: {  	s0 =	sadd.s32 s0, s14;
	[sflag:s20] =	ssyncset.done $0x0;
	s10 =	simm.s32 @p0 $0x0  }
0xba: {  	s2 =	sshll.u32 @p0 s2, $0x4;
	[sflag:s20] =	ssyncadd.s32 $0xFFFFF800;
	s0 =	sand.u32 @p0 $0x1, s0  }
0xbb: {  	s2 =	sand.u32 @p0 $0x1FFFFFF0, s2;
	_ =	strace $0x90000054;
	s14 =	sshll.u32 @p0 s0, $0x7  }
0xbc: {  	s0 =	sadd.s32 @p0 $0x1, s0;
	s2 =	sadd.s32 @p0 s5, s2;
	_ =	strace @p0 $0x80000050  }
0xbd: {  	[tilespmem:s14], [sflag:s0] =	stream.linear.gather @p0 [hbm4b:s2+s10], $0x80, $0x200038;
	[tilespmem:$0x1100] =	vst v63  }
0xbe: {  	s15 =	sand.u32 $0x1, s16;
	_ =	strace @p0 $0x90000050  }
0xbf: {  	s0 =	sadd.s32 $0x1, s15;
	_ =	strace $0x80000051  }
0xc0: {  	_ =	swait.ge [sflag:s0], $0x80  }
0xc1: {  	[sflag:s0] =	ssyncset.done $0x0  }
0xc2: {  	[sflag:s0] =	ssyncadd.s32 $0xFFFFFF80  }
0xc3: {  	s16 =	sshll.u32 s16, $0x7;
	_ =	strace $0x90000051  }
0xc4: {  	s2 =	sor.u32 $0x100, s21;
	s0 =	sand.u32 $0x80, s16;
	_ =	strace $0x80000052  }
0xc5: {  	[tilespmem:s2], [sflag:$0x5] =	stream.indirect.gather [hbm4b:s3+s28], $0x10, s0, s28, $0x2000b8;
	[tilespmem:$0x1100] =	vst v63  }
0xc6: {  	p3 =	seq.s32 s13, $0xE;
	_ =	swait.ge [sflag:s29], $0x800  }
0xc7: {  	p0 =	por p3, p1;
	s0 =	sadd.s32 s9, s12;
	[sflag:s29] =	ssyncset.done $0x0  }
0xc8: {  	s0 =	sshll.u32 @p0 s0, $0x8;
	[sflag:s29] =	ssyncadd.s32 $0xFFFFF800  }
0xc9: {  	s10 =	sadd.s32 @p0 $0x3, s17;
	s0 =	sand.u32 @p0 $0x1FFFFF00, s0;
	_ =	strace $0x90000052  }
0xca: {  	s12 =	simm.s32 @p0 $0x0;
	s0 =	sadd.s32 @p0 s7, s0;
	_ =	strace @p0 $0x80000053  }
0xcb: {  	[hbm4b:s0+s12] =	stream.linear.scatter @p0 [tilespmem:s2], [sflag:s10], $0x800, $0x200038;
	[tilespmem:$0x1100] =	vst v63  }
0xcc: {  	s18 =	sand.u32 $0x1, s13;
	_ =	strace @p0 $0x90000053  }
0xcd: {  	s0 =	sadd.s32 $0x3, s18;
	_ =	strace $0x80000054  }
0xce: {  	_ =	swait.ge [sflag:s0], $0x800  }
0xcf: {  	[sflag:s0] =	ssyncset.done $0x0  }
0xd0: {  	[sflag:s0] =	ssyncadd.s32 $0xFFFFF800  }
0xd1: {  	_ =	strace $0x90000054  }
0xd2: {  	_ =	strace $0x80000055  }
0xd3: {  	_ =	swait.ge [sflag:s30], $0x800  }
0xd4: {  	[sflag:s30] =	ssyncset.done $0x0  }
0xd5: {  	[sflag:s30] =	ssyncadd.s32 $0xFFFFF800  }
0xd6: {  	_ =	strace $0x90000055  }
0xd7: {  	_ =	strace $0x80000056  }
0xd8: {  	s19 =	simm.s32 $0x0;
	s20 =	rddreg [dreg:$0x5]  }
0xd9: {  	[tilespmem:s19], [sflag:$0x1] =	stream.linear.gather [hbm4b:s20+s19], $0x80, $0x200038;
	[tilespmem:$0x1100] =	vst v63  }
0xda: {  	_ =	strace $0x90000056  }
0xdb: {  	_ =	strace $0x80000057  }
0xdc: {  	s21 =	rddreg [dreg:$0x11]  }
0xdd: {  	[tilespmem:s28], [sflag:$0x2] =	stream.linear.gather [hbm4b:s21+s19], $0x80, $0x200038;
	[tilespmem:$0x1100] =	vst v63  }
0xde: {  	_ =	strace $0x90000057  }
0xdf: {  	s22 =	simm.s32 $0x1;
	_ =	strace $0x80000058  }
0xe0: {  	_ =	swait.ge [sflag:s22], $0x80  }
0xe1: {  	[sflag:s22] =	ssyncset.done $0x0  }
0xe2: {  	[sflag:s22] =	ssyncadd.s32 $0xFFFFFF80  }
0xe3: {  	p4 =	por $0x1, $0x1;
	_ =	strace $0x90000058  }
0xe4: {  	s12 =	simm.s32 $0x2;
	p0 =	por $0x0, $0x0;
	_ =	strace $0x80000059  }
0xe5: {  	[tilespmem:s31], [sflag:$0x5] =	stream.indirect.gather [hbm4b:s3+s28], $0x10, s19, s28, $0x2000b8;
	[tilespmem:$0x1100] =	vst v63  }
0xe6: {  	s26 =	simm.s32 $0x80;
	s12 =	simm.s32 @p0 $0x0;
	_ =	swait.ge [sflag:s29], $0x800  }
0xe7: {  	p5 =	por $0x0, $0x0;
	p0 =	sne.s32 s12, $0x1;
	[sflag:s29] =	ssyncset.done $0x0  }
0xe8: {  	s14 =	simm.s32 $0x2;
	p1 =	por !p4, !p0;
	[sflag:s29] =	ssyncadd.s32 $0xFFFFF800  }
0xe9: {  	p3 =	por $0x1, $0x1;
	p2 =	por !p1, !p1;
	_ =	strace $0x90000059  }
0xea: {  	s10 =	sadd.s32 @p2 s9, s12;
	s13 =	sand.u32 @p2 $0x1, s14;
	_ =	strace $0x8000005A  }
0xeb: {  	s15 =	simm.s32 @p2 $0x0;
	s10 =	sshll.u32 @p2 s10, $0x4;
	s23 =	rddreg [dreg:$0x12]  }
0xec: {  	[hbm4b:s23+s19] =	stream.linear.scatter [tilespmem:s31], [sflag:$0x3], $0x800, $0x200038;
	[tilespmem:$0x1100] =	vst v63  }
0xed: {  	s16 =	sshll.u32 @p2 s13, $0x7;
	s10 =	sand.u32 @p2 $0x1FFFFFF0, s10;
	_ =	strace $0x9000005A  }
0xee: {  	s13 =	sadd.s32 @p2 $0x1, s13;
	s10 =	sadd.s32 @p2 s6, s10;
	_ =	strace @p2 $0x80000057  }
0xef: {  	[tilespmem:s16], [sflag:s13] =	stream.linear.gather @p2 [hbm4b:s10+s15], $0x80, $0x200038;
	[tilespmem:$0x1100] =	vst v63  }
0xf0: {  	s17 =	sadd.s32 $0x1, s9;
	s2 =	sand.u32 $0x1, s22;
	_ =	strace @p2 $0x90000057  }
0xf1: {  	s24 =	sadd.s32 $0x1, s2;
	s25 =	sshll.u32 s2, $0xB;
	_ =	strace $0x80000058  }
0xf2: {  	s18 =	sadd.s32 $0x1, s12;
	p0 =	por p5, p0;
	_ =	swait.ge [sflag:s24], $0x80  }
0xf3: {  	s0 =	sand.u32 $0x1, s19;
	p1 =	seq.s32 s18, $0x10;
	[sflag:s24] =	ssyncset.done $0x0  }
0xf4: {  	s2 =	sadd.s32 @p0 $0x3, s2;
	s18 =	simm.s32 @p1 $0x0;
	[sflag:s24] =	ssyncadd.s32 $0xFFFFFF80  }
0xf5: {  	s20 =	sadd.s32 $0x3, s0;
	s0 =	simm.s32 $0x1;
	_ =	strace $0x90000058  }
0xf6: {  	s16 =	sor.u32 $0x100, s25;
	s10 =	sand.u32 $0x80, s26;
	_ =	strace $0x80000059  }
0xf7: {  	[tilespmem:s16], [sflag:$0x5] =	stream.indirect.gather [hbm4b:s3+s28], $0x10, s10, s28, $0x2000b8;
	[tilespmem:$0x1100] =	vst v63  }
0xf8: {  	p1 =	sne.s32 s12, s18;
	s0 =	simm.s32 @!p0 $0x0;
	_ =	swait.ge [sflag:s29], $0x800  }
0xf9: {  	p6 =	por !p3, !p1;
	s19 =	sadd.s32 $0x1, s0;
	[sflag:s29] =	ssyncset.done $0x0  }
0xfa: {  	s13 =	simm.s32 $0x1;
	s10 =	sshll.u32 @p0 s17, $0x8;
	[sflag:s29] =	ssyncadd.s32 $0xFFFFF800  }
0xfb: {  	s15 =	simm.s32 $0x2;
	s10 =	sand.u32 @p0 $0x1FFFFF00, s10;
	_ =	strace $0x90000059  }
0xfc: {  	s17 =	simm.s32 @p0 $0x0;
	s10 =	sadd.s32 @p0 s8, s10;
	_ =	strace @p0 $0x8000005A  }
0xfd: {  	[hbm4b:s10+s17] =	stream.linear.scatter @p0 [tilespmem:s16], [sflag:s2], $0x800, $0x200038;
	[tilespmem:$0x1100] =	vst v63  }
0xfe: {  	s16 =	sadd.s32 $0x1, s0;
	s17 =	sand.u32 $0x1, s19;
	_ =	strace @p0 $0x9000005A  }
0xff: {  	s0 =	simm.s32 $0x1;
	s21 =	sshll.u32 s17, $0xB;
	_ =	strace $0x8000005B  }
0x100: {  	p0 =	por !p6, !p6;
	s0 =	simm.s32 @!p2 $0x0;
	_ =	swait.ge [sflag:s20], $0x800  }
.LBB2_6:
0x101: {  	s2 =	sadd.s32 @p0 s9, s18;
	s14 =	sadd.s32 s0, s14  }
0x102: {  	[sflag:s20] =	ssyncset.done $0x0;
	s0 =	smov.u32 s13;
	s13 =	smov.u32 s15  }
0x103: {  	s10 =	simm.s32 @p0 $0x0;
	s2 =	sshll.u32 @p0 s2, $0x4;
	[sflag:s20] =	ssyncadd.s32 $0xFFFFF800  }
0x104: {  	s20 =	sand.u32 @p0 $0x1, s14;
	s2 =	sand.u32 @p0 $0x1FFFFFF0, s2;
	_ =	strace $0x9000005B  }
0x105: {  	s22 =	sshll.u32 @p0 s20, $0x7;
	s20 =	sadd.s32 @p0 $0x1, s20;
	s2 =	sadd.s32 @p0 s6, s2  }
0x106: {  	s15 =	sadd.s32 $0x1, s15;
	s23 =	sand.u32 $0x1, s16;
	_ =	strace @p0 $0x80000057  }
0x107: {  	[tilespmem:s22], [sflag:s20] =	stream.linear.gather @p0 [hbm4b:s2+s10], $0x80, $0x200038;
	[tilespmem:$0x1100] =	vst v63  }
0x108: {  	p2 =	sne.s32 s15, $0xF;
	s2 =	sadd.s32 $0x1, s23;
	_ =	strace @p0 $0x90000057  }
0x109: {  	s21 =	sor.u32 $0x100, s21;
	_ =	strace $0x80000058  }
0x10a: {  	p4 =	seq.s32 s0, $0xE;
	p3 =	sne.s32 s13, $0xE;
	_ =	swait.ge [sflag:s2], $0x80  }
0x10b: {  	s10 =	sadd.s32 s9, s12;
	s12 =	smov.u32 s18;
	[sflag:s2] =	ssyncset.done $0x0  }
0x10c: {  	s20 =	sand.u32 $0x1, s0;
	[sflag:s2] =	ssyncadd.s32 $0xFFFFFF80;
	s2 =	sshll.u32 s16, $0x7  }
0x10d: {  	p4 =	por p4, p1;
	_ =	strace $0x90000058;
	s2 =	sand.u32 $0x80, s2  }
0x10e: {  	s18 =	sadd.s32 $0x1, s18;
	s20 =	sadd.s32 $0x3, s20;
	_ =	strace $0x80000059  }
0x10f: {  	[tilespmem:s21], [sflag:$0x5] =	stream.indirect.gather [hbm4b:s3+s28], $0x10, s2, s28, $0x2000b8;
	[tilespmem:$0x1100] =	vst v63  }
0x110: {  	s0 =	simm.s32 $0x1;
	p1 =	seq.s32 s18, $0x10;
	_ =	swait.ge [sflag:s29], $0x800  }
0x111: {  	s0 =	simm.s32 @!p4 $0x0;
	s18 =	simm.s32 @p1 $0x0;
	[sflag:s29] =	ssyncset.done $0x0  }
0x112: {  	s16 =	sadd.s32 s0, s16;
	s2 =	sshll.u32 @p4 s10, $0x8;
	[sflag:s29] =	ssyncadd.s32 $0xFFFFF800  }
0x113: {  	s10 =	sadd.s32 @p4 $0x3, s17;
	s17 =	simm.s32 @p4 $0x0;
	_ =	strace $0x90000059  }
0x114: {  	s19 =	sadd.s32 s0, s19;
	s2 =	sand.u32 @p4 $0x1FFFFF00, s2;
	_ =	strace @p4 $0x8000005A  }
.Ltmp2:
0x115: {  	p1 =	sne.s32 s12, s18;
	s2 =	sadd.s32 @p4 s8, s2;
	(pc) =	sbr.rel @p2 .LBB2_6-.Ltmp2, $4  }
0x116: {  	[hbm4b:s2+s17] =	stream.linear.scatter @p4 [tilespmem:s21], [sflag:s10], $0x800, $0x200038;
	[tilespmem:$0x1100] =	vst v63  }
0x117: {  	p3 =	por !p3, !p1;
	s17 =	sand.u32 $0x1, s19;
	_ =	strace @p4 $0x9000005A  }
0x118: {  	s0 =	simm.s32 $0x1;
	s21 =	sshll.u32 s17, $0xB;
	_ =	strace $0x8000005B  }
0x119: {  	s0 =	simm.s32 @!p0 $0x0;
	p0 =	por !p3, !p3;
	_ =	swait.ge [sflag:s20], $0x800  }
0x11a: {  	s2 =	sadd.s32 @p0 s9, s18  }
0x11b: {  	s0 =	sadd.s32 s0, s14;
	[sflag:s20] =	ssyncset.done $0x0;
	s10 =	simm.s32 @p0 $0x0  }
0x11c: {  	s2 =	sshll.u32 @p0 s2, $0x4;
	[sflag:s20] =	ssyncadd.s32 $0xFFFFF800;
	s0 =	sand.u32 @p0 $0x1, s0  }
0x11d: {  	s2 =	sand.u32 @p0 $0x1FFFFFF0, s2;
	_ =	strace $0x9000005B;
	s14 =	sshll.u32 @p0 s0, $0x7  }
0x11e: {  	s0 =	sadd.s32 @p0 $0x1, s0;
	s2 =	sadd.s32 @p0 s6, s2;
	_ =	strace @p0 $0x80000057  }
0x11f: {  	[tilespmem:s14], [sflag:s0] =	stream.linear.gather @p0 [hbm4b:s2+s10], $0x80, $0x200038;
	[tilespmem:$0x1100] =	vst v63  }
0x120: {  	s2 =	sand.u32 $0x1, s16;
	_ =	strace @p0 $0x90000057  }
0x121: {  	s0 =	sadd.s32 $0x1, s2;
	_ =	strace $0x80000058  }
0x122: {  	_ =	swait.ge [sflag:s0], $0x80  }
0x123: {  	[sflag:s0] =	ssyncset.done $0x0  }
0x124: {  	[sflag:s0] =	ssyncadd.s32 $0xFFFFFF80  }
0x125: {  	s10 =	sshll.u32 s16, $0x7;
	_ =	strace $0x90000058  }
0x126: {  	s2 =	sor.u32 $0x100, s21;
	s0 =	sand.u32 $0x80, s10;
	_ =	strace $0x80000059  }
0x127: {  	[tilespmem:s2], [sflag:$0x5] =	stream.indirect.gather [hbm4b:s3+s28], $0x10, s0, s28, $0x2000b8;
	[tilespmem:$0x1100] =	vst v63  }
0x128: {  	p6 =	seq.s32 s13, $0xE;
	_ =	swait.ge [sflag:s29], $0x800  }
0x129: {  	p0 =	por p6, p1;
	s0 =	sadd.s32 s9, s12;
	[sflag:s29] =	ssyncset.done $0x0  }
0x12a: {  	s0 =	sshll.u32 @p0 s0, $0x8;
	[sflag:s29] =	ssyncadd.s32 $0xFFFFF800  }
0x12b: {  	s10 =	sadd.s32 @p0 $0x3, s17;
	s0 =	sand.u32 @p0 $0x1FFFFF00, s0;
	_ =	strace $0x90000059  }
0x12c: {  	s12 =	simm.s32 @p0 $0x0;
	s0 =	sadd.s32 @p0 s8, s0;
	_ =	strace @p0 $0x8000005A  }
0x12d: {  	[hbm4b:s0+s12] =	stream.linear.scatter @p0 [tilespmem:s2], [sflag:s10], $0x800, $0x200038;
	[tilespmem:$0x1100] =	vst v63  }
0x12e: {  	s13 =	sand.u32 $0x1, s13;
	_ =	strace @p0 $0x9000005A  }
0x12f: {  	s0 =	sadd.s32 $0x3, s13;
	_ =	strace $0x8000005B  }
0x130: {  	_ =	swait.ge [sflag:s0], $0x800  }
0x131: {  	[sflag:s0] =	ssyncset.done $0x0  }
0x132: {  	[sflag:s0] =	ssyncadd.s32 $0xFFFFF800  }
0x133: {  	_ =	strace $0x9000005B  }
0x134: {  	_ =	strace $0x8000005C  }
0x135: {  	_ =	swait.ge [sflag:s30], $0x800  }
0x136: {  	[sflag:s30] =	ssyncset.done $0x0  }
0x137: {  	[sflag:s30] =	ssyncadd.s32 $0xFFFFF800  }
0x138: {  	_ =	strace $0x9000005C  }
0x139: {  	_ =	strace $0x8000005D  }
0x13a: {  	s14 =	rddreg [dreg:$0x6]  }
0x13b: {  	[tilespmem:s1], [sflag:$0x1] =	stream.linear.gather [hbm4b:s14+s1], $0x80, $0x200038;
	[tilespmem:$0x1100] =	vst v63  }
0x13c: {  	_ =	strace $0x9000005D  }
0x13d: {  	_ =	strace $0x8000005E  }
0x13e: {  	s15 =	rddreg [dreg:$0x9]  }
0x13f: {  	[tilespmem:s28], [sflag:$0x2] =	stream.linear.gather [hbm4b:s15+s1], $0x80, $0x200038;
	[tilespmem:$0x1100] =	vst v63  }
0x140: {  	_ =	strace $0x9000005E  }
0x141: {  	s16 =	simm.s32 $0x1;
	_ =	strace $0x8000005F  }
0x142: {  	_ =	swait.ge [sflag:s16], $0x80  }
0x143: {  	[sflag:s16] =	ssyncset.done $0x0  }
0x144: {  	[sflag:s16] =	ssyncadd.s32 $0xFFFFFF80  }
0x145: {  	_ =	strace $0x9000005F  }
0x146: {  	_ =	strace $0x80000060  }
0x147: {  	[tilespmem:s31], [sflag:$0x5] =	stream.indirect.gather [hbm4b:s3+s28], $0x10, s1, s28, $0x2000b8;
	[tilespmem:$0x1100] =	vst v63  }
0x148: {  	_ =	swait.ge [sflag:s29], $0x800  }
0x149: {  	[sflag:s29] =	ssyncset.done $0x0  }
0x14a: {  	[sflag:s29] =	ssyncadd.s32 $0xFFFFF800  }
0x14b: {  	_ =	strace $0x90000060  }
0x14c: {  	_ =	strace $0x80000061  }
0x14d: {  	s17 =	rddreg [dreg:$0x8]  }
0x14e: {  	[hbm4b:s17+s1] =	stream.linear.scatter [tilespmem:s31], [sflag:$0x3], $0x800, $0x200038;
	[tilespmem:$0x1100] =	vst v63  }
0x14f: {  	_ =	strace $0x90000061  }
0x150: {  	_ =	strace $0x8000005E  }
0x151: {  	s18 =	rddreg [dreg:$0xa]  }
0x152: {  	[tilespmem:s1], [sflag:$0x1] =	stream.linear.gather [hbm4b:s18+s1], $0x80, $0x200038;
	[tilespmem:$0x1100] =	vst v63  }
0x153: {  	_ =	strace $0x9000005E  }
0x154: {  	s19 =	simm.s32 $0x2;
	_ =	strace $0x8000005F  }
0x155: {  	_ =	swait.ge [sflag:s19], $0x80  }
0x156: {  	[sflag:s19] =	ssyncset.done $0x0  }
0x157: {  	[sflag:s19] =	ssyncadd.s32 $0xFFFFFF80  }
0x158: {  	_ =	strace $0x9000005F  }
0x159: {  	s20 =	simm.s32 $0x900;
	_ =	strace $0x80000060  }
0x15a: {  	[tilespmem:s20], [sflag:$0x5] =	stream.indirect.gather [hbm4b:s3+s28], $0x10, s28, s28, $0x2000b8;
	[tilespmem:$0x1100] =	vst v63  }
0x15b: {  	_ =	swait.ge [sflag:s29], $0x800  }
0x15c: {  	[sflag:s29] =	ssyncset.done $0x0  }
0x15d: {  	[sflag:s29] =	ssyncadd.s32 $0xFFFFF800  }
0x15e: {  	_ =	strace $0x90000060  }
0x15f: {  	_ =	strace $0x80000061  }
0x160: {  	s21 =	rddreg [dreg:$0xb]  }
0x161: {  	[hbm4b:s21+s1] =	stream.linear.scatter [tilespmem:s20], [sflag:$0x4], $0x800, $0x200038;
	[tilespmem:$0x1100] =	vst v63  }
0x162: {  	_ =	strace $0x90000061  }
0x163: {  	s22 =	simm.s32 $0x3;
	_ =	strace $0x80000062  }
0x164: {  	_ =	swait.ge [sflag:s22], $0x800  }
0x165: {  	[sflag:s22] =	ssyncset.done $0x0  }
0x166: {  	[sflag:s22] =	ssyncadd.s32 $0xFFFFF800  }
0x167: {  	_ =	strace $0x90000062  }
0x168: {  	_ =	strace $0x8000005E  }
0x169: {  	s23 =	rddreg [dreg:$0xc]  }
0x16a: {  	[tilespmem:s28], [sflag:$0x2] =	stream.linear.gather [hbm4b:s23+s1], $0x80, $0x200038;
	[tilespmem:$0x1100] =	vst v63  }
0x16b: {  	_ =	strace $0x9000005E  }
0x16c: {  	_ =	strace $0x8000005F  }
0x16d: {  	_ =	swait.ge [sflag:s16], $0x80  }
0x16e: {  	[sflag:s16] =	ssyncset.done $0x0  }
0x16f: {  	[sflag:s16] =	ssyncadd.s32 $0xFFFFFF80  }
0x170: {  	_ =	strace $0x9000005F  }
0x171: {  	_ =	strace $0x80000060  }
0x172: {  	[tilespmem:s31], [sflag:$0x5] =	stream.indirect.gather [hbm4b:s3+s28], $0x10, s1, s28, $0x2000b8;
	[tilespmem:$0x1100] =	vst v63  }
0x173: {  	_ =	swait.ge [sflag:s29], $0x800  }
0x174: {  	[sflag:s29] =	ssyncset.done $0x0  }
0x175: {  	[sflag:s29] =	ssyncadd.s32 $0xFFFFF800  }
0x176: {  	_ =	strace $0x90000060  }
0x177: {  	_ =	strace $0x80000061  }
0x178: {  	s24 =	rddreg [dreg:$0xd]  }
0x179: {  	[hbm4b:s24+s1] =	stream.linear.scatter [tilespmem:s31], [sflag:$0x3], $0x800, $0x200038;
	[tilespmem:$0x1100] =	vst v63  }
0x17a: {  	_ =	strace $0x90000061  }
0x17b: {  	_ =	strace $0x80000062  }
0x17c: {  	_ =	swait.ge [sflag:s30], $0x800  }
0x17d: {  	[sflag:s30] =	ssyncset.done $0x0  }
0x17e: {  	[sflag:s30] =	ssyncadd.s32 $0xFFFFF800  }
0x17f: {  	_ =	strace $0x90000062  }
0x180: {  	_ =	strace $0x8000005F  }
0x181: {  	_ =	swait.ge [sflag:s19], $0x80  }
0x182: {  	[sflag:s19] =	ssyncset.done $0x0  }
0x183: {  	[sflag:s19] =	ssyncadd.s32 $0xFFFFFF80  }
0x184: {  	_ =	strace $0x9000005F  }
0x185: {  	_ =	strace $0x80000060  }
0x186: {  	[tilespmem:s20], [sflag:$0x5] =	stream.indirect.gather [hbm4b:s3+s28], $0x10, s28, s28, $0x2000b8;
	[tilespmem:$0x1100] =	vst v63  }
0x187: {  	_ =	swait.ge [sflag:s29], $0x800  }
0x188: {  	[sflag:s29] =	ssyncset.done $0x0  }
0x189: {  	[sflag:s29] =	ssyncadd.s32 $0xFFFFF800  }
0x18a: {  	_ =	strace $0x90000060  }
0x18b: {  	_ =	strace $0x80000061  }
0x18c: {  	s25 =	rddreg [dreg:$0xe]  }
0x18d: {  	[hbm4b:s25+s1] =	stream.linear.scatter [tilespmem:s20], [sflag:$0x4], $0x800, $0x200038;
	[tilespmem:$0x1100] =	vst v63  }
0x18e: {  	_ =	strace $0x90000061  }
0x18f: {  	_ =	strace $0x80000062  }
0x190: {  	_ =	swait.ge [sflag:s22], $0x800  }
0x191: {  	[sflag:s22] =	ssyncset.done $0x0  }
0x192: {  	[sflag:s22] =	ssyncadd.s32 $0xFFFFF800  }
0x193: {  	_ =	strace $0x90000062  }
0x194: {  	_ =	strace $0x80000063  }
0x195: {  	_ =	swait.ge [sflag:s30], $0x800  }
0x196: {  	s11 =	sadd.s32 $0x1, s11;
	s26 =	rddreg [dreg:$0x7]  }
0x197: {  	p0 =	sne.s32 s11, s26  }
.Ltmp3:
0x198: {  	_ = 	snop;
	(pc) =	sbr.rel @p0 .LBB2_1-.Ltmp3, $4  }
0x199: {  	_ = 	snop  }
0x19a: {  	[sflag:s30] =	ssyncset.done $0x0  }
0x19b: {  	[sflag:s30] =	ssyncadd.s32 $0xFFFFF800  }
0x19c: {  	_ =	strace $0x90000063  }
0x19d: {  	_ =	sfence.sel $0x180000  }
0x19e: {  	[bflag:$0x0] =	sbarrier.arrive $0xFFFF  }
0x19f: {  	_ =	strace $0x90000047  }
0x1a0: {  	s0 =	stileid.u32;
	[bflag:$0x2] =	sbarrier.arrive $0xFFFF  }
0x1a1: {  	p0 =	sne.s32 s0, $0x0;
	s0 =	rddreg [dreg:$0x1]  }
0x1a2: {  	s0 =	sadd.s32 @!p0 $0x100000, s0  }
0x1a3: {  	[sflag:s0] =	ssyncadd.tile.s32 @!p0 $0x1;
	_ =	shalt  }
.Lfunc_end2:
_tile_overlayer_lowered:
.L_overlay_start_2:
0x1a4: {  	(tag) =	ssettag $0x2  }
0x1a5: {  	s0 =	rddreg [dreg:$0x0];
	s2 =	stileid.u32  }
0x1a6: {  	s1 =	rddreg [dreg:$0x1];
	p0 =	sne.s32 s2, $0x0  }
0x1a7: {  	s3 =	rddreg [dreg:$0x2];
	[bflag:$0x3] =	sbarrier.arrive $0xFFFF;
	s2 =	simm.s32 @!p0 $0x1C01  }
0x1a8: {  	[timem:s3], [sflag:s2] =	dma.local @!p0 [hbm:s0], s1  }
0x1a9: {  	s0 =	simm.s32 @!p0 $0x1  }
0x1aa: {  	_ =	swait.ge @!p0 [sflag:s0], s1  }
0x1ab: {  	s1 =	ssub.s32 @!p0 $0x0, s1;
	[sflag:s0] =	ssyncset.done @!p0 $0x0  }
0x1ac: {  	[sflag:s0] =	ssyncadd.s32 @!p0 s1  }
0x1ad: {  	[bflag:$0x3] =	sbarrier.arrive $0xFFFF  }
0x1ae: {  	_ =	shalt  }

// kernel: kernel.14.cloned.1.call-start
scs
__scs_entry_jumppad:
0x0: {  	(pc) =	sbr.rel $0x88, $3  }
0x1: {  	(tag) =	ssettag $0x0;
	lr =	simm.s32 $0x1  }
0x2: {  	[smem:$0x3F95] =	sst lr;
	_ =	strace $0xD0000000  }
0x3: {  	_ = 	snop  }
0x4: {  	_ = 	snop  }
0x5: {  	_ = 	snop  }
0x6: {  	_ = 	snop  }
0x7: {  	_ = 	snop  }
__scs_overlays_trampoline_lowered:
0x8: {  	[smem:$0x3FA4] =	sst s0  }
0x9: {  	[smem:$0x3FA5] =	sst s1  }
0xa: {  	[smem:$0x3FA6] =	sst s2  }
0xb: {  	[smem:$0x3FA7] =	sst s3  }
0xc: {  	[smem:$0x3FA8] =	sst s4  }
0xd: {  	[smem:$0x3FA9] =	sst s5  }
0xe: {  	[smem:$0x3FAA] =	sst s6  }
0xf: {  	[smem:$0x3FAB] =	sst s7  }
0x10: {  	[smem:$0x3FAC] =	sst s8  }
0x11: {  	[smem:$0x3FAD] =	sst s9;
	s0 =	simm.s32 @!p0 $0x0  }
0x12: {  	s1 =	sld [smem:$0x3F93];
	s0 =	simm.s32 @p0 $0x1  }
0x13: {  	[smem:$0x3FAE] =	sst s0;
	s0 =	simm.s32 @!p1 $0x0  }
0x14: {  	s2 =	sld [smem:$0x3F92];
	s0 =	simm.s32 @p1 $0x1  }
0x15: {  	[smem:$0x3FAF] =	sst s0;
	s0 =	simm.s32 @!p2 $0x0  }
0x16: {  	s3 =	sld [smem:$0x3FDB];
	s0 =	simm.s32 @p2 $0x1  }
0x17: {  	s4 =	simm.s32 $0x1BF5;
	[smem:$0x3FB1] =	sst s0  }
0x18: {  	s0 =	sld [smem:$0x3F94];
	_ =	swait.ge [sflag:s4], $0x0  }
0x19: {  	s7 =	sld [smem:$0x3F95]  }
0x1a: {  	s8 =	sadd.s32 $0xFFFFE003, lr  }
0x1b: {  	s9 =	sadd.s32 $0xFFFFFEF7, lr;
	s5 =	simm.s32 $0xFFFFFFFF;
	p2 =	slt.u32 s8, $0xFFFFF086  }
0x1c: {  	p1 =	slt.u32 s9, $0xF7A;
	s5 =	simm.s32 @!p2 $0x0  }
0x1d: {  	s5 =	simm.s32 @p1 $0x1;
	p0 =	seq.s32 s7, s2  }
0x1e: {  	s7 =	smul.u32 @!p0 $0xF7A, s2;
	p2 =	seq.s32 @!p0 s5, $0x0  }
0x1f: {  	s9 =	smul.u32 $0xF7A, s1;
	s8 =	simm.s32 @!p0 $0x1BF5;
	p2 =	por !p2, p0  }
0x20: {  	[sflag:s8] =	ssyncset.s32 @!p0 $0xFFFFF086;
	s6 =	sadd.s32 @!p0 s3, s7;
	s7 =	simm.s32 @!p0 $0x108  }
0x21: {  	s3 =	sadd.s32 s3, s9;
	s6 =	sadd.s32 @!p0 $0x88, s6;
	s7 =	simm.s32 @p2 $0x1082  }
0x22: {  	[simem:s7], [sflag:s8] =	dma.local @!p0 [hbm:s6], $0xF7A  }
0x23: {  	s9 =	sor.u32 $0xD0000000, s2;
	s6 =	simm.s32 $0x108;
	_ =	swait.ge @!p0 [sflag:s8], $0x0  }
0x24: {  	s3 =	sadd.s32 $0x88, s3;
	s6 =	simm.s32 @!p1 $0x1082;
	[sflag:s4] =	ssyncset.s32 $0xFFFFF086  }
0x25: {  	[simem:s6], [sflag:s4] =	dma.local [hbm:s3], $0xF7A  }
0x26: {  	[smem:$0x3F95] =	sst s1;
	(tag) =	ssettag s2;
	_ =	strace s9  }
0x27: {  	s1 =	sld [smem:$0x3FA5]  }
0x28: {  	s2 =	sld [smem:$0x3FA6]  }
0x29: {  	s4 =	sld [smem:$0x3FA8]  }
0x2a: {  	p0 =	seq.s32 s5, $0x0;
	s5 =	sld [smem:$0x3FA9]  }
0x2b: {  	s6 =	sld [smem:$0x3FAA]  }
0x2c: {  	s7 =	sld [smem:$0x3FAB]  }
0x2d: {  	s3 =	simm.s32 $0x108;
	s8 =	sld [smem:$0x3FAC]  }
0x2e: {  	s3 =	simm.s32 @!p0 $0x1082;
	s9 =	sld [smem:$0x3FAD]  }
0x2f: {  	lr =	sadd.s32 s0, s3;
	s0 =	sld [smem:$0x3FA4]  }
0x30: {  	s3 =	sld [smem:$0x3FA7]  }
0x31: {  	[smem:$0x3FB0] =	sst s10  }
0x32: {  	s10 =	sld [smem:$0x3FAE];
	_ =	sdelay $0x3  }
0x33: {  	p0 =	seq.s32 s10, $0x1;
	s10 =	sld [smem:$0x3FB0];
	_ =	sdelay $0x3  }
0x34: {  	[smem:$0x3FB0] =	sst s10  }
0x35: {  	s10 =	sld [smem:$0x3FAF];
	_ =	sdelay $0x3  }
0x36: {  	p1 =	seq.s32 s10, $0x1;
	s10 =	sld [smem:$0x3FB0];
	_ =	sdelay $0x3  }
0x37: {  	[smem:$0x3FB0] =	sst s10  }
0x38: {  	s10 =	sld [smem:$0x3FB1]  }
0x39: {  	_ = 	snop;
	(pc) =	sbr.ind lr, $3  }
0x3a: {  	_ = 	snop  }
0x3b: {  	_ = 	snop  }
0x3c: {  	p2 =	seq.s32 s10, $0x1;
	s10 =	sld [smem:$0x3FB0]  }
0x3d: {  	_ =	shalt  }
0x3e: {  	_ =	shalt  }
0x3f: {  	_ =	shalt  }
0x40: {  	_ =	shalt  }
0x41: {  	_ =	shalt  }
0x42: {  	_ =	shalt  }
0x43: {  	_ =	shalt  }
0x44: {  	_ =	shalt  }
0x45: {  	_ =	shalt  }
0x46: {  	_ =	shalt  }
0x47: {  	_ =	shalt  }
0x48: {  	_ =	shalt  }
0x49: {  	_ =	shalt  }
0x4a: {  	_ =	shalt  }
0x4b: {  	_ =	shalt  }
0x4c: {  	_ =	shalt  }
0x4d: {  	_ =	shalt  }
0x4e: {  	_ =	shalt  }
0x4f: {  	_ =	shalt  }
0x50: {  	_ =	shalt  }
0x51: {  	_ =	shalt  }
0x52: {  	_ =	shalt  }
0x53: {  	_ =	shalt  }
0x54: {  	_ =	shalt  }
0x55: {  	_ =	shalt  }
0x56: {  	_ =	shalt  }
0x57: {  	_ =	shalt  }
0x58: {  	_ =	shalt  }
0x59: {  	_ =	shalt  }
0x5a: {  	_ =	shalt  }
0x5b: {  	_ =	shalt  }
0x5c: {  	_ =	shalt  }
0x5d: {  	_ =	shalt  }
0x5e: {  	_ =	shalt  }
0x5f: {  	_ =	shalt  }
0x60: {  	_ =	shalt  }
0x61: {  	_ =	shalt  }
0x62: {  	_ =	shalt  }
0x63: {  	_ =	shalt  }
0x64: {  	_ =	shalt  }
0x65: {  	_ =	shalt  }
0x66: {  	_ =	shalt  }
0x67: {  	_ =	shalt  }
0x68: {  	_ =	shalt  }
0x69: {  	_ =	shalt  }
0x6a: {  	_ =	shalt  }
0x6b: {  	_ =	shalt  }
0x6c: {  	_ =	shalt  }
0x6d: {  	_ =	shalt  }
0x6e: {  	_ =	shalt  }
0x6f: {  	_ =	shalt  }
0x70: {  	_ =	shalt  }
0x71: {  	_ =	shalt  }
0x72: {  	_ =	shalt  }
0x73: {  	_ =	shalt  }
0x74: {  	_ =	shalt  }
0x75: {  	_ =	shalt  }
0x76: {  	_ =	shalt  }
0x77: {  	_ =	shalt  }
0x78: {  	_ =	shalt  }
0x79: {  	_ =	shalt  }
0x7a: {  	_ =	shalt  }
0x7b: {  	_ =	shalt  }
0x7c: {  	_ =	shalt  }
0x7d: {  	_ =	shalt  }
0x7e: {  	_ =	shalt  }
0x7f: {  	_ =	shalt  }
0x80: {  	_ =	shalt  }
0x81: {  	_ =	shalt  }
0x82: {  	_ =	shalt  }
0x83: {  	_ =	shalt  }
0x84: {  	_ =	shalt  }
0x85: {  	_ =	shalt  }
0x86: {  	_ =	shalt  }
0x87: {  	_ =	shalt  }
.Lfunc_end0:
.L_simem_size_0:
called_computation.2_lowered:
.L_overlay_start_0:
0x88: {  	s2 =	sld [smem:$0x3FD9]  }
0x89: {  	s3 =	sld [smem:$0x3FFE];
	_ =	sdelay $0x1  }
0x8a: {  	s1 =	srdreg.scid  }
0x8b: {  	s0 =	sand.u32 $0x1, s1  }
0x8c: {  	s17 =	sshll.u32 s0, $0xA;
	s2 =	sadd.s32 s3, s2  }
0x8d: {  	s2 =	sadd.s32 s2, s17  }
0x8e: {  	[smem:$0x3FBC] =	sst s2  }
0x8f: {  	_ = 	snop  }
0x90: {  	s18 =	sld [smem:$0x3FD0];
	(tm) =	ssettm $0x1  }
0x91: {  	s19 =	sld [smem:$0x3FFB];
	_ =	sdelay $0x3  }
0x92: {  	_ =	strace s19  }
0x93: {  	s2 =	sld [smem:$0x3FFC];
	_ =	sdelay $0x3  }
0x94: {  	_ =	strace s2  }
0x95: {  	s2 =	sld [smem:$0x3FFD];
	_ =	sdelay $0x3  }
0x96: {  	_ =	strace s2  }
0x97: {  	_ =	strace $0x8FFFFFFF  }
0x98: {  	s20 =	sld [smem:$0x3FDB];
	_ =	sdelay $0x1  }
0x99: {  	s4 =	simm.s32 $_scs_section_size  }
0x9a: {  	s5 =	simm.s32 $_size__tile_overlayer_lowered;
	s6 =	simm.s32 $_tile_overlayer_lowered  }
0x9b: {  	s7 =	simm.s32 $0x1BFF;
	s21 =	sshll.u32 s6, $0x1;
	s4 =	sadd.s32 s4, s20  }
0x9c: {  	s22 =	simm.s32 $0x0;
	s5 =	sshll.u32 s5, $0x1;
	s6 =	sadd.s32 s21, s4  }
0x9d: {  	[timem:s22], [sflag:s7] =	dma.local [hbm:s6], s5  }
0x9e: {  	_ =	swait.ge [sflag:s7], s5  }
0x9f: {  	s5 =	ssub.s32 $0x0, s5;
	[sflag:s7] =	ssyncset.done $0x0  }
0xa0: {  	[sflag:s7] =	ssyncadd.s32 s5;
	_ =	sdelay $0x1  }
0xa1: {  	s23 =	simm.s32 $0x1B8B  }
0xa2: {  	_ =	swait.ge [sflag:s23], $0x1  }
0xa3: {  	[sflag:s23] =	ssyncset.done $0x0  }
0xa4: {  	[sflag:s23] =	ssyncadd.s32 $0xFFFFFFFF  }
0xa5: {  	s5 =	sld [smem:$0x0]  }
0xa6: {  	s6 =	sand.u32 $0xFFFFFFFE, s1  }
0xa7: {  	p0 =	sne.s32 s1, s6  }
0xa8: {  	s6 =	sshll.u32 @p0 s6, $0xE  }
0xa9: {  	s6 =	sadd.s32 @p0 $0x11B8D, s6;
	s7 =	sshll.u32 @p0 s5, $0x11  }
0xaa: {  	s6 =	sor.u32 @p0 s7, s6  }
0xab: {  	[sflag:s6] =	ssyncadd.remote.s32 @p0 $0x1;
	_ =	sdelay $0x1  }
0xac: {  	s6 =	simm.s32 @p0 $0x1B8D  }
0xad: {  	_ =	swait.eq @p0 [sflag:s6], $0x1  }
0xae: {  	[sflag:s6] =	ssyncadd.s32 @p0 $0xFFFFFFFF  }
0xaf: {  	s7 =	sshll.u32 @!p0 s1, $0xE  }
0xb0: {  	s7 =	sor.u32 @!p0 $0x4000, s7;
	s6 =	simm.s32 @!p0 $0x1B8D  }
0xb1: {  	s5 =	sshll.u32 @!p0 s5, $0x11;
	s7 =	sadd.s32 @!p0 $0x11B8D, s7;
	_ =	swait.eq @!p0 [sflag:s6], $0x1  }
0xb2: {  	s5 =	sor.u32 @!p0 s5, s7;
	[sflag:s6] =	ssyncadd.s32 @!p0 $0xFFFFFFFF  }
0xb3: {  	s25 =	simm.s32 $0x1B8E;
	s24 =	sld [smem:$0x3FFE];
	[sflag:s5] =	ssyncadd.remote.s32 @!p0 $0x1  }
0xb4: {  	s26 =	simm.s32 $execute0_lowered;
	[smem:$0x3FD2] =	sst s25  }
0xb5: {  	s6 =	sshll.u32 s26, $0x1;
	_ =	strace $0x8000006F;
	[dreg:$0x1] =	wrdreg $0xFFFFFFFF  }
0xb6: {  	s28 =	simm.s32 $_size_execute0_lowered;
	s4 =	sadd.s32 s4, s6;
	[dreg:$0x0] =	wrdreg $0x0  }
0xb7: {  	s6 =	sshll.u32 s28, $0x1;
	[dreg:$0x2] =	wrdreg s4  }
0xb8: {  	[dreg:$0x3] =	wrdreg s6  }
0xb9: {  	[dreg:$0x4] =	wrdreg $0xC0  }
0xba: {  	_ =	task [dreg:s22], $0x5FFFF  }
0xbb: {  	[dreg:$0x1] =	wrdreg $0xFFFFFFFF  }
0xbc: {  	[dreg:$0x0] =	wrdreg $0x60  }
0xbd: {  	[dreg:$0x2] =	wrdreg s24  }
0xbe: {  	[dreg:$0x3] =	wrdreg s18  }
0xbf: {  	[dreg:$0x4] =	wrdreg $0xB  }
0xc0: {  	_ =	task.clear_ibuf [dreg:s22], $0x5FFFF;
	_ =	strace $0x9000006F  }
0xc1: {  	s29 =	simm.s32 $0xB;
	_ =	strace $0x8000008D  }
0xc2: {  	_ =	swait.ge [sflag:s29], $0x1  }
0xc3: {  	[sflag:s29] =	ssyncadd.s32 $0xFFFFFFFF  }
0xc4: {  	_ =	strace $0x9000008D  }
0xc5: {  	_ =	sfence  }
0xc6: {  	s30 =	sld [smem:$0x0];
	_ =	sdelay $0x2  }
0xc7: {  	s31 =	sshll.u32 s1, $0xD;
	s1 =	sshrl.u32 s1, $0x2  }
0xc8: {  	s4 =	sand.u32 $0x4000, s31;
	s1 =	sadd.s32 s1, s30  }
0xc9: {  	s0 =	sor.u32 s4, s0;
	s1 =	sshll.u32 s1, $0x11  }
0xca: {  	s0 =	sor.u32 s1, s0  }
0xcb: {  	s0 =	sadd.s32 $0x8F2B, s0  }
0xcc: {  	[sflag:s0] =	ssyncadd.remote.s32 $0x1  }
0xcd: {  	_ =	sfence.sel $0xFFFF  }
0xce: {  	[dreg:$0x0] =	wrdreg $0xFFFFFFFF;
	(pc) =	sbr.abs _section_cstart, $3  }
0xcf: {  	[dreg:$0x1] =	wrdreg $0xFFFFFFFF  }
0xd0: {  	_ =	task.clear_ibuf [dreg:s22], $0x2FFFF;
	_ =	strace $0x9FFFFFFF  }
0xd1: {  	(tm) =	ssettm $0x7FFFFFFF  }
tec
execute0_lowered:
.L_overlay_start_1:
0x0: {  	(tag) =	ssettag $0x1  }
0x1: {  	s0 =	rddreg [dreg:$0x0]  }
0x2: {  	s4 =	rddreg [dreg:$0x1]  }
0x3: {  	s1 =	simm.s32 $0x0;
	s7 =	srdreg.scid;
	s10 =	stileid.u32  }
0x4: {  	[smem:$0x7FF] =	sst s1;
	s2 =	sadd.s32 $0xA800, s0;
	s3 =	sadd.s32 $0x28EC00, s0  }
0x5: {  	s5 =	sadd.s32 $0x28CC00, s0;
	s6 =	sadd.s32 $0x28AC00, s0;
	s7 =	sand.u32 $0x1, s7  }
0x6: {  	s8 =	sadd.s32 $0x298C00, s0;
	_ =	strace $0x80000070;
	s9 =	sshll.u32 s7, $0x4  }
0x7: {  	[dreg:$0x3] =	wrdreg s8;
	s14 =	ssub.s32 $0x2, s7;
	s10 =	sor.u32 s10, s9  }
0x8: {  	s7 =	sadd.s32 $0x2B8C00, s0;
	s12 =	sshrl.u32 s14, $0x1;
	s16 =	sshll.u32 s10, $0x8  }
0x9: {  	s8 =	sadd.s32 $0x2D8C00, s0;
	s15 =	ssub.s32 s14, s12;
	s14 =	sadd.s32 s3, s16  }
0xa: {  	s11 =	sshll.u32 s10, $0xA;
	s17 =	sadd.s32 s5, s16;
	[dreg:$0x4] =	wrdreg s14  }
0xb: {  	s13 =	sshll.u32 s10, $0x6;
	s18 =	sadd.s32 s6, s16;
	[dreg:$0x5] =	wrdreg s17  }
0xc: {  	s0 =	sadd.s32 s11, s0;
	s11 =	smax.u32 s15, $0x1;
	[dreg:$0x7] =	wrdreg s18  }
0xd: {  	s26 =	sshll.u32 s10, $0xC;
	s4 =	sadd.s32 s4, s13;
	[dreg:$0x8] =	wrdreg s11  }
0xe: {  	s9 =	sshll.u32 s10, $0x4;
	s10 =	sadd.s32 s7, s26;
	[dreg:$0x6] =	wrdreg s4  }
0xf: {  	s19 =	sadd.s32 $0x10, s4;
	[dreg:$0x11] =	wrdreg s10  }
0x10: {  	s20 =	sadd.s32 $0x290C00, s0;
	[dreg:$0x9] =	wrdreg s19  }
0x11: {  	s21 =	sadd.s32 $0x20, s4;
	[dreg:$0xa] =	wrdreg s20  }
0x12: {  	s22 =	sadd.s32 $0x290D00, s0;
	[dreg:$0xb] =	wrdreg s21  }
0x13: {  	s4 =	sadd.s32 $0x30, s4;
	[dreg:$0xc] =	wrdreg s22  }
0x14: {  	s23 =	sadd.s32 $0x290E00, s0;
	[dreg:$0xd] =	wrdreg s4  }
0x15: {  	s24 =	sor.u32 $0x10, s16;
	s0 =	sadd.s32 $0x290F00, s0;
	[dreg:$0xe] =	wrdreg s23  }
0x16: {  	s28 =	simm.s32 $0x80;
	s25 =	sadd.s32 s5, s24;
	[dreg:$0xf] =	wrdreg s0  }
0x17: {  	s29 =	simm.s32 $0x5;
	[dreg:$0x10] =	wrdreg s25;
	s4 =	sadd.s32 s6, s24  }
0x18: {  	s30 =	simm.s32 $0x4;
	s0 =	sadd.s32 s8, s26;
	[dreg:$0x12] =	wrdreg s4  }
0x19: {  	s31 =	simm.s32 $0x100;
	s11 =	simm.s32 $0x0;
	[dreg:$0x13] =	wrdreg s0  }
.LBB2_1:
0x1a: {  	_ =	strace $0x80000071  }
0x1b: {  	s14 =	simm.s32 $0x1;
	p0 =	por $0x0, $0x0;
	p5 =	por $0x1, $0x1  }
0x1c: {  	s13 =	simm.s32 $0xF;
	s4 =	simm.s32 $0x1;
	s22 =	sand.u32 $0x1, s1  }
0x1d: {  	s24 =	simm.s32 $0x0;
	s0 =	rddreg [dreg:$0x4];
	s14 =	simm.s32 @p0 $0x0  }
0x1e: {  	[tilespmem:s1], [sflag:$0x1] =	stream.linear.gather [hbm4b:s0+s1], $0x80, $0x200038;
	[tilespmem:$0x1100] =	vst v63  }
0x1f: {  	s16 =	simm.s32 $0xE;
	s17 =	sadd.s32 $0x0, s9;
	p2 =	sne.s32 s14, $0x0  }
0x20: {  	p4 =	por $0x0, $0x0;
	p6 =	por $0x0, $0x0;
	p0 =	por !p5, !p2  }
0x21: {  	s20 =	simm.s32 $0x0;
	s25 =	sadd.s32 $0x1, s22;
	p3 =	por !p0, !p0  }
0x22: {  	s26 =	sshll.u32 s22, $0xB;
	s18 =	sadd.s32 $0x1, s14;
	s0 =	sadd.s32 @p3 s9, s14  }
0x23: {  	_ =	strace $0x90000071;
	s4 =	sand.u32 @p3 $0x1, s4;
	s0 =	sshll.u32 @p3 s0, $0x4  }
0x24: {  	s12 =	simm.s32 @p3 $0x0;
	_ =	strace @p3 $0x80000072;
	s0 =	sand.u32 @p3 $0x1FFFFFF0, s0  }
0x25: {  	s15 =	sshll.u32 @p3 s4, $0x7;
	s4 =	sadd.s32 @p3 $0x1, s4;
	s0 =	sadd.s32 @p3 s3, s0  }
0x26: {  	[tilespmem:s15], [sflag:s4] =	stream.linear.gather @p3 [hbm4b:s0+s12], $0x80, $0x200038;
	[tilespmem:$0x1100] =	vst v63  }
0x27: {  	s23 =	sor.u32 $0x100, s26;
	p5 =	seq.s32 s18, $0x10;
	_ =	strace @p3 $0x90000072  }
0x28: {  	p0 =	por $0x1, $0x1;
	s18 =	simm.s32 @p5 $0x0;
	_ =	strace $0x80000073  }
0x29: {  	p5 =	por p6, p2;
	p6 =	por $0x1, $0x1;
	_ =	swait.ge [sflag:s25], $0x80  }
0x2a: {  	p1 =	por p0, p0;
	p2 =	sne.s32 s14, s18;
	[sflag:s25] =	ssyncset.done $0x0  }
0x2b: {  	s12 =	sand.u32 @!p0 $0x1, s1;
	p0 =	por $0x0, $0x0;
	[sflag:s25] =	ssyncadd.s32 $0xFFFFFF80  }
0x2c: {  	s0 =	sand.u32 $0x80, s24;
	s15 =	simm.s32 $0x1;
	_ =	strace $0x90000073  }
0x2d: {  	s24 =	sshll.u32 @p5 s17, $0x8;
	s17 =	simm.s32 $0x0;
	_ =	strace $0x80000074  }
0x2e: {  	[tilespmem:s23], [sflag:$0x5] =	stream.indirect.gather [hbm4b:s2+s28], $0x10, s0, s28, $0x2000b8;
	[tilespmem:$0x1100] =	vst v63  }
0x2f: {  	s15 =	simm.s32 @!p4 $0x0;
	s19 =	sadd.s32 @!p1 $0x3, s12;
	_ =	swait.ge [sflag:s29], $0x800  }
0x30: {  	s12 =	simm.s32 $0x1;
	s15 =	sadd.s32 $0x0, s15;
	[sflag:s29] =	ssyncset.done $0x0  }
0x31: {  	s12 =	simm.s32 @!p5 $0x0;
	s0 =	simm.s32 $0x1;
	[sflag:s29] =	ssyncadd.s32 $0xFFFFF800  }
0x32: {  	s0 =	simm.s32 @!p3 $0x0;
	p3 =	por !p6, !p2;
	_ =	strace $0x90000074  }
0x33: {  	p3 =	por !p3, !p3;
	s21 =	sadd.s32 $0x1, s0;
	_ =	strace @p5 $0x80000075  }
0x34: {  	s25 =	sand.u32 @p3 $0x1, s21;
	s0 =	sadd.s32 @p3 s9, s18;
	s4 =	rddreg [dreg:$0x3]  }
.LBB2_2:
0x35: {  	s0 =	sshll.u32 @p3 s0, $0x4;
	s10 =	sand.u32 @p5 $0x1FFFFF00, s24;
	s17 =	sadd.s32 s12, s17  }
0x36: {  	s24 =	smov.u32 s13;
	s13 =	smov.u32 s16;
	s26 =	smov.u32 s14  }
0x37: {  	s14 =	sadd.s32 @p5 $0x3, s22;
	s22 =	simm.s32 @p5 $0x0;
	s20 =	sadd.s32 s12, s20  }
0x38: {  	s16 =	sadd.s32 $0xFFFFFFFF, s16;
	s12 =	sand.u32 @!p0 $0x1, s15;
	s4 =	sadd.s32 @p5 s4, s10  }
0x39: {  	[hbm4b:s4+s22] =	stream.linear.scatter @p5 [tilespmem:s23], [sflag:s14], $0x800, $0x200038;
	[tilespmem:$0x1100] =	vst v63  }
0x3a: {  	s0 =	sand.u32 @p3 $0x1FFFFFF0, s0;
	s10 =	sshll.u32 s20, $0x7;
	_ =	strace @p5 $0x90000075  }
0x3b: {  	p4 =	sne.s32 s16, $0x0;
	s0 =	sadd.s32 @p3 s3, s0;
	_ =	strace @!p1 $0x80000076  }
0x3c: {  	s4 =	sand.u32 $0x1, s20;
	s14 =	smov.u32 s18;
	_ =	swait.ge @!p1 [sflag:s19], $0x800  }
0x3d: {  	s22 =	simm.s32 @p3 $0x0;
	s23 =	sadd.s32 @p3 $0x1, s25;
	[sflag:s19] =	ssyncset.done @!p1 $0x0  }
0x3e: {  	s10 =	sand.u32 $0x80, s10;
	s18 =	sadd.s32 $0x1, s18;
	[sflag:s19] =	ssyncadd.s32 @!p1 $0xFFFFF800  }
0x3f: {  	p5 =	sne.s32 s24, $0x10;
	p6 =	seq.s32 s18, $0x10;
	_ =	strace @!p1 $0x90000076  }
0x40: {  	s18 =	simm.s32 @p6 $0x0;
	s19 =	sshll.u32 @p3 s25, $0x7;
	_ =	strace @p3 $0x80000072  }
0x41: {  	[tilespmem:s19], [sflag:s23] =	stream.linear.gather @p3 [hbm4b:s0+s22], $0x80, $0x200038;
	[tilespmem:$0x1100] =	vst v63  }
0x42: {  	p6 =	sne.s32 s13, $0x1;
	s25 =	sadd.s32 $0x1, s4;
	_ =	strace @p3 $0x90000072  }
0x43: {  	s4 =	sadd.s32 s9, s26;
	p1 =	por p0, p0;
	_ =	strace $0x80000073  }
0x44: {  	p0 =	seq.s32 s13, $0x10;
	s19 =	sadd.s32 @!p1 $0x3, s12;
	_ =	swait.ge [sflag:s25], $0x80  }
0x45: {  	s22 =	sand.u32 $0x1, s17;
	s12 =	simm.s32 $0x1;
	[sflag:s25] =	ssyncset.done $0x0  }
0x46: {  	s0 =	simm.s32 $0x1;
	s26 =	sshll.u32 s22, $0xB;
	[sflag:s25] =	ssyncadd.s32 $0xFFFFFF80  }
0x47: {  	s12 =	simm.s32 @!p5 $0x0;
	p5 =	seq.s32 s24, $0x1;
	_ =	strace $0x90000073  }
0x48: {  	s0 =	simm.s32 @!p3 $0x0;
	s23 =	sor.u32 $0x100, s26;
	_ =	strace $0x80000074  }
0x49: {  	[tilespmem:s23], [sflag:$0x5] =	stream.indirect.gather [hbm4b:s2+s28], $0x10, s10, s28, $0x2000b8;
	[tilespmem:$0x1100] =	vst v63  }
0x4a: {  	s15 =	sadd.s32 s12, s15;
	p5 =	por p5, p2;
	_ =	swait.ge [sflag:s29], $0x800  }
.Ltmp0:
0x4b: {  	p2 =	sne.s32 s14, s18;
	[sflag:s29] =	ssyncset.done $0x0;
	(pc) =	sbr.rel @p4 .LBB2_2-.Ltmp0, $4  }
0x4c: {  	s12 =	simm.s32 $0x1;
	s21 =	sadd.s32 s0, s21;
	[sflag:s29] =	ssyncadd.s32 $0xFFFFF800  }
0x4d: {  	s24 =	sshll.u32 @p5 s4, $0x8;
	p3 =	por !p6, !p2;
	_ =	strace $0x90000074  }
0x4e: {  	s12 =	simm.s32 @!p5 $0x0;
	p3 =	por !p3, !p3;
	_ =	strace @p5 $0x80000075  }
0x4f: {  	s25 =	sand.u32 @p3 $0x1, s21;
	s0 =	sadd.s32 @p3 s9, s18;
	s4 =	rddreg [dreg:$0x3]  }
0x50: {  	s10 =	sand.u32 @p5 $0x1FFFFF00, s24  }
0x51: {  	s16 =	sadd.s32 @p5 $0x3, s22;
	s18 =	simm.s32 @p5 $0x0;
	s4 =	sadd.s32 @p5 s4, s10  }
0x52: {  	[hbm4b:s4+s18] =	stream.linear.scatter @p5 [tilespmem:s23], [sflag:s16], $0x800, $0x200038;
	[tilespmem:$0x1100] =	vst v63  }
0x53: {  	_ =	strace @p5 $0x90000075  }
0x54: {  	_ =	strace @!p1 $0x80000076  }
0x55: {  	_ =	swait.ge @!p1 [sflag:s19], $0x800  }
0x56: {  	s0 =	sshll.u32 @p3 s0, $0x4;
	[sflag:s19] =	ssyncset.done @!p1 $0x0  }
0x57: {  	s26 =	sadd.s32 s12, s20;
	s0 =	sand.u32 @p3 $0x1FFFFFF0, s0;
	[sflag:s19] =	ssyncadd.s32 @!p1 $0xFFFFF800  }
0x58: {  	s10 =	simm.s32 @p3 $0x0;
	s0 =	sadd.s32 @p3 s3, s0;
	_ =	strace @!p1 $0x90000076  }
0x59: {  	s16 =	sshll.u32 @p3 s25, $0x7;
	s18 =	sadd.s32 @p3 $0x1, s25;
	_ =	strace @p3 $0x80000072  }
0x5a: {  	[tilespmem:s16], [sflag:s18] =	stream.linear.gather @p3 [hbm4b:s0+s10], $0x80, $0x200038;
	[tilespmem:$0x1100] =	vst v63  }
0x5b: {  	s16 =	sand.u32 $0x1, s26;
	_ =	strace @p3 $0x90000072  }
0x5c: {  	s0 =	sadd.s32 $0x1, s16;
	_ =	strace $0x80000073  }
0x5d: {  	_ =	swait.ge [sflag:s0], $0x80  }
0x5e: {  	s18 =	sadd.s32 s12, s17;
	[sflag:s0] =	ssyncset.done $0x0  }
0x5f: {  	[sflag:s0] =	ssyncadd.s32 $0xFFFFFF80;
	s0 =	sand.u32 $0x1, s18  }
0x60: {  	s4 =	sshll.u32 s26, $0x7;
	_ =	strace $0x90000073;
	s10 =	sshll.u32 s0, $0xB  }
0x61: {  	s4 =	sand.u32 $0x80, s4;
	_ =	strace $0x80000074;
	s10 =	sor.u32 $0x100, s10  }
0x62: {  	[tilespmem:s10], [sflag:$0x5] =	stream.indirect.gather [hbm4b:s2+s28], $0x10, s4, s28, $0x2000b8;
	[tilespmem:$0x1100] =	vst v63  }
0x63: {  	_ =	swait.ge [sflag:s29], $0x800  }
0x64: {  	[sflag:s29] =	ssyncset.done $0x0  }
0x65: {  	p6 =	seq.s32 s13, $0x1;
	[sflag:s29] =	ssyncadd.s32 $0xFFFFF800  }
0x66: {  	p1 =	por p6, p2;
	s4 =	sadd.s32 s9, s14;
	_ =	strace $0x90000074  }
0x67: {  	s4 =	sshll.u32 @p1 s4, $0x8;
	_ =	strace @p1 $0x80000075  }
0x68: {  	s4 =	sand.u32 @p1 $0x1FFFFF00, s4;
	s12 =	rddreg [dreg:$0x3]  }
0x69: {  	s13 =	simm.s32 @p1 $0x0;
	s0 =	sadd.s32 @p1 $0x3, s0;
	s4 =	sadd.s32 @p1 s12, s4  }
0x6a: {  	[hbm4b:s4+s13] =	stream.linear.scatter @p1 [tilespmem:s10], [sflag:s0], $0x800, $0x200038;
	[tilespmem:$0x1100] =	vst v63  }
0x6b: {  	s0 =	sand.u32 @!p0 $0x1, s15;
	p0 =	por p0, p0;
	_ =	strace @p1 $0x90000075  }
0x6c: {  	s0 =	sadd.s32 @!p0 $0x3, s0;
	_ =	strace @!p0 $0x80000076  }
0x6d: {  	_ =	swait.ge @!p0 [sflag:s0], $0x800  }
0x6e: {  	[sflag:s0] =	ssyncset.done @!p0 $0x0  }
0x6f: {  	[sflag:s0] =	ssyncadd.s32 @!p0 $0xFFFFF800  }
0x70: {  	_ =	strace @!p0 $0x90000076  }
0x71: {  	_ =	strace $0x80000077  }
0x72: {  	_ =	swait.ge [sflag:s30], $0x800  }
0x73: {  	[sflag:s30] =	ssyncset.done $0x0  }
0x74: {  	[sflag:s30] =	ssyncadd.s32 $0xFFFFF800  }
0x75: {  	_ =	strace $0x90000077  }
0x76: {  	_ =	strace $0x80000078  }
0x77: {  	s19 =	simm.s32 $0x0;
	s20 =	rddreg [dreg:$0x5]  }
0x78: {  	[tilespmem:s19], [sflag:$0x1] =	stream.linear.gather [hbm4b:s20+s19], $0x80, $0x200038;
	[tilespmem:$0x1100] =	vst v63  }
0x79: {  	_ =	strace $0x90000078  }
0x7a: {  	_ =	strace $0x80000079  }
0x7b: {  	s21 =	rddreg [dreg:$0x10]  }
0x7c: {  	[tilespmem:s28], [sflag:$0x2] =	stream.linear.gather [hbm4b:s21+s19], $0x80, $0x200038;
	[tilespmem:$0x1100] =	vst v63  }
0x7d: {  	_ =	strace $0x90000079  }
0x7e: {  	s22 =	simm.s32 $0x1;
	_ =	strace $0x8000007A  }
0x7f: {  	_ =	swait.ge [sflag:s22], $0x80  }
0x80: {  	[sflag:s22] =	ssyncset.done $0x0  }
0x81: {  	[sflag:s22] =	ssyncadd.s32 $0xFFFFFF80  }
0x82: {  	p4 =	por $0x0, $0x0;
	_ =	strace $0x9000007A  }
0x83: {  	s13 =	simm.s32 $0x2;
	p0 =	por $0x0, $0x0;
	_ =	strace $0x8000007B  }
0x84: {  	[tilespmem:s31], [sflag:$0x5] =	stream.indirect.gather [hbm4b:s2+s28], $0x10, s19, s28, $0x2000b8;
	[tilespmem:$0x1100] =	vst v63  }
0x85: {  	p5 =	por $0x1, $0x1;
	s13 =	simm.s32 @p0 $0x0;
	_ =	swait.ge [sflag:s29], $0x800  }
0x86: {  	p3 =	por $0x1, $0x1;
	p0 =	sne.s32 s13, $0x1;
	[sflag:s29] =	ssyncset.done $0x0  }
0x87: {  	s17 =	sadd.s32 $0x1, s9;
	p1 =	por !p3, !p0;
	[sflag:s29] =	ssyncadd.s32 $0xFFFFF800  }
0x88: {  	s15 =	simm.s32 $0x2;
	p2 =	por !p1, !p1;
	_ =	strace $0x9000007B  }
0x89: {  	s10 =	sadd.s32 @p2 s9, s13;
	s12 =	sand.u32 @p2 $0x1, s15;
	_ =	strace $0x8000007C  }
0x8a: {  	s14 =	simm.s32 @p2 $0x0;
	s10 =	sshll.u32 @p2 s10, $0x4;
	s23 =	rddreg [dreg:$0x11]  }
0x8b: {  	[hbm4b:s23+s19] =	stream.linear.scatter [tilespmem:s31], [sflag:$0x3], $0x800, $0x200038;
	[tilespmem:$0x1100] =	vst v63  }
0x8c: {  	s16 =	sshll.u32 @p2 s12, $0x7;
	s10 =	sand.u32 @p2 $0x1FFFFFF0, s10;
	_ =	strace $0x9000007C  }
0x8d: {  	s12 =	sadd.s32 @p2 $0x1, s12;
	s10 =	sadd.s32 @p2 s5, s10;
	_ =	strace @p2 $0x80000079  }
0x8e: {  	[tilespmem:s16], [sflag:s12] =	stream.linear.gather @p2 [hbm4b:s10+s14], $0x80, $0x200038;
	[tilespmem:$0x1100] =	vst v63  }
0x8f: {  	s26 =	simm.s32 $0x80;
	s4 =	sand.u32 $0x1, s22;
	_ =	strace @p2 $0x90000079  }
0x90: {  	s24 =	sadd.s32 $0x1, s4;
	s25 =	sshll.u32 s4, $0xB;
	_ =	strace $0x8000007A  }
0x91: {  	s0 =	sand.u32 $0x1, s19;
	p0 =	por p4, p0;
	_ =	swait.ge [sflag:s24], $0x80  }
0x92: {  	s21 =	sadd.s32 $0x3, s0;
	s0 =	simm.s32 $0x1;
	[sflag:s24] =	ssyncset.done $0x0  }
0x93: {  	s4 =	sadd.s32 @p0 $0x3, s4;
	s0 =	simm.s32 @!p0 $0x0;
	[sflag:s24] =	ssyncadd.s32 $0xFFFFFF80  }
0x94: {  	s20 =	sadd.s32 $0x1, s0;
	s19 =	sadd.s32 $0x1, s13;
	_ =	strace $0x9000007A  }
0x95: {  	s12 =	sor.u32 $0x100, s25;
	s10 =	sand.u32 $0x80, s26;
	_ =	strace $0x8000007B  }
0x96: {  	[tilespmem:s12], [sflag:$0x5] =	stream.indirect.gather [hbm4b:s2+s28], $0x10, s10, s28, $0x2000b8;
	[tilespmem:$0x1100] =	vst v63  }
0x97: {  	s18 =	sand.u32 $0x1, s20;
	p1 =	seq.s32 s19, $0x10;
	_ =	swait.ge [sflag:s29], $0x800  }
0x98: {  	s22 =	sshll.u32 s18, $0xB;
	s19 =	simm.s32 @p1 $0x0;
	[sflag:s29] =	ssyncset.done $0x0  }
0x99: {  	s14 =	simm.s32 $0x1;
	s10 =	sshll.u32 @p0 s17, $0x8;
	[sflag:s29] =	ssyncadd.s32 $0xFFFFF800  }
0x9a: {  	p1 =	sne.s32 s13, s19;
	s10 =	sand.u32 @p0 $0x1FFFFF00, s10;
	_ =	strace $0x9000007B  }
0x9b: {  	s17 =	simm.s32 @p0 $0x0;
	s10 =	sadd.s32 @p0 s7, s10;
	_ =	strace @p0 $0x8000007C  }
0x9c: {  	[hbm4b:s10+s17] =	stream.linear.scatter @p0 [tilespmem:s12], [sflag:s4], $0x800, $0x200038;
	[tilespmem:$0x1100] =	vst v63  }
0x9d: {  	s16 =	simm.s32 $0x2;
	p6 =	por !p5, !p1;
	_ =	strace @p0 $0x9000007C  }
0x9e: {  	s17 =	sadd.s32 $0x1, s0;
	s0 =	simm.s32 $0x1;
	_ =	strace $0x8000007D  }
0x9f: {  	p0 =	por !p6, !p6;
	s0 =	simm.s32 @!p2 $0x0;
	_ =	swait.ge [sflag:s21], $0x800  }
.LBB2_4:
0xa0: {  	s4 =	sadd.s32 @p0 s9, s19;
	s15 =	sadd.s32 s0, s15  }
0xa1: {  	[sflag:s21] =	ssyncset.done $0x0;
	s0 =	smov.u32 s14;
	s14 =	smov.u32 s16  }
0xa2: {  	s10 =	simm.s32 @p0 $0x0;
	s4 =	sshll.u32 @p0 s4, $0x4;
	[sflag:s21] =	ssyncadd.s32 $0xFFFFF800  }
0xa3: {  	s12 =	sand.u32 @p0 $0x1, s15;
	s4 =	sand.u32 @p0 $0x1FFFFFF0, s4;
	_ =	strace $0x9000007D  }
0xa4: {  	s21 =	sshll.u32 @p0 s12, $0x7;
	s12 =	sadd.s32 @p0 $0x1, s12;
	s4 =	sadd.s32 @p0 s5, s4  }
0xa5: {  	s16 =	sadd.s32 $0x1, s16;
	s23 =	sand.u32 $0x1, s17;
	_ =	strace @p0 $0x80000079  }
0xa6: {  	[tilespmem:s21], [sflag:s12] =	stream.linear.gather @p0 [hbm4b:s4+s10], $0x80, $0x200038;
	[tilespmem:$0x1100] =	vst v63  }
0xa7: {  	p2 =	sne.s32 s16, $0xF;
	s4 =	sadd.s32 $0x1, s23;
	_ =	strace @p0 $0x90000079  }
0xa8: {  	s22 =	sor.u32 $0x100, s22;
	_ =	strace $0x8000007A  }
0xa9: {  	p4 =	seq.s32 s0, $0xE;
	p3 =	sne.s32 s14, $0xE;
	_ =	swait.ge [sflag:s4], $0x80  }
0xaa: {  	s10 =	sadd.s32 s9, s13;
	s13 =	smov.u32 s19;
	[sflag:s4] =	ssyncset.done $0x0  }
0xab: {  	s12 =	sand.u32 $0x1, s0;
	[sflag:s4] =	ssyncadd.s32 $0xFFFFFF80;
	s4 =	sshll.u32 s17, $0x7  }
0xac: {  	p4 =	por p4, p1;
	_ =	strace $0x9000007A;
	s4 =	sand.u32 $0x80, s4  }
0xad: {  	s0 =	simm.s32 $0x1;
	s21 =	sadd.s32 $0x3, s12;
	_ =	strace $0x8000007B  }
0xae: {  	[tilespmem:s22], [sflag:$0x5] =	stream.indirect.gather [hbm4b:s2+s28], $0x10, s4, s28, $0x2000b8;
	[tilespmem:$0x1100] =	vst v63  }
0xaf: {  	s19 =	sadd.s32 $0x1, s19;
	s0 =	simm.s32 @!p4 $0x0;
	_ =	swait.ge [sflag:s29], $0x800  }
0xb0: {  	s12 =	simm.s32 @p4 $0x0;
	p1 =	seq.s32 s19, $0x10;
	[sflag:s29] =	ssyncset.done $0x0  }
0xb1: {  	s17 =	sadd.s32 s0, s17;
	s4 =	sshll.u32 @p4 s10, $0x8;
	[sflag:s29] =	ssyncadd.s32 $0xFFFFF800  }
0xb2: {  	s19 =	simm.s32 @p1 $0x0;
	s10 =	sadd.s32 @p4 $0x3, s18;
	_ =	strace $0x9000007B  }
0xb3: {  	s20 =	sadd.s32 s0, s20;
	s4 =	sand.u32 @p4 $0x1FFFFF00, s4;
	_ =	strace @p4 $0x8000007C  }
.Ltmp1:
0xb4: {  	p1 =	sne.s32 s13, s19;
	s4 =	sadd.s32 @p4 s7, s4;
	(pc) =	sbr.rel @p2 .LBB2_4-.Ltmp1, $4  }
0xb5: {  	[hbm4b:s4+s12] =	stream.linear.scatter @p4 [tilespmem:s22], [sflag:s10], $0x800, $0x200038;
	[tilespmem:$0x1100] =	vst v63  }
0xb6: {  	p3 =	por !p3, !p1;
	s18 =	sand.u32 $0x1, s20;
	_ =	strace @p4 $0x9000007C  }
0xb7: {  	s0 =	simm.s32 $0x1;
	s22 =	sshll.u32 s18, $0xB;
	_ =	strace $0x8000007D  }
0xb8: {  	s0 =	simm.s32 @!p0 $0x0;
	p0 =	por !p3, !p3;
	_ =	swait.ge [sflag:s21], $0x800  }
0xb9: {  	s4 =	sadd.s32 @p0 s9, s19  }
0xba: {  	s0 =	sadd.s32 s0, s15;
	[sflag:s21] =	ssyncset.done $0x0;
	s10 =	simm.s32 @p0 $0x0  }
0xbb: {  	s4 =	sshll.u32 @p0 s4, $0x4;
	[sflag:s21] =	ssyncadd.s32 $0xFFFFF800;
	s0 =	sand.u32 @p0 $0x1, s0  }
0xbc: {  	s4 =	sand.u32 @p0 $0x1FFFFFF0, s4;
	_ =	strace $0x9000007D;
	s12 =	sshll.u32 @p0 s0, $0x7  }
0xbd: {  	s0 =	sadd.s32 @p0 $0x1, s0;
	s4 =	sadd.s32 @p0 s5, s4;
	_ =	strace @p0 $0x80000079  }
0xbe: {  	[tilespmem:s12], [sflag:s0] =	stream.linear.gather @p0 [hbm4b:s4+s10], $0x80, $0x200038;
	[tilespmem:$0x1100] =	vst v63  }
0xbf: {  	s16 =	sand.u32 $0x1, s17;
	_ =	strace @p0 $0x90000079  }
0xc0: {  	s0 =	sadd.s32 $0x1, s16;
	_ =	strace $0x8000007A  }
0xc1: {  	_ =	swait.ge [sflag:s0], $0x80  }
0xc2: {  	[sflag:s0] =	ssyncset.done $0x0  }
0xc3: {  	[sflag:s0] =	ssyncadd.s32 $0xFFFFFF80  }
0xc4: {  	s17 =	sshll.u32 s17, $0x7;
	_ =	strace $0x9000007A  }
0xc5: {  	s4 =	sor.u32 $0x100, s22;
	s0 =	sand.u32 $0x80, s17;
	_ =	strace $0x8000007B  }
0xc6: {  	[tilespmem:s4], [sflag:$0x5] =	stream.indirect.gather [hbm4b:s2+s28], $0x10, s0, s28, $0x2000b8;
	[tilespmem:$0x1100] =	vst v63  }
0xc7: {  	p3 =	seq.s32 s14, $0xE;
	_ =	swait.ge [sflag:s29], $0x800  }
0xc8: {  	p0 =	por p3, p1;
	s0 =	sadd.s32 s9, s13;
	[sflag:s29] =	ssyncset.done $0x0  }
0xc9: {  	s0 =	sshll.u32 @p0 s0, $0x8;
	[sflag:s29] =	ssyncadd.s32 $0xFFFFF800  }
0xca: {  	s10 =	sadd.s32 @p0 $0x3, s18;
	s0 =	sand.u32 @p0 $0x1FFFFF00, s0;
	_ =	strace $0x9000007B  }
0xcb: {  	s12 =	simm.s32 @p0 $0x0;
	s0 =	sadd.s32 @p0 s7, s0;
	_ =	strace @p0 $0x8000007C  }
0xcc: {  	[hbm4b:s0+s12] =	stream.linear.scatter @p0 [tilespmem:s4], [sflag:s10], $0x800, $0x200038;
	[tilespmem:$0x1100] =	vst v63  }
0xcd: {  	s18 =	sand.u32 $0x1, s14;
	_ =	strace @p0 $0x9000007C  }
0xce: {  	s0 =	sadd.s32 $0x3, s18;
	_ =	strace $0x8000007D  }
0xcf: {  	_ =	swait.ge [sflag:s0], $0x800  }
0xd0: {  	[sflag:s0] =	ssyncset.done $0x0  }
0xd1: {  	[sflag:s0] =	ssyncadd.s32 $0xFFFFF800  }
0xd2: {  	_ =	strace $0x9000007D  }
0xd3: {  	_ =	strace $0x8000007E  }
0xd4: {  	_ =	swait.ge [sflag:s30], $0x800  }
0xd5: {  	[sflag:s30] =	ssyncset.done $0x0  }
0xd6: {  	[sflag:s30] =	ssyncadd.s32 $0xFFFFF800  }
0xd7: {  	_ =	strace $0x9000007E  }
0xd8: {  	_ =	strace $0x8000007F  }
0xd9: {  	s19 =	simm.s32 $0x0;
	s20 =	rddreg [dreg:$0x7]  }
0xda: {  	[tilespmem:s19], [sflag:$0x1] =	stream.linear.gather [hbm4b:s20+s19], $0x80, $0x200038;
	[tilespmem:$0x1100] =	vst v63  }
0xdb: {  	_ =	strace $0x9000007F  }
0xdc: {  	_ =	strace $0x80000080  }
0xdd: {  	s21 =	rddreg [dreg:$0x12]  }
0xde: {  	[tilespmem:s28], [sflag:$0x2] =	stream.linear.gather [hbm4b:s21+s19], $0x80, $0x200038;
	[tilespmem:$0x1100] =	vst v63  }
0xdf: {  	_ =	strace $0x90000080  }
0xe0: {  	s22 =	simm.s32 $0x1;
	_ =	strace $0x80000081  }
0xe1: {  	_ =	swait.ge [sflag:s22], $0x80  }
0xe2: {  	[sflag:s22] =	ssyncset.done $0x0  }
0xe3: {  	[sflag:s22] =	ssyncadd.s32 $0xFFFFFF80  }
0xe4: {  	p4 =	por $0x1, $0x1;
	_ =	strace $0x90000081  }
0xe5: {  	s13 =	simm.s32 $0x2;
	p0 =	por $0x0, $0x0;
	_ =	strace $0x80000082  }
0xe6: {  	[tilespmem:s31], [sflag:$0x5] =	stream.indirect.gather [hbm4b:s2+s28], $0x10, s19, s28, $0x2000b8;
	[tilespmem:$0x1100] =	vst v63  }
0xe7: {  	s15 =	simm.s32 $0x2;
	s13 =	simm.s32 @p0 $0x0;
	_ =	swait.ge [sflag:s29], $0x800  }
0xe8: {  	s26 =	simm.s32 $0x80;
	p0 =	sne.s32 s13, $0x1;
	[sflag:s29] =	ssyncset.done $0x0  }
0xe9: {  	p5 =	por $0x0, $0x0;
	p1 =	por !p4, !p0;
	[sflag:s29] =	ssyncadd.s32 $0xFFFFF800  }
0xea: {  	p3 =	por $0x1, $0x1;
	p2 =	por !p1, !p1;
	_ =	strace $0x90000082  }
0xeb: {  	s10 =	sadd.s32 @p2 s9, s13;
	s12 =	sand.u32 @p2 $0x1, s15;
	_ =	strace $0x80000083  }
0xec: {  	s14 =	simm.s32 @p2 $0x0;
	s10 =	sshll.u32 @p2 s10, $0x4;
	s23 =	rddreg [dreg:$0x13]  }
0xed: {  	[hbm4b:s23+s19] =	stream.linear.scatter [tilespmem:s31], [sflag:$0x3], $0x800, $0x200038;
	[tilespmem:$0x1100] =	vst v63  }
0xee: {  	s16 =	sshll.u32 @p2 s12, $0x7;
	s10 =	sand.u32 @p2 $0x1FFFFFF0, s10;
	_ =	strace $0x90000083  }
0xef: {  	s12 =	sadd.s32 @p2 $0x1, s12;
	s10 =	sadd.s32 @p2 s6, s10;
	_ =	strace @p2 $0x80000080  }
0xf0: {  	[tilespmem:s16], [sflag:s12] =	stream.linear.gather @p2 [hbm4b:s10+s14], $0x80, $0x200038;
	[tilespmem:$0x1100] =	vst v63  }
0xf1: {  	s17 =	sadd.s32 $0x1, s9;
	s4 =	sand.u32 $0x1, s22;
	_ =	strace @p2 $0x90000080  }
0xf2: {  	s24 =	sadd.s32 $0x1, s4;
	s25 =	sshll.u32 s4, $0xB;
	_ =	strace $0x80000081  }
0xf3: {  	p0 =	por p5, p0;
	s0 =	sand.u32 $0x1, s19;
	_ =	swait.ge [sflag:s24], $0x80  }
0xf4: {  	s21 =	sadd.s32 $0x3, s0;
	s0 =	simm.s32 $0x1;
	[sflag:s24] =	ssyncset.done $0x0  }
0xf5: {  	s4 =	sadd.s32 @p0 $0x3, s4;
	s0 =	simm.s32 @!p0 $0x0;
	[sflag:s24] =	ssyncadd.s32 $0xFFFFFF80  }
0xf6: {  	s20 =	sadd.s32 $0x1, s0;
	s19 =	sadd.s32 $0x1, s13;
	_ =	strace $0x90000081  }
0xf7: {  	s12 =	sor.u32 $0x100, s25;
	s10 =	sand.u32 $0x80, s26;
	_ =	strace $0x80000082  }
0xf8: {  	[tilespmem:s12], [sflag:$0x5] =	stream.indirect.gather [hbm4b:s2+s28], $0x10, s10, s28, $0x2000b8;
	[tilespmem:$0x1100] =	vst v63  }
0xf9: {  	s18 =	sand.u32 $0x1, s20;
	p1 =	seq.s32 s19, $0x10;
	_ =	swait.ge [sflag:s29], $0x800  }
0xfa: {  	s22 =	sshll.u32 s18, $0xB;
	s19 =	simm.s32 @p1 $0x0;
	[sflag:s29] =	ssyncset.done $0x0  }
0xfb: {  	s14 =	simm.s32 $0x1;
	s10 =	sshll.u32 @p0 s17, $0x8;
	[sflag:s29] =	ssyncadd.s32 $0xFFFFF800  }
0xfc: {  	p1 =	sne.s32 s13, s19;
	s10 =	sand.u32 @p0 $0x1FFFFF00, s10;
	_ =	strace $0x90000082  }
0xfd: {  	s17 =	simm.s32 @p0 $0x0;
	s10 =	sadd.s32 @p0 s8, s10;
	_ =	strace @p0 $0x80000083  }
0xfe: {  	[hbm4b:s10+s17] =	stream.linear.scatter @p0 [tilespmem:s12], [sflag:s4], $0x800, $0x200038;
	[tilespmem:$0x1100] =	vst v63  }
0xff: {  	s16 =	simm.s32 $0x2;
	p6 =	por !p3, !p1;
	_ =	strace @p0 $0x90000083  }
0x100: {  	s17 =	sadd.s32 $0x1, s0;
	s0 =	simm.s32 $0x1;
	_ =	strace $0x80000084  }
0x101: {  	p0 =	por !p6, !p6;
	s0 =	simm.s32 @!p2 $0x0;
	_ =	swait.ge [sflag:s21], $0x800  }
.LBB2_6:
0x102: {  	s4 =	sadd.s32 @p0 s9, s19;
	s15 =	sadd.s32 s0, s15  }
0x103: {  	[sflag:s21] =	ssyncset.done $0x0;
	s0 =	smov.u32 s14;
	s14 =	smov.u32 s16  }
0x104: {  	s10 =	simm.s32 @p0 $0x0;
	s4 =	sshll.u32 @p0 s4, $0x4;
	[sflag:s21] =	ssyncadd.s32 $0xFFFFF800  }
0x105: {  	s12 =	sand.u32 @p0 $0x1, s15;
	s4 =	sand.u32 @p0 $0x1FFFFFF0, s4;
	_ =	strace $0x90000084  }
0x106: {  	s21 =	sshll.u32 @p0 s12, $0x7;
	s12 =	sadd.s32 @p0 $0x1, s12;
	s4 =	sadd.s32 @p0 s6, s4  }
0x107: {  	s16 =	sadd.s32 $0x1, s16;
	s23 =	sand.u32 $0x1, s17;
	_ =	strace @p0 $0x80000080  }
0x108: {  	[tilespmem:s21], [sflag:s12] =	stream.linear.gather @p0 [hbm4b:s4+s10], $0x80, $0x200038;
	[tilespmem:$0x1100] =	vst v63  }
0x109: {  	p2 =	sne.s32 s16, $0xF;
	s4 =	sadd.s32 $0x1, s23;
	_ =	strace @p0 $0x90000080  }
0x10a: {  	s22 =	sor.u32 $0x100, s22;
	_ =	strace $0x80000081  }
0x10b: {  	p4 =	seq.s32 s0, $0xE;
	p3 =	sne.s32 s14, $0xE;
	_ =	swait.ge [sflag:s4], $0x80  }
0x10c: {  	s10 =	sadd.s32 s9, s13;
	s13 =	smov.u32 s19;
	[sflag:s4] =	ssyncset.done $0x0  }
0x10d: {  	s12 =	sand.u32 $0x1, s0;
	[sflag:s4] =	ssyncadd.s32 $0xFFFFFF80;
	s4 =	sshll.u32 s17, $0x7  }
0x10e: {  	p4 =	por p4, p1;
	_ =	strace $0x90000081;
	s4 =	sand.u32 $0x80, s4  }
0x10f: {  	s0 =	simm.s32 $0x1;
	s21 =	sadd.s32 $0x3, s12;
	_ =	strace $0x80000082  }
0x110: {  	[tilespmem:s22], [sflag:$0x5] =	stream.indirect.gather [hbm4b:s2+s28], $0x10, s4, s28, $0x2000b8;
	[tilespmem:$0x1100] =	vst v63  }
0x111: {  	s19 =	sadd.s32 $0x1, s19;
	s0 =	simm.s32 @!p4 $0x0;
	_ =	swait.ge [sflag:s29], $0x800  }
0x112: {  	s12 =	simm.s32 @p4 $0x0;
	p1 =	seq.s32 s19, $0x10;
	[sflag:s29] =	ssyncset.done $0x0  }
0x113: {  	s17 =	sadd.s32 s0, s17;
	s4 =	sshll.u32 @p4 s10, $0x8;
	[sflag:s29] =	ssyncadd.s32 $0xFFFFF800  }
0x114: {  	s19 =	simm.s32 @p1 $0x0;
	s10 =	sadd.s32 @p4 $0x3, s18;
	_ =	strace $0x90000082  }
0x115: {  	s20 =	sadd.s32 s0, s20;
	s4 =	sand.u32 @p4 $0x1FFFFF00, s4;
	_ =	strace @p4 $0x80000083  }
.Ltmp2:
0x116: {  	p1 =	sne.s32 s13, s19;
	s4 =	sadd.s32 @p4 s8, s4;
	(pc) =	sbr.rel @p2 .LBB2_6-.Ltmp2, $4  }
0x117: {  	[hbm4b:s4+s12] =	stream.linear.scatter @p4 [tilespmem:s22], [sflag:s10], $0x800, $0x200038;
	[tilespmem:$0x1100] =	vst v63  }
0x118: {  	p3 =	por !p3, !p1;
	s18 =	sand.u32 $0x1, s20;
	_ =	strace @p4 $0x90000083  }
0x119: {  	s0 =	simm.s32 $0x1;
	s22 =	sshll.u32 s18, $0xB;
	_ =	strace $0x80000084  }
0x11a: {  	s0 =	simm.s32 @!p0 $0x0;
	p0 =	por !p3, !p3;
	_ =	swait.ge [sflag:s21], $0x800  }
0x11b: {  	s4 =	sadd.s32 @p0 s9, s19  }
0x11c: {  	s0 =	sadd.s32 s0, s15;
	[sflag:s21] =	ssyncset.done $0x0;
	s10 =	simm.s32 @p0 $0x0  }
0x11d: {  	s4 =	sshll.u32 @p0 s4, $0x4;
	[sflag:s21] =	ssyncadd.s32 $0xFFFFF800;
	s0 =	sand.u32 @p0 $0x1, s0  }
0x11e: {  	s4 =	sand.u32 @p0 $0x1FFFFFF0, s4;
	_ =	strace $0x90000084;
	s12 =	sshll.u32 @p0 s0, $0x7  }
0x11f: {  	s0 =	sadd.s32 @p0 $0x1, s0;
	s4 =	sadd.s32 @p0 s6, s4;
	_ =	strace @p0 $0x80000080  }
0x120: {  	[tilespmem:s12], [sflag:s0] =	stream.linear.gather @p0 [hbm4b:s4+s10], $0x80, $0x200038;
	[tilespmem:$0x1100] =	vst v63  }
0x121: {  	s10 =	sand.u32 $0x1, s17;
	_ =	strace @p0 $0x90000080  }
0x122: {  	s0 =	sadd.s32 $0x1, s10;
	_ =	strace $0x80000081  }
0x123: {  	_ =	swait.ge [sflag:s0], $0x80  }
0x124: {  	[sflag:s0] =	ssyncset.done $0x0  }
0x125: {  	[sflag:s0] =	ssyncadd.s32 $0xFFFFFF80  }
0x126: {  	s12 =	sshll.u32 s17, $0x7;
	_ =	strace $0x90000081  }
0x127: {  	s4 =	sor.u32 $0x100, s22;
	s0 =	sand.u32 $0x80, s12;
	_ =	strace $0x80000082  }
0x128: {  	[tilespmem:s4], [sflag:$0x5] =	stream.indirect.gather [hbm4b:s2+s28], $0x10, s0, s28, $0x2000b8;
	[tilespmem:$0x1100] =	vst v63  }
0x129: {  	p6 =	seq.s32 s14, $0xE;
	_ =	swait.ge [sflag:s29], $0x800  }
0x12a: {  	p0 =	por p6, p1;
	s0 =	sadd.s32 s9, s13;
	[sflag:s29] =	ssyncset.done $0x0  }
0x12b: {  	s0 =	sshll.u32 @p0 s0, $0x8;
	[sflag:s29] =	ssyncadd.s32 $0xFFFFF800  }
0x12c: {  	s10 =	sadd.s32 @p0 $0x3, s18;
	s0 =	sand.u32 @p0 $0x1FFFFF00, s0;
	_ =	strace $0x90000082  }
0x12d: {  	s12 =	simm.s32 @p0 $0x0;
	s0 =	sadd.s32 @p0 s8, s0;
	_ =	strace @p0 $0x80000083  }
0x12e: {  	[hbm4b:s0+s12] =	stream.linear.scatter @p0 [tilespmem:s4], [sflag:s10], $0x800, $0x200038;
	[tilespmem:$0x1100] =	vst v63  }
0x12f: {  	s13 =	sand.u32 $0x1, s14;
	_ =	strace @p0 $0x90000083  }
0x130: {  	s0 =	sadd.s32 $0x3, s13;
	_ =	strace $0x80000084  }
0x131: {  	_ =	swait.ge [sflag:s0], $0x800  }
0x132: {  	[sflag:s0] =	ssyncset.done $0x0  }
0x133: {  	[sflag:s0] =	ssyncadd.s32 $0xFFFFF800  }
0x134: {  	_ =	strace $0x90000084  }
0x135: {  	_ =	strace $0x80000085  }
0x136: {  	_ =	swait.ge [sflag:s30], $0x800  }
0x137: {  	[sflag:s30] =	ssyncset.done $0x0  }
0x138: {  	[sflag:s30] =	ssyncadd.s32 $0xFFFFF800  }
0x139: {  	_ =	strace $0x90000085  }
0x13a: {  	_ =	strace $0x80000086  }
0x13b: {  	s14 =	rddreg [dreg:$0x6]  }
0x13c: {  	[tilespmem:s1], [sflag:$0x1] =	stream.linear.gather [hbm4b:s14+s1], $0x80, $0x200038;
	[tilespmem:$0x1100] =	vst v63  }
0x13d: {  	_ =	strace $0x90000086  }
0x13e: {  	_ =	strace $0x80000087  }
0x13f: {  	s15 =	rddreg [dreg:$0x9]  }
0x140: {  	[tilespmem:s28], [sflag:$0x2] =	stream.linear.gather [hbm4b:s15+s1], $0x80, $0x200038;
	[tilespmem:$0x1100] =	vst v63  }
0x141: {  	_ =	strace $0x90000087  }
0x142: {  	s16 =	simm.s32 $0x1;
	_ =	strace $0x80000088  }
0x143: {  	_ =	swait.ge [sflag:s16], $0x80  }
0x144: {  	[sflag:s16] =	ssyncset.done $0x0  }
0x145: {  	[sflag:s16] =	ssyncadd.s32 $0xFFFFFF80  }
0x146: {  	_ =	strace $0x90000088  }
0x147: {  	_ =	strace $0x80000089  }
0x148: {  	[tilespmem:s31], [sflag:$0x5] =	stream.indirect.gather [hbm4b:s2+s28], $0x10, s1, s28, $0x2000b8;
	[tilespmem:$0x1100] =	vst v63  }
0x149: {  	_ =	swait.ge [sflag:s29], $0x800  }
0x14a: {  	[sflag:s29] =	ssyncset.done $0x0  }
0x14b: {  	[sflag:s29] =	ssyncadd.s32 $0xFFFFF800  }
0x14c: {  	_ =	strace $0x90000089  }
0x14d: {  	_ =	strace $0x8000008A  }
0x14e: {  	s17 =	rddreg [dreg:$0xa]  }
0x14f: {  	[hbm4b:s17+s1] =	stream.linear.scatter [tilespmem:s31], [sflag:$0x3], $0x800, $0x200038;
	[tilespmem:$0x1100] =	vst v63  }
0x150: {  	_ =	strace $0x9000008A  }
0x151: {  	_ =	strace $0x80000087  }
0x152: {  	s18 =	rddreg [dreg:$0xb]  }
0x153: {  	[tilespmem:s1], [sflag:$0x1] =	stream.linear.gather [hbm4b:s18+s1], $0x80, $0x200038;
	[tilespmem:$0x1100] =	vst v63  }
0x154: {  	_ =	strace $0x90000087  }
0x155: {  	s19 =	simm.s32 $0x2;
	_ =	strace $0x80000088  }
0x156: {  	_ =	swait.ge [sflag:s19], $0x80  }
0x157: {  	[sflag:s19] =	ssyncset.done $0x0  }
0x158: {  	[sflag:s19] =	ssyncadd.s32 $0xFFFFFF80  }
0x159: {  	_ =	strace $0x90000088  }
0x15a: {  	s20 =	simm.s32 $0x900;
	_ =	strace $0x80000089  }
0x15b: {  	[tilespmem:s20], [sflag:$0x5] =	stream.indirect.gather [hbm4b:s2+s28], $0x10, s28, s28, $0x2000b8;
	[tilespmem:$0x1100] =	vst v63  }
0x15c: {  	_ =	swait.ge [sflag:s29], $0x800  }
0x15d: {  	[sflag:s29] =	ssyncset.done $0x0  }
0x15e: {  	[sflag:s29] =	ssyncadd.s32 $0xFFFFF800  }
0x15f: {  	_ =	strace $0x90000089  }
0x160: {  	_ =	strace $0x8000008A  }
0x161: {  	s21 =	rddreg [dreg:$0xc]  }
0x162: {  	[hbm4b:s21+s1] =	stream.linear.scatter [tilespmem:s20], [sflag:$0x4], $0x800, $0x200038;
	[tilespmem:$0x1100] =	vst v63  }
0x163: {  	_ =	strace $0x9000008A  }
0x164: {  	s22 =	simm.s32 $0x3;
	_ =	strace $0x8000008B  }
0x165: {  	_ =	swait.ge [sflag:s22], $0x800  }
0x166: {  	[sflag:s22] =	ssyncset.done $0x0  }
0x167: {  	[sflag:s22] =	ssyncadd.s32 $0xFFFFF800  }
0x168: {  	_ =	strace $0x9000008B  }
0x169: {  	_ =	strace $0x80000087  }
0x16a: {  	s23 =	rddreg [dreg:$0xd]  }
0x16b: {  	[tilespmem:s28], [sflag:$0x2] =	stream.linear.gather [hbm4b:s23+s1], $0x80, $0x200038;
	[tilespmem:$0x1100] =	vst v63  }
0x16c: {  	_ =	strace $0x90000087  }
0x16d: {  	_ =	strace $0x80000088  }
0x16e: {  	_ =	swait.ge [sflag:s16], $0x80  }
0x16f: {  	[sflag:s16] =	ssyncset.done $0x0  }
0x170: {  	[sflag:s16] =	ssyncadd.s32 $0xFFFFFF80  }
0x171: {  	_ =	strace $0x90000088  }
0x172: {  	_ =	strace $0x80000089  }
0x173: {  	[tilespmem:s31], [sflag:$0x5] =	stream.indirect.gather [hbm4b:s2+s28], $0x10, s1, s28, $0x2000b8;
	[tilespmem:$0x1100] =	vst v63  }
0x174: {  	_ =	swait.ge [sflag:s29], $0x800  }
0x175: {  	[sflag:s29] =	ssyncset.done $0x0  }
0x176: {  	[sflag:s29] =	ssyncadd.s32 $0xFFFFF800  }
0x177: {  	_ =	strace $0x90000089  }
0x178: {  	_ =	strace $0x8000008A  }
0x179: {  	s24 =	rddreg [dreg:$0xe]  }
0x17a: {  	[hbm4b:s24+s1] =	stream.linear.scatter [tilespmem:s31], [sflag:$0x3], $0x800, $0x200038;
	[tilespmem:$0x1100] =	vst v63  }
0x17b: {  	_ =	strace $0x9000008A  }
0x17c: {  	_ =	strace $0x8000008B  }
0x17d: {  	_ =	swait.ge [sflag:s30], $0x800  }
0x17e: {  	[sflag:s30] =	ssyncset.done $0x0  }
0x17f: {  	[sflag:s30] =	ssyncadd.s32 $0xFFFFF800  }
0x180: {  	_ =	strace $0x9000008B  }
0x181: {  	_ =	strace $0x80000088  }
0x182: {  	_ =	swait.ge [sflag:s19], $0x80  }
0x183: {  	[sflag:s19] =	ssyncset.done $0x0  }
0x184: {  	[sflag:s19] =	ssyncadd.s32 $0xFFFFFF80  }
0x185: {  	_ =	strace $0x90000088  }
0x186: {  	_ =	strace $0x80000089  }
0x187: {  	[tilespmem:s20], [sflag:$0x5] =	stream.indirect.gather [hbm4b:s2+s28], $0x10, s28, s28, $0x2000b8;
	[tilespmem:$0x1100] =	vst v63  }
0x188: {  	_ =	swait.ge [sflag:s29], $0x800  }
0x189: {  	[sflag:s29] =	ssyncset.done $0x0  }
0x18a: {  	[sflag:s29] =	ssyncadd.s32 $0xFFFFF800  }
0x18b: {  	_ =	strace $0x90000089  }
0x18c: {  	_ =	strace $0x8000008A  }
0x18d: {  	s25 =	rddreg [dreg:$0xf]  }
0x18e: {  	[hbm4b:s25+s1] =	stream.linear.scatter [tilespmem:s20], [sflag:$0x4], $0x800, $0x200038;
	[tilespmem:$0x1100] =	vst v63  }
0x18f: {  	_ =	strace $0x9000008A  }
0x190: {  	_ =	strace $0x8000008B  }
0x191: {  	_ =	swait.ge [sflag:s22], $0x800  }
0x192: {  	[sflag:s22] =	ssyncset.done $0x0  }
0x193: {  	[sflag:s22] =	ssyncadd.s32 $0xFFFFF800  }
0x194: {  	_ =	strace $0x9000008B  }
0x195: {  	_ =	strace $0x8000008C  }
0x196: {  	_ =	swait.ge [sflag:s30], $0x800  }
0x197: {  	s11 =	sadd.s32 $0x1, s11;
	s26 =	rddreg [dreg:$0x8]  }
0x198: {  	p0 =	sne.s32 s11, s26  }
.Ltmp3:
0x199: {  	_ = 	snop;
	(pc) =	sbr.rel @p0 .LBB2_1-.Ltmp3, $4  }
0x19a: {  	_ = 	snop  }
0x19b: {  	[sflag:s30] =	ssyncset.done $0x0  }
0x19c: {  	[sflag:s30] =	ssyncadd.s32 $0xFFFFF800  }
0x19d: {  	_ =	strace $0x9000008C  }
0x19e: {  	_ =	sfence.sel $0x180000  }
0x19f: {  	[bflag:$0x0] =	sbarrier.arrive $0xFFFF  }
0x1a0: {  	_ =	strace $0x90000070  }
0x1a1: {  	s0 =	stileid.u32;
	[bflag:$0x2] =	sbarrier.arrive $0xFFFF  }
0x1a2: {  	p0 =	sne.s32 s0, $0x0;
	s0 =	rddreg [dreg:$0x2]  }
0x1a3: {  	s0 =	sadd.s32 @!p0 $0x100000, s0  }
0x1a4: {  	[sflag:s0] =	ssyncadd.tile.s32 @!p0 $0x1;
	_ =	shalt  }
.Lfunc_end2:
_tile_overlayer_lowered:
.L_overlay_start_2:
0x1a5: {  	(tag) =	ssettag $0x2  }
0x1a6: {  	s0 =	rddreg [dreg:$0x0];
	s2 =	stileid.u32  }
0x1a7: {  	s1 =	rddreg [dreg:$0x1];
	p0 =	sne.s32 s2, $0x0  }
0x1a8: {  	s3 =	rddreg [dreg:$0x2];
	[bflag:$0x3] =	sbarrier.arrive $0xFFFF;
	s2 =	simm.s32 @!p0 $0x1C01  }
0x1a9: {  	[timem:s3], [sflag:s2] =	dma.local @!p0 [hbm:s0], s1  }
0x1aa: {  	s0 =	simm.s32 @!p0 $0x1  }
0x1ab: {  	_ =	swait.ge @!p0 [sflag:s0], s1  }
0x1ac: {  	s1 =	ssub.s32 @!p0 $0x0, s1;
	[sflag:s0] =	ssyncset.done @!p0 $0x0  }
0x1ad: {  	[sflag:s0] =	ssyncadd.s32 @!p0 s1  }
0x1ae: {  	[bflag:$0x3] =	sbarrier.arrive $0xFFFF  }
0x1af: {  	_ =	shalt  }

// kernel: kernel.8.cloned.1.call-start
scs
__scs_entry_jumppad:
0x0: {  	(pc) =	sbr.rel $0x88, $3  }
0x1: {  	(tag) =	ssettag $0x0;
	lr =	simm.s32 $0x1  }
0x2: {  	[smem:$0x3F95] =	sst lr;
	_ =	strace $0xD0000000  }
0x3: {  	_ = 	snop  }
0x4: {  	_ = 	snop  }
0x5: {  	_ = 	snop  }
0x6: {  	_ = 	snop  }
0x7: {  	_ = 	snop  }
__scs_overlays_trampoline_lowered:
0x8: {  	[smem:$0x3FA4] =	sst s0  }
0x9: {  	[smem:$0x3FA5] =	sst s1  }
0xa: {  	[smem:$0x3FA6] =	sst s2  }
0xb: {  	[smem:$0x3FA7] =	sst s3  }
0xc: {  	[smem:$0x3FA8] =	sst s4  }
0xd: {  	[smem:$0x3FA9] =	sst s5  }
0xe: {  	[smem:$0x3FAA] =	sst s6  }
0xf: {  	[smem:$0x3FAB] =	sst s7  }
0x10: {  	[smem:$0x3FAC] =	sst s8  }
0x11: {  	[smem:$0x3FAD] =	sst s9;
	s0 =	simm.s32 @!p0 $0x0  }
0x12: {  	s1 =	sld [smem:$0x3F93];
	s0 =	simm.s32 @p0 $0x1  }
0x13: {  	[smem:$0x3FAE] =	sst s0;
	s0 =	simm.s32 @!p1 $0x0  }
0x14: {  	s2 =	sld [smem:$0x3F92];
	s0 =	simm.s32 @p1 $0x1  }
0x15: {  	[smem:$0x3FAF] =	sst s0;
	s0 =	simm.s32 @!p2 $0x0  }
0x16: {  	s3 =	sld [smem:$0x3FDB];
	s0 =	simm.s32 @p2 $0x1  }
0x17: {  	s4 =	simm.s32 $0x1BF5;
	[smem:$0x3FB1] =	sst s0  }
0x18: {  	s0 =	sld [smem:$0x3F94];
	_ =	swait.ge [sflag:s4], $0x0  }
0x19: {  	s7 =	sld [smem:$0x3F95]  }
0x1a: {  	s8 =	sadd.s32 $0xFFFFE003, lr  }
0x1b: {  	s9 =	sadd.s32 $0xFFFFFEF7, lr;
	s5 =	simm.s32 $0xFFFFFFFF;
	p2 =	slt.u32 s8, $0xFFFFF086  }
0x1c: {  	p1 =	slt.u32 s9, $0xF7A;
	s5 =	simm.s32 @!p2 $0x0  }
0x1d: {  	s5 =	simm.s32 @p1 $0x1;
	p0 =	seq.s32 s7, s2  }
0x1e: {  	s7 =	smul.u32 @!p0 $0xF7A, s2;
	p2 =	seq.s32 @!p0 s5, $0x0  }
0x1f: {  	s9 =	smul.u32 $0xF7A, s1;
	s8 =	simm.s32 @!p0 $0x1BF5;
	p2 =	por !p2, p0  }
0x20: {  	[sflag:s8] =	ssyncset.s32 @!p0 $0xFFFFF086;
	s6 =	sadd.s32 @!p0 s3, s7;
	s7 =	simm.s32 @!p0 $0x108  }
0x21: {  	s3 =	sadd.s32 s3, s9;
	s6 =	sadd.s32 @!p0 $0x88, s6;
	s7 =	simm.s32 @p2 $0x1082  }
0x22: {  	[simem:s7], [sflag:s8] =	dma.local @!p0 [hbm:s6], $0xF7A  }
0x23: {  	s9 =	sor.u32 $0xD0000000, s2;
	s6 =	simm.s32 $0x108;
	_ =	swait.ge @!p0 [sflag:s8], $0x0  }
0x24: {  	s3 =	sadd.s32 $0x88, s3;
	s6 =	simm.s32 @!p1 $0x1082;
	[sflag:s4] =	ssyncset.s32 $0xFFFFF086  }
0x25: {  	[simem:s6], [sflag:s4] =	dma.local [hbm:s3], $0xF7A  }
0x26: {  	[smem:$0x3F95] =	sst s1;
	(tag) =	ssettag s2;
	_ =	strace s9  }
0x27: {  	s1 =	sld [smem:$0x3FA5]  }
0x28: {  	s2 =	sld [smem:$0x3FA6]  }
0x29: {  	s4 =	sld [smem:$0x3FA8]  }
0x2a: {  	p0 =	seq.s32 s5, $0x0;
	s5 =	sld [smem:$0x3FA9]  }
0x2b: {  	s6 =	sld [smem:$0x3FAA]  }
0x2c: {  	s7 =	sld [smem:$0x3FAB]  }
0x2d: {  	s3 =	simm.s32 $0x108;
	s8 =	sld [smem:$0x3FAC]  }
0x2e: {  	s3 =	simm.s32 @!p0 $0x1082;
	s9 =	sld [smem:$0x3FAD]  }
0x2f: {  	lr =	sadd.s32 s0, s3;
	s0 =	sld [smem:$0x3FA4]  }
0x30: {  	s3 =	sld [smem:$0x3FA7]  }
0x31: {  	[smem:$0x3FB0] =	sst s10  }
0x32: {  	s10 =	sld [smem:$0x3FAE];
	_ =	sdelay $0x3  }
0x33: {  	p0 =	seq.s32 s10, $0x1;
	s10 =	sld [smem:$0x3FB0];
	_ =	sdelay $0x3  }
0x34: {  	[smem:$0x3FB0] =	sst s10  }
0x35: {  	s10 =	sld [smem:$0x3FAF];
	_ =	sdelay $0x3  }
0x36: {  	p1 =	seq.s32 s10, $0x1;
	s10 =	sld [smem:$0x3FB0];
	_ =	sdelay $0x3  }
0x37: {  	[smem:$0x3FB0] =	sst s10  }
0x38: {  	s10 =	sld [smem:$0x3FB1]  }
0x39: {  	_ = 	snop;
	(pc) =	sbr.ind lr, $3  }
0x3a: {  	_ = 	snop  }
0x3b: {  	_ = 	snop  }
0x3c: {  	p2 =	seq.s32 s10, $0x1;
	s10 =	sld [smem:$0x3FB0]  }
0x3d: {  	_ =	shalt  }
0x3e: {  	_ =	shalt  }
0x3f: {  	_ =	shalt  }
0x40: {  	_ =	shalt  }
0x41: {  	_ =	shalt  }
0x42: {  	_ =	shalt  }
0x43: {  	_ =	shalt  }
0x44: {  	_ =	shalt  }
0x45: {  	_ =	shalt  }
0x46: {  	_ =	shalt  }
0x47: {  	_ =	shalt  }
0x48: {  	_ =	shalt  }
0x49: {  	_ =	shalt  }
0x4a: {  	_ =	shalt  }
0x4b: {  	_ =	shalt  }
0x4c: {  	_ =	shalt  }
0x4d: {  	_ =	shalt  }
0x4e: {  	_ =	shalt  }
0x4f: {  	_ =	shalt  }
0x50: {  	_ =	shalt  }
0x51: {  	_ =	shalt  }
0x52: {  	_ =	shalt  }
0x53: {  	_ =	shalt  }
0x54: {  	_ =	shalt  }
0x55: {  	_ =	shalt  }
0x56: {  	_ =	shalt  }
0x57: {  	_ =	shalt  }
0x58: {  	_ =	shalt  }
0x59: {  	_ =	shalt  }
0x5a: {  	_ =	shalt  }
0x5b: {  	_ =	shalt  }
0x5c: {  	_ =	shalt  }
0x5d: {  	_ =	shalt  }
0x5e: {  	_ =	shalt  }
0x5f: {  	_ =	shalt  }
0x60: {  	_ =	shalt  }
0x61: {  	_ =	shalt  }
0x62: {  	_ =	shalt  }
0x63: {  	_ =	shalt  }
0x64: {  	_ =	shalt  }
0x65: {  	_ =	shalt  }
0x66: {  	_ =	shalt  }
0x67: {  	_ =	shalt  }
0x68: {  	_ =	shalt  }
0x69: {  	_ =	shalt  }
0x6a: {  	_ =	shalt  }
0x6b: {  	_ =	shalt  }
0x6c: {  	_ =	shalt  }
0x6d: {  	_ =	shalt  }
0x6e: {  	_ =	shalt  }
0x6f: {  	_ =	shalt  }
0x70: {  	_ =	shalt  }
0x71: {  	_ =	shalt  }
0x72: {  	_ =	shalt  }
0x73: {  	_ =	shalt  }
0x74: {  	_ =	shalt  }
0x75: {  	_ =	shalt  }
0x76: {  	_ =	shalt  }
0x77: {  	_ =	shalt  }
0x78: {  	_ =	shalt  }
0x79: {  	_ =	shalt  }
0x7a: {  	_ =	shalt  }
0x7b: {  	_ =	shalt  }
0x7c: {  	_ =	shalt  }
0x7d: {  	_ =	shalt  }
0x7e: {  	_ =	shalt  }
0x7f: {  	_ =	shalt  }
0x80: {  	_ =	shalt  }
0x81: {  	_ =	shalt  }
0x82: {  	_ =	shalt  }
0x83: {  	_ =	shalt  }
0x84: {  	_ =	shalt  }
0x85: {  	_ =	shalt  }
0x86: {  	_ =	shalt  }
0x87: {  	_ =	shalt  }
.Lfunc_end0:
.L_simem_size_0:
called_computation_lowered:
.L_overlay_start_0:
0x88: {  	s2 =	sld [smem:$0x3FD9]  }
0x89: {  	s3 =	sld [smem:$0x3FFE];
	_ =	sdelay $0x1  }
0x8a: {  	s1 =	srdreg.scid  }
0x8b: {  	s0 =	sand.u32 $0x1, s1  }
0x8c: {  	s17 =	sshll.u32 s0, $0xA;
	s2 =	sadd.s32 s3, s2  }
0x8d: {  	s2 =	sadd.s32 s2, s17  }
0x8e: {  	[smem:$0x3FBC] =	sst s2  }
0x8f: {  	_ = 	snop  }
0x90: {  	(tm) =	ssettm $0x1  }
0x91: {  	s18 =	sld [smem:$0x3FFB];
	_ =	sdelay $0x3  }
0x92: {  	_ =	strace s18  }
0x93: {  	s2 =	sld [smem:$0x3FFC];
	_ =	sdelay $0x3  }
0x94: {  	_ =	strace s2  }
0x95: {  	s2 =	sld [smem:$0x3FFD];
	_ =	sdelay $0x3  }
0x96: {  	_ =	strace s2  }
0x97: {  	_ =	strace $0x8FFFFFFF  }
0x98: {  	s19 =	sld [smem:$0x3FDB];
	_ =	sdelay $0x1  }
0x99: {  	s20 =	simm.s32 $_scs_section_size  }
0x9a: {  	s4 =	simm.s32 $_size__tile_overlayer_lowered;
	s5 =	simm.s32 $_tile_overlayer_lowered  }
0x9b: {  	s6 =	simm.s32 $0x1BFF;
	s21 =	sshll.u32 s5, $0x1;
	s3 =	sadd.s32 s20, s19  }
0x9c: {  	s22 =	simm.s32 $0x0;
	s4 =	sshll.u32 s4, $0x1;
	s5 =	sadd.s32 s21, s3  }
0x9d: {  	[timem:s22], [sflag:s6] =	dma.local [hbm:s5], s4  }
0x9e: {  	_ =	swait.ge [sflag:s6], s4  }
0x9f: {  	s4 =	ssub.s32 $0x0, s4;
	[sflag:s6] =	ssyncset.done $0x0  }
0xa0: {  	[sflag:s6] =	ssyncadd.s32 s4;
	_ =	sdelay $0x1  }
0xa1: {  	s23 =	simm.s32 $0x1B8B  }
0xa2: {  	_ =	swait.ge [sflag:s23], $0x1  }
0xa3: {  	[sflag:s23] =	ssyncset.done $0x0  }
0xa4: {  	[sflag:s23] =	ssyncadd.s32 $0xFFFFFFFF  }
0xa5: {  	s4 =	sld [smem:$0x0]  }
0xa6: {  	s5 =	sand.u32 $0xFFFFFFFE, s1  }
0xa7: {  	p0 =	sne.s32 s1, s5  }
0xa8: {  	s5 =	sshll.u32 @p0 s5, $0xE  }
0xa9: {  	s5 =	sadd.s32 @p0 $0x11B8D, s5;
	s6 =	sshll.u32 @p0 s4, $0x11  }
0xaa: {  	s5 =	sor.u32 @p0 s6, s5  }
0xab: {  	[sflag:s5] =	ssyncadd.remote.s32 @p0 $0x1;
	_ =	sdelay $0x1  }
0xac: {  	s5 =	simm.s32 @p0 $0x1B8D  }
0xad: {  	_ =	swait.eq @p0 [sflag:s5], $0x1  }
0xae: {  	[sflag:s5] =	ssyncadd.s32 @p0 $0xFFFFFFFF  }
0xaf: {  	s6 =	sshll.u32 @!p0 s1, $0xE  }
0xb0: {  	s6 =	sor.u32 @!p0 $0x4000, s6;
	s5 =	simm.s32 @!p0 $0x1B8D  }
0xb1: {  	s4 =	sshll.u32 @!p0 s4, $0x11;
	s6 =	sadd.s32 @!p0 $0x11B8D, s6;
	_ =	swait.eq @!p0 [sflag:s5], $0x1  }
0xb2: {  	s4 =	sor.u32 @!p0 s4, s6;
	[sflag:s5] =	ssyncadd.s32 @!p0 $0xFFFFFFFF  }
0xb3: {  	s25 =	simm.s32 $0x1B8E;
	s24 =	sld [smem:$0x3FFE];
	[sflag:s4] =	ssyncadd.remote.s32 @!p0 $0x1  }
0xb4: {  	s26 =	simm.s32 $execute0_lowered;
	[smem:$0x3FD2] =	sst s25  }
0xb5: {  	s5 =	sshll.u32 s26, $0x1;
	_ =	strace $0x80000065;
	[dreg:$0x1] =	wrdreg $0xFFFFFFFF  }
0xb6: {  	s28 =	simm.s32 $_size_execute0_lowered;
	s3 =	sadd.s32 s3, s5;
	[dreg:$0x0] =	wrdreg $0x0  }
0xb7: {  	s5 =	sshll.u32 s28, $0x1;
	[dreg:$0x2] =	wrdreg s3  }
0xb8: {  	[dreg:$0x3] =	wrdreg s5  }
0xb9: {  	[dreg:$0x4] =	wrdreg $0xC0  }
0xba: {  	_ =	task [dreg:s22], $0x5FFFF  }
0xbb: {  	[dreg:$0x1] =	wrdreg $0xFFFFFFFF  }
0xbc: {  	[dreg:$0x0] =	wrdreg $0x60  }
0xbd: {  	[dreg:$0x2] =	wrdreg s24  }
0xbe: {  	[dreg:$0x3] =	wrdreg $0x0  }
0xbf: {  	[dreg:$0x4] =	wrdreg $0x9  }
0xc0: {  	_ =	task.clear_ibuf [dreg:s22], $0x5FFFF;
	_ =	strace $0x90000065  }
0xc1: {  	s29 =	simm.s32 $0x9;
	_ =	strace $0x8000006E  }
0xc2: {  	_ =	swait.ge [sflag:s29], $0x1  }
0xc3: {  	[sflag:s29] =	ssyncadd.s32 $0xFFFFFFFF  }
0xc4: {  	_ =	strace $0x9000006E  }
0xc5: {  	_ =	sfence  }
0xc6: {  	s30 =	sld [smem:$0x0];
	_ =	sdelay $0x2  }
0xc7: {  	s31 =	sshll.u32 s1, $0xD;
	s1 =	sshrl.u32 s1, $0x2  }
0xc8: {  	s4 =	sand.u32 $0x4000, s31;
	s1 =	sadd.s32 s1, s30  }
0xc9: {  	s0 =	sor.u32 s4, s0;
	s1 =	sshll.u32 s1, $0x11  }
0xca: {  	s0 =	sor.u32 s1, s0  }
0xcb: {  	s0 =	sadd.s32 $0x8F2B, s0  }
0xcc: {  	[sflag:s0] =	ssyncadd.remote.s32 $0x1  }
0xcd: {  	_ =	sfence.sel $0xFFFF  }
0xce: {  	[dreg:$0x0] =	wrdreg $0xFFFFFFFF;
	(pc) =	sbr.abs _section_cstart, $3  }
0xcf: {  	[dreg:$0x1] =	wrdreg $0xFFFFFFFF  }
0xd0: {  	_ =	task.clear_ibuf [dreg:s22], $0x2FFFF;
	_ =	strace $0x9FFFFFFF  }
0xd1: {  	(tm) =	ssettm $0x7FFFFFFF  }
tec
execute0_lowered:
.L_overlay_start_1:
0x0: {  	(tag) =	ssettag $0x1  }
0x1: {  	s5 =	rddreg [dreg:$0x0]  }
0x2: {  	s1 =	rddreg [dreg:$0x1]  }
0x3: {  	s0 =	rddreg [dreg:$0x2];
	s2 =	simm.s32 $0x0;
	s3 =	srdreg.scid  }
0x4: {  	s8 =	stileid.u32;
	s30 =	simm.s32 $0x80;
	s31 =	simm.s32 $0xF600  }
0x5: {  	s11 =	simm.s32 $0x5;
	s12 =	simm.s32 $0x0;
	[smem:$0x7FF] =	sst s2  }
0x6: {  	s6 =	sand.u32 $0x1, s3;
	s3 =	sadd.s32 $0x1F6800, s5;
	s4 =	sadd.s32 $0x27D400, s5  }
0x7: {  	v0 =	vlaneseq.u32;
	s5 =	sadd.s32 $0x28A400, s5;
	p0 =	sne.s32 s8, $0x0;
	_ =	strace $0x80000066  }
0x8: {  	v0 =	vmul.u32 $0x10, v0;
	s7 =	sshll.u32 s6, $0x4;
	s6 =	ssub.s32 $0x2, s6;
	[dreg:$0x5] =	wrdreg s5  }
0x9: {  	[dreg:$0x4] =	wrdreg s30;
	s7 =	sor.u32 s8, s7;
	s9 =	sshrl.u32 s6, $0x1  }
0xa: {  	[dreg:$0x3] =	wrdreg s31;
	v1 =	vor.u32 $0x100, v0;
	s10 =	smul.u32 $0x680, s7;
	s9 =	ssub.s32 s6, s9  }
0xb: {  	s8 =	sshrl.u32 @!p0 s1, $0x3;
	v2 =	vor.u32 $0x200, v0;
	v3 =	vor.u32 $0x300, v0;
	v4 =	vor.u32 $0x400, v0;
	s5 =	smul.u32 $0x68, s7;
	s7 =	smax.u32 s9, $0x1  }
0xc: {  	v5 =	vor.u32 $0x500, v0;
	v6 =	vor.u32 $0x600, v0;
	v7 =	vor.u32 $0x700, v0;
	s9 =	simm.s32 $0xFE80;
	s6 =	sadd.s32 s4, s10;
	s10 =	simm.s32 $0xF680  }
.LBB2_1:
0xd: {  	s13 =	simm.s32 @!p0 $0x1C01  }
0xe: {  	[spmem:s8], [sflag:s13] =	dma.local @!p0 [hbm:s3], $0x1EC00  }
0xf: {  	s13 =	simm.s32 @!p0 $0x1  }
0x10: {  	_ =	swait.ge @!p0 [sflag:s13], $0x1EC00  }
0x11: {  	[sflag:s13] =	ssyncset.done @!p0 $0x0  }
0x12: {  	[sflag:s13] =	ssyncadd.s32 @!p0 $0xFFFE1400  }
0x13: {  	s15 =	simm.s32 $0x0;
	s14 =	simm.s32 $0x0;
	[bflag:$0x0] =	sbarrier.arrive $0xFFFF  }
0x14: {  	s16 =	simm.s32 $0x0;
	s17 =	simm.s32 $0x0;
	_ =	strace $0x80000067  }
0x15: {  	[tilespmem:s9], [sflag:$0x1] =	stream.linear.gather [hbm4b:s6+s2], $0x80, $0x200038;
	[tilespmem:$0x10080] =	vst v63  }
0x16: {  	s18 =	simm.s32 $0x1;
	s13 =	simm.s32 $0x68;
	_ =	strace $0x90000067  }
.LBB2_2:
0x17: {  	s20 =	smov.u32 s15;
	s15 =	sadd.s32 $0x1, s15  }
0x18: {  	p1 =	seq.s32 s15, $0x68  }
0x19: {  	s15 =	simm.s32 @p1 $0x0  }
0x1a: {  	p2 =	sne.s32 s13, $0x1;
	p1 =	sne.s32 s20, s15  }
0x1b: {  	p2 =	por !p2, !p1  }
0x1c: {  	s19 =	sadd.s32 s5, s15;
	p2 =	por !p2, !p2  }
0x1d: {  	s21 =	sand.u32 @p2 $0x1, s18;
	_ =	strace @p2 $0x80000068;
	s23 =	sshll.u32 @p2 s19, $0x4  }
0x1e: {  	s24 =	simm.s32 @p2 $0x0;
	s22 =	sshll.u32 @p2 s21, $0x7;
	s23 =	sand.u32 @p2 $0x1FFFFFF0, s23  }
0x1f: {  	s21 =	sadd.s32 @p2 $0x1, s21;
	s22 =	sadd.s32 @p2 $0xFE80, s22;
	s23 =	sadd.s32 @p2 s4, s23  }
0x20: {  	[tilespmem:s22], [sflag:s21] =	stream.linear.gather @p2 [hbm4b:s23+s24], $0x80, $0x200038;
	[tilespmem:$0x10080] =	vst v63  }
0x21: {  	s26 =	sand.u32 $0x1, s17;
	_ =	strace @p2 $0x90000068  }
0x22: {  	s21 =	sadd.s32 $0x1, s26;
	_ =	strace $0x80000069  }
0x23: {  	_ =	swait.ge [sflag:s21], $0x80  }
0x24: {  	[sflag:s21] =	ssyncset.done $0x0  }
0x25: {  	[sflag:s21] =	ssyncadd.s32 $0xFFFFFF80  }
0x26: {  	s28 =	sshll.u32 s17, $0x7;
	_ =	strace $0x90000069  }
0x27: {  	s23 =	sand.u32 $0x80, s28;
	_ =	strace $0x8000006A  }
0x28: {  	v8 =	vld [tilespmem:s23+$0xFE80];
	_ =	sdelay $0x4  }
0x29: {  	v8 =	vshrl.u32 v8, $0x4  }
0x2a: {  	[tilespmem:$0xF600] =	vst v8  }
0x2b: {  	v8 =	vld [tilespmem:s23+$0xFE90];
	_ =	sdelay $0x4  }
0x2c: {  	v8 =	vshrl.u32 v8, $0x4  }
0x2d: {  	[tilespmem:$0xF610] =	vst v8  }
0x2e: {  	v8 =	vld [tilespmem:s23+$0xFEA0];
	_ =	sdelay $0x4  }
0x2f: {  	v8 =	vshrl.u32 v8, $0x4  }
0x30: {  	[tilespmem:$0xF620] =	vst v8  }
0x31: {  	v8 =	vld [tilespmem:s23+$0xFEB0];
	_ =	sdelay $0x4  }
0x32: {  	v8 =	vshrl.u32 v8, $0x4  }
0x33: {  	[tilespmem:$0xF630] =	vst v8  }
0x34: {  	v8 =	vld [tilespmem:s23+$0xFEC0];
	_ =	sdelay $0x4  }
0x35: {  	v8 =	vshrl.u32 v8, $0x4  }
0x36: {  	[tilespmem:$0xF640] =	vst v8  }
0x37: {  	v8 =	vld [tilespmem:s23+$0xFED0];
	_ =	sdelay $0x4  }
0x38: {  	v8 =	vshrl.u32 v8, $0x4  }
0x39: {  	[tilespmem:$0xF650] =	vst v8  }
0x3a: {  	v8 =	vld [tilespmem:s23+$0xFEE0];
	_ =	sdelay $0x4  }
0x3b: {  	v8 =	vshrl.u32 v8, $0x4  }
0x3c: {  	[tilespmem:$0xF660] =	vst v8  }
0x3d: {  	v8 =	vld [tilespmem:s23+$0xFEF0];
	_ =	sdelay $0x4  }
0x3e: {  	s29 =	rddreg [dreg:$0x3];
	v8 =	vshrl.u32 v8, $0x4  }
0x3f: {  	s30 =	rddreg [dreg:$0x4];
	[tilespmem:$0xF670] =	vst v8  }
0x40: {  	[tilespmem:s10], [sflag:$0x5] =	stream.indirect.gather [spmem:s1], $0x10, s29, s30, $0x2000b8;
	[tilespmem:$0x10080] =	vst v63  }
0x41: {  	_ =	swait.ge [sflag:s11], $0x800  }
0x42: {  	[sflag:s11] =	ssyncset.done $0x0  }
0x43: {  	[sflag:s11] =	ssyncadd.s32 $0xFFFFF800  }
0x44: {  	v8 =	vld [tilespmem:s23+$0xFE80];
	_ =	sdelay $0x4  }
0x45: {  	v8 =	vand.u32 $0xF, v8  }
0x46: {  	v8 =	vor.u32 v0, v8  }
0x47: {  	s25 =	sadd.s32 s5, s20  }
0x48: {  	s31 =	smulhi.u32 $0x4EC4EC4F, s25;
	s28 =	sshra.s32 s25, $0x1F;
	s21 =	sand.u32 $0x1, s16  }
0x49: {  	s26 =	smul.u32 $0x4EC4EC4F, s28;
	s22 =	sshll.u32 s21, $0x7  }
0x4a: {  	v9 =	vld [tilespmem:s22+$0xFF80]  }
0x4b: {  	s24 =	sadd.s32 s26, s31;
	v8 =	vld.idx.msk [tilespmem:v8+s10+$0x0], $0xffff  }
0x4c: {  	s26 =	sshrl.u32 s24, $0x1F;
	s24 =	sshra.s32 s24, $0x3  }
0x4d: {  	s24 =	sadd.s32 s26, s24  }
0x4e: {  	s26 =	smul.u32 $0xFFFFFFE6, s24;
	_ =	sdelay $0x1  }
0x4f: {  	s26 =	sadd.s32 s25, s26;
	v9 =	vadd.f32 v9, v8  }
0x50: {  	p3 =	seq.s32 s26, $0x0  }
0x51: {  	v8 =	vpsel p3, v8, v9  }
0x52: {  	[tilespmem:s22+$0xFF80] =	vst v8  }
0x53: {  	v8 =	vld [tilespmem:s23+$0xFE90];
	_ =	sdelay $0x4  }
0x54: {  	v8 =	vand.u32 $0xF, v8  }
0x55: {  	v8 =	vor.u32 v1, v8;
	_ =	sdelay $0x3  }
0x56: {  	v57 =	vld [tilespmem:s22+$0xFF90]  }
0x57: {  	v8 =	vld.idx.msk [tilespmem:v8+s10+$0x0], $0xffff;
	_ =	sdelay $0x4  }
0x58: {  	v9 =	vadd.f32 v57, v8;
	_ =	sdelay $0x1  }
0x59: {  	v8 =	vpsel p3, v8, v9  }
0x5a: {  	[tilespmem:s22+$0xFF90] =	vst v8  }
0x5b: {  	v8 =	vld [tilespmem:s23+$0xFEA0];
	_ =	sdelay $0x4  }
0x5c: {  	v8 =	vand.u32 $0xF, v8  }
0x5d: {  	v8 =	vor.u32 v2, v8;
	_ =	sdelay $0x3  }
0x5e: {  	v58 =	vld [tilespmem:s22+$0xFFA0]  }
0x5f: {  	v8 =	vld.idx.msk [tilespmem:v8+s10+$0x0], $0xffff;
	_ =	sdelay $0x4  }
0x60: {  	v9 =	vadd.f32 v58, v8;
	_ =	sdelay $0x1  }
0x61: {  	v8 =	vpsel p3, v8, v9  }
0x62: {  	[tilespmem:s22+$0xFFA0] =	vst v8  }
0x63: {  	v8 =	vld [tilespmem:s23+$0xFEB0];
	_ =	sdelay $0x4  }
0x64: {  	v8 =	vand.u32 $0xF, v8  }
0x65: {  	v8 =	vor.u32 v3, v8;
	_ =	sdelay $0x3  }
0x66: {  	v59 =	vld [tilespmem:s22+$0xFFB0]  }
0x67: {  	v8 =	vld.idx.msk [tilespmem:v8+s10+$0x0], $0xffff;
	_ =	sdelay $0x4  }
0x68: {  	v9 =	vadd.f32 v59, v8;
	_ =	sdelay $0x1  }
0x69: {  	v8 =	vpsel p3, v8, v9  }
0x6a: {  	[tilespmem:s22+$0xFFB0] =	vst v8  }
0x6b: {  	v8 =	vld [tilespmem:s23+$0xFEC0];
	_ =	sdelay $0x4  }
0x6c: {  	v8 =	vand.u32 $0xF, v8  }
0x6d: {  	v8 =	vor.u32 v4, v8;
	_ =	sdelay $0x3  }
0x6e: {  	v60 =	vld [tilespmem:s22+$0xFFC0]  }
0x6f: {  	v8 =	vld.idx.msk [tilespmem:v8+s10+$0x0], $0xffff;
	_ =	sdelay $0x4  }
0x70: {  	v9 =	vadd.f32 v60, v8;
	_ =	sdelay $0x1  }
0x71: {  	v8 =	vpsel p3, v8, v9  }
0x72: {  	[tilespmem:s22+$0xFFC0] =	vst v8  }
0x73: {  	v8 =	vld [tilespmem:s23+$0xFED0];
	_ =	sdelay $0x4  }
0x74: {  	v8 =	vand.u32 $0xF, v8  }
0x75: {  	v8 =	vor.u32 v5, v8;
	_ =	sdelay $0x3  }
0x76: {  	v61 =	vld [tilespmem:s22+$0xFFD0]  }
0x77: {  	v8 =	vld.idx.msk [tilespmem:v8+s10+$0x0], $0xffff;
	_ =	sdelay $0x4  }
0x78: {  	v9 =	vadd.f32 v61, v8;
	_ =	sdelay $0x1  }
0x79: {  	v8 =	vpsel p3, v8, v9  }
0x7a: {  	[tilespmem:s22+$0xFFD0] =	vst v8  }
0x7b: {  	v8 =	vld [tilespmem:s23+$0xFEE0];
	_ =	sdelay $0x4  }
0x7c: {  	v8 =	vand.u32 $0xF, v8  }
0x7d: {  	v8 =	vor.u32 v6, v8;
	_ =	sdelay $0x3  }
0x7e: {  	v62 =	vld [tilespmem:s22+$0xFFE0]  }
0x7f: {  	v8 =	vld.idx.msk [tilespmem:v8+s10+$0x0], $0xffff;
	_ =	sdelay $0x4  }
0x80: {  	v9 =	vadd.f32 v62, v8;
	_ =	sdelay $0x1  }
0x81: {  	v8 =	vpsel p3, v8, v9  }
0x82: {  	[tilespmem:s22+$0xFFE0] =	vst v8  }
0x83: {  	v8 =	vld [tilespmem:s23+$0xFEF0];
	_ =	sdelay $0x3  }
0x84: {  	p4 =	seq.s32 s20, $0x0  }
0x85: {  	s28 =	sshra.s32 s19, $0x1F;
	s29 =	smulhi.u32 $0x4EC4EC4F, s19;
	s23 =	sadd.s32 $0xFFFFFFFF, s20;
	v8 =	vand.u32 $0xF, v8  }
0x86: {  	s30 =	smul.u32 $0x4EC4EC4F, s28;
	s23 =	simm.s32 @p4 $0x67;
	v8 =	vor.u32 v7, v8  }
0x87: {  	p5 =	sne.s32 s26, $0x0;
	s23 =	sadd.s32 s5, s23  }
0x88: {  	s20 =	sadd.s32 s30, s29;
	s31 =	smulhi.u32 $0x4EC4EC4F, s23;
	s29 =	sshra.s32 s23, $0x1F  }
0x89: {  	s30 =	sshrl.u32 s20, $0x1F;
	s20 =	sshra.s32 s20, $0x3;
	s26 =	smul.u32 $0x4EC4EC4F, s29  }
0x8a: {  	p6 =	slt.s32 s25, $0x1;
	s28 =	simm.s32 $0x1;
	v63 =	vld [tilespmem:s22+$0xFFF0];
	s20 =	sadd.s32 s30, s20  }
0x8b: {  	p4 =	por !p6, !p5;
	s25 =	sadd.s32 s26, s31;
	s31 =	smul.u32 $0xFFFFFFE6, s20;
	v8 =	vld.idx.msk [tilespmem:v8+s10+$0x0], $0xffff  }
0x8c: {  	p5 =	slt.s32 s19, $0x1;
	s19 =	ssub.s32 $0x0, s19;
	p4 =	por !p4, !p4  }
0x8d: {  	s28 =	simm.s32 @!p4 $0x0;
	p4 =	seq.s32 s13, $0x1;
	p6 =	sne.s32 s31, s19  }
0x8e: {  	s29 =	sshrl.u32 s25, $0x1F;
	s25 =	sshra.s32 s25, $0x3;
	p5 =	por !p5, !p6  }
0x8f: {  	s19 =	sadd.s32 s29, s25;
	s25 =	simm.s32 $0x1;
	p5 =	por !p5, !p5  }
0x90: {  	s24 =	ssub.s32 s24, s28;
	s30 =	smul.u32 $0xFFFFFFE6, s19;
	s25 =	simm.s32 @!p5 $0x0;
	v9 =	vadd.f32 v63, v8  }
0x91: {  	p1 =	por p4, p1;
	s31 =	ssub.s32 $0x0, s23;
	s20 =	ssub.s32 s20, s25  }
0x92: {  	p5 =	sne.s32 s30, s31;
	p6 =	sne.s32 s24, s20;
	v8 =	vpsel p3, v8, v9;
	p3 =	slt.s32 s23, $0x1  }
0x93: {  	s20 =	simm.s32 $0x1;
	[tilespmem:s22+$0xFFF0] =	vst v8;
	p5 =	por !p3, !p5;
	p3 =	por p4, p6  }
0x94: {  	p6 =	sne.s32 s13, $0x68;
	_ =	strace $0x9000006A;
	p5 =	por !p5, !p5  }
0x95: {  	s21 =	sadd.s32 @p3 $0x3, s21;
	_ =	strace @p3 $0x8000006B;
	s20 =	simm.s32 @!p5 $0x0  }
0x96: {  	s23 =	rddreg [dreg:$0x5];
	s19 =	ssub.s32 s19, s20;
	s20 =	sshll.u32 @p3 s24, $0x4  }
0x97: {  	p5 =	sne.s32 s24, s19;
	s19 =	sadd.s32 $0xFF80, s22;
	s20 =	sand.u32 @p3 $0x1FFFFFF0, s20  }
0x98: {  	s22 =	simm.s32 @p3 $0x0;
	p5 =	por !p6, !p5;
	s20 =	sadd.s32 @p3 s23, s20  }
0x99: {  	[hbm4b:s20+s22] =	stream.linear.scatter @p3 [tilespmem:s19], [sflag:s21], $0x80, $0x200038;
	[tilespmem:$0x10080] =	vst v63  }
0x9a: {  	s13 =	sadd.s32 $0xFFFFFFFF, s13;
	p5 =	por !p5, !p5;
	s20 =	simm.s32 $0x1  }
0x9b: {  	_ =	strace @p3 $0x9000006B;
	s19 =	sand.u32 @p5 $0x1, s14;
	s20 =	simm.s32 @!p2 $0x0  }
0x9c: {  	_ =	strace @p5 $0x8000006C;
	s18 =	sadd.s32 s20, s18;
	s20 =	simm.s32 $0x1  }
0x9d: {  	s19 =	sadd.s32 @p5 $0x3, s19;
	s20 =	simm.s32 @!p1 $0x0;
	p1 =	sne.s32 s13, $0x0  }
.Ltmp0:
0x9e: {  	_ =	swait.ge @p5 [sflag:s19], $0x80;
	(pc) =	sbr.rel @p1 .LBB2_2-.Ltmp0, $4  }
0x9f: {  	s21 =	simm.s32 $0x1;
	[sflag:s19] =	ssyncset.done @p5 $0x0  }
0xa0: {  	s21 =	simm.s32 @!p3 $0x0;
	[sflag:s19] =	ssyncadd.s32 @p5 $0xFFFFFF80;
	s19 =	simm.s32 $0x1  }
0xa1: {  	s16 =	sadd.s32 s21, s16;
	s19 =	simm.s32 @!p5 $0x0  }
0xa2: {  	s17 =	sadd.s32 s20, s17;
	_ =	strace @p5 $0x9000006C;
	s14 =	sadd.s32 s19, s14  }
0xa3: {  	s12 =	sadd.s32 $0x1, s12  }
0xa4: {  	s13 =	sand.u32 $0x1, s14;
	p1 =	sne.s32 s12, s7  }
.Ltmp1:
0xa5: {  	_ =	strace $0x8000006D;
	s13 =	sadd.s32 $0x3, s13;
	(pc) =	sbr.rel @p1 .LBB2_1-.Ltmp1, $4  }
0xa6: {  	_ =	swait.ge [sflag:s13], $0x80  }
0xa7: {  	[sflag:s13] =	ssyncset.done $0x0  }
0xa8: {  	[sflag:s13] =	ssyncadd.s32 $0xFFFFFF80  }
0xa9: {  	_ =	strace $0x9000006D  }
0xaa: {  	_ =	sfence.sel $0x180000  }
0xab: {  	[bflag:$0x0] =	sbarrier.arrive $0xFFFF  }
0xac: {  	_ =	strace $0x90000066  }
0xad: {  	s0 =	sadd.s32 @!p0 $0x100000, s0;
	[bflag:$0x2] =	sbarrier.arrive $0xFFFF  }
0xae: {  	[sflag:s0] =	ssyncadd.tile.s32 @!p0 $0x1;
	_ =	shalt  }
.Lfunc_end2:
_tile_overlayer_lowered:
.L_overlay_start_2:
0xaf: {  	(tag) =	ssettag $0x2  }
0xb0: {  	s0 =	rddreg [dreg:$0x0];
	s2 =	stileid.u32  }
0xb1: {  	s1 =	rddreg [dreg:$0x1];
	p0 =	sne.s32 s2, $0x0  }
0xb2: {  	s3 =	rddreg [dreg:$0x2];
	[bflag:$0x3] =	sbarrier.arrive $0xFFFF;
	s2 =	simm.s32 @!p0 $0x1C01  }
0xb3: {  	[timem:s3], [sflag:s2] =	dma.local @!p0 [hbm:s0], s1  }
0xb4: {  	s0 =	simm.s32 @!p0 $0x1  }
0xb5: {  	_ =	swait.ge @!p0 [sflag:s0], s1  }
0xb6: {  	s1 =	ssub.s32 @!p0 $0x0, s1;
	[sflag:s0] =	ssyncset.done @!p0 $0x0  }
0xb7: {  	[sflag:s0] =	ssyncadd.s32 @!p0 s1  }
0xb8: {  	[bflag:$0x3] =	sbarrier.arrive $0xFFFF  }
0xb9: {  	_ =	shalt  }

</sc_bundles>
